<compile_context>
chip_gen: v7x
topology: tpu7x:2x2x1
jax: 0.10.2.dev20260603
libtpu: 0.0.44.dev20260713+nightly
codegen_flags: <defaults>
</compile_context>

<pallas_src>
import functools

import jax
import jax.numpy as jnp
from jax import lax
from jax.experimental import pallas as pl
from jax.experimental.pallas import tpu as pltpu
from jax.experimental.pallas import tpu_sc as plsc

_L = 512
_C = 128
_OUT = 128
_K = 10
_NW = 32
_RPW = 4 * _L // _NW
_LANES = 16
_NCH = _L // _LANES
_QW = _RPW * _C


def _tc_body(x_ref, w0_ref, w1_ref, w2_ref, bc_ref, wln_ref, wlc_ref, bl_ref,
             d0_ref, d1_ref, d2_ref_o, d3_ref, pcb_ref, ct_ref, tbl_ref,
             d2rs_ref):
    xb = x_ref[0]
    hi = jax.lax.Precision.HIGHEST
    dg = functools.partial(jax.lax.dot_general, precision=hi,
                           preferred_element_type=jnp.float32)

    G = dg(xb, xb, (((0,), (0,)), ((), ())))
    d2 = jnp.sum(xb * xb, axis=0)
    rs = jax.lax.rsqrt(d2)
    dif = d2[None, :] + d2[:, None] - 2.0 * G
    d0_ref[0] = dif[:, 0 * _C:1 * _C]
    d1_ref[0] = dif[:, 1 * _C:2 * _C]
    d2_ref_o[0] = dif[:, 2 * _C:3 * _C]
    d3_ref[0] = dif[:, 3 * _C:4 * _C]
    d2rs_ref[0, 0] = jnp.concatenate([d2, rs], axis=0)

    zcol = jnp.zeros((_C, 1), jnp.float32)
    xl = jnp.concatenate([xb[:, 1:], zcol], axis=1)
    xr = jnp.concatenate([zcol, xb[:, :-1]], axis=1)
    ct_ref[0] = (dg(xr, w0_ref[...], (((0,), (1,)), ((), ())))
                 + dg(xb, w1_ref[...], (((0,), (1,)), ((), ())))
                 + dg(xl, w2_ref[...], (((0,), (1,)), ((), ())))
                 + bc_ref[...])

    tbl_ref[0] = dg(xb, wln_ref[...], (((0,), (1,)), ((), ())))
    pcb_ref[0] = dg(xb, wlc_ref[...], (((0,), (1,)), ((), ()))) + bl_ref[...]


def _tc_stage(x, w0, w1, w2, bc, wln, wlc, bl):
    bs = x.shape[0]
    full = lambda s: pl.BlockSpec(s, lambda b: (0,) * len(s))
    plane = pl.BlockSpec((1, _L, _C), lambda b: (b, 0, 0))
    pshape = jax.ShapeDtypeStruct((bs, _L, _C), jnp.float32)
    return pl.pallas_call(
        _tc_body,
        grid=(bs,),
        in_specs=[
            pl.BlockSpec((1, _C, _L), lambda b: (b, 0, 0)),
            full((_OUT, _C)), full((_OUT, _C)), full((_OUT, _C)),
            full((1, _OUT)),
            full((_OUT, _C)), full((_OUT, _C)),
            full((1, _OUT)),
        ],
        out_specs=[plane] * 7 + [pl.BlockSpec((1, 1, 2 * _L),
                                              lambda b: (b, 0, 0))],
        out_shape=[pshape] * 7 + [jax.ShapeDtypeStruct((bs, 1, 2 * _L),
                                                       jnp.float32)],
    )(x, w0, w1, w2, bc, wln, wlc, bl)


def _topk16(difb, r, jidx):
    def merge(a, b, desc):
        ka, va = a
        kb, vb = b
        take = ka <= kb
        mk = jnp.where(take, ka, kb)
        mv = jnp.where(take, va, vb)
        return plsc.sort_key_val(mk, mv, descending=desc)

    def tree(lo, hi, desc):
        if hi - lo == 1:
            off = (lo // 8) * _QW + r * _C + (lo % 8) * _LANES
            k = difb[pl.ds(off, _LANES)]
            return plsc.sort_key_val(k, jidx + lo * _LANES, descending=desc)
        mid = (lo + hi) // 2
        return merge(tree(lo, mid, False), tree(mid, hi, True), desc)

    return tree(0, _NCH, False)


def _sc_stage(d0, d1, d2f, d3, pcbf, ctf, tbl, d2rs_f):
    mesh = plsc.VectorSubcoreMesh(core_axis_name="c", subcore_axis_name="s")

    @functools.partial(
        pl.kernel,
        mesh=mesh,
        compiler_params=pltpu.CompilerParams(needs_layout_passes=False),
        out_type=jax.ShapeDtypeStruct((4 * _L // 2 * _OUT,), jnp.float32),
        scratch_types=[
            pltpu.VMEM((4 * _QW,), jnp.float32),
            pltpu.VMEM((_RPW * _OUT,), jnp.float32),
            pltpu.VMEM((_RPW * _OUT,), jnp.float32),
            pltpu.VMEM((_L, _OUT), jnp.float32),
            pltpu.VMEM((_L,), jnp.float32),
            pltpu.VMEM((_L,), jnp.float32),
            pltpu.VMEM((_RPW // 2 * _OUT,), jnp.float32),
            pltpu.VMEM((_RPW * _LANES,), jnp.float32),
            pltpu.VMEM((_RPW * _LANES,), jnp.int32),
            pltpu.SemaphoreType.DMA,
            pltpu.SemaphoreType.DMA,
        ],
    )
    def sc_kernel(d0_hbm, d1_hbm, d2_hbm, d3_hbm, pcb_hbm, ct_hbm, tbl_hbm,
                  d2rs_hbm, out_hbm, difb, pcbb, ctb, tblb, d2b, rsb, outb,
                  wvb, idxb, sem_a, sem_b):
        wid = lax.axis_index("s") * 2 + lax.axis_index("c")
        base = wid * _RPW
        bat = base // _L
        gbase = bat * _L
        rloc0 = base - gbase
        jidx = lax.iota(jnp.int32, _LANES)
        sel10 = jidx < _K

        pend_a = []
        for q, src in enumerate((d0_hbm, d1_hbm, d2_hbm, d3_hbm)):
            pend_a.append(pltpu.async_copy(
                src.at[pl.ds(base * _C, _QW)],
                difb.at[pl.ds(q * _QW, _QW)], sem_a))
        pend_a.append(pltpu.async_copy(
            d2rs_hbm.at[pl.ds(bat * 2 * _L, _L)], d2b, sem_a))
        pend_a.append(pltpu.async_copy(
            d2rs_hbm.at[pl.ds(bat * 2 * _L + _L, _L)], rsb, sem_a))
        pend_b = [pltpu.async_copy(
            pcb_hbm.at[pl.ds(base * _OUT, _RPW * _OUT)], pcbb, sem_b)]
        pend_b.append(pltpu.async_copy(
            ct_hbm.at[pl.ds(base * _OUT, _RPW * _OUT)], ctb, sem_b))
        pend_b.append(pltpu.async_copy(tbl_hbm.at[pl.ds(gbase, _L)], tblb,
                                       sem_b))
        for h in pend_a:
            h.wait()

        def sort_body(r, _):
            keys, vals = _topk16(difb, r, jidx)
            idx_loc = jnp.where(sel10, vals, 0)
            d2g = plsc.load_gather(d2b, [idx_loc])
            rsg = plsc.load_gather(rsb, [idx_loc])
            d2i = plsc.load_gather(d2b, [jidx * 0 + (rloc0 + r)])
            rsi = plsc.load_gather(rsb, [jidx * 0 + (rloc0 + r)])
            wvb[pl.ds(r * _LANES, _LANES)] = (
                (d2i + d2g - keys) * 0.5 * rsi * rsg)
            idxb[pl.ds(r * _LANES, _LANES)] = idx_loc
            return ()

        lax.fori_loop(0, _RPW, sort_body, ())
        for h in pend_b:
            h.wait()

        def pair_body(rp, _):
            acts = [[None] * 2 for _ in range(_OUT // _LANES)]
            for h in range(2):
                r = 2 * rp + h
                wv = wvb[pl.ds(r * _LANES, _LANES)]
                idx_loc = idxb[pl.ds(r * _LANES, _LANES)]
                bvecs = [jidx * 0 + idx_loc[s] for s in range(_K)]
                for c in range(_OUT // _LANES):
                    cvec = jidx + c * _LANES
                    pcb_c = pcbb[pl.ds(r * _OUT + c * _LANES, _LANES)]
                    acc = jnp.full((_LANES,), -3.0e38, jnp.float32)
                    for s in range(_K):
                        row_s = plsc.load_gather(tblb, [bvecs[s], cvec])
                        acc = jnp.maximum(acc, (row_s + pcb_c) * wv[s])
                    ct_c = ctb[pl.ds(r * _OUT + c * _LANES, _LANES)]
                    acts[c][h] = jnp.maximum(acc + ct_c, 0.0)
            for c in range(_OUT // _LANES):
                outb[pl.ds(rp * _OUT + c * _LANES, _LANES)] = (
                    jnp.maximum(acts[c][0], acts[c][1]))
            return ()

        lax.fori_loop(0, _RPW // 2, pair_body, ())
        pltpu.sync_copy(
            outb, out_hbm.at[pl.ds(base // 2 * _OUT, _RPW // 2 * _OUT)])

    return sc_kernel(d0, d1, d2f, d3, pcbf, ctf, tbl, d2rs_f)


def kernel(x, num_frms, Wc, bc, Wl, bl):
    del num_frms
    bs = x.shape[0]
    w0 = Wc[:, :, 0]
    w1 = Wc[:, :, 1]
    w2 = Wc[:, :, 2]
    wln = Wl[:, :_C]
    wlc = Wl[:, _C:]
    d0, d1, d2f, d3, pcb, ct, tbl, d2rs = _tc_stage(
        x, w0, w1, w2, bc.reshape(1, _OUT), wln, wlc, bl.reshape(1, _OUT))
    flat = lambda a: a.reshape(bs * _L * _C)
    pooled = _sc_stage(flat(d0), flat(d1), flat(d2f), flat(d3),
                       flat(pcb), flat(ct),
                       tbl.reshape(bs * _L, _OUT),
                       d2rs.reshape(bs * 2 * _L))
    return jnp.transpose(pooled.reshape(bs, _L // 2, _OUT), (0, 2, 1))

# --- scband reference (transcript-rebuilt; emitter-appended) ---
"""Pipeline reference for scband-x-gn-33663953666896 (READ-ONLY COPY).

The authoritative reference and input builder live on the scoring server;
editing this copy changes nothing except your own understanding.
"""

import jax, jax.numpy as jnp
import numpy as np

NUM_NEIGH = 10


def setup_inputs(seed: int = 0) -> dict:
    key = jax.random.key(seed)
    k1, k2, k3, k4, k5, k6 = jax.random.split(key, 6)
    bs, C, L = 4, 128, 512
    out_ch = 128
    x = jax.random.normal(k1, (bs, C, L), dtype=jnp.float32)
    num_frms = jax.random.randint(k2, (bs,), 0, L).astype(jnp.int32)
    Wc = jax.random.normal(k3, (out_ch, C, 3), dtype=jnp.float32) * 0.05
    bc = jax.random.normal(k4, (out_ch,), dtype=jnp.float32) * 0.05
    Wl = jax.random.normal(k5, (out_ch, 2 * C), dtype=jnp.float32) * 0.05
    bl = jax.random.normal(k6, (out_ch,), dtype=jnp.float32) * 0.05
    return {"x": x, "num_frms": num_frms, "Wc": Wc, "bc": bc, "Wl": Wl, "bl": bl}


def _conv1d(x, W, b):
    y = jax.lax.conv_general_dilated(
        x, W, window_strides=(1,), padding=((1, 1),),
        dimension_numbers=("NCH", "OIH", "NCH"))
    return y + b[None, :, None]


def _forward(x, Wc, bc, Wl, bl):
    bs, C, L = x.shape
    k = NUM_NEIGH
    c_out = _conv1d(x, Wc, bc)
    # knn (use_VSS=False): dif[b,i,j] = sum_c (x[b,c,j] - x[b,c,i])**2
    dif = jnp.sum((x[:, :, None, :] - x[:, :, :, None]) ** 2, axis=1)  # [bs,L,L]
    idx = jnp.argsort(dif, axis=-1)[..., :k]  # k smallest, ascending (largest=False)
    shift = (jnp.arange(bs, dtype=idx.dtype) * L)[:, None, None]
    neigh_idx = (idx + shift).reshape(-1)
    # NeighConv on flattened node features
    feat_prop = jnp.transpose(x, (0, 2, 1)).reshape(-1, C)  # [bs*L, C]
    feat_neigh = jnp.take(feat_prop, neigh_idx, axis=0)  # gather [bs*L*k, C]
    f_neigh_temp = feat_neigh.reshape(-1, k, C)
    # nfeat_mode == 'feat_ctr'
    ctr = jnp.repeat(feat_prop[:, None, :], k, axis=1)
    feat_cat = jnp.concatenate([f_neigh_temp, ctr], axis=-1)  # [N,k,2C]
    feat_neigh_out = feat_cat @ Wl.T + bl  # [N,k,out]
    # edge_weight == 'true': cosine similarity weighting
    weight = jnp.einsum("nkc,nc->nk", f_neigh_temp, feat_prop)
    denom1 = jnp.sqrt(jnp.sum(f_neigh_temp * f_neigh_temp, axis=2))
    denom2 = jnp.sqrt(jnp.sum(feat_prop * feat_prop, axis=1))[:, None]
    weight = weight / (denom1 * denom2)
    feat_neigh_out = feat_neigh_out * weight[:, :, None]
    # agg_type == 'max'
    g = jnp.max(feat_neigh_out, axis=1)  # [bs*L, out]
    g_out = jnp.transpose(g.reshape(bs, L, -1), (0, 2, 1))
    out = jax.nn.relu(c_out + g_out)
    # maxpool kernel 2 stride 2
    out = jax.lax.reduce_window(out, -jnp.inf, jax.lax.max, (1, 1, 2), (1, 1, 2), "VALID")
    return out


def reference(x, num_frms, Wc, bc, Wl, bl):
    # num_frms is unused when use_VSS=False (kept for signature fidelity)
    return _forward(x, Wc, bc, Wl, bl)

if __name__ == "__main__":
    import jax
    _d = setup_inputs()
    print(jax.jit(kernel)(*tuple(_d.values())))

</pallas_src>

<mosaic_0001>
#map = affine_map<(d0, d1) -> (0)>
#map1 = affine_map<(d0, d1) -> (0, 0)>
module attributes {stable_mosaic.version = 14 : i64} {
  func.func @sc_kernel(%arg0: i32, %arg1: i32, %arg2: memref<262144xf32, #tpu.memory_space<hbm>>, %arg3: memref<262144xf32, #tpu.memory_space<hbm>>, %arg4: memref<262144xf32, #tpu.memory_space<hbm>>, %arg5: memref<262144xf32, #tpu.memory_space<hbm>>, %arg6: memref<262144xf32, #tpu.memory_space<hbm>>, %arg7: memref<262144xf32, #tpu.memory_space<hbm>>, %arg8: memref<2048x128xf32, #tpu.memory_space<hbm>>, %arg9: memref<4096xf32, #tpu.memory_space<hbm>>, %arg10: memref<131072xf32, #tpu.memory_space<hbm>>, %arg11: memref<32768xf32, #tpu.memory_space<vmem>>, %arg12: memref<8192xf32, #tpu.memory_space<vmem>>, %arg13: memref<8192xf32, #tpu.memory_space<vmem>>, %arg14: memref<512x128xf32, #tpu.memory_space<vmem>>, %arg15: memref<512xf32, #tpu.memory_space<vmem>>, %arg16: memref<512xf32, #tpu.memory_space<vmem>>, %arg17: memref<4096xf32, #tpu.memory_space<vmem>>, %arg18: memref<1024xf32, #tpu.memory_space<vmem>>, %arg19: memref<1024xi32, #tpu.memory_space<vmem>>, %arg20: memref<!tpu.dma_semaphore, #tpu.memory_space<semaphore_mem>>, %arg21: memref<!tpu.dma_semaphore, #tpu.memory_space<semaphore_mem>>) attributes {dimension_semantics = [#tpu.dimension_semantics<core_parallel>, #tpu.dimension_semantics<subcore_parallel>], iteration_bounds = array<i64: 2, 16>, scalar_prefetch = 0 : i64, scratch_operands = 11 : i64, tpu.core_type = #tpu.core_type<sc_vector_subcore>, window_params = [{transform_indices = #map}, {transform_indices = #map}, {transform_indices = #map}, {transform_indices = #map}, {transform_indices = #map}, {transform_indices = #map}, {transform_indices = #map1}, {transform_indices = #map}, {transform_indices = #map}]} {
    %mul3A = arith.constant 2 : i32
    %mul3A_0 = arith.muli %arg1, %mul3A : i32
    %add3A = arith.addi %mul3A_0, %arg0 : i32
    %mul3A_1 = arith.constant 64 : i32
    %mul3A_2 = arith.muli %add3A, %mul3A_1 : i32
    %jit3A = arith.constant 512 : i32
    %div3A = arith.divsi %mul3A_2, %jit3A : i32
    %sign3A = arith.constant 0 : i32
    %sign3A_3 = arith.cmpi sgt, %mul3A_2, %sign3A : i32
    %sign3A_4 = arith.extui %sign3A_3 : i1 to i32
    %sign3A_5 = arith.constant 0 : i32
    %sign3A_6 = arith.cmpi slt, %mul3A_2, %sign3A_5 : i32
    %sign3A_7 = arith.extui %sign3A_6 : i1 to i32
    %sign3A_8 = arith.subi %sign3A_4, %sign3A_7 : i32
    %sign3A_9 = arith.constant 0 : i32
    %sign3A_10 = arith.cmpi sgt, %jit3A, %sign3A_9 : i32
    %sign3A_11 = arith.extui %sign3A_10 : i1 to i32
    %sign3A_12 = arith.constant 0 : i32
    %sign3A_13 = arith.cmpi slt, %jit3A, %sign3A_12 : i32
    %sign3A_14 = arith.extui %sign3A_13 : i1 to i32
    %sign3A_15 = arith.subi %sign3A_11, %sign3A_14 : i32
    %ne3A = arith.cmpi ne, %sign3A_8, %sign3A_15 : i32
    %rem3A = arith.remsi %mul3A_2, %jit3A : i32
    %ne3A_16 = arith.constant 0 : i32
    %ne3A_17 = arith.cmpi ne, %rem3A, %ne3A_16 : i32
    %and3A = arith.andi %ne3A, %ne3A_17 : i1
    %sub3A = arith.constant 1 : i32
    %sub3A_18 = arith.subi %div3A, %sub3A : i32
    %select_n3A = arith.select %and3A, %sub3A_18, %div3A : i32
    %mul3A_19 = arith.constant 512 : i32
    %mul3A_20 = arith.muli %select_n3A, %mul3A_19 : i32
    %sub3A_21 = arith.subi %mul3A_2, %mul3A_20 : i32
    %iota3A = tpu.iota {dimensions = array<i32: 0>} : vector<16xi32>
    %lt3A = arith.constant 10 : i32
    %lt3A_22 = vector.broadcast %lt3A : i32 to vector<16xi32>
    %lt3A_23 = arith.cmpi slt, %iota3A, %lt3A_22 : vector<16xi32>
    %mul3A_24 = arith.constant 128 : i32
    %mul3A_25 = arith.muli %mul3A_2, %mul3A_24 : i32
    %dma_start3A = arith.constant 0 : i32
    %dma_start3A_26 = tpu.memref_slice %arg11[%dma_start3A] : memref<32768xf32, #tpu.memory_space<vmem>> -> memref<8192xf32, #tpu.memory_space<vmem>>
    %dma_start3A_27 = tpu.memref_slice %arg2[%mul3A_25] : memref<262144xf32, #tpu.memory_space<hbm>> -> memref<8192xf32, #tpu.memory_space<hbm>>
    %dma_start3A_28 = arith.constant 0 : i32
    %dma_start3A_29 = tpu.memref_slice %arg11[%dma_start3A_28] : memref<32768xf32, #tpu.memory_space<vmem>> -> memref<8192xf32, #tpu.memory_space<vmem>>
    %dma_start3A_30 = tpu.memref_slice %arg2[%mul3A_25] : memref<262144xf32, #tpu.memory_space<hbm>> -> memref<8192xf32, #tpu.memory_space<hbm>>
    tpu.enqueue_dma source(%dma_start3A_30 : memref<8192xf32, #tpu.memory_space<hbm>>) target(%dma_start3A_29 : memref<8192xf32, #tpu.memory_space<vmem>>) target_semaphore(%arg20 : memref<!tpu.dma_semaphore, #tpu.memory_space<semaphore_mem>>)
    %mul3A_31 = arith.constant 128 : i32
    %mul3A_32 = arith.muli %mul3A_2, %mul3A_31 : i32
    %dma_start3A_33 = arith.constant 8192 : i32
    %dma_start3A_34 = tpu.memref_slice %arg11[%dma_start3A_33] : memref<32768xf32, #tpu.memory_space<vmem>> -> memref<8192xf32, #tpu.memory_space<vmem>>
    %dma_start3A_35 = tpu.memref_slice %arg3[%mul3A_32] : memref<262144xf32, #tpu.memory_space<hbm>> -> memref<8192xf32, #tpu.memory_space<hbm>>
    %dma_start3A_36 = arith.constant 8192 : i32
    %dma_start3A_37 = tpu.memref_slice %arg11[%dma_start3A_36] : memref<32768xf32, #tpu.memory_space<vmem>> -> memref<8192xf32, #tpu.memory_space<vmem>>
    %dma_start3A_38 = tpu.memref_slice %arg3[%mul3A_32] : memref<262144xf32, #tpu.memory_space<hbm>> -> memref<8192xf32, #tpu.memory_space<hbm>>
    tpu.enqueue_dma source(%dma_start3A_38 : memref<8192xf32, #tpu.memory_space<hbm>>) target(%dma_start3A_37 : memref<8192xf32, #tpu.memory_space<vmem>>) target_semaphore(%arg20 : memref<!tpu.dma_semaphore, #tpu.memory_space<semaphore_mem>>)
    %mul3A_39 = arith.constant 128 : i32
    %mul3A_40 = arith.muli %mul3A_2, %mul3A_39 : i32
    %dma_start3A_41 = arith.constant 16384 : i32
    %dma_start3A_42 = tpu.memref_slice %arg11[%dma_start3A_41] : memref<32768xf32, #tpu.memory_space<vmem>> -> memref<8192xf32, #tpu.memory_space<vmem>>
    %dma_start3A_43 = tpu.memref_slice %arg4[%mul3A_40] : memref<262144xf32, #tpu.memory_space<hbm>> -> memref<8192xf32, #tpu.memory_space<hbm>>
    %dma_start3A_44 = arith.constant 16384 : i32
    %dma_start3A_45 = tpu.memref_slice %arg11[%dma_start3A_44] : memref<32768xf32, #tpu.memory_space<vmem>> -> memref<8192xf32, #tpu.memory_space<vmem>>
    %dma_start3A_46 = tpu.memref_slice %arg4[%mul3A_40] : memref<262144xf32, #tpu.memory_space<hbm>> -> memref<8192xf32, #tpu.memory_space<hbm>>
    tpu.enqueue_dma source(%dma_start3A_46 : memref<8192xf32, #tpu.memory_space<hbm>>) target(%dma_start3A_45 : memref<8192xf32, #tpu.memory_space<vmem>>) target_semaphore(%arg20 : memref<!tpu.dma_semaphore, #tpu.memory_space<semaphore_mem>>)
    %mul3A_47 = arith.constant 128 : i32
    %mul3A_48 = arith.muli %mul3A_2, %mul3A_47 : i32
    %dma_start3A_49 = arith.constant 24576 : i32
    %dma_start3A_50 = tpu.memref_slice %arg11[%dma_start3A_49] : memref<32768xf32, #tpu.memory_space<vmem>> -> memref<8192xf32, #tpu.memory_space<vmem>>
    %dma_start3A_51 = tpu.memref_slice %arg5[%mul3A_48] : memref<262144xf32, #tpu.memory_space<hbm>> -> memref<8192xf32, #tpu.memory_space<hbm>>
    %dma_start3A_52 = arith.constant 24576 : i32
    %dma_start3A_53 = tpu.memref_slice %arg11[%dma_start3A_52] : memref<32768xf32, #tpu.memory_space<vmem>> -> memref<8192xf32, #tpu.memory_space<vmem>>
    %dma_start3A_54 = tpu.memref_slice %arg5[%mul3A_48] : memref<262144xf32, #tpu.memory_space<hbm>> -> memref<8192xf32, #tpu.memory_space<hbm>>
    tpu.enqueue_dma source(%dma_start3A_54 : memref<8192xf32, #tpu.memory_space<hbm>>) target(%dma_start3A_53 : memref<8192xf32, #tpu.memory_space<vmem>>) target_semaphore(%arg20 : memref<!tpu.dma_semaphore, #tpu.memory_space<semaphore_mem>>)
    %mul3A_55 = arith.constant 2 : i32
    %mul3A_56 = arith.muli %select_n3A, %mul3A_55 : i32
    %mul3A_57 = arith.constant 512 : i32
    %mul3A_58 = arith.muli %mul3A_56, %mul3A_57 : i32
    %dma_start3A_59 = tpu.memref_slice %arg9[%mul3A_58] : memref<4096xf32, #tpu.memory_space<hbm>> -> memref<512xf32, #tpu.memory_space<hbm>>
    %dma_start3A_60 = tpu.memref_slice %arg9[%mul3A_58] : memref<4096xf32, #tpu.memory_space<hbm>> -> memref<512xf32, #tpu.memory_space<hbm>>
    tpu.enqueue_dma source(%dma_start3A_60 : memref<512xf32, #tpu.memory_space<hbm>>) target(%arg15 : memref<512xf32, #tpu.memory_space<vmem>>) target_semaphore(%arg20 : memref<!tpu.dma_semaphore, #tpu.memory_space<semaphore_mem>>)
    %mul3A_61 = arith.constant 2 : i32
    %mul3A_62 = arith.muli %select_n3A, %mul3A_61 : i32
    %mul3A_63 = arith.constant 512 : i32
    %mul3A_64 = arith.muli %mul3A_62, %mul3A_63 : i32
    %add3A_65 = arith.constant 512 : i32
    %add3A_66 = arith.addi %mul3A_64, %add3A_65 : i32
    %dma_start3A_67 = tpu.memref_slice %arg9[%add3A_66] : memref<4096xf32, #tpu.memory_space<hbm>> -> memref<512xf32, #tpu.memory_space<hbm>>
    %dma_start3A_68 = tpu.memref_slice %arg9[%add3A_66] : memref<4096xf32, #tpu.memory_space<hbm>> -> memref<512xf32, #tpu.memory_space<hbm>>
    tpu.enqueue_dma source(%dma_start3A_68 : memref<512xf32, #tpu.memory_space<hbm>>) target(%arg16 : memref<512xf32, #tpu.memory_space<vmem>>) target_semaphore(%arg20 : memref<!tpu.dma_semaphore, #tpu.memory_space<semaphore_mem>>)
    %mul3A_69 = arith.constant 128 : i32
    %mul3A_70 = arith.muli %mul3A_2, %mul3A_69 : i32
    %dma_start3A_71 = tpu.memref_slice %arg6[%mul3A_70] : memref<262144xf32, #tpu.memory_space<hbm>> -> memref<8192xf32, #tpu.memory_space<hbm>>
    %dma_start3A_72 = tpu.memref_slice %arg6[%mul3A_70] : memref<262144xf32, #tpu.memory_space<hbm>> -> memref<8192xf32, #tpu.memory_space<hbm>>
    tpu.enqueue_dma source(%dma_start3A_72 : memref<8192xf32, #tpu.memory_space<hbm>>) target(%arg12 : memref<8192xf32, #tpu.memory_space<vmem>>) target_semaphore(%arg21 : memref<!tpu.dma_semaphore, #tpu.memory_space<semaphore_mem>>)
    %mul3A_73 = arith.constant 128 : i32
    %mul3A_74 = arith.muli %mul3A_2, %mul3A_73 : i32
    %dma_start3A_75 = tpu.memref_slice %arg7[%mul3A_74] : memref<262144xf32, #tpu.memory_space<hbm>> -> memref<8192xf32, #tpu.memory_space<hbm>>
    %dma_start3A_76 = tpu.memref_slice %arg7[%mul3A_74] : memref<262144xf32, #tpu.memory_space<hbm>> -> memref<8192xf32, #tpu.memory_space<hbm>>
    tpu.enqueue_dma source(%dma_start3A_76 : memref<8192xf32, #tpu.memory_space<hbm>>) target(%arg13 : memref<8192xf32, #tpu.memory_space<vmem>>) target_semaphore(%arg21 : memref<!tpu.dma_semaphore, #tpu.memory_space<semaphore_mem>>)
    %dma_start3A_77 = arith.constant 0 : i32
    %dma_start3A_78 = tpu.memref_slice %arg8[%mul3A_20, %dma_start3A_77] : memref<2048x128xf32, #tpu.memory_space<hbm>> -> memref<512x128xf32, #tpu.memory_space<hbm>>
    %dma_start3A_79 = arith.constant 0 : i32
    %dma_start3A_80 = tpu.memref_slice %arg8[%mul3A_20, %dma_start3A_79] : memref<2048x128xf32, #tpu.memory_space<hbm>> -> memref<512x128xf32, #tpu.memory_space<hbm>>
    tpu.enqueue_dma source(%dma_start3A_80 : memref<512x128xf32, #tpu.memory_space<hbm>>) target(%arg14 : memref<512x128xf32, #tpu.memory_space<vmem>>) target_semaphore(%arg21 : memref<!tpu.dma_semaphore, #tpu.memory_space<semaphore_mem>>)
    %dma_wait3A = arith.constant 0 : i32
    %dma_wait3A_81 = tpu.memref_slice %arg11[%dma_wait3A] : memref<32768xf32, #tpu.memory_space<vmem>> -> memref<8192xf32, #tpu.memory_space<vmem>>
    %dma_wait3A_82 = tpu.memref_slice %arg2[%mul3A_25] : memref<262144xf32, #tpu.memory_space<hbm>> -> memref<8192xf32, #tpu.memory_space<hbm>>
    %dma_wait3A_83 = arith.constant 0 : i32
    %dma_wait3A_84 = tpu.memref_slice %arg11[%dma_wait3A_83] : memref<32768xf32, #tpu.memory_space<vmem>> -> memref<8192xf32, #tpu.memory_space<vmem>>
    %dma_wait3A_85 = tpu.memref_slice %arg2[%mul3A_25] : memref<262144xf32, #tpu.memory_space<hbm>> -> memref<8192xf32, #tpu.memory_space<hbm>>
    tpu.wait_dma2 semaphore(%arg20 : memref<!tpu.dma_semaphore, #tpu.memory_space<semaphore_mem>>) src(%dma_wait3A_85 : memref<8192xf32, #tpu.memory_space<hbm>>) dst(%dma_wait3A_84 : memref<8192xf32, #tpu.memory_space<vmem>>)
    %dma_wait3A_86 = arith.constant 8192 : i32
    %dma_wait3A_87 = tpu.memref_slice %arg11[%dma_wait3A_86] : memref<32768xf32, #tpu.memory_space<vmem>> -> memref<8192xf32, #tpu.memory_space<vmem>>
    %dma_wait3A_88 = tpu.memref_slice %arg3[%mul3A_32] : memref<262144xf32, #tpu.memory_space<hbm>> -> memref<8192xf32, #tpu.memory_space<hbm>>
    %dma_wait3A_89 = arith.constant 8192 : i32
    %dma_wait3A_90 = tpu.memref_slice %arg11[%dma_wait3A_89] : memref<32768xf32, #tpu.memory_space<vmem>> -> memref<8192xf32, #tpu.memory_space<vmem>>
    %dma_wait3A_91 = tpu.memref_slice %arg3[%mul3A_32] : memref<262144xf32, #tpu.memory_space<hbm>> -> memref<8192xf32, #tpu.memory_space<hbm>>
    tpu.wait_dma2 semaphore(%arg20 : memref<!tpu.dma_semaphore, #tpu.memory_space<semaphore_mem>>) src(%dma_wait3A_91 : memref<8192xf32, #tpu.memory_space<hbm>>) dst(%dma_wait3A_90 : memref<8192xf32, #tpu.memory_space<vmem>>)
    %dma_wait3A_92 = arith.constant 16384 : i32
    %dma_wait3A_93 = tpu.memref_slice %arg11[%dma_wait3A_92] : memref<32768xf32, #tpu.memory_space<vmem>> -> memref<8192xf32, #tpu.memory_space<vmem>>
    %dma_wait3A_94 = tpu.memref_slice %arg4[%mul3A_40] : memref<262144xf32, #tpu.memory_space<hbm>> -> memref<8192xf32, #tpu.memory_space<hbm>>
    %dma_wait3A_95 = arith.constant 16384 : i32
    %dma_wait3A_96 = tpu.memref_slice %arg11[%dma_wait3A_95] : memref<32768xf32, #tpu.memory_space<vmem>> -> memref<8192xf32, #tpu.memory_space<vmem>>
    %dma_wait3A_97 = tpu.memref_slice %arg4[%mul3A_40] : memref<262144xf32, #tpu.memory_space<hbm>> -> memref<8192xf32, #tpu.memory_space<hbm>>
    tpu.wait_dma2 semaphore(%arg20 : memref<!tpu.dma_semaphore, #tpu.memory_space<semaphore_mem>>) src(%dma_wait3A_97 : memref<8192xf32, #tpu.memory_space<hbm>>) dst(%dma_wait3A_96 : memref<8192xf32, #tpu.memory_space<vmem>>)
    %dma_wait3A_98 = arith.constant 24576 : i32
    %dma_wait3A_99 = tpu.memref_slice %arg11[%dma_wait3A_98] : memref<32768xf32, #tpu.memory_space<vmem>> -> memref<8192xf32, #tpu.memory_space<vmem>>
    %dma_wait3A_100 = tpu.memref_slice %arg5[%mul3A_48] : memref<262144xf32, #tpu.memory_space<hbm>> -> memref<8192xf32, #tpu.memory_space<hbm>>
    %dma_wait3A_101 = arith.constant 24576 : i32
    %dma_wait3A_102 = tpu.memref_slice %arg11[%dma_wait3A_101] : memref<32768xf32, #tpu.memory_space<vmem>> -> memref<8192xf32, #tpu.memory_space<vmem>>
    %dma_wait3A_103 = tpu.memref_slice %arg5[%mul3A_48] : memref<262144xf32, #tpu.memory_space<hbm>> -> memref<8192xf32, #tpu.memory_space<hbm>>
    tpu.wait_dma2 semaphore(%arg20 : memref<!tpu.dma_semaphore, #tpu.memory_space<semaphore_mem>>) src(%dma_wait3A_103 : memref<8192xf32, #tpu.memory_space<hbm>>) dst(%dma_wait3A_102 : memref<8192xf32, #tpu.memory_space<vmem>>)
    %dma_wait3A_104 = tpu.memref_slice %arg9[%mul3A_58] : memref<4096xf32, #tpu.memory_space<hbm>> -> memref<512xf32, #tpu.memory_space<hbm>>
    %dma_wait3A_105 = tpu.memref_slice %arg9[%mul3A_58] : memref<4096xf32, #tpu.memory_space<hbm>> -> memref<512xf32, #tpu.memory_space<hbm>>
    tpu.wait_dma2 semaphore(%arg20 : memref<!tpu.dma_semaphore, #tpu.memory_space<semaphore_mem>>) src(%dma_wait3A_105 : memref<512xf32, #tpu.memory_space<hbm>>) dst(%arg15 : memref<512xf32, #tpu.memory_space<vmem>>)
    %dma_wait3A_106 = tpu.memref_slice %arg9[%add3A_66] : memref<4096xf32, #tpu.memory_space<hbm>> -> memref<512xf32, #tpu.memory_space<hbm>>
    %dma_wait3A_107 = tpu.memref_slice %arg9[%add3A_66] : memref<4096xf32, #tpu.memory_space<hbm>> -> memref<512xf32, #tpu.memory_space<hbm>>
    tpu.wait_dma2 semaphore(%arg20 : memref<!tpu.dma_semaphore, #tpu.memory_space<semaphore_mem>>) src(%dma_wait3A_107 : memref<512xf32, #tpu.memory_space<hbm>>) dst(%arg16 : memref<512xf32, #tpu.memory_space<vmem>>)
    %scan3A = arith.constant 0 : i32
    %scan3A_108 = arith.constant 64 : i32
    %scan3A_109 = arith.addi %scan3A, %scan3A_108 : i32
    %scan3A_110 = arith.constant 1 : i32
    scf.for %scan3A_151 = %scan3A to %scan3A_109 step %scan3A_110  : i32 {
      %mul3A_152 = arith.constant 128 : i32
      %mul3A_153 = arith.muli %scan3A_151, %mul3A_152 : i32
      %add3A_154 = arith.constant 0 : i32
      %add3A_155 = arith.addi %add3A_154, %mul3A_153 : i32
      %add3A_156 = arith.constant 0 : i32
      %add3A_157 = arith.addi %add3A_155, %add3A_156 : i32
      %get3A = arith.index_cast %add3A_157 : i32 to index
      %get3A_158 = tpu.vector_load %arg11[%get3A] {strides = array<i32>} : memref<32768xf32, #tpu.memory_space<vmem>>, vector<16xf32>,
      %add3A_159 = arith.constant 0 : i32
      %add3A_160 = vector.broadcast %add3A_159 : i32 to vector<16xi32>
      %add3A_161 = arith.addi %iota3A, %add3A_160 : vector<16xi32>
      %masked_sort3A = arith.constant dense<true> : vector<16xi1>
      %masked_sort3A_162, %masked_sort3A_163, %masked_sort3A_164 = tpu.sort %get3A_158, %add3A_161 masked %masked_sort3A : (vector<16xf32>, vector<16xi32>, vector<16xi1>) -> (vector<16xi1>, vector<16xf32>, vector<16xi32>)
      %mul3A_165 = arith.constant 128 : i32
      %mul3A_166 = arith.muli %scan3A_151, %mul3A_165 : i32
      %add3A_167 = arith.constant 0 : i32
      %add3A_168 = arith.addi %add3A_167, %mul3A_166 : i32
      %add3A_169 = arith.constant 16 : i32
      %add3A_170 = arith.addi %add3A_168, %add3A_169 : i32
      %get3A_171 = arith.index_cast %add3A_170 : i32 to index
      %get3A_172 = tpu.vector_load %arg11[%get3A_171] {strides = array<i32>} : memref<32768xf32, #tpu.memory_space<vmem>>, vector<16xf32>,
      %add3A_173 = arith.constant 16 : i32
      %add3A_174 = vector.broadcast %add3A_173 : i32 to vector<16xi32>
      %add3A_175 = arith.addi %iota3A, %add3A_174 : vector<16xi32>
      %masked_sort3A_176 = arith.constant dense<true> : vector<16xi1>
      %masked_sort3A_177, %masked_sort3A_178, %masked_sort3A_179 = tpu.sort %get3A_172, %add3A_175 masked %masked_sort3A_176 {descending = true} : (vector<16xf32>, vector<16xi32>, vector<16xi1>) -> (vector<16xi1>, vector<16xf32>, vector<16xi32>)
      %le3A = arith.cmpf ole, %masked_sort3A_163, %masked_sort3A_178 : vector<16xf32>
      %select_n3A_180 = arith.select %le3A, %masked_sort3A_163, %masked_sort3A_178 : vector<16xi1>, vector<16xf32>
      %select_n3A_181 = arith.select %le3A, %masked_sort3A_164, %masked_sort3A_179 : vector<16xi1>, vector<16xi32>
      %masked_sort3A_182 = arith.constant dense<true> : vector<16xi1>
      %masked_sort3A_183, %masked_sort3A_184, %masked_sort3A_185 = tpu.sort %select_n3A_180, %select_n3A_181 masked %masked_sort3A_182 : (vector<16xf32>, vector<16xi32>, vector<16xi1>) -> (vector<16xi1>, vector<16xf32>, vector<16xi32>)
      %mul3A_186 = arith.constant 128 : i32
      %mul3A_187 = arith.muli %scan3A_151, %mul3A_186 : i32
      %add3A_188 = arith.constant 0 : i32
      %add3A_189 = arith.addi %add3A_188, %mul3A_187 : i32
      %add3A_190 = arith.constant 32 : i32
      %add3A_191 = arith.addi %add3A_189, %add3A_190 : i32
      %get3A_192 = arith.index_cast %add3A_191 : i32 to index
      %get3A_193 = tpu.vector_load %arg11[%get3A_192] {strides = array<i32>} : memref<32768xf32, #tpu.memory_space<vmem>>, vector<16xf32>,
      %add3A_194 = arith.constant 32 : i32
      %add3A_195 = vector.broadcast %add3A_194 : i32 to vector<16xi32>
      %add3A_196 = arith.addi %iota3A, %add3A_195 : vector<16xi32>
      %masked_sort3A_197 = arith.constant dense<true> : vector<16xi1>
      %masked_sort3A_198, %masked_sort3A_199, %masked_sort3A_200 = tpu.sort %get3A_193, %add3A_196 masked %masked_sort3A_197 : (vector<16xf32>, vector<16xi32>, vector<16xi1>) -> (vector<16xi1>, vector<16xf32>, vector<16xi32>)
      %mul3A_201 = arith.constant 128 : i32
      %mul3A_202 = arith.muli %scan3A_151, %mul3A_201 : i32
      %add3A_203 = arith.constant 0 : i32
      %add3A_204 = arith.addi %add3A_203, %mul3A_202 : i32
      %add3A_205 = arith.constant 48 : i32
      %add3A_206 = arith.addi %add3A_204, %add3A_205 : i32
      %get3A_207 = arith.index_cast %add3A_206 : i32 to index
      %get3A_208 = tpu.vector_load %arg11[%get3A_207] {strides = array<i32>} : memref<32768xf32, #tpu.memory_space<vmem>>, vector<16xf32>,
      %add3A_209 = arith.constant 48 : i32
      %add3A_210 = vector.broadcast %add3A_209 : i32 to vector<16xi32>
      %add3A_211 = arith.addi %iota3A, %add3A_210 : vector<16xi32>
      %masked_sort3A_212 = arith.constant dense<true> : vector<16xi1>
      %masked_sort3A_213, %masked_sort3A_214, %masked_sort3A_215 = tpu.sort %get3A_208, %add3A_211 masked %masked_sort3A_212 {descending = true} : (vector<16xf32>, vector<16xi32>, vector<16xi1>) -> (vector<16xi1>, vector<16xf32>, vector<16xi32>)
      %le3A_216 = arith.cmpf ole, %masked_sort3A_199, %masked_sort3A_214 : vector<16xf32>
      %select_n3A_217 = arith.select %le3A_216, %masked_sort3A_199, %masked_sort3A_214 : vector<16xi1>, vector<16xf32>
      %select_n3A_218 = arith.select %le3A_216, %masked_sort3A_200, %masked_sort3A_215 : vector<16xi1>, vector<16xi32>
      %masked_sort3A_219 = arith.constant dense<true> : vector<16xi1>
      %masked_sort3A_220, %masked_sort3A_221, %masked_sort3A_222 = tpu.sort %select_n3A_217, %select_n3A_218 masked %masked_sort3A_219 {descending = true} : (vector<16xf32>, vector<16xi32>, vector<16xi1>) -> (vector<16xi1>, vector<16xf32>, vector<16xi32>)
      %le3A_223 = arith.cmpf ole, %masked_sort3A_184, %masked_sort3A_221 : vector<16xf32>
      %select_n3A_224 = arith.select %le3A_223, %masked_sort3A_184, %masked_sort3A_221 : vector<16xi1>, vector<16xf32>
      %select_n3A_225 = arith.select %le3A_223, %masked_sort3A_185, %masked_sort3A_222 : vector<16xi1>, vector<16xi32>
      %masked_sort3A_226 = arith.constant dense<true> : vector<16xi1>
      %masked_sort3A_227, %masked_sort3A_228, %masked_sort3A_229 = tpu.sort %select_n3A_224, %select_n3A_225 masked %masked_sort3A_226 : (vector<16xf32>, vector<16xi32>, vector<16xi1>) -> (vector<16xi1>, vector<16xf32>, vector<16xi32>)
      %mul3A_230 = arith.constant 128 : i32
      %mul3A_231 = arith.muli %scan3A_151, %mul3A_230 : i32
      %add3A_232 = arith.constant 0 : i32
      %add3A_233 = arith.addi %add3A_232, %mul3A_231 : i32
      %add3A_234 = arith.constant 64 : i32
      %add3A_235 = arith.addi %add3A_233, %add3A_234 : i32
      %get3A_236 = arith.index_cast %add3A_235 : i32 to index
      %get3A_237 = tpu.vector_load %arg11[%get3A_236] {strides = array<i32>} : memref<32768xf32, #tpu.memory_space<vmem>>, vector<16xf32>,
      %add3A_238 = arith.constant 64 : i32
      %add3A_239 = vector.broadcast %add3A_238 : i32 to vector<16xi32>
      %add3A_240 = arith.addi %iota3A, %add3A_239 : vector<16xi32>
      %masked_sort3A_241 = arith.constant dense<true> : vector<16xi1>
      %masked_sort3A_242, %masked_sort3A_243, %masked_sort3A_244 = tpu.sort %get3A_237, %add3A_240 masked %masked_sort3A_241 : (vector<16xf32>, vector<16xi32>, vector<16xi1>) -> (vector<16xi1>, vector<16xf32>, vector<16xi32>)
      %mul3A_245 = arith.constant 128 : i32
      %mul3A_246 = arith.muli %scan3A_151, %mul3A_245 : i32
      %add3A_247 = arith.constant 0 : i32
      %add3A_248 = arith.addi %add3A_247, %mul3A_246 : i32
      %add3A_249 = arith.constant 80 : i32
      %add3A_250 = arith.addi %add3A_248, %add3A_249 : i32
      %get3A_251 = arith.index_cast %add3A_250 : i32 to index
      %get3A_252 = tpu.vector_load %arg11[%get3A_251] {strides = array<i32>} : memref<32768xf32, #tpu.memory_space<vmem>>, vector<16xf32>,
      %add3A_253 = arith.constant 80 : i32
      %add3A_254 = vector.broadcast %add3A_253 : i32 to vector<16xi32>
      %add3A_255 = arith.addi %iota3A, %add3A_254 : vector<16xi32>
      %masked_sort3A_256 = arith.constant dense<true> : vector<16xi1>
      %masked_sort3A_257, %masked_sort3A_258, %masked_sort3A_259 = tpu.sort %get3A_252, %add3A_255 masked %masked_sort3A_256 {descending = true} : (vector<16xf32>, vector<16xi32>, vector<16xi1>) -> (vector<16xi1>, vector<16xf32>, vector<16xi32>)
      %le3A_260 = arith.cmpf ole, %masked_sort3A_243, %masked_sort3A_258 : vector<16xf32>
      %select_n3A_261 = arith.select %le3A_260, %masked_sort3A_243, %masked_sort3A_258 : vector<16xi1>, vector<16xf32>
      %select_n3A_262 = arith.select %le3A_260, %masked_sort3A_244, %masked_sort3A_259 : vector<16xi1>, vector<16xi32>
      %masked_sort3A_263 = arith.constant dense<true> : vector<16xi1>
      %masked_sort3A_264, %masked_sort3A_265, %masked_sort3A_266 = tpu.sort %select_n3A_261, %select_n3A_262 masked %masked_sort3A_263 : (vector<16xf32>, vector<16xi32>, vector<16xi1>) -> (vector<16xi1>, vector<16xf32>, vector<16xi32>)
      %mul3A_267 = arith.constant 128 : i32
      %mul3A_268 = arith.muli %scan3A_151, %mul3A_267 : i32
      %add3A_269 = arith.constant 0 : i32
      %add3A_270 = arith.addi %add3A_269, %mul3A_268 : i32
      %add3A_271 = arith.constant 96 : i32
      %add3A_272 = arith.addi %add3A_270, %add3A_271 : i32
      %get3A_273 = arith.index_cast %add3A_272 : i32 to index
      %get3A_274 = tpu.vector_load %arg11[%get3A_273] {strides = array<i32>} : memref<32768xf32, #tpu.memory_space<vmem>>, vector<16xf32>,
      %add3A_275 = arith.constant 96 : i32
      %add3A_276 = vector.broadcast %add3A_275 : i32 to vector<16xi32>
      %add3A_277 = arith.addi %iota3A, %add3A_276 : vector<16xi32>
      %masked_sort3A_278 = arith.constant dense<true> : vector<16xi1>
      %masked_sort3A_279, %masked_sort3A_280, %masked_sort3A_281 = tpu.sort %get3A_274, %add3A_277 masked %masked_sort3A_278 : (vector<16xf32>, vector<16xi32>, vector<16xi1>) -> (vector<16xi1>, vector<16xf32>, vector<16xi32>)
      %mul3A_282 = arith.constant 128 : i32
      %mul3A_283 = arith.muli %scan3A_151, %mul3A_282 : i32
      %add3A_284 = arith.constant 0 : i32
      %add3A_285 = arith.addi %add3A_284, %mul3A_283 : i32
      %add3A_286 = arith.constant 112 : i32
      %add3A_287 = arith.addi %add3A_285, %add3A_286 : i32
      %get3A_288 = arith.index_cast %add3A_287 : i32 to index
      %get3A_289 = tpu.vector_load %arg11[%get3A_288] {strides = array<i32>} : memref<32768xf32, #tpu.memory_space<vmem>>, vector<16xf32>,
      %add3A_290 = arith.constant 112 : i32
      %add3A_291 = vector.broadcast %add3A_290 : i32 to vector<16xi32>
      %add3A_292 = arith.addi %iota3A, %add3A_291 : vector<16xi32>
      %masked_sort3A_293 = arith.constant dense<true> : vector<16xi1>
      %masked_sort3A_294, %masked_sort3A_295, %masked_sort3A_296 = tpu.sort %get3A_289, %add3A_292 masked %masked_sort3A_293 {descending = true} : (vector<16xf32>, vector<16xi32>, vector<16xi1>) -> (vector<16xi1>, vector<16xf32>, vector<16xi32>)
      %le3A_297 = arith.cmpf ole, %masked_sort3A_280, %masked_sort3A_295 : vector<16xf32>
      %select_n3A_298 = arith.select %le3A_297, %masked_sort3A_280, %masked_sort3A_295 : vector<16xi1>, vector<16xf32>
      %select_n3A_299 = arith.select %le3A_297, %masked_sort3A_281, %masked_sort3A_296 : vector<16xi1>, vector<16xi32>
      %masked_sort3A_300 = arith.constant dense<true> : vector<16xi1>
      %masked_sort3A_301, %masked_sort3A_302, %masked_sort3A_303 = tpu.sort %select_n3A_298, %select_n3A_299 masked %masked_sort3A_300 {descending = true} : (vector<16xf32>, vector<16xi32>, vector<16xi1>) -> (vector<16xi1>, vector<16xf32>, vector<16xi32>)
      %le3A_304 = arith.cmpf ole, %masked_sort3A_265, %masked_sort3A_302 : vector<16xf32>
      %select_n3A_305 = arith.select %le3A_304, %masked_sort3A_265, %masked_sort3A_302 : vector<16xi1>, vector<16xf32>
      %select_n3A_306 = arith.select %le3A_304, %masked_sort3A_266, %masked_sort3A_303 : vector<16xi1>, vector<16xi32>
      %masked_sort3A_307 = arith.constant dense<true> : vector<16xi1>
      %masked_sort3A_308, %masked_sort3A_309, %masked_sort3A_310 = tpu.sort %select_n3A_305, %select_n3A_306 masked %masked_sort3A_307 {descending = true} : (vector<16xf32>, vector<16xi32>, vector<16xi1>) -> (vector<16xi1>, vector<16xf32>, vector<16xi32>)
      %le3A_311 = arith.cmpf ole, %masked_sort3A_228, %masked_sort3A_309 : vector<16xf32>
      %select_n3A_312 = arith.select %le3A_311, %masked_sort3A_228, %masked_sort3A_309 : vector<16xi1>, vector<16xf32>
      %select_n3A_313 = arith.select %le3A_311, %masked_sort3A_229, %masked_sort3A_310 : vector<16xi1>, vector<16xi32>
      %masked_sort3A_314 = arith.constant dense<true> : vector<16xi1>
      %masked_sort3A_315, %masked_sort3A_316, %masked_sort3A_317 = tpu.sort %select_n3A_312, %select_n3A_313 masked %masked_sort3A_314 : (vector<16xf32>, vector<16xi32>, vector<16xi1>) -> (vector<16xi1>, vector<16xf32>, vector<16xi32>)
      %mul3A_318 = arith.constant 128 : i32
      %mul3A_319 = arith.muli %scan3A_151, %mul3A_318 : i32
      %add3A_320 = arith.constant 8192 : i32
      %add3A_321 = arith.addi %add3A_320, %mul3A_319 : i32
      %add3A_322 = arith.constant 0 : i32
      %add3A_323 = arith.addi %add3A_321, %add3A_322 : i32
      %get3A_324 = arith.index_cast %add3A_323 : i32 to index
      %get3A_325 = tpu.vector_load %arg11[%get3A_324] {strides = array<i32>} : memref<32768xf32, #tpu.memory_space<vmem>>, vector<16xf32>,
      %add3A_326 = arith.constant 128 : i32
      %add3A_327 = vector.broadcast %add3A_326 : i32 to vector<16xi32>
      %add3A_328 = arith.addi %iota3A, %add3A_327 : vector<16xi32>
      %masked_sort3A_329 = arith.constant dense<true> : vector<16xi1>
      %masked_sort3A_330, %masked_sort3A_331, %masked_sort3A_332 = tpu.sort %get3A_325, %add3A_328 masked %masked_sort3A_329 : (vector<16xf32>, vector<16xi32>, vector<16xi1>) -> (vector<16xi1>, vector<16xf32>, vector<16xi32>)
      %mul3A_333 = arith.constant 128 : i32
      %mul3A_334 = arith.muli %scan3A_151, %mul3A_333 : i32
      %add3A_335 = arith.constant 8192 : i32
      %add3A_336 = arith.addi %add3A_335, %mul3A_334 : i32
      %add3A_337 = arith.constant 16 : i32
      %add3A_338 = arith.addi %add3A_336, %add3A_337 : i32
      %get3A_339 = arith.index_cast %add3A_338 : i32 to index
      %get3A_340 = tpu.vector_load %arg11[%get3A_339] {strides = array<i32>} : memref<32768xf32, #tpu.memory_space<vmem>>, vector<16xf32>,
      %add3A_341 = arith.constant 144 : i32
      %add3A_342 = vector.broadcast %add3A_341 : i32 to vector<16xi32>
      %add3A_343 = arith.addi %iota3A, %add3A_342 : vector<16xi32>
      %masked_sort3A_344 = arith.constant dense<true> : vector<16xi1>
      %masked_sort3A_345, %masked_sort3A_346, %masked_sort3A_347 = tpu.sort %get3A_340, %add3A_343 masked %masked_sort3A_344 {descending = true} : (vector<16xf32>, vector<16xi32>, vector<16xi1>) -> (vector<16xi1>, vector<16xf32>, vector<16xi32>)
      %le3A_348 = arith.cmpf ole, %masked_sort3A_331, %masked_sort3A_346 : vector<16xf32>
      %select_n3A_349 = arith.select %le3A_348, %masked_sort3A_331, %masked_sort3A_346 : vector<16xi1>, vector<16xf32>
      %select_n3A_350 = arith.select %le3A_348, %masked_sort3A_332, %masked_sort3A_347 : vector<16xi1>, vector<16xi32>
      %masked_sort3A_351 = arith.constant dense<true> : vector<16xi1>
      %masked_sort3A_352, %masked_sort3A_353, %masked_sort3A_354 = tpu.sort %select_n3A_349, %select_n3A_350 masked %masked_sort3A_351 : (vector<16xf32>, vector<16xi32>, vector<16xi1>) -> (vector<16xi1>, vector<16xf32>, vector<16xi32>)
      %mul3A_355 = arith.constant 128 : i32
      %mul3A_356 = arith.muli %scan3A_151, %mul3A_355 : i32
      %add3A_357 = arith.constant 8192 : i32
      %add3A_358 = arith.addi %add3A_357, %mul3A_356 : i32
      %add3A_359 = arith.constant 32 : i32
      %add3A_360 = arith.addi %add3A_358, %add3A_359 : i32
      %get3A_361 = arith.index_cast %add3A_360 : i32 to index
      %get3A_362 = tpu.vector_load %arg11[%get3A_361] {strides = array<i32>} : memref<32768xf32, #tpu.memory_space<vmem>>, vector<16xf32>,
      %add3A_363 = arith.constant 160 : i32
      %add3A_364 = vector.broadcast %add3A_363 : i32 to vector<16xi32>
      %add3A_365 = arith.addi %iota3A, %add3A_364 : vector<16xi32>
      %masked_sort3A_366 = arith.constant dense<true> : vector<16xi1>
      %masked_sort3A_367, %masked_sort3A_368, %masked_sort3A_369 = tpu.sort %get3A_362, %add3A_365 masked %masked_sort3A_366 : (vector<16xf32>, vector<16xi32>, vector<16xi1>) -> (vector<16xi1>, vector<16xf32>, vector<16xi32>)
      %mul3A_370 = arith.constant 128 : i32
      %mul3A_371 = arith.muli %scan3A_151, %mul3A_370 : i32
      %add3A_372 = arith.constant 8192 : i32
      %add3A_373 = arith.addi %add3A_372, %mul3A_371 : i32
      %add3A_374 = arith.constant 48 : i32
      %add3A_375 = arith.addi %add3A_373, %add3A_374 : i32
      %get3A_376 = arith.index_cast %add3A_375 : i32 to index
      %get3A_377 = tpu.vector_load %arg11[%get3A_376] {strides = array<i32>} : memref<32768xf32, #tpu.memory_space<vmem>>, vector<16xf32>,
      %add3A_378 = arith.constant 176 : i32
      %add3A_379 = vector.broadcast %add3A_378 : i32 to vector<16xi32>
      %add3A_380 = arith.addi %iota3A, %add3A_379 : vector<16xi32>
      %masked_sort3A_381 = arith.constant dense<true> : vector<16xi1>
      %masked_sort3A_382, %masked_sort3A_383, %masked_sort3A_384 = tpu.sort %get3A_377, %add3A_380 masked %masked_sort3A_381 {descending = true} : (vector<16xf32>, vector<16xi32>, vector<16xi1>) -> (vector<16xi1>, vector<16xf32>, vector<16xi32>)
      %le3A_385 = arith.cmpf ole, %masked_sort3A_368, %masked_sort3A_383 : vector<16xf32>
      %select_n3A_386 = arith.select %le3A_385, %masked_sort3A_368, %masked_sort3A_383 : vector<16xi1>, vector<16xf32>
      %select_n3A_387 = arith.select %le3A_385, %masked_sort3A_369, %masked_sort3A_384 : vector<16xi1>, vector<16xi32>
      %masked_sort3A_388 = arith.constant dense<true> : vector<16xi1>
      %masked_sort3A_389, %masked_sort3A_390, %masked_sort3A_391 = tpu.sort %select_n3A_386, %select_n3A_387 masked %masked_sort3A_388 {descending = true} : (vector<16xf32>, vector<16xi32>, vector<16xi1>) -> (vector<16xi1>, vector<16xf32>, vector<16xi32>)
      %le3A_392 = arith.cmpf ole, %masked_sort3A_353, %masked_sort3A_390 : vector<16xf32>
      %select_n3A_393 = arith.select %le3A_392, %masked_sort3A_353, %masked_sort3A_390 : vector<16xi1>, vector<16xf32>
      %select_n3A_394 = arith.select %le3A_392, %masked_sort3A_354, %masked_sort3A_391 : vector<16xi1>, vector<16xi32>
      %masked_sort3A_395 = arith.constant dense<true> : vector<16xi1>
      %masked_sort3A_396, %masked_sort3A_397, %masked_sort3A_398 = tpu.sort %select_n3A_393, %select_n3A_394 masked %masked_sort3A_395 : (vector<16xf32>, vector<16xi32>, vector<16xi1>) -> (vector<16xi1>, vector<16xf32>, vector<16xi32>)
      %mul3A_399 = arith.constant 128 : i32
      %mul3A_400 = arith.muli %scan3A_151, %mul3A_399 : i32
      %add3A_401 = arith.constant 8192 : i32
      %add3A_402 = arith.addi %add3A_401, %mul3A_400 : i32
      %add3A_403 = arith.constant 64 : i32
      %add3A_404 = arith.addi %add3A_402, %add3A_403 : i32
      %get3A_405 = arith.index_cast %add3A_404 : i32 to index
      %get3A_406 = tpu.vector_load %arg11[%get3A_405] {strides = array<i32>} : memref<32768xf32, #tpu.memory_space<vmem>>, vector<16xf32>,
      %add3A_407 = arith.constant 192 : i32
      %add3A_408 = vector.broadcast %add3A_407 : i32 to vector<16xi32>
      %add3A_409 = arith.addi %iota3A, %add3A_408 : vector<16xi32>
      %masked_sort3A_410 = arith.constant dense<true> : vector<16xi1>
      %masked_sort3A_411, %masked_sort3A_412, %masked_sort3A_413 = tpu.sort %get3A_406, %add3A_409 masked %masked_sort3A_410 : (vector<16xf32>, vector<16xi32>, vector<16xi1>) -> (vector<16xi1>, vector<16xf32>, vector<16xi32>)
      %mul3A_414 = arith.constant 128 : i32
      %mul3A_415 = arith.muli %scan3A_151, %mul3A_414 : i32
      %add3A_416 = arith.constant 8192 : i32
      %add3A_417 = arith.addi %add3A_416, %mul3A_415 : i32
      %add3A_418 = arith.constant 80 : i32
      %add3A_419 = arith.addi %add3A_417, %add3A_418 : i32
      %get3A_420 = arith.index_cast %add3A_419 : i32 to index
      %get3A_421 = tpu.vector_load %arg11[%get3A_420] {strides = array<i32>} : memref<32768xf32, #tpu.memory_space<vmem>>, vector<16xf32>,
      %add3A_422 = arith.constant 208 : i32
      %add3A_423 = vector.broadcast %add3A_422 : i32 to vector<16xi32>
      %add3A_424 = arith.addi %iota3A, %add3A_423 : vector<16xi32>
      %masked_sort3A_425 = arith.constant dense<true> : vector<16xi1>
      %masked_sort3A_426, %masked_sort3A_427, %masked_sort3A_428 = tpu.sort %get3A_421, %add3A_424 masked %masked_sort3A_425 {descending = true} : (vector<16xf32>, vector<16xi32>, vector<16xi1>) -> (vector<16xi1>, vector<16xf32>, vector<16xi32>)
      %le3A_429 = arith.cmpf ole, %masked_sort3A_412, %masked_sort3A_427 : vector<16xf32>
      %select_n3A_430 = arith.select %le3A_429, %masked_sort3A_412, %masked_sort3A_427 : vector<16xi1>, vector<16xf32>
      %select_n3A_431 = arith.select %le3A_429, %masked_sort3A_413, %masked_sort3A_428 : vector<16xi1>, vector<16xi32>
      %masked_sort3A_432 = arith.constant dense<true> : vector<16xi1>
      %masked_sort3A_433, %masked_sort3A_434, %masked_sort3A_435 = tpu.sort %select_n3A_430, %select_n3A_431 masked %masked_sort3A_432 : (vector<16xf32>, vector<16xi32>, vector<16xi1>) -> (vector<16xi1>, vector<16xf32>, vector<16xi32>)
      %mul3A_436 = arith.constant 128 : i32
      %mul3A_437 = arith.muli %scan3A_151, %mul3A_436 : i32
      %add3A_438 = arith.constant 8192 : i32
      %add3A_439 = arith.addi %add3A_438, %mul3A_437 : i32
      %add3A_440 = arith.constant 96 : i32
      %add3A_441 = arith.addi %add3A_439, %add3A_440 : i32
      %get3A_442 = arith.index_cast %add3A_441 : i32 to index
      %get3A_443 = tpu.vector_load %arg11[%get3A_442] {strides = array<i32>} : memref<32768xf32, #tpu.memory_space<vmem>>, vector<16xf32>,
      %add3A_444 = arith.constant 224 : i32
      %add3A_445 = vector.broadcast %add3A_444 : i32 to vector<16xi32>
      %add3A_446 = arith.addi %iota3A, %add3A_445 : vector<16xi32>
      %masked_sort3A_447 = arith.constant dense<true> : vector<16xi1>
      %masked_sort3A_448, %masked_sort3A_449, %masked_sort3A_450 = tpu.sort %get3A_443, %add3A_446 masked %masked_sort3A_447 : (vector<16xf32>, vector<16xi32>, vector<16xi1>) -> (vector<16xi1>, vector<16xf32>, vector<16xi32>)
      %mul3A_451 = arith.constant 128 : i32
      %mul3A_452 = arith.muli %scan3A_151, %mul3A_451 : i32
      %add3A_453 = arith.constant 8192 : i32
      %add3A_454 = arith.addi %add3A_453, %mul3A_452 : i32
      %add3A_455 = arith.constant 112 : i32
      %add3A_456 = arith.addi %add3A_454, %add3A_455 : i32
      %get3A_457 = arith.index_cast %add3A_456 : i32 to index
      %get3A_458 = tpu.vector_load %arg11[%get3A_457] {strides = array<i32>} : memref<32768xf32, #tpu.memory_space<vmem>>, vector<16xf32>,
      %add3A_459 = arith.constant 240 : i32
      %add3A_460 = vector.broadcast %add3A_459 : i32 to vector<16xi32>
      %add3A_461 = arith.addi %iota3A, %add3A_460 : vector<16xi32>
      %masked_sort3A_462 = arith.constant dense<true> : vector<16xi1>
      %masked_sort3A_463, %masked_sort3A_464, %masked_sort3A_465 = tpu.sort %get3A_458, %add3A_461 masked %masked_sort3A_462 {descending = true} : (vector<16xf32>, vector<16xi32>, vector<16xi1>) -> (vector<16xi1>, vector<16xf32>, vector<16xi32>)
      %le3A_466 = arith.cmpf ole, %masked_sort3A_449, %masked_sort3A_464 : vector<16xf32>
      %select_n3A_467 = arith.select %le3A_466, %masked_sort3A_449, %masked_sort3A_464 : vector<16xi1>, vector<16xf32>
      %select_n3A_468 = arith.select %le3A_466, %masked_sort3A_450, %masked_sort3A_465 : vector<16xi1>, vector<16xi32>
      %masked_sort3A_469 = arith.constant dense<true> : vector<16xi1>
      %masked_sort3A_470, %masked_sort3A_471, %masked_sort3A_472 = tpu.sort %select_n3A_467, %select_n3A_468 masked %masked_sort3A_469 {descending = true} : (vector<16xf32>, vector<16xi32>, vector<16xi1>) -> (vector<16xi1>, vector<16xf32>, vector<16xi32>)
      %le3A_473 = arith.cmpf ole, %masked_sort3A_434, %masked_sort3A_471 : vector<16xf32>
      %select_n3A_474 = arith.select %le3A_473, %masked_sort3A_434, %masked_sort3A_471 : vector<16xi1>, vector<16xf32>
      %select_n3A_475 = arith.select %le3A_473, %masked_sort3A_435, %masked_sort3A_472 : vector<16xi1>, vector<16xi32>
      %masked_sort3A_476 = arith.constant dense<true> : vector<16xi1>
      %masked_sort3A_477, %masked_sort3A_478, %masked_sort3A_479 = tpu.sort %select_n3A_474, %select_n3A_475 masked %masked_sort3A_476 {descending = true} : (vector<16xf32>, vector<16xi32>, vector<16xi1>) -> (vector<16xi1>, vector<16xf32>, vector<16xi32>)
      %le3A_480 = arith.cmpf ole, %masked_sort3A_397, %masked_sort3A_478 : vector<16xf32>
      %select_n3A_481 = arith.select %le3A_480, %masked_sort3A_397, %masked_sort3A_478 : vector<16xi1>, vector<16xf32>
      %select_n3A_482 = arith.select %le3A_480, %masked_sort3A_398, %masked_sort3A_479 : vector<16xi1>, vector<16xi32>
      %masked_sort3A_483 = arith.constant dense<true> : vector<16xi1>
      %masked_sort3A_484, %masked_sort3A_485, %masked_sort3A_486 = tpu.sort %select_n3A_481, %select_n3A_482 masked %masked_sort3A_483 {descending = true} : (vector<16xf32>, vector<16xi32>, vector<16xi1>) -> (vector<16xi1>, vector<16xf32>, vector<16xi32>)
      %le3A_487 = arith.cmpf ole, %masked_sort3A_316, %masked_sort3A_485 : vector<16xf32>
      %select_n3A_488 = arith.select %le3A_487, %masked_sort3A_316, %masked_sort3A_485 : vector<16xi1>, vector<16xf32>
      %select_n3A_489 = arith.select %le3A_487, %masked_sort3A_317, %masked_sort3A_486 : vector<16xi1>, vector<16xi32>
      %masked_sort3A_490 = arith.constant dense<true> : vector<16xi1>
      %masked_sort3A_491, %masked_sort3A_492, %masked_sort3A_493 = tpu.sort %select_n3A_488, %select_n3A_489 masked %masked_sort3A_490 : (vector<16xf32>, vector<16xi32>, vector<16xi1>) -> (vector<16xi1>, vector<16xf32>, vector<16xi32>)
      %mul3A_494 = arith.constant 128 : i32
      %mul3A_495 = arith.muli %scan3A_151, %mul3A_494 : i32
      %add3A_496 = arith.constant 16384 : i32
      %add3A_497 = arith.addi %add3A_496, %mul3A_495 : i32
      %add3A_498 = arith.constant 0 : i32
      %add3A_499 = arith.addi %add3A_497, %add3A_498 : i32
      %get3A_500 = arith.index_cast %add3A_499 : i32 to index
      %get3A_501 = tpu.vector_load %arg11[%get3A_500] {strides = array<i32>} : memref<32768xf32, #tpu.memory_space<vmem>>, vector<16xf32>,
      %add3A_502 = arith.constant 256 : i32
      %add3A_503 = vector.broadcast %add3A_502 : i32 to vector<16xi32>
      %add3A_504 = arith.addi %iota3A, %add3A_503 : vector<16xi32>
      %masked_sort3A_505 = arith.constant dense<true> : vector<16xi1>
      %masked_sort3A_506, %masked_sort3A_507, %masked_sort3A_508 = tpu.sort %get3A_501, %add3A_504 masked %masked_sort3A_505 : (vector<16xf32>, vector<16xi32>, vector<16xi1>) -> (vector<16xi1>, vector<16xf32>, vector<16xi32>)
      %mul3A_509 = arith.constant 128 : i32
      %mul3A_510 = arith.muli %scan3A_151, %mul3A_509 : i32
      %add3A_511 = arith.constant 16384 : i32
      %add3A_512 = arith.addi %add3A_511, %mul3A_510 : i32
      %add3A_513 = arith.constant 16 : i32
      %add3A_514 = arith.addi %add3A_512, %add3A_513 : i32
      %get3A_515 = arith.index_cast %add3A_514 : i32 to index
      %get3A_516 = tpu.vector_load %arg11[%get3A_515] {strides = array<i32>} : memref<32768xf32, #tpu.memory_space<vmem>>, vector<16xf32>,
      %add3A_517 = arith.constant 272 : i32
      %add3A_518 = vector.broadcast %add3A_517 : i32 to vector<16xi32>
      %add3A_519 = arith.addi %iota3A, %add3A_518 : vector<16xi32>
      %masked_sort3A_520 = arith.constant dense<true> : vector<16xi1>
      %masked_sort3A_521, %masked_sort3A_522, %masked_sort3A_523 = tpu.sort %get3A_516, %add3A_519 masked %masked_sort3A_520 {descending = true} : (vector<16xf32>, vector<16xi32>, vector<16xi1>) -> (vector<16xi1>, vector<16xf32>, vector<16xi32>)
      %le3A_524 = arith.cmpf ole, %masked_sort3A_507, %masked_sort3A_522 : vector<16xf32>
      %select_n3A_525 = arith.select %le3A_524, %masked_sort3A_507, %masked_sort3A_522 : vector<16xi1>, vector<16xf32>
      %select_n3A_526 = arith.select %le3A_524, %masked_sort3A_508, %masked_sort3A_523 : vector<16xi1>, vector<16xi32>
      %masked_sort3A_527 = arith.constant dense<true> : vector<16xi1>
      %masked_sort3A_528, %masked_sort3A_529, %masked_sort3A_530 = tpu.sort %select_n3A_525, %select_n3A_526 masked %masked_sort3A_527 : (vector<16xf32>, vector<16xi32>, vector<16xi1>) -> (vector<16xi1>, vector<16xf32>, vector<16xi32>)
      %mul3A_531 = arith.constant 128 : i32
      %mul3A_532 = arith.muli %scan3A_151, %mul3A_531 : i32
      %add3A_533 = arith.constant 16384 : i32
      %add3A_534 = arith.addi %add3A_533, %mul3A_532 : i32
      %add3A_535 = arith.constant 32 : i32
      %add3A_536 = arith.addi %add3A_534, %add3A_535 : i32
      %get3A_537 = arith.index_cast %add3A_536 : i32 to index
      %get3A_538 = tpu.vector_load %arg11[%get3A_537] {strides = array<i32>} : memref<32768xf32, #tpu.memory_space<vmem>>, vector<16xf32>,
      %add3A_539 = arith.constant 288 : i32
      %add3A_540 = vector.broadcast %add3A_539 : i32 to vector<16xi32>
      %add3A_541 = arith.addi %iota3A, %add3A_540 : vector<16xi32>
      %masked_sort3A_542 = arith.constant dense<true> : vector<16xi1>
      %masked_sort3A_543, %masked_sort3A_544, %masked_sort3A_545 = tpu.sort %get3A_538, %add3A_541 masked %masked_sort3A_542 : (vector<16xf32>, vector<16xi32>, vector<16xi1>) -> (vector<16xi1>, vector<16xf32>, vector<16xi32>)
      %mul3A_546 = arith.constant 128 : i32
      %mul3A_547 = arith.muli %scan3A_151, %mul3A_546 : i32
      %add3A_548 = arith.constant 16384 : i32
      %add3A_549 = arith.addi %add3A_548, %mul3A_547 : i32
      %add3A_550 = arith.constant 48 : i32
      %add3A_551 = arith.addi %add3A_549, %add3A_550 : i32
      %get3A_552 = arith.index_cast %add3A_551 : i32 to index
      %get3A_553 = tpu.vector_load %arg11[%get3A_552] {strides = array<i32>} : memref<32768xf32, #tpu.memory_space<vmem>>, vector<16xf32>,
      %add3A_554 = arith.constant 304 : i32
      %add3A_555 = vector.broadcast %add3A_554 : i32 to vector<16xi32>
      %add3A_556 = arith.addi %iota3A, %add3A_555 : vector<16xi32>
      %masked_sort3A_557 = arith.constant dense<true> : vector<16xi1>
      %masked_sort3A_558, %masked_sort3A_559, %masked_sort3A_560 = tpu.sort %get3A_553, %add3A_556 masked %masked_sort3A_557 {descending = true} : (vector<16xf32>, vector<16xi32>, vector<16xi1>) -> (vector<16xi1>, vector<16xf32>, vector<16xi32>)
      %le3A_561 = arith.cmpf ole, %masked_sort3A_544, %masked_sort3A_559 : vector<16xf32>
      %select_n3A_562 = arith.select %le3A_561, %masked_sort3A_544, %masked_sort3A_559 : vector<16xi1>, vector<16xf32>
      %select_n3A_563 = arith.select %le3A_561, %masked_sort3A_545, %masked_sort3A_560 : vector<16xi1>, vector<16xi32>
      %masked_sort3A_564 = arith.constant dense<true> : vector<16xi1>
      %masked_sort3A_565, %masked_sort3A_566, %masked_sort3A_567 = tpu.sort %select_n3A_562, %select_n3A_563 masked %masked_sort3A_564 {descending = true} : (vector<16xf32>, vector<16xi32>, vector<16xi1>) -> (vector<16xi1>, vector<16xf32>, vector<16xi32>)
      %le3A_568 = arith.cmpf ole, %masked_sort3A_529, %masked_sort3A_566 : vector<16xf32>
      %select_n3A_569 = arith.select %le3A_568, %masked_sort3A_529, %masked_sort3A_566 : vector<16xi1>, vector<16xf32>
      %select_n3A_570 = arith.select %le3A_568, %masked_sort3A_530, %masked_sort3A_567 : vector<16xi1>, vector<16xi32>
      %masked_sort3A_571 = arith.constant dense<true> : vector<16xi1>
      %masked_sort3A_572, %masked_sort3A_573, %masked_sort3A_574 = tpu.sort %select_n3A_569, %select_n3A_570 masked %masked_sort3A_571 : (vector<16xf32>, vector<16xi32>, vector<16xi1>) -> (vector<16xi1>, vector<16xf32>, vector<16xi32>)
      %mul3A_575 = arith.constant 128 : i32
      %mul3A_576 = arith.muli %scan3A_151, %mul3A_575 : i32
      %add3A_577 = arith.constant 16384 : i32
      %add3A_578 = arith.addi %add3A_577, %mul3A_576 : i32
      %add3A_579 = arith.constant 64 : i32
      %add3A_580 = arith.addi %add3A_578, %add3A_579 : i32
      %get3A_581 = arith.index_cast %add3A_580 : i32 to index
      %get3A_582 = tpu.vector_load %arg11[%get3A_581] {strides = array<i32>} : memref<32768xf32, #tpu.memory_space<vmem>>, vector<16xf32>,
      %add3A_583 = arith.constant 320 : i32
      %add3A_584 = vector.broadcast %add3A_583 : i32 to vector<16xi32>
      %add3A_585 = arith.addi %iota3A, %add3A_584 : vector<16xi32>
      %masked_sort3A_586 = arith.constant dense<true> : vector<16xi1>
      %masked_sort3A_587, %masked_sort3A_588, %masked_sort3A_589 = tpu.sort %get3A_582, %add3A_585 masked %masked_sort3A_586 : (vector<16xf32>, vector<16xi32>, vector<16xi1>) -> (vector<16xi1>, vector<16xf32>, vector<16xi32>)
      %mul3A_590 = arith.constant 128 : i32
      %mul3A_591 = arith.muli %scan3A_151, %mul3A_590 : i32
      %add3A_592 = arith.constant 16384 : i32
      %add3A_593 = arith.addi %add3A_592, %mul3A_591 : i32
      %add3A_594 = arith.constant 80 : i32
      %add3A_595 = arith.addi %add3A_593, %add3A_594 : i32
      %get3A_596 = arith.index_cast %add3A_595 : i32 to index
      %get3A_597 = tpu.vector_load %arg11[%get3A_596] {strides = array<i32>} : memref<32768xf32, #tpu.memory_space<vmem>>, vector<16xf32>,
      %add3A_598 = arith.constant 336 : i32
      %add3A_599 = vector.broadcast %add3A_598 : i32 to vector<16xi32>
      %add3A_600 = arith.addi %iota3A, %add3A_599 : vector<16xi32>
      %masked_sort3A_601 = arith.constant dense<true> : vector<16xi1>
      %masked_sort3A_602, %masked_sort3A_603, %masked_sort3A_604 = tpu.sort %get3A_597, %add3A_600 masked %masked_sort3A_601 {descending = true} : (vector<16xf32>, vector<16xi32>, vector<16xi1>) -> (vector<16xi1>, vector<16xf32>, vector<16xi32>)
      %le3A_605 = arith.cmpf ole, %masked_sort3A_588, %masked_sort3A_603 : vector<16xf32>
      %select_n3A_606 = arith.select %le3A_605, %masked_sort3A_588, %masked_sort3A_603 : vector<16xi1>, vector<16xf32>
      %select_n3A_607 = arith.select %le3A_605, %masked_sort3A_589, %masked_sort3A_604 : vector<16xi1>, vector<16xi32>
      %masked_sort3A_608 = arith.constant dense<true> : vector<16xi1>
      %masked_sort3A_609, %masked_sort3A_610, %masked_sort3A_611 = tpu.sort %select_n3A_606, %select_n3A_607 masked %masked_sort3A_608 : (vector<16xf32>, vector<16xi32>, vector<16xi1>) -> (vector<16xi1>, vector<16xf32>, vector<16xi32>)
      %mul3A_612 = arith.constant 128 : i32
      %mul3A_613 = arith.muli %scan3A_151, %mul3A_612 : i32
      %add3A_614 = arith.constant 16384 : i32
      %add3A_615 = arith.addi %add3A_614, %mul3A_613 : i32
      %add3A_616 = arith.constant 96 : i32
      %add3A_617 = arith.addi %add3A_615, %add3A_616 : i32
      %get3A_618 = arith.index_cast %add3A_617 : i32 to index
      %get3A_619 = tpu.vector_load %arg11[%get3A_618] {strides = array<i32>} : memref<32768xf32, #tpu.memory_space<vmem>>, vector<16xf32>,
      %add3A_620 = arith.constant 352 : i32
      %add3A_621 = vector.broadcast %add3A_620 : i32 to vector<16xi32>
      %add3A_622 = arith.addi %iota3A, %add3A_621 : vector<16xi32>
      %masked_sort3A_623 = arith.constant dense<true> : vector<16xi1>
      %masked_sort3A_624, %masked_sort3A_625, %masked_sort3A_626 = tpu.sort %get3A_619, %add3A_622 masked %masked_sort3A_623 : (vector<16xf32>, vector<16xi32>, vector<16xi1>) -> (vector<16xi1>, vector<16xf32>, vector<16xi32>)
      %mul3A_627 = arith.constant 128 : i32
      %mul3A_628 = arith.muli %scan3A_151, %mul3A_627 : i32
      %add3A_629 = arith.constant 16384 : i32
      %add3A_630 = arith.addi %add3A_629, %mul3A_628 : i32
      %add3A_631 = arith.constant 112 : i32
      %add3A_632 = arith.addi %add3A_630, %add3A_631 : i32
      %get3A_633 = arith.index_cast %add3A_632 : i32 to index
      %get3A_634 = tpu.vector_load %arg11[%get3A_633] {strides = array<i32>} : memref<32768xf32, #tpu.memory_space<vmem>>, vector<16xf32>,
      %add3A_635 = arith.constant 368 : i32
      %add3A_636 = vector.broadcast %add3A_635 : i32 to vector<16xi32>
      %add3A_637 = arith.addi %iota3A, %add3A_636 : vector<16xi32>
      %masked_sort3A_638 = arith.constant dense<true> : vector<16xi1>
      %masked_sort3A_639, %masked_sort3A_640, %masked_sort3A_641 = tpu.sort %get3A_634, %add3A_637 masked %masked_sort3A_638 {descending = true} : (vector<16xf32>, vector<16xi32>, vector<16xi1>) -> (vector<16xi1>, vector<16xf32>, vector<16xi32>)
      %le3A_642 = arith.cmpf ole, %masked_sort3A_625, %masked_sort3A_640 : vector<16xf32>
      %select_n3A_643 = arith.select %le3A_642, %masked_sort3A_625, %masked_sort3A_640 : vector<16xi1>, vector<16xf32>
      %select_n3A_644 = arith.select %le3A_642, %masked_sort3A_626, %masked_sort3A_641 : vector<16xi1>, vector<16xi32>
      %masked_sort3A_645 = arith.constant dense<true> : vector<16xi1>
      %masked_sort3A_646, %masked_sort3A_647, %masked_sort3A_648 = tpu.sort %select_n3A_643, %select_n3A_644 masked %masked_sort3A_645 {descending = true} : (vector<16xf32>, vector<16xi32>, vector<16xi1>) -> (vector<16xi1>, vector<16xf32>, vector<16xi32>)
      %le3A_649 = arith.cmpf ole, %masked_sort3A_610, %masked_sort3A_647 : vector<16xf32>
      %select_n3A_650 = arith.select %le3A_649, %masked_sort3A_610, %masked_sort3A_647 : vector<16xi1>, vector<16xf32>
      %select_n3A_651 = arith.select %le3A_649, %masked_sort3A_611, %masked_sort3A_648 : vector<16xi1>, vector<16xi32>
      %masked_sort3A_652 = arith.constant dense<true> : vector<16xi1>
      %masked_sort3A_653, %masked_sort3A_654, %masked_sort3A_655 = tpu.sort %select_n3A_650, %select_n3A_651 masked %masked_sort3A_652 {descending = true} : (vector<16xf32>, vector<16xi32>, vector<16xi1>) -> (vector<16xi1>, vector<16xf32>, vector<16xi32>)
      %le3A_656 = arith.cmpf ole, %masked_sort3A_573, %masked_sort3A_654 : vector<16xf32>
      %select_n3A_657 = arith.select %le3A_656, %masked_sort3A_573, %masked_sort3A_654 : vector<16xi1>, vector<16xf32>
      %select_n3A_658 = arith.select %le3A_656, %masked_sort3A_574, %masked_sort3A_655 : vector<16xi1>, vector<16xi32>
      %masked_sort3A_659 = arith.constant dense<true> : vector<16xi1>
      %masked_sort3A_660, %masked_sort3A_661, %masked_sort3A_662 = tpu.sort %select_n3A_657, %select_n3A_658 masked %masked_sort3A_659 : (vector<16xf32>, vector<16xi32>, vector<16xi1>) -> (vector<16xi1>, vector<16xf32>, vector<16xi32>)
      %mul3A_663 = arith.constant 128 : i32
      %mul3A_664 = arith.muli %scan3A_151, %mul3A_663 : i32
      %add3A_665 = arith.constant 24576 : i32
      %add3A_666 = arith.addi %add3A_665, %mul3A_664 : i32
      %add3A_667 = arith.constant 0 : i32
      %add3A_668 = arith.addi %add3A_666, %add3A_667 : i32
      %get3A_669 = arith.index_cast %add3A_668 : i32 to index
      %get3A_670 = tpu.vector_load %arg11[%get3A_669] {strides = array<i32>} : memref<32768xf32, #tpu.memory_space<vmem>>, vector<16xf32>,
      %add3A_671 = arith.constant 384 : i32
      %add3A_672 = vector.broadcast %add3A_671 : i32 to vector<16xi32>
      %add3A_673 = arith.addi %iota3A, %add3A_672 : vector<16xi32>
      %masked_sort3A_674 = arith.constant dense<true> : vector<16xi1>
      %masked_sort3A_675, %masked_sort3A_676, %masked_sort3A_677 = tpu.sort %get3A_670, %add3A_673 masked %masked_sort3A_674 : (vector<16xf32>, vector<16xi32>, vector<16xi1>) -> (vector<16xi1>, vector<16xf32>, vector<16xi32>)
      %mul3A_678 = arith.constant 128 : i32
      %mul3A_679 = arith.muli %scan3A_151, %mul3A_678 : i32
      %add3A_680 = arith.constant 24576 : i32
      %add3A_681 = arith.addi %add3A_680, %mul3A_679 : i32
      %add3A_682 = arith.constant 16 : i32
      %add3A_683 = arith.addi %add3A_681, %add3A_682 : i32
      %get3A_684 = arith.index_cast %add3A_683 : i32 to index
      %get3A_685 = tpu.vector_load %arg11[%get3A_684] {strides = array<i32>} : memref<32768xf32, #tpu.memory_space<vmem>>, vector<16xf32>,
      %add3A_686 = arith.constant 400 : i32
      %add3A_687 = vector.broadcast %add3A_686 : i32 to vector<16xi32>
      %add3A_688 = arith.addi %iota3A, %add3A_687 : vector<16xi32>
      %masked_sort3A_689 = arith.constant dense<true> : vector<16xi1>
      %masked_sort3A_690, %masked_sort3A_691, %masked_sort3A_692 = tpu.sort %get3A_685, %add3A_688 masked %masked_sort3A_689 {descending = true} : (vector<16xf32>, vector<16xi32>, vector<16xi1>) -> (vector<16xi1>, vector<16xf32>, vector<16xi32>)
      %le3A_693 = arith.cmpf ole, %masked_sort3A_676, %masked_sort3A_691 : vector<16xf32>
      %select_n3A_694 = arith.select %le3A_693, %masked_sort3A_676, %masked_sort3A_691 : vector<16xi1>, vector<16xf32>
      %select_n3A_695 = arith.select %le3A_693, %masked_sort3A_677, %masked_sort3A_692 : vector<16xi1>, vector<16xi32>
      %masked_sort3A_696 = arith.constant dense<true> : vector<16xi1>
      %masked_sort3A_697, %masked_sort3A_698, %masked_sort3A_699 = tpu.sort %select_n3A_694, %select_n3A_695 masked %masked_sort3A_696 : (vector<16xf32>, vector<16xi32>, vector<16xi1>) -> (vector<16xi1>, vector<16xf32>, vector<16xi32>)
      %mul3A_700 = arith.constant 128 : i32
      %mul3A_701 = arith.muli %scan3A_151, %mul3A_700 : i32
      %add3A_702 = arith.constant 24576 : i32
      %add3A_703 = arith.addi %add3A_702, %mul3A_701 : i32
      %add3A_704 = arith.constant 32 : i32
      %add3A_705 = arith.addi %add3A_703, %add3A_704 : i32
      %get3A_706 = arith.index_cast %add3A_705 : i32 to index
      %get3A_707 = tpu.vector_load %arg11[%get3A_706] {strides = array<i32>} : memref<32768xf32, #tpu.memory_space<vmem>>, vector<16xf32>,
      %add3A_708 = arith.constant 416 : i32
      %add3A_709 = vector.broadcast %add3A_708 : i32 to vector<16xi32>
      %add3A_710 = arith.addi %iota3A, %add3A_709 : vector<16xi32>
      %masked_sort3A_711 = arith.constant dense<true> : vector<16xi1>
      %masked_sort3A_712, %masked_sort3A_713, %masked_sort3A_714 = tpu.sort %get3A_707, %add3A_710 masked %masked_sort3A_711 : (vector<16xf32>, vector<16xi32>, vector<16xi1>) -> (vector<16xi1>, vector<16xf32>, vector<16xi32>)
      %mul3A_715 = arith.constant 128 : i32
      %mul3A_716 = arith.muli %scan3A_151, %mul3A_715 : i32
      %add3A_717 = arith.constant 24576 : i32
      %add3A_718 = arith.addi %add3A_717, %mul3A_716 : i32
      %add3A_719 = arith.constant 48 : i32
      %add3A_720 = arith.addi %add3A_718, %add3A_719 : i32
      %get3A_721 = arith.index_cast %add3A_720 : i32 to index
      %get3A_722 = tpu.vector_load %arg11[%get3A_721] {strides = array<i32>} : memref<32768xf32, #tpu.memory_space<vmem>>, vector<16xf32>,
      %add3A_723 = arith.constant 432 : i32
      %add3A_724 = vector.broadcast %add3A_723 : i32 to vector<16xi32>
      %add3A_725 = arith.addi %iota3A, %add3A_724 : vector<16xi32>
      %masked_sort3A_726 = arith.constant dense<true> : vector<16xi1>
      %masked_sort3A_727, %masked_sort3A_728, %masked_sort3A_729 = tpu.sort %get3A_722, %add3A_725 masked %masked_sort3A_726 {descending = true} : (vector<16xf32>, vector<16xi32>, vector<16xi1>) -> (vector<16xi1>, vector<16xf32>, vector<16xi32>)
      %le3A_730 = arith.cmpf ole, %masked_sort3A_713, %masked_sort3A_728 : vector<16xf32>
      %select_n3A_731 = arith.select %le3A_730, %masked_sort3A_713, %masked_sort3A_728 : vector<16xi1>, vector<16xf32>
      %select_n3A_732 = arith.select %le3A_730, %masked_sort3A_714, %masked_sort3A_729 : vector<16xi1>, vector<16xi32>
      %masked_sort3A_733 = arith.constant dense<true> : vector<16xi1>
      %masked_sort3A_734, %masked_sort3A_735, %masked_sort3A_736 = tpu.sort %select_n3A_731, %select_n3A_732 masked %masked_sort3A_733 {descending = true} : (vector<16xf32>, vector<16xi32>, vector<16xi1>) -> (vector<16xi1>, vector<16xf32>, vector<16xi32>)
      %le3A_737 = arith.cmpf ole, %masked_sort3A_698, %masked_sort3A_735 : vector<16xf32>
      %select_n3A_738 = arith.select %le3A_737, %masked_sort3A_698, %masked_sort3A_735 : vector<16xi1>, vector<16xf32>
      %select_n3A_739 = arith.select %le3A_737, %masked_sort3A_699, %masked_sort3A_736 : vector<16xi1>, vector<16xi32>
      %masked_sort3A_740 = arith.constant dense<true> : vector<16xi1>
      %masked_sort3A_741, %masked_sort3A_742, %masked_sort3A_743 = tpu.sort %select_n3A_738, %select_n3A_739 masked %masked_sort3A_740 : (vector<16xf32>, vector<16xi32>, vector<16xi1>) -> (vector<16xi1>, vector<16xf32>, vector<16xi32>)
      %mul3A_744 = arith.constant 128 : i32
      %mul3A_745 = arith.muli %scan3A_151, %mul3A_744 : i32
      %add3A_746 = arith.constant 24576 : i32
      %add3A_747 = arith.addi %add3A_746, %mul3A_745 : i32
      %add3A_748 = arith.constant 64 : i32
      %add3A_749 = arith.addi %add3A_747, %add3A_748 : i32
      %get3A_750 = arith.index_cast %add3A_749 : i32 to index
      %get3A_751 = tpu.vector_load %arg11[%get3A_750] {strides = array<i32>} : memref<32768xf32, #tpu.memory_space<vmem>>, vector<16xf32>,
      %add3A_752 = arith.constant 448 : i32
      %add3A_753 = vector.broadcast %add3A_752 : i32 to vector<16xi32>
      %add3A_754 = arith.addi %iota3A, %add3A_753 : vector<16xi32>
      %masked_sort3A_755 = arith.constant dense<true> : vector<16xi1>
      %masked_sort3A_756, %masked_sort3A_757, %masked_sort3A_758 = tpu.sort %get3A_751, %add3A_754 masked %masked_sort3A_755 : (vector<16xf32>, vector<16xi32>, vector<16xi1>) -> (vector<16xi1>, vector<16xf32>, vector<16xi32>)
      %mul3A_759 = arith.constant 128 : i32
      %mul3A_760 = arith.muli %scan3A_151, %mul3A_759 : i32
      %add3A_761 = arith.constant 24576 : i32
      %add3A_762 = arith.addi %add3A_761, %mul3A_760 : i32
      %add3A_763 = arith.constant 80 : i32
      %add3A_764 = arith.addi %add3A_762, %add3A_763 : i32
      %get3A_765 = arith.index_cast %add3A_764 : i32 to index
      %get3A_766 = tpu.vector_load %arg11[%get3A_765] {strides = array<i32>} : memref<32768xf32, #tpu.memory_space<vmem>>, vector<16xf32>,
      %add3A_767 = arith.constant 464 : i32
      %add3A_768 = vector.broadcast %add3A_767 : i32 to vector<16xi32>
      %add3A_769 = arith.addi %iota3A, %add3A_768 : vector<16xi32>
      %masked_sort3A_770 = arith.constant dense<true> : vector<16xi1>
      %masked_sort3A_771, %masked_sort3A_772, %masked_sort3A_773 = tpu.sort %get3A_766, %add3A_769 masked %masked_sort3A_770 {descending = true} : (vector<16xf32>, vector<16xi32>, vector<16xi1>) -> (vector<16xi1>, vector<16xf32>, vector<16xi32>)
      %le3A_774 = arith.cmpf ole, %masked_sort3A_757, %masked_sort3A_772 : vector<16xf32>
      %select_n3A_775 = arith.select %le3A_774, %masked_sort3A_757, %masked_sort3A_772 : vector<16xi1>, vector<16xf32>
      %select_n3A_776 = arith.select %le3A_774, %masked_sort3A_758, %masked_sort3A_773 : vector<16xi1>, vector<16xi32>
      %masked_sort3A_777 = arith.constant dense<true> : vector<16xi1>
      %masked_sort3A_778, %masked_sort3A_779, %masked_sort3A_780 = tpu.sort %select_n3A_775, %select_n3A_776 masked %masked_sort3A_777 : (vector<16xf32>, vector<16xi32>, vector<16xi1>) -> (vector<16xi1>, vector<16xf32>, vector<16xi32>)
      %mul3A_781 = arith.constant 128 : i32
      %mul3A_782 = arith.muli %scan3A_151, %mul3A_781 : i32
      %add3A_783 = arith.constant 24576 : i32
      %add3A_784 = arith.addi %add3A_783, %mul3A_782 : i32
      %add3A_785 = arith.constant 96 : i32
      %add3A_786 = arith.addi %add3A_784, %add3A_785 : i32
      %get3A_787 = arith.index_cast %add3A_786 : i32 to index
      %get3A_788 = tpu.vector_load %arg11[%get3A_787] {strides = array<i32>} : memref<32768xf32, #tpu.memory_space<vmem>>, vector<16xf32>,
      %add3A_789 = arith.constant 480 : i32
      %add3A_790 = vector.broadcast %add3A_789 : i32 to vector<16xi32>
      %add3A_791 = arith.addi %iota3A, %add3A_790 : vector<16xi32>
      %masked_sort3A_792 = arith.constant dense<true> : vector<16xi1>
      %masked_sort3A_793, %masked_sort3A_794, %masked_sort3A_795 = tpu.sort %get3A_788, %add3A_791 masked %masked_sort3A_792 : (vector<16xf32>, vector<16xi32>, vector<16xi1>) -> (vector<16xi1>, vector<16xf32>, vector<16xi32>)
      %mul3A_796 = arith.constant 128 : i32
      %mul3A_797 = arith.muli %scan3A_151, %mul3A_796 : i32
      %add3A_798 = arith.constant 24576 : i32
      %add3A_799 = arith.addi %add3A_798, %mul3A_797 : i32
      %add3A_800 = arith.constant 112 : i32
      %add3A_801 = arith.addi %add3A_799, %add3A_800 : i32
      %get3A_802 = arith.index_cast %add3A_801 : i32 to index
      %get3A_803 = tpu.vector_load %arg11[%get3A_802] {strides = array<i32>} : memref<32768xf32, #tpu.memory_space<vmem>>, vector<16xf32>,
      %add3A_804 = arith.constant 496 : i32
      %add3A_805 = vector.broadcast %add3A_804 : i32 to vector<16xi32>
      %add3A_806 = arith.addi %iota3A, %add3A_805 : vector<16xi32>
      %masked_sort3A_807 = arith.constant dense<true> : vector<16xi1>
      %masked_sort3A_808, %masked_sort3A_809, %masked_sort3A_810 = tpu.sort %get3A_803, %add3A_806 masked %masked_sort3A_807 {descending = true} : (vector<16xf32>, vector<16xi32>, vector<16xi1>) -> (vector<16xi1>, vector<16xf32>, vector<16xi32>)
      %le3A_811 = arith.cmpf ole, %masked_sort3A_794, %masked_sort3A_809 : vector<16xf32>
      %select_n3A_812 = arith.select %le3A_811, %masked_sort3A_794, %masked_sort3A_809 : vector<16xi1>, vector<16xf32>
      %select_n3A_813 = arith.select %le3A_811, %masked_sort3A_795, %masked_sort3A_810 : vector<16xi1>, vector<16xi32>
      %masked_sort3A_814 = arith.constant dense<true> : vector<16xi1>
      %masked_sort3A_815, %masked_sort3A_816, %masked_sort3A_817 = tpu.sort %select_n3A_812, %select_n3A_813 masked %masked_sort3A_814 {descending = true} : (vector<16xf32>, vector<16xi32>, vector<16xi1>) -> (vector<16xi1>, vector<16xf32>, vector<16xi32>)
      %le3A_818 = arith.cmpf ole, %masked_sort3A_779, %masked_sort3A_816 : vector<16xf32>
      %select_n3A_819 = arith.select %le3A_818, %masked_sort3A_779, %masked_sort3A_816 : vector<16xi1>, vector<16xf32>
      %select_n3A_820 = arith.select %le3A_818, %masked_sort3A_780, %masked_sort3A_817 : vector<16xi1>, vector<16xi32>
      %masked_sort3A_821 = arith.constant dense<true> : vector<16xi1>
      %masked_sort3A_822, %masked_sort3A_823, %masked_sort3A_824 = tpu.sort %select_n3A_819, %select_n3A_820 masked %masked_sort3A_821 {descending = true} : (vector<16xf32>, vector<16xi32>, vector<16xi1>) -> (vector<16xi1>, vector<16xf32>, vector<16xi32>)
      %le3A_825 = arith.cmpf ole, %masked_sort3A_742, %masked_sort3A_823 : vector<16xf32>
      %select_n3A_826 = arith.select %le3A_825, %masked_sort3A_742, %masked_sort3A_823 : vector<16xi1>, vector<16xf32>
      %select_n3A_827 = arith.select %le3A_825, %masked_sort3A_743, %masked_sort3A_824 : vector<16xi1>, vector<16xi32>
      %masked_sort3A_828 = arith.constant dense<true> : vector<16xi1>
      %masked_sort3A_829, %masked_sort3A_830, %masked_sort3A_831 = tpu.sort %select_n3A_826, %select_n3A_827 masked %masked_sort3A_828 {descending = true} : (vector<16xf32>, vector<16xi32>, vector<16xi1>) -> (vector<16xi1>, vector<16xf32>, vector<16xi32>)
      %le3A_832 = arith.cmpf ole, %masked_sort3A_661, %masked_sort3A_830 : vector<16xf32>
      %select_n3A_833 = arith.select %le3A_832, %masked_sort3A_661, %masked_sort3A_830 : vector<16xi1>, vector<16xf32>
      %select_n3A_834 = arith.select %le3A_832, %masked_sort3A_662, %masked_sort3A_831 : vector<16xi1>, vector<16xi32>
      %masked_sort3A_835 = arith.constant dense<true> : vector<16xi1>
      %masked_sort3A_836, %masked_sort3A_837, %masked_sort3A_838 = tpu.sort %select_n3A_833, %select_n3A_834 masked %masked_sort3A_835 {descending = true} : (vector<16xf32>, vector<16xi32>, vector<16xi1>) -> (vector<16xi1>, vector<16xf32>, vector<16xi32>)
      %le3A_839 = arith.cmpf ole, %masked_sort3A_492, %masked_sort3A_837 : vector<16xf32>
      %select_n3A_840 = arith.select %le3A_839, %masked_sort3A_492, %masked_sort3A_837 : vector<16xi1>, vector<16xf32>
      %select_n3A_841 = arith.select %le3A_839, %masked_sort3A_493, %masked_sort3A_838 : vector<16xi1>, vector<16xi32>
      %masked_sort3A_842 = arith.constant dense<true> : vector<16xi1>
      %masked_sort3A_843, %masked_sort3A_844, %masked_sort3A_845 = tpu.sort %select_n3A_840, %select_n3A_841 masked %masked_sort3A_842 : (vector<16xf32>, vector<16xi32>, vector<16xi1>) -> (vector<16xi1>, vector<16xf32>, vector<16xi32>)
      %jit3A_846 = arith.constant 0 : i32
      %broadcast_in_dim3A = vector.broadcast %jit3A_846 : i32 to vector<16xi32>
      %select_n3A_847 = arith.select %lt3A_23, %masked_sort3A_845, %broadcast_in_dim3A : vector<16xi1>, vector<16xi32>
      %gather3A = tpu.vector_load_idx %arg15[%select_n3A_847] : memref<512xf32, #tpu.memory_space<vmem>>[vector<16xi32>], vector<16xf32>,
      %gather3A_848 = tpu.vector_load_idx %arg16[%select_n3A_847] : memref<512xf32, #tpu.memory_space<vmem>>[vector<16xi32>], vector<16xf32>,
      %mul3A_849 = arith.constant 0 : i32
      %mul3A_850 = vector.broadcast %mul3A_849 : i32 to vector<16xi32>
      %mul3A_851 = arith.muli %iota3A, %mul3A_850 : vector<16xi32>
      %add3A_852 = arith.addi %sub3A_21, %scan3A_151 : i32
      %add3A_853 = vector.broadcast %add3A_852 : i32 to vector<16xi32>
      %add3A_854 = arith.addi %mul3A_851, %add3A_853 : vector<16xi32>
      %gather3A_855 = tpu.vector_load_idx %arg15[%add3A_854] : memref<512xf32, #tpu.memory_space<vmem>>[vector<16xi32>], vector<16xf32>,
      %mul3A_856 = arith.constant 0 : i32
      %mul3A_857 = vector.broadcast %mul3A_856 : i32 to vector<16xi32>
      %mul3A_858 = arith.muli %iota3A, %mul3A_857 : vector<16xi32>
      %add3A_859 = arith.addi %sub3A_21, %scan3A_151 : i32
      %add3A_860 = vector.broadcast %add3A_859 : i32 to vector<16xi32>
      %add3A_861 = arith.addi %mul3A_858, %add3A_860 : vector<16xi32>
      %gather3A_862 = tpu.vector_load_idx %arg16[%add3A_861] : memref<512xf32, #tpu.memory_space<vmem>>[vector<16xi32>], vector<16xf32>,
      %add3A_863 = arith.addf %gather3A_855, %gather3A : vector<16xf32>
      %sub3A_864 = arith.subf %add3A_863, %masked_sort3A_844 : vector<16xf32>
      %mul3A_865 = arith.constant 5.000000e-01 : f32
      %mul3A_866 = vector.broadcast %mul3A_865 : f32 to vector<16xf32>
      %mul3A_867 = arith.mulf %sub3A_864, %mul3A_866 : vector<16xf32>
      %mul3A_868 = arith.mulf %mul3A_867, %gather3A_862 : vector<16xf32>
      %mul3A_869 = arith.mulf %mul3A_868, %gather3A_848 : vector<16xf32>
      %mul3A_870 = arith.constant 16 : i32
      %mul3A_871 = arith.muli %scan3A_151, %mul3A_870 : i32
      %swap3A = arith.index_cast %mul3A_871 : i32 to index
      %swap3A_872 = tpu.vector_load %arg18[%swap3A] {strides = array<i32>} : memref<1024xf32, #tpu.memory_space<vmem>>, vector<16xf32>,
      tpu.vector_store %arg18[%swap3A], %mul3A_869 {strides = array<i32>} : memref<1024xf32, #tpu.memory_space<vmem>>, vector<16xf32>,
      %mul3A_873 = arith.constant 16 : i32
      %mul3A_874 = arith.muli %scan3A_151, %mul3A_873 : i32
      %swap3A_875 = arith.index_cast %mul3A_874 : i32 to index
      %swap3A_876 = tpu.vector_load %arg19[%swap3A_875] {strides = array<i32>} : memref<1024xi32, #tpu.memory_space<vmem>>, vector<16xi32>,
      tpu.vector_store %arg19[%swap3A_875], %select_n3A_847 {strides = array<i32>} : memref<1024xi32, #tpu.memory_space<vmem>>, vector<16xi32>,
    }
    %scan3A_111 = arith.constant 64 : i32
    %dma_wait3A_112 = tpu.memref_slice %arg6[%mul3A_70] : memref<262144xf32, #tpu.memory_space<hbm>> -> memref<8192xf32, #tpu.memory_space<hbm>>
    %dma_wait3A_113 = tpu.memref_slice %arg6[%mul3A_70] : memref<262144xf32, #tpu.memory_space<hbm>> -> memref<8192xf32, #tpu.memory_space<hbm>>
    tpu.wait_dma2 semaphore(%arg21 : memref<!tpu.dma_semaphore, #tpu.memory_space<semaphore_mem>>) src(%dma_wait3A_113 : memref<8192xf32, #tpu.memory_space<hbm>>) dst(%arg12 : memref<8192xf32, #tpu.memory_space<vmem>>)
    %dma_wait3A_114 = tpu.memref_slice %arg7[%mul3A_74] : memref<262144xf32, #tpu.memory_space<hbm>> -> memref<8192xf32, #tpu.memory_space<hbm>>
    %dma_wait3A_115 = tpu.memref_slice %arg7[%mul3A_74] : memref<262144xf32, #tpu.memory_space<hbm>> -> memref<8192xf32, #tpu.memory_space<hbm>>
    tpu.wait_dma2 semaphore(%arg21 : memref<!tpu.dma_semaphore, #tpu.memory_space<semaphore_mem>>) src(%dma_wait3A_115 : memref<8192xf32, #tpu.memory_space<hbm>>) dst(%arg13 : memref<8192xf32, #tpu.memory_space<vmem>>)
    %dma_wait3A_116 = arith.constant 0 : i32
    %dma_wait3A_117 = tpu.memref_slice %arg8[%mul3A_20, %dma_wait3A_116] : memref<2048x128xf32, #tpu.memory_space<hbm>> -> memref<512x128xf32, #tpu.memory_space<hbm>>
    %dma_wait3A_118 = arith.constant 0 : i32
    %dma_wait3A_119 = tpu.memref_slice %arg8[%mul3A_20, %dma_wait3A_118] : memref<2048x128xf32, #tpu.memory_space<hbm>> -> memref<512x128xf32, #tpu.memory_space<hbm>>
    tpu.wait_dma2 semaphore(%arg21 : memref<!tpu.dma_semaphore, #tpu.memory_space<semaphore_mem>>) src(%dma_wait3A_119 : memref<512x128xf32, #tpu.memory_space<hbm>>) dst(%arg14 : memref<512x128xf32, #tpu.memory_space<vmem>>)
    %scan3A_120 = arith.constant 0 : i32
    %scan3A_121 = arith.constant 32 : i32
    %scan3A_122 = arith.addi %scan3A_120, %scan3A_121 : i32
    %scan3A_123 = arith.constant 1 : i32
    scf.for %scan3A_151 = %scan3A_120 to %scan3A_122 step %scan3A_123  : i32 {
      %mul3A_152 = arith.constant 2 : i32
      %mul3A_153 = arith.muli %mul3A_152, %scan3A_151 : i32
      %add3A_154 = arith.constant 0 : i32
      %add3A_155 = arith.addi %mul3A_153, %add3A_154 : i32
      %mul3A_156 = arith.constant 16 : i32
      %mul3A_157 = arith.muli %add3A_155, %mul3A_156 : i32
      %get3A = arith.index_cast %mul3A_157 : i32 to index
      %get3A_158 = tpu.vector_load %arg18[%get3A] {strides = array<i32>} : memref<1024xf32, #tpu.memory_space<vmem>>, vector<16xf32>,
      %mul3A_159 = arith.constant 16 : i32
      %mul3A_160 = arith.muli %add3A_155, %mul3A_159 : i32
      %get3A_161 = arith.index_cast %mul3A_160 : i32 to index
      %get3A_162 = tpu.vector_load %arg19[%get3A_161] {strides = array<i32>} : memref<1024xi32, #tpu.memory_space<vmem>>, vector<16xi32>,
      %mul3A_163 = arith.constant 0 : i32
      %mul3A_164 = vector.broadcast %mul3A_163 : i32 to vector<16xi32>
      %mul3A_165 = arith.muli %iota3A, %mul3A_164 : vector<16xi32>
      %slice3A = vector.extract_strided_slice %get3A_162 {offsets = [0], sizes = [1], strides = [1]} : vector<16xi32> to vector<1xi32>
      %squeeze3A = vector.extract %slice3A[0] : i32 from vector<1xi32>
      %add3A_166 = vector.broadcast %squeeze3A : i32 to vector<16xi32>
      %add3A_167 = arith.addi %mul3A_165, %add3A_166 : vector<16xi32>
      %mul3A_168 = arith.constant 0 : i32
      %mul3A_169 = vector.broadcast %mul3A_168 : i32 to vector<16xi32>
      %mul3A_170 = arith.muli %iota3A, %mul3A_169 : vector<16xi32>
      %slice3A_171 = vector.extract_strided_slice %get3A_162 {offsets = [1], sizes = [1], strides = [1]} : vector<16xi32> to vector<1xi32>
      %squeeze3A_172 = vector.extract %slice3A_171[0] : i32 from vector<1xi32>
      %add3A_173 = vector.broadcast %squeeze3A_172 : i32 to vector<16xi32>
      %add3A_174 = arith.addi %mul3A_170, %add3A_173 : vector<16xi32>
      %mul3A_175 = arith.constant 0 : i32
      %mul3A_176 = vector.broadcast %mul3A_175 : i32 to vector<16xi32>
      %mul3A_177 = arith.muli %iota3A, %mul3A_176 : vector<16xi32>
      %slice3A_178 = vector.extract_strided_slice %get3A_162 {offsets = [2], sizes = [1], strides = [1]} : vector<16xi32> to vector<1xi32>
      %squeeze3A_179 = vector.extract %slice3A_178[0] : i32 from vector<1xi32>
      %add3A_180 = vector.broadcast %squeeze3A_179 : i32 to vector<16xi32>
      %add3A_181 = arith.addi %mul3A_177, %add3A_180 : vector<16xi32>
      %mul3A_182 = arith.constant 0 : i32
      %mul3A_183 = vector.broadcast %mul3A_182 : i32 to vector<16xi32>
      %mul3A_184 = arith.muli %iota3A, %mul3A_183 : vector<16xi32>
      %slice3A_185 = vector.extract_strided_slice %get3A_162 {offsets = [3], sizes = [1], strides = [1]} : vector<16xi32> to vector<1xi32>
      %squeeze3A_186 = vector.extract %slice3A_185[0] : i32 from vector<1xi32>
      %add3A_187 = vector.broadcast %squeeze3A_186 : i32 to vector<16xi32>
      %add3A_188 = arith.addi %mul3A_184, %add3A_187 : vector<16xi32>
      %mul3A_189 = arith.constant 0 : i32
      %mul3A_190 = vector.broadcast %mul3A_189 : i32 to vector<16xi32>
      %mul3A_191 = arith.muli %iota3A, %mul3A_190 : vector<16xi32>
      %slice3A_192 = vector.extract_strided_slice %get3A_162 {offsets = [4], sizes = [1], strides = [1]} : vector<16xi32> to vector<1xi32>
      %squeeze3A_193 = vector.extract %slice3A_192[0] : i32 from vector<1xi32>
      %add3A_194 = vector.broadcast %squeeze3A_193 : i32 to vector<16xi32>
      %add3A_195 = arith.addi %mul3A_191, %add3A_194 : vector<16xi32>
      %mul3A_196 = arith.constant 0 : i32
      %mul3A_197 = vector.broadcast %mul3A_196 : i32 to vector<16xi32>
      %mul3A_198 = arith.muli %iota3A, %mul3A_197 : vector<16xi32>
      %slice3A_199 = vector.extract_strided_slice %get3A_162 {offsets = [5], sizes = [1], strides = [1]} : vector<16xi32> to vector<1xi32>
      %squeeze3A_200 = vector.extract %slice3A_199[0] : i32 from vector<1xi32>
      %add3A_201 = vector.broadcast %squeeze3A_200 : i32 to vector<16xi32>
      %add3A_202 = arith.addi %mul3A_198, %add3A_201 : vector<16xi32>
      %mul3A_203 = arith.constant 0 : i32
      %mul3A_204 = vector.broadcast %mul3A_203 : i32 to vector<16xi32>
      %mul3A_205 = arith.muli %iota3A, %mul3A_204 : vector<16xi32>
      %slice3A_206 = vector.extract_strided_slice %get3A_162 {offsets = [6], sizes = [1], strides = [1]} : vector<16xi32> to vector<1xi32>
      %squeeze3A_207 = vector.extract %slice3A_206[0] : i32 from vector<1xi32>
      %add3A_208 = vector.broadcast %squeeze3A_207 : i32 to vector<16xi32>
      %add3A_209 = arith.addi %mul3A_205, %add3A_208 : vector<16xi32>
      %mul3A_210 = arith.constant 0 : i32
      %mul3A_211 = vector.broadcast %mul3A_210 : i32 to vector<16xi32>
      %mul3A_212 = arith.muli %iota3A, %mul3A_211 : vector<16xi32>
      %slice3A_213 = vector.extract_strided_slice %get3A_162 {offsets = [7], sizes = [1], strides = [1]} : vector<16xi32> to vector<1xi32>
      %squeeze3A_214 = vector.extract %slice3A_213[0] : i32 from vector<1xi32>
      %add3A_215 = vector.broadcast %squeeze3A_214 : i32 to vector<16xi32>
      %add3A_216 = arith.addi %mul3A_212, %add3A_215 : vector<16xi32>
      %mul3A_217 = arith.constant 0 : i32
      %mul3A_218 = vector.broadcast %mul3A_217 : i32 to vector<16xi32>
      %mul3A_219 = arith.muli %iota3A, %mul3A_218 : vector<16xi32>
      %slice3A_220 = vector.extract_strided_slice %get3A_162 {offsets = [8], sizes = [1], strides = [1]} : vector<16xi32> to vector<1xi32>
      %squeeze3A_221 = vector.extract %slice3A_220[0] : i32 from vector<1xi32>
      %add3A_222 = vector.broadcast %squeeze3A_221 : i32 to vector<16xi32>
      %add3A_223 = arith.addi %mul3A_219, %add3A_222 : vector<16xi32>
      %mul3A_224 = arith.constant 0 : i32
      %mul3A_225 = vector.broadcast %mul3A_224 : i32 to vector<16xi32>
      %mul3A_226 = arith.muli %iota3A, %mul3A_225 : vector<16xi32>
      %slice3A_227 = vector.extract_strided_slice %get3A_162 {offsets = [9], sizes = [1], strides = [1]} : vector<16xi32> to vector<1xi32>
      %squeeze3A_228 = vector.extract %slice3A_227[0] : i32 from vector<1xi32>
      %add3A_229 = vector.broadcast %squeeze3A_228 : i32 to vector<16xi32>
      %add3A_230 = arith.addi %mul3A_226, %add3A_229 : vector<16xi32>
      %add3A_231 = arith.constant 0 : i32
      %add3A_232 = vector.broadcast %add3A_231 : i32 to vector<16xi32>
      %add3A_233 = arith.addi %iota3A, %add3A_232 : vector<16xi32>
      %mul3A_234 = arith.constant 128 : i32
      %mul3A_235 = arith.muli %add3A_155, %mul3A_234 : i32
      %add3A_236 = arith.constant 0 : i32
      %add3A_237 = arith.addi %mul3A_235, %add3A_236 : i32
      %get3A_238 = arith.index_cast %add3A_237 : i32 to index
      %get3A_239 = tpu.vector_load %arg12[%get3A_238] {strides = array<i32>} : memref<8192xf32, #tpu.memory_space<vmem>>, vector<16xf32>,
      %broadcast_in_dim3A = arith.constant -3.000000e+38 : f32
      %broadcast_in_dim3A_240 = vector.broadcast %broadcast_in_dim3A : f32 to vector<16xf32>
      %gather3A = tpu.vector_load_idx %arg14[%add3A_167, %add3A_233] : memref<512x128xf32, #tpu.memory_space<vmem>>[vector<16xi32>, vector<16xi32>], vector<16xf32>,
      %add3A_241 = arith.addf %gather3A, %get3A_239 : vector<16xf32>
      %slice3A_242 = vector.extract_strided_slice %get3A_158 {offsets = [0], sizes = [1], strides = [1]} : vector<16xf32> to vector<1xf32>
      %squeeze3A_243 = vector.extract %slice3A_242[0] : f32 from vector<1xf32>
      %mul3A_244 = vector.broadcast %squeeze3A_243 : f32 to vector<16xf32>
      %mul3A_245 = arith.mulf %add3A_241, %mul3A_244 : vector<16xf32>
      %max3A = arith.maximumf %broadcast_in_dim3A_240, %mul3A_245 : vector<16xf32>
      %gather3A_246 = tpu.vector_load_idx %arg14[%add3A_174, %add3A_233] : memref<512x128xf32, #tpu.memory_space<vmem>>[vector<16xi32>, vector<16xi32>], vector<16xf32>,
      %add3A_247 = arith.addf %gather3A_246, %get3A_239 : vector<16xf32>
      %slice3A_248 = vector.extract_strided_slice %get3A_158 {offsets = [1], sizes = [1], strides = [1]} : vector<16xf32> to vector<1xf32>
      %squeeze3A_249 = vector.extract %slice3A_248[0] : f32 from vector<1xf32>
      %mul3A_250 = vector.broadcast %squeeze3A_249 : f32 to vector<16xf32>
      %mul3A_251 = arith.mulf %add3A_247, %mul3A_250 : vector<16xf32>
      %max3A_252 = arith.maximumf %max3A, %mul3A_251 : vector<16xf32>
      %gather3A_253 = tpu.vector_load_idx %arg14[%add3A_181, %add3A_233] : memref<512x128xf32, #tpu.memory_space<vmem>>[vector<16xi32>, vector<16xi32>], vector<16xf32>,
      %add3A_254 = arith.addf %gather3A_253, %get3A_239 : vector<16xf32>
      %slice3A_255 = vector.extract_strided_slice %get3A_158 {offsets = [2], sizes = [1], strides = [1]} : vector<16xf32> to vector<1xf32>
      %squeeze3A_256 = vector.extract %slice3A_255[0] : f32 from vector<1xf32>
      %mul3A_257 = vector.broadcast %squeeze3A_256 : f32 to vector<16xf32>
      %mul3A_258 = arith.mulf %add3A_254, %mul3A_257 : vector<16xf32>
      %max3A_259 = arith.maximumf %max3A_252, %mul3A_258 : vector<16xf32>
      %gather3A_260 = tpu.vector_load_idx %arg14[%add3A_188, %add3A_233] : memref<512x128xf32, #tpu.memory_space<vmem>>[vector<16xi32>, vector<16xi32>], vector<16xf32>,
      %add3A_261 = arith.addf %gather3A_260, %get3A_239 : vector<16xf32>
      %slice3A_262 = vector.extract_strided_slice %get3A_158 {offsets = [3], sizes = [1], strides = [1]} : vector<16xf32> to vector<1xf32>
      %squeeze3A_263 = vector.extract %slice3A_262[0] : f32 from vector<1xf32>
      %mul3A_264 = vector.broadcast %squeeze3A_263 : f32 to vector<16xf32>
      %mul3A_265 = arith.mulf %add3A_261, %mul3A_264 : vector<16xf32>
      %max3A_266 = arith.maximumf %max3A_259, %mul3A_265 : vector<16xf32>
      %gather3A_267 = tpu.vector_load_idx %arg14[%add3A_195, %add3A_233] : memref<512x128xf32, #tpu.memory_space<vmem>>[vector<16xi32>, vector<16xi32>], vector<16xf32>,
      %add3A_268 = arith.addf %gather3A_267, %get3A_239 : vector<16xf32>
      %slice3A_269 = vector.extract_strided_slice %get3A_158 {offsets = [4], sizes = [1], strides = [1]} : vector<16xf32> to vector<1xf32>
      %squeeze3A_270 = vector.extract %slice3A_269[0] : f32 from vector<1xf32>
      %mul3A_271 = vector.broadcast %squeeze3A_270 : f32 to vector<16xf32>
      %mul3A_272 = arith.mulf %add3A_268, %mul3A_271 : vector<16xf32>
      %max3A_273 = arith.maximumf %max3A_266, %mul3A_272 : vector<16xf32>
      %gather3A_274 = tpu.vector_load_idx %arg14[%add3A_202, %add3A_233] : memref<512x128xf32, #tpu.memory_space<vmem>>[vector<16xi32>, vector<16xi32>], vector<16xf32>,
      %add3A_275 = arith.addf %gather3A_274, %get3A_239 : vector<16xf32>
      %slice3A_276 = vector.extract_strided_slice %get3A_158 {offsets = [5], sizes = [1], strides = [1]} : vector<16xf32> to vector<1xf32>
      %squeeze3A_277 = vector.extract %slice3A_276[0] : f32 from vector<1xf32>
      %mul3A_278 = vector.broadcast %squeeze3A_277 : f32 to vector<16xf32>
      %mul3A_279 = arith.mulf %add3A_275, %mul3A_278 : vector<16xf32>
      %max3A_280 = arith.maximumf %max3A_273, %mul3A_279 : vector<16xf32>
      %gather3A_281 = tpu.vector_load_idx %arg14[%add3A_209, %add3A_233] : memref<512x128xf32, #tpu.memory_space<vmem>>[vector<16xi32>, vector<16xi32>], vector<16xf32>,
      %add3A_282 = arith.addf %gather3A_281, %get3A_239 : vector<16xf32>
      %slice3A_283 = vector.extract_strided_slice %get3A_158 {offsets = [6], sizes = [1], strides = [1]} : vector<16xf32> to vector<1xf32>
      %squeeze3A_284 = vector.extract %slice3A_283[0] : f32 from vector<1xf32>
      %mul3A_285 = vector.broadcast %squeeze3A_284 : f32 to vector<16xf32>
      %mul3A_286 = arith.mulf %add3A_282, %mul3A_285 : vector<16xf32>
      %max3A_287 = arith.maximumf %max3A_280, %mul3A_286 : vector<16xf32>
      %gather3A_288 = tpu.vector_load_idx %arg14[%add3A_216, %add3A_233] : memref<512x128xf32, #tpu.memory_space<vmem>>[vector<16xi32>, vector<16xi32>], vector<16xf32>,
      %add3A_289 = arith.addf %gather3A_288, %get3A_239 : vector<16xf32>
      %slice3A_290 = vector.extract_strided_slice %get3A_158 {offsets = [7], sizes = [1], strides = [1]} : vector<16xf32> to vector<1xf32>
      %squeeze3A_291 = vector.extract %slice3A_290[0] : f32 from vector<1xf32>
      %mul3A_292 = vector.broadcast %squeeze3A_291 : f32 to vector<16xf32>
      %mul3A_293 = arith.mulf %add3A_289, %mul3A_292 : vector<16xf32>
      %max3A_294 = arith.maximumf %max3A_287, %mul3A_293 : vector<16xf32>
      %gather3A_295 = tpu.vector_load_idx %arg14[%add3A_223, %add3A_233] : memref<512x128xf32, #tpu.memory_space<vmem>>[vector<16xi32>, vector<16xi32>], vector<16xf32>,
      %add3A_296 = arith.addf %gather3A_295, %get3A_239 : vector<16xf32>
      %slice3A_297 = vector.extract_strided_slice %get3A_158 {offsets = [8], sizes = [1], strides = [1]} : vector<16xf32> to vector<1xf32>
      %squeeze3A_298 = vector.extract %slice3A_297[0] : f32 from vector<1xf32>
      %mul3A_299 = vector.broadcast %squeeze3A_298 : f32 to vector<16xf32>
      %mul3A_300 = arith.mulf %add3A_296, %mul3A_299 : vector<16xf32>
      %max3A_301 = arith.maximumf %max3A_294, %mul3A_300 : vector<16xf32>
      %gather3A_302 = tpu.vector_load_idx %arg14[%add3A_230, %add3A_233] : memref<512x128xf32, #tpu.memory_space<vmem>>[vector<16xi32>, vector<16xi32>], vector<16xf32>,
      %add3A_303 = arith.addf %gather3A_302, %get3A_239 : vector<16xf32>
      %slice3A_304 = vector.extract_strided_slice %get3A_158 {offsets = [9], sizes = [1], strides = [1]} : vector<16xf32> to vector<1xf32>
      %squeeze3A_305 = vector.extract %slice3A_304[0] : f32 from vector<1xf32>
      %mul3A_306 = vector.broadcast %squeeze3A_305 : f32 to vector<16xf32>
      %mul3A_307 = arith.mulf %add3A_303, %mul3A_306 : vector<16xf32>
      %max3A_308 = arith.maximumf %max3A_301, %mul3A_307 : vector<16xf32>
      %mul3A_309 = arith.constant 128 : i32
      %mul3A_310 = arith.muli %add3A_155, %mul3A_309 : i32
      %add3A_311 = arith.constant 0 : i32
      %add3A_312 = arith.addi %mul3A_310, %add3A_311 : i32
      %get3A_313 = arith.index_cast %add3A_312 : i32 to index
      %get3A_314 = tpu.vector_load %arg13[%get3A_313] {strides = array<i32>} : memref<8192xf32, #tpu.memory_space<vmem>>, vector<16xf32>,
      %add3A_315 = arith.addf %max3A_308, %get3A_314 : vector<16xf32>
      %max3A_316 = arith.constant 0.000000e+00 : f32
      %max3A_317 = vector.broadcast %max3A_316 : f32 to vector<16xf32>
      %max3A_318 = arith.maximumf %add3A_315, %max3A_317 : vector<16xf32>
      %add3A_319 = arith.constant 16 : i32
      %add3A_320 = vector.broadcast %add3A_319 : i32 to vector<16xi32>
      %add3A_321 = arith.addi %iota3A, %add3A_320 : vector<16xi32>
      %mul3A_322 = arith.constant 128 : i32
      %mul3A_323 = arith.muli %add3A_155, %mul3A_322 : i32
      %add3A_324 = arith.constant 16 : i32
      %add3A_325 = arith.addi %mul3A_323, %add3A_324 : i32
      %get3A_326 = arith.index_cast %add3A_325 : i32 to index
      %get3A_327 = tpu.vector_load %arg12[%get3A_326] {strides = array<i32>} : memref<8192xf32, #tpu.memory_space<vmem>>, vector<16xf32>,
      %broadcast_in_dim3A_328 = arith.constant -3.000000e+38 : f32
      %broadcast_in_dim3A_329 = vector.broadcast %broadcast_in_dim3A_328 : f32 to vector<16xf32>
      %gather3A_330 = tpu.vector_load_idx %arg14[%add3A_167, %add3A_321] : memref<512x128xf32, #tpu.memory_space<vmem>>[vector<16xi32>, vector<16xi32>], vector<16xf32>,
      %add3A_331 = arith.addf %gather3A_330, %get3A_327 : vector<16xf32>
      %slice3A_332 = vector.extract_strided_slice %get3A_158 {offsets = [0], sizes = [1], strides = [1]} : vector<16xf32> to vector<1xf32>
      %squeeze3A_333 = vector.extract %slice3A_332[0] : f32 from vector<1xf32>
      %mul3A_334 = vector.broadcast %squeeze3A_333 : f32 to vector<16xf32>
      %mul3A_335 = arith.mulf %add3A_331, %mul3A_334 : vector<16xf32>
      %max3A_336 = arith.maximumf %broadcast_in_dim3A_329, %mul3A_335 : vector<16xf32>
      %gather3A_337 = tpu.vector_load_idx %arg14[%add3A_174, %add3A_321] : memref<512x128xf32, #tpu.memory_space<vmem>>[vector<16xi32>, vector<16xi32>], vector<16xf32>,
      %add3A_338 = arith.addf %gather3A_337, %get3A_327 : vector<16xf32>
      %slice3A_339 = vector.extract_strided_slice %get3A_158 {offsets = [1], sizes = [1], strides = [1]} : vector<16xf32> to vector<1xf32>
      %squeeze3A_340 = vector.extract %slice3A_339[0] : f32 from vector<1xf32>
      %mul3A_341 = vector.broadcast %squeeze3A_340 : f32 to vector<16xf32>
      %mul3A_342 = arith.mulf %add3A_338, %mul3A_341 : vector<16xf32>
      %max3A_343 = arith.maximumf %max3A_336, %mul3A_342 : vector<16xf32>
      %gather3A_344 = tpu.vector_load_idx %arg14[%add3A_181, %add3A_321] : memref<512x128xf32, #tpu.memory_space<vmem>>[vector<16xi32>, vector<16xi32>], vector<16xf32>,
      %add3A_345 = arith.addf %gather3A_344, %get3A_327 : vector<16xf32>
      %slice3A_346 = vector.extract_strided_slice %get3A_158 {offsets = [2], sizes = [1], strides = [1]} : vector<16xf32> to vector<1xf32>
      %squeeze3A_347 = vector.extract %slice3A_346[0] : f32 from vector<1xf32>
      %mul3A_348 = vector.broadcast %squeeze3A_347 : f32 to vector<16xf32>
      %mul3A_349 = arith.mulf %add3A_345, %mul3A_348 : vector<16xf32>
      %max3A_350 = arith.maximumf %max3A_343, %mul3A_349 : vector<16xf32>
      %gather3A_351 = tpu.vector_load_idx %arg14[%add3A_188, %add3A_321] : memref<512x128xf32, #tpu.memory_space<vmem>>[vector<16xi32>, vector<16xi32>], vector<16xf32>,
      %add3A_352 = arith.addf %gather3A_351, %get3A_327 : vector<16xf32>
      %slice3A_353 = vector.extract_strided_slice %get3A_158 {offsets = [3], sizes = [1], strides = [1]} : vector<16xf32> to vector<1xf32>
      %squeeze3A_354 = vector.extract %slice3A_353[0] : f32 from vector<1xf32>
      %mul3A_355 = vector.broadcast %squeeze3A_354 : f32 to vector<16xf32>
      %mul3A_356 = arith.mulf %add3A_352, %mul3A_355 : vector<16xf32>
      %max3A_357 = arith.maximumf %max3A_350, %mul3A_356 : vector<16xf32>
      %gather3A_358 = tpu.vector_load_idx %arg14[%add3A_195, %add3A_321] : memref<512x128xf32, #tpu.memory_space<vmem>>[vector<16xi32>, vector<16xi32>], vector<16xf32>,
      %add3A_359 = arith.addf %gather3A_358, %get3A_327 : vector<16xf32>
      %slice3A_360 = vector.extract_strided_slice %get3A_158 {offsets = [4], sizes = [1], strides = [1]} : vector<16xf32> to vector<1xf32>
      %squeeze3A_361 = vector.extract %slice3A_360[0] : f32 from vector<1xf32>
      %mul3A_362 = vector.broadcast %squeeze3A_361 : f32 to vector<16xf32>
      %mul3A_363 = arith.mulf %add3A_359, %mul3A_362 : vector<16xf32>
      %max3A_364 = arith.maximumf %max3A_357, %mul3A_363 : vector<16xf32>
      %gather3A_365 = tpu.vector_load_idx %arg14[%add3A_202, %add3A_321] : memref<512x128xf32, #tpu.memory_space<vmem>>[vector<16xi32>, vector<16xi32>], vector<16xf32>,
      %add3A_366 = arith.addf %gather3A_365, %get3A_327 : vector<16xf32>
      %slice3A_367 = vector.extract_strided_slice %get3A_158 {offsets = [5], sizes = [1], strides = [1]} : vector<16xf32> to vector<1xf32>
      %squeeze3A_368 = vector.extract %slice3A_367[0] : f32 from vector<1xf32>
      %mul3A_369 = vector.broadcast %squeeze3A_368 : f32 to vector<16xf32>
      %mul3A_370 = arith.mulf %add3A_366, %mul3A_369 : vector<16xf32>
      %max3A_371 = arith.maximumf %max3A_364, %mul3A_370 : vector<16xf32>
      %gather3A_372 = tpu.vector_load_idx %arg14[%add3A_209, %add3A_321] : memref<512x128xf32, #tpu.memory_space<vmem>>[vector<16xi32>, vector<16xi32>], vector<16xf32>,
      %add3A_373 = arith.addf %gather3A_372, %get3A_327 : vector<16xf32>
      %slice3A_374 = vector.extract_strided_slice %get3A_158 {offsets = [6], sizes = [1], strides = [1]} : vector<16xf32> to vector<1xf32>
      %squeeze3A_375 = vector.extract %slice3A_374[0] : f32 from vector<1xf32>
      %mul3A_376 = vector.broadcast %squeeze3A_375 : f32 to vector<16xf32>
      %mul3A_377 = arith.mulf %add3A_373, %mul3A_376 : vector<16xf32>
      %max3A_378 = arith.maximumf %max3A_371, %mul3A_377 : vector<16xf32>
      %gather3A_379 = tpu.vector_load_idx %arg14[%add3A_216, %add3A_321] : memref<512x128xf32, #tpu.memory_space<vmem>>[vector<16xi32>, vector<16xi32>], vector<16xf32>,
      %add3A_380 = arith.addf %gather3A_379, %get3A_327 : vector<16xf32>
      %slice3A_381 = vector.extract_strided_slice %get3A_158 {offsets = [7], sizes = [1], strides = [1]} : vector<16xf32> to vector<1xf32>
      %squeeze3A_382 = vector.extract %slice3A_381[0] : f32 from vector<1xf32>
      %mul3A_383 = vector.broadcast %squeeze3A_382 : f32 to vector<16xf32>
      %mul3A_384 = arith.mulf %add3A_380, %mul3A_383 : vector<16xf32>
      %max3A_385 = arith.maximumf %max3A_378, %mul3A_384 : vector<16xf32>
      %gather3A_386 = tpu.vector_load_idx %arg14[%add3A_223, %add3A_321] : memref<512x128xf32, #tpu.memory_space<vmem>>[vector<16xi32>, vector<16xi32>], vector<16xf32>,
      %add3A_387 = arith.addf %gather3A_386, %get3A_327 : vector<16xf32>
      %slice3A_388 = vector.extract_strided_slice %get3A_158 {offsets = [8], sizes = [1], strides = [1]} : vector<16xf32> to vector<1xf32>
      %squeeze3A_389 = vector.extract %slice3A_388[0] : f32 from vector<1xf32>
      %mul3A_390 = vector.broadcast %squeeze3A_389 : f32 to vector<16xf32>
      %mul3A_391 = arith.mulf %add3A_387, %mul3A_390 : vector<16xf32>
      %max3A_392 = arith.maximumf %max3A_385, %mul3A_391 : vector<16xf32>
      %gather3A_393 = tpu.vector_load_idx %arg14[%add3A_230, %add3A_321] : memref<512x128xf32, #tpu.memory_space<vmem>>[vector<16xi32>, vector<16xi32>], vector<16xf32>,
      %add3A_394 = arith.addf %gather3A_393, %get3A_327 : vector<16xf32>
      %slice3A_395 = vector.extract_strided_slice %get3A_158 {offsets = [9], sizes = [1], strides = [1]} : vector<16xf32> to vector<1xf32>
      %squeeze3A_396 = vector.extract %slice3A_395[0] : f32 from vector<1xf32>
      %mul3A_397 = vector.broadcast %squeeze3A_396 : f32 to vector<16xf32>
      %mul3A_398 = arith.mulf %add3A_394, %mul3A_397 : vector<16xf32>
      %max3A_399 = arith.maximumf %max3A_392, %mul3A_398 : vector<16xf32>
      %mul3A_400 = arith.constant 128 : i32
      %mul3A_401 = arith.muli %add3A_155, %mul3A_400 : i32
      %add3A_402 = arith.constant 16 : i32
      %add3A_403 = arith.addi %mul3A_401, %add3A_402 : i32
      %get3A_404 = arith.index_cast %add3A_403 : i32 to index
      %get3A_405 = tpu.vector_load %arg13[%get3A_404] {strides = array<i32>} : memref<8192xf32, #tpu.memory_space<vmem>>, vector<16xf32>,
      %add3A_406 = arith.addf %max3A_399, %get3A_405 : vector<16xf32>
      %max3A_407 = arith.constant 0.000000e+00 : f32
      %max3A_408 = vector.broadcast %max3A_407 : f32 to vector<16xf32>
      %max3A_409 = arith.maximumf %add3A_406, %max3A_408 : vector<16xf32>
      %add3A_410 = arith.constant 32 : i32
      %add3A_411 = vector.broadcast %add3A_410 : i32 to vector<16xi32>
      %add3A_412 = arith.addi %iota3A, %add3A_411 : vector<16xi32>
      %mul3A_413 = arith.constant 128 : i32
      %mul3A_414 = arith.muli %add3A_155, %mul3A_413 : i32
      %add3A_415 = arith.constant 32 : i32
      %add3A_416 = arith.addi %mul3A_414, %add3A_415 : i32
      %get3A_417 = arith.index_cast %add3A_416 : i32 to index
      %get3A_418 = tpu.vector_load %arg12[%get3A_417] {strides = array<i32>} : memref<8192xf32, #tpu.memory_space<vmem>>, vector<16xf32>,
      %broadcast_in_dim3A_419 = arith.constant -3.000000e+38 : f32
      %broadcast_in_dim3A_420 = vector.broadcast %broadcast_in_dim3A_419 : f32 to vector<16xf32>
      %gather3A_421 = tpu.vector_load_idx %arg14[%add3A_167, %add3A_412] : memref<512x128xf32, #tpu.memory_space<vmem>>[vector<16xi32>, vector<16xi32>], vector<16xf32>,
      %add3A_422 = arith.addf %gather3A_421, %get3A_418 : vector<16xf32>
      %slice3A_423 = vector.extract_strided_slice %get3A_158 {offsets = [0], sizes = [1], strides = [1]} : vector<16xf32> to vector<1xf32>
      %squeeze3A_424 = vector.extract %slice3A_423[0] : f32 from vector<1xf32>
      %mul3A_425 = vector.broadcast %squeeze3A_424 : f32 to vector<16xf32>
      %mul3A_426 = arith.mulf %add3A_422, %mul3A_425 : vector<16xf32>
      %max3A_427 = arith.maximumf %broadcast_in_dim3A_420, %mul3A_426 : vector<16xf32>
      %gather3A_428 = tpu.vector_load_idx %arg14[%add3A_174, %add3A_412] : memref<512x128xf32, #tpu.memory_space<vmem>>[vector<16xi32>, vector<16xi32>], vector<16xf32>,
      %add3A_429 = arith.addf %gather3A_428, %get3A_418 : vector<16xf32>
      %slice3A_430 = vector.extract_strided_slice %get3A_158 {offsets = [1], sizes = [1], strides = [1]} : vector<16xf32> to vector<1xf32>
      %squeeze3A_431 = vector.extract %slice3A_430[0] : f32 from vector<1xf32>
      %mul3A_432 = vector.broadcast %squeeze3A_431 : f32 to vector<16xf32>
      %mul3A_433 = arith.mulf %add3A_429, %mul3A_432 : vector<16xf32>
      %max3A_434 = arith.maximumf %max3A_427, %mul3A_433 : vector<16xf32>
      %gather3A_435 = tpu.vector_load_idx %arg14[%add3A_181, %add3A_412] : memref<512x128xf32, #tpu.memory_space<vmem>>[vector<16xi32>, vector<16xi32>], vector<16xf32>,
      %add3A_436 = arith.addf %gather3A_435, %get3A_418 : vector<16xf32>
      %slice3A_437 = vector.extract_strided_slice %get3A_158 {offsets = [2], sizes = [1], strides = [1]} : vector<16xf32> to vector<1xf32>
      %squeeze3A_438 = vector.extract %slice3A_437[0] : f32 from vector<1xf32>
      %mul3A_439 = vector.broadcast %squeeze3A_438 : f32 to vector<16xf32>
      %mul3A_440 = arith.mulf %add3A_436, %mul3A_439 : vector<16xf32>
      %max3A_441 = arith.maximumf %max3A_434, %mul3A_440 : vector<16xf32>
      %gather3A_442 = tpu.vector_load_idx %arg14[%add3A_188, %add3A_412] : memref<512x128xf32, #tpu.memory_space<vmem>>[vector<16xi32>, vector<16xi32>], vector<16xf32>,
      %add3A_443 = arith.addf %gather3A_442, %get3A_418 : vector<16xf32>
      %slice3A_444 = vector.extract_strided_slice %get3A_158 {offsets = [3], sizes = [1], strides = [1]} : vector<16xf32> to vector<1xf32>
      %squeeze3A_445 = vector.extract %slice3A_444[0] : f32 from vector<1xf32>
      %mul3A_446 = vector.broadcast %squeeze3A_445 : f32 to vector<16xf32>
      %mul3A_447 = arith.mulf %add3A_443, %mul3A_446 : vector<16xf32>
      %max3A_448 = arith.maximumf %max3A_441, %mul3A_447 : vector<16xf32>
      %gather3A_449 = tpu.vector_load_idx %arg14[%add3A_195, %add3A_412] : memref<512x128xf32, #tpu.memory_space<vmem>>[vector<16xi32>, vector<16xi32>], vector<16xf32>,
      %add3A_450 = arith.addf %gather3A_449, %get3A_418 : vector<16xf32>
      %slice3A_451 = vector.extract_strided_slice %get3A_158 {offsets = [4], sizes = [1], strides = [1]} : vector<16xf32> to vector<1xf32>
      %squeeze3A_452 = vector.extract %slice3A_451[0] : f32 from vector<1xf32>
      %mul3A_453 = vector.broadcast %squeeze3A_452 : f32 to vector<16xf32>
      %mul3A_454 = arith.mulf %add3A_450, %mul3A_453 : vector<16xf32>
      %max3A_455 = arith.maximumf %max3A_448, %mul3A_454 : vector<16xf32>
      %gather3A_456 = tpu.vector_load_idx %arg14[%add3A_202, %add3A_412] : memref<512x128xf32, #tpu.memory_space<vmem>>[vector<16xi32>, vector<16xi32>], vector<16xf32>,
      %add3A_457 = arith.addf %gather3A_456, %get3A_418 : vector<16xf32>
      %slice3A_458 = vector.extract_strided_slice %get3A_158 {offsets = [5], sizes = [1], strides = [1]} : vector<16xf32> to vector<1xf32>
      %squeeze3A_459 = vector.extract %slice3A_458[0] : f32 from vector<1xf32>
      %mul3A_460 = vector.broadcast %squeeze3A_459 : f32 to vector<16xf32>
      %mul3A_461 = arith.mulf %add3A_457, %mul3A_460 : vector<16xf32>
      %max3A_462 = arith.maximumf %max3A_455, %mul3A_461 : vector<16xf32>
      %gather3A_463 = tpu.vector_load_idx %arg14[%add3A_209, %add3A_412] : memref<512x128xf32, #tpu.memory_space<vmem>>[vector<16xi32>, vector<16xi32>], vector<16xf32>,
      %add3A_464 = arith.addf %gather3A_463, %get3A_418 : vector<16xf32>
      %slice3A_465 = vector.extract_strided_slice %get3A_158 {offsets = [6], sizes = [1], strides = [1]} : vector<16xf32> to vector<1xf32>
      %squeeze3A_466 = vector.extract %slice3A_465[0] : f32 from vector<1xf32>
      %mul3A_467 = vector.broadcast %squeeze3A_466 : f32 to vector<16xf32>
      %mul3A_468 = arith.mulf %add3A_464, %mul3A_467 : vector<16xf32>
      %max3A_469 = arith.maximumf %max3A_462, %mul3A_468 : vector<16xf32>
      %gather3A_470 = tpu.vector_load_idx %arg14[%add3A_216, %add3A_412] : memref<512x128xf32, #tpu.memory_space<vmem>>[vector<16xi32>, vector<16xi32>], vector<16xf32>,
      %add3A_471 = arith.addf %gather3A_470, %get3A_418 : vector<16xf32>
      %slice3A_472 = vector.extract_strided_slice %get3A_158 {offsets = [7], sizes = [1], strides = [1]} : vector<16xf32> to vector<1xf32>
      %squeeze3A_473 = vector.extract %slice3A_472[0] : f32 from vector<1xf32>
      %mul3A_474 = vector.broadcast %squeeze3A_473 : f32 to vector<16xf32>
      %mul3A_475 = arith.mulf %add3A_471, %mul3A_474 : vector<16xf32>
      %max3A_476 = arith.maximumf %max3A_469, %mul3A_475 : vector<16xf32>
      %gather3A_477 = tpu.vector_load_idx %arg14[%add3A_223, %add3A_412] : memref<512x128xf32, #tpu.memory_space<vmem>>[vector<16xi32>, vector<16xi32>], vector<16xf32>,
      %add3A_478 = arith.addf %gather3A_477, %get3A_418 : vector<16xf32>
      %slice3A_479 = vector.extract_strided_slice %get3A_158 {offsets = [8], sizes = [1], strides = [1]} : vector<16xf32> to vector<1xf32>
      %squeeze3A_480 = vector.extract %slice3A_479[0] : f32 from vector<1xf32>
      %mul3A_481 = vector.broadcast %squeeze3A_480 : f32 to vector<16xf32>
      %mul3A_482 = arith.mulf %add3A_478, %mul3A_481 : vector<16xf32>
      %max3A_483 = arith.maximumf %max3A_476, %mul3A_482 : vector<16xf32>
      %gather3A_484 = tpu.vector_load_idx %arg14[%add3A_230, %add3A_412] : memref<512x128xf32, #tpu.memory_space<vmem>>[vector<16xi32>, vector<16xi32>], vector<16xf32>,
      %add3A_485 = arith.addf %gather3A_484, %get3A_418 : vector<16xf32>
      %slice3A_486 = vector.extract_strided_slice %get3A_158 {offsets = [9], sizes = [1], strides = [1]} : vector<16xf32> to vector<1xf32>
      %squeeze3A_487 = vector.extract %slice3A_486[0] : f32 from vector<1xf32>
      %mul3A_488 = vector.broadcast %squeeze3A_487 : f32 to vector<16xf32>
      %mul3A_489 = arith.mulf %add3A_485, %mul3A_488 : vector<16xf32>
      %max3A_490 = arith.maximumf %max3A_483, %mul3A_489 : vector<16xf32>
      %mul3A_491 = arith.constant 128 : i32
      %mul3A_492 = arith.muli %add3A_155, %mul3A_491 : i32
      %add3A_493 = arith.constant 32 : i32
      %add3A_494 = arith.addi %mul3A_492, %add3A_493 : i32
      %get3A_495 = arith.index_cast %add3A_494 : i32 to index
      %get3A_496 = tpu.vector_load %arg13[%get3A_495] {strides = array<i32>} : memref<8192xf32, #tpu.memory_space<vmem>>, vector<16xf32>,
      %add3A_497 = arith.addf %max3A_490, %get3A_496 : vector<16xf32>
      %max3A_498 = arith.constant 0.000000e+00 : f32
      %max3A_499 = vector.broadcast %max3A_498 : f32 to vector<16xf32>
      %max3A_500 = arith.maximumf %add3A_497, %max3A_499 : vector<16xf32>
      %add3A_501 = arith.constant 48 : i32
      %add3A_502 = vector.broadcast %add3A_501 : i32 to vector<16xi32>
      %add3A_503 = arith.addi %iota3A, %add3A_502 : vector<16xi32>
      %mul3A_504 = arith.constant 128 : i32
      %mul3A_505 = arith.muli %add3A_155, %mul3A_504 : i32
      %add3A_506 = arith.constant 48 : i32
      %add3A_507 = arith.addi %mul3A_505, %add3A_506 : i32
      %get3A_508 = arith.index_cast %add3A_507 : i32 to index
      %get3A_509 = tpu.vector_load %arg12[%get3A_508] {strides = array<i32>} : memref<8192xf32, #tpu.memory_space<vmem>>, vector<16xf32>,
      %broadcast_in_dim3A_510 = arith.constant -3.000000e+38 : f32
      %broadcast_in_dim3A_511 = vector.broadcast %broadcast_in_dim3A_510 : f32 to vector<16xf32>
      %gather3A_512 = tpu.vector_load_idx %arg14[%add3A_167, %add3A_503] : memref<512x128xf32, #tpu.memory_space<vmem>>[vector<16xi32>, vector<16xi32>], vector<16xf32>,
      %add3A_513 = arith.addf %gather3A_512, %get3A_509 : vector<16xf32>
      %slice3A_514 = vector.extract_strided_slice %get3A_158 {offsets = [0], sizes = [1], strides = [1]} : vector<16xf32> to vector<1xf32>
      %squeeze3A_515 = vector.extract %slice3A_514[0] : f32 from vector<1xf32>
      %mul3A_516 = vector.broadcast %squeeze3A_515 : f32 to vector<16xf32>
      %mul3A_517 = arith.mulf %add3A_513, %mul3A_516 : vector<16xf32>
      %max3A_518 = arith.maximumf %broadcast_in_dim3A_511, %mul3A_517 : vector<16xf32>
      %gather3A_519 = tpu.vector_load_idx %arg14[%add3A_174, %add3A_503] : memref<512x128xf32, #tpu.memory_space<vmem>>[vector<16xi32>, vector<16xi32>], vector<16xf32>,
      %add3A_520 = arith.addf %gather3A_519, %get3A_509 : vector<16xf32>
      %slice3A_521 = vector.extract_strided_slice %get3A_158 {offsets = [1], sizes = [1], strides = [1]} : vector<16xf32> to vector<1xf32>
      %squeeze3A_522 = vector.extract %slice3A_521[0] : f32 from vector<1xf32>
      %mul3A_523 = vector.broadcast %squeeze3A_522 : f32 to vector<16xf32>
      %mul3A_524 = arith.mulf %add3A_520, %mul3A_523 : vector<16xf32>
      %max3A_525 = arith.maximumf %max3A_518, %mul3A_524 : vector<16xf32>
      %gather3A_526 = tpu.vector_load_idx %arg14[%add3A_181, %add3A_503] : memref<512x128xf32, #tpu.memory_space<vmem>>[vector<16xi32>, vector<16xi32>], vector<16xf32>,
      %add3A_527 = arith.addf %gather3A_526, %get3A_509 : vector<16xf32>
      %slice3A_528 = vector.extract_strided_slice %get3A_158 {offsets = [2], sizes = [1], strides = [1]} : vector<16xf32> to vector<1xf32>
      %squeeze3A_529 = vector.extract %slice3A_528[0] : f32 from vector<1xf32>
      %mul3A_530 = vector.broadcast %squeeze3A_529 : f32 to vector<16xf32>
      %mul3A_531 = arith.mulf %add3A_527, %mul3A_530 : vector<16xf32>
      %max3A_532 = arith.maximumf %max3A_525, %mul3A_531 : vector<16xf32>
      %gather3A_533 = tpu.vector_load_idx %arg14[%add3A_188, %add3A_503] : memref<512x128xf32, #tpu.memory_space<vmem>>[vector<16xi32>, vector<16xi32>], vector<16xf32>,
      %add3A_534 = arith.addf %gather3A_533, %get3A_509 : vector<16xf32>
      %slice3A_535 = vector.extract_strided_slice %get3A_158 {offsets = [3], sizes = [1], strides = [1]} : vector<16xf32> to vector<1xf32>
      %squeeze3A_536 = vector.extract %slice3A_535[0] : f32 from vector<1xf32>
      %mul3A_537 = vector.broadcast %squeeze3A_536 : f32 to vector<16xf32>
      %mul3A_538 = arith.mulf %add3A_534, %mul3A_537 : vector<16xf32>
      %max3A_539 = arith.maximumf %max3A_532, %mul3A_538 : vector<16xf32>
      %gather3A_540 = tpu.vector_load_idx %arg14[%add3A_195, %add3A_503] : memref<512x128xf32, #tpu.memory_space<vmem>>[vector<16xi32>, vector<16xi32>], vector<16xf32>,
      %add3A_541 = arith.addf %gather3A_540, %get3A_509 : vector<16xf32>
      %slice3A_542 = vector.extract_strided_slice %get3A_158 {offsets = [4], sizes = [1], strides = [1]} : vector<16xf32> to vector<1xf32>
      %squeeze3A_543 = vector.extract %slice3A_542[0] : f32 from vector<1xf32>
      %mul3A_544 = vector.broadcast %squeeze3A_543 : f32 to vector<16xf32>
      %mul3A_545 = arith.mulf %add3A_541, %mul3A_544 : vector<16xf32>
      %max3A_546 = arith.maximumf %max3A_539, %mul3A_545 : vector<16xf32>
      %gather3A_547 = tpu.vector_load_idx %arg14[%add3A_202, %add3A_503] : memref<512x128xf32, #tpu.memory_space<vmem>>[vector<16xi32>, vector<16xi32>], vector<16xf32>,
      %add3A_548 = arith.addf %gather3A_547, %get3A_509 : vector<16xf32>
      %slice3A_549 = vector.extract_strided_slice %get3A_158 {offsets = [5], sizes = [1], strides = [1]} : vector<16xf32> to vector<1xf32>
      %squeeze3A_550 = vector.extract %slice3A_549[0] : f32 from vector<1xf32>
      %mul3A_551 = vector.broadcast %squeeze3A_550 : f32 to vector<16xf32>
      %mul3A_552 = arith.mulf %add3A_548, %mul3A_551 : vector<16xf32>
      %max3A_553 = arith.maximumf %max3A_546, %mul3A_552 : vector<16xf32>
      %gather3A_554 = tpu.vector_load_idx %arg14[%add3A_209, %add3A_503] : memref<512x128xf32, #tpu.memory_space<vmem>>[vector<16xi32>, vector<16xi32>], vector<16xf32>,
      %add3A_555 = arith.addf %gather3A_554, %get3A_509 : vector<16xf32>
      %slice3A_556 = vector.extract_strided_slice %get3A_158 {offsets = [6], sizes = [1], strides = [1]} : vector<16xf32> to vector<1xf32>
      %squeeze3A_557 = vector.extract %slice3A_556[0] : f32 from vector<1xf32>
      %mul3A_558 = vector.broadcast %squeeze3A_557 : f32 to vector<16xf32>
      %mul3A_559 = arith.mulf %add3A_555, %mul3A_558 : vector<16xf32>
      %max3A_560 = arith.maximumf %max3A_553, %mul3A_559 : vector<16xf32>
      %gather3A_561 = tpu.vector_load_idx %arg14[%add3A_216, %add3A_503] : memref<512x128xf32, #tpu.memory_space<vmem>>[vector<16xi32>, vector<16xi32>], vector<16xf32>,
      %add3A_562 = arith.addf %gather3A_561, %get3A_509 : vector<16xf32>
      %slice3A_563 = vector.extract_strided_slice %get3A_158 {offsets = [7], sizes = [1], strides = [1]} : vector<16xf32> to vector<1xf32>
      %squeeze3A_564 = vector.extract %slice3A_563[0] : f32 from vector<1xf32>
      %mul3A_565 = vector.broadcast %squeeze3A_564 : f32 to vector<16xf32>
      %mul3A_566 = arith.mulf %add3A_562, %mul3A_565 : vector<16xf32>
      %max3A_567 = arith.maximumf %max3A_560, %mul3A_566 : vector<16xf32>
      %gather3A_568 = tpu.vector_load_idx %arg14[%add3A_223, %add3A_503] : memref<512x128xf32, #tpu.memory_space<vmem>>[vector<16xi32>, vector<16xi32>], vector<16xf32>,
      %add3A_569 = arith.addf %gather3A_568, %get3A_509 : vector<16xf32>
      %slice3A_570 = vector.extract_strided_slice %get3A_158 {offsets = [8], sizes = [1], strides = [1]} : vector<16xf32> to vector<1xf32>
      %squeeze3A_571 = vector.extract %slice3A_570[0] : f32 from vector<1xf32>
      %mul3A_572 = vector.broadcast %squeeze3A_571 : f32 to vector<16xf32>
      %mul3A_573 = arith.mulf %add3A_569, %mul3A_572 : vector<16xf32>
      %max3A_574 = arith.maximumf %max3A_567, %mul3A_573 : vector<16xf32>
      %gather3A_575 = tpu.vector_load_idx %arg14[%add3A_230, %add3A_503] : memref<512x128xf32, #tpu.memory_space<vmem>>[vector<16xi32>, vector<16xi32>], vector<16xf32>,
      %add3A_576 = arith.addf %gather3A_575, %get3A_509 : vector<16xf32>
      %slice3A_577 = vector.extract_strided_slice %get3A_158 {offsets = [9], sizes = [1], strides = [1]} : vector<16xf32> to vector<1xf32>
      %squeeze3A_578 = vector.extract %slice3A_577[0] : f32 from vector<1xf32>
      %mul3A_579 = vector.broadcast %squeeze3A_578 : f32 to vector<16xf32>
      %mul3A_580 = arith.mulf %add3A_576, %mul3A_579 : vector<16xf32>
      %max3A_581 = arith.maximumf %max3A_574, %mul3A_580 : vector<16xf32>
      %mul3A_582 = arith.constant 128 : i32
      %mul3A_583 = arith.muli %add3A_155, %mul3A_582 : i32
      %add3A_584 = arith.constant 48 : i32
      %add3A_585 = arith.addi %mul3A_583, %add3A_584 : i32
      %get3A_586 = arith.index_cast %add3A_585 : i32 to index
      %get3A_587 = tpu.vector_load %arg13[%get3A_586] {strides = array<i32>} : memref<8192xf32, #tpu.memory_space<vmem>>, vector<16xf32>,
      %add3A_588 = arith.addf %max3A_581, %get3A_587 : vector<16xf32>
      %max3A_589 = arith.constant 0.000000e+00 : f32
      %max3A_590 = vector.broadcast %max3A_589 : f32 to vector<16xf32>
      %max3A_591 = arith.maximumf %add3A_588, %max3A_590 : vector<16xf32>
      %add3A_592 = arith.constant 64 : i32
      %add3A_593 = vector.broadcast %add3A_592 : i32 to vector<16xi32>
      %add3A_594 = arith.addi %iota3A, %add3A_593 : vector<16xi32>
      %mul3A_595 = arith.constant 128 : i32
      %mul3A_596 = arith.muli %add3A_155, %mul3A_595 : i32
      %add3A_597 = arith.constant 64 : i32
      %add3A_598 = arith.addi %mul3A_596, %add3A_597 : i32
      %get3A_599 = arith.index_cast %add3A_598 : i32 to index
      %get3A_600 = tpu.vector_load %arg12[%get3A_599] {strides = array<i32>} : memref<8192xf32, #tpu.memory_space<vmem>>, vector<16xf32>,
      %broadcast_in_dim3A_601 = arith.constant -3.000000e+38 : f32
      %broadcast_in_dim3A_602 = vector.broadcast %broadcast_in_dim3A_601 : f32 to vector<16xf32>
      %gather3A_603 = tpu.vector_load_idx %arg14[%add3A_167, %add3A_594] : memref<512x128xf32, #tpu.memory_space<vmem>>[vector<16xi32>, vector<16xi32>], vector<16xf32>,
      %add3A_604 = arith.addf %gather3A_603, %get3A_600 : vector<16xf32>
      %slice3A_605 = vector.extract_strided_slice %get3A_158 {offsets = [0], sizes = [1], strides = [1]} : vector<16xf32> to vector<1xf32>
      %squeeze3A_606 = vector.extract %slice3A_605[0] : f32 from vector<1xf32>
      %mul3A_607 = vector.broadcast %squeeze3A_606 : f32 to vector<16xf32>
      %mul3A_608 = arith.mulf %add3A_604, %mul3A_607 : vector<16xf32>
      %max3A_609 = arith.maximumf %broadcast_in_dim3A_602, %mul3A_608 : vector<16xf32>
      %gather3A_610 = tpu.vector_load_idx %arg14[%add3A_174, %add3A_594] : memref<512x128xf32, #tpu.memory_space<vmem>>[vector<16xi32>, vector<16xi32>], vector<16xf32>,
      %add3A_611 = arith.addf %gather3A_610, %get3A_600 : vector<16xf32>
      %slice3A_612 = vector.extract_strided_slice %get3A_158 {offsets = [1], sizes = [1], strides = [1]} : vector<16xf32> to vector<1xf32>
      %squeeze3A_613 = vector.extract %slice3A_612[0] : f32 from vector<1xf32>
      %mul3A_614 = vector.broadcast %squeeze3A_613 : f32 to vector<16xf32>
      %mul3A_615 = arith.mulf %add3A_611, %mul3A_614 : vector<16xf32>
      %max3A_616 = arith.maximumf %max3A_609, %mul3A_615 : vector<16xf32>
      %gather3A_617 = tpu.vector_load_idx %arg14[%add3A_181, %add3A_594] : memref<512x128xf32, #tpu.memory_space<vmem>>[vector<16xi32>, vector<16xi32>], vector<16xf32>,
      %add3A_618 = arith.addf %gather3A_617, %get3A_600 : vector<16xf32>
      %slice3A_619 = vector.extract_strided_slice %get3A_158 {offsets = [2], sizes = [1], strides = [1]} : vector<16xf32> to vector<1xf32>
      %squeeze3A_620 = vector.extract %slice3A_619[0] : f32 from vector<1xf32>
      %mul3A_621 = vector.broadcast %squeeze3A_620 : f32 to vector<16xf32>
      %mul3A_622 = arith.mulf %add3A_618, %mul3A_621 : vector<16xf32>
      %max3A_623 = arith.maximumf %max3A_616, %mul3A_622 : vector<16xf32>
      %gather3A_624 = tpu.vector_load_idx %arg14[%add3A_188, %add3A_594] : memref<512x128xf32, #tpu.memory_space<vmem>>[vector<16xi32>, vector<16xi32>], vector<16xf32>,
      %add3A_625 = arith.addf %gather3A_624, %get3A_600 : vector<16xf32>
      %slice3A_626 = vector.extract_strided_slice %get3A_158 {offsets = [3], sizes = [1], strides = [1]} : vector<16xf32> to vector<1xf32>
      %squeeze3A_627 = vector.extract %slice3A_626[0] : f32 from vector<1xf32>
      %mul3A_628 = vector.broadcast %squeeze3A_627 : f32 to vector<16xf32>
      %mul3A_629 = arith.mulf %add3A_625, %mul3A_628 : vector<16xf32>
      %max3A_630 = arith.maximumf %max3A_623, %mul3A_629 : vector<16xf32>
      %gather3A_631 = tpu.vector_load_idx %arg14[%add3A_195, %add3A_594] : memref<512x128xf32, #tpu.memory_space<vmem>>[vector<16xi32>, vector<16xi32>], vector<16xf32>,
      %add3A_632 = arith.addf %gather3A_631, %get3A_600 : vector<16xf32>
      %slice3A_633 = vector.extract_strided_slice %get3A_158 {offsets = [4], sizes = [1], strides = [1]} : vector<16xf32> to vector<1xf32>
      %squeeze3A_634 = vector.extract %slice3A_633[0] : f32 from vector<1xf32>
      %mul3A_635 = vector.broadcast %squeeze3A_634 : f32 to vector<16xf32>
      %mul3A_636 = arith.mulf %add3A_632, %mul3A_635 : vector<16xf32>
      %max3A_637 = arith.maximumf %max3A_630, %mul3A_636 : vector<16xf32>
      %gather3A_638 = tpu.vector_load_idx %arg14[%add3A_202, %add3A_594] : memref<512x128xf32, #tpu.memory_space<vmem>>[vector<16xi32>, vector<16xi32>], vector<16xf32>,
      %add3A_639 = arith.addf %gather3A_638, %get3A_600 : vector<16xf32>
      %slice3A_640 = vector.extract_strided_slice %get3A_158 {offsets = [5], sizes = [1], strides = [1]} : vector<16xf32> to vector<1xf32>
      %squeeze3A_641 = vector.extract %slice3A_640[0] : f32 from vector<1xf32>
      %mul3A_642 = vector.broadcast %squeeze3A_641 : f32 to vector<16xf32>
      %mul3A_643 = arith.mulf %add3A_639, %mul3A_642 : vector<16xf32>
      %max3A_644 = arith.maximumf %max3A_637, %mul3A_643 : vector<16xf32>
      %gather3A_645 = tpu.vector_load_idx %arg14[%add3A_209, %add3A_594] : memref<512x128xf32, #tpu.memory_space<vmem>>[vector<16xi32>, vector<16xi32>], vector<16xf32>,
      %add3A_646 = arith.addf %gather3A_645, %get3A_600 : vector<16xf32>
      %slice3A_647 = vector.extract_strided_slice %get3A_158 {offsets = [6], sizes = [1], strides = [1]} : vector<16xf32> to vector<1xf32>
      %squeeze3A_648 = vector.extract %slice3A_647[0] : f32 from vector<1xf32>
      %mul3A_649 = vector.broadcast %squeeze3A_648 : f32 to vector<16xf32>
      %mul3A_650 = arith.mulf %add3A_646, %mul3A_649 : vector<16xf32>
      %max3A_651 = arith.maximumf %max3A_644, %mul3A_650 : vector<16xf32>
      %gather3A_652 = tpu.vector_load_idx %arg14[%add3A_216, %add3A_594] : memref<512x128xf32, #tpu.memory_space<vmem>>[vector<16xi32>, vector<16xi32>], vector<16xf32>,
      %add3A_653 = arith.addf %gather3A_652, %get3A_600 : vector<16xf32>
      %slice3A_654 = vector.extract_strided_slice %get3A_158 {offsets = [7], sizes = [1], strides = [1]} : vector<16xf32> to vector<1xf32>
      %squeeze3A_655 = vector.extract %slice3A_654[0] : f32 from vector<1xf32>
      %mul3A_656 = vector.broadcast %squeeze3A_655 : f32 to vector<16xf32>
      %mul3A_657 = arith.mulf %add3A_653, %mul3A_656 : vector<16xf32>
      %max3A_658 = arith.maximumf %max3A_651, %mul3A_657 : vector<16xf32>
      %gather3A_659 = tpu.vector_load_idx %arg14[%add3A_223, %add3A_594] : memref<512x128xf32, #tpu.memory_space<vmem>>[vector<16xi32>, vector<16xi32>], vector<16xf32>,
      %add3A_660 = arith.addf %gather3A_659, %get3A_600 : vector<16xf32>
      %slice3A_661 = vector.extract_strided_slice %get3A_158 {offsets = [8], sizes = [1], strides = [1]} : vector<16xf32> to vector<1xf32>
      %squeeze3A_662 = vector.extract %slice3A_661[0] : f32 from vector<1xf32>
      %mul3A_663 = vector.broadcast %squeeze3A_662 : f32 to vector<16xf32>
      %mul3A_664 = arith.mulf %add3A_660, %mul3A_663 : vector<16xf32>
      %max3A_665 = arith.maximumf %max3A_658, %mul3A_664 : vector<16xf32>
      %gather3A_666 = tpu.vector_load_idx %arg14[%add3A_230, %add3A_594] : memref<512x128xf32, #tpu.memory_space<vmem>>[vector<16xi32>, vector<16xi32>], vector<16xf32>,
      %add3A_667 = arith.addf %gather3A_666, %get3A_600 : vector<16xf32>
      %slice3A_668 = vector.extract_strided_slice %get3A_158 {offsets = [9], sizes = [1], strides = [1]} : vector<16xf32> to vector<1xf32>
      %squeeze3A_669 = vector.extract %slice3A_668[0] : f32 from vector<1xf32>
      %mul3A_670 = vector.broadcast %squeeze3A_669 : f32 to vector<16xf32>
      %mul3A_671 = arith.mulf %add3A_667, %mul3A_670 : vector<16xf32>
      %max3A_672 = arith.maximumf %max3A_665, %mul3A_671 : vector<16xf32>
      %mul3A_673 = arith.constant 128 : i32
      %mul3A_674 = arith.muli %add3A_155, %mul3A_673 : i32
      %add3A_675 = arith.constant 64 : i32
      %add3A_676 = arith.addi %mul3A_674, %add3A_675 : i32
      %get3A_677 = arith.index_cast %add3A_676 : i32 to index
      %get3A_678 = tpu.vector_load %arg13[%get3A_677] {strides = array<i32>} : memref<8192xf32, #tpu.memory_space<vmem>>, vector<16xf32>,
      %add3A_679 = arith.addf %max3A_672, %get3A_678 : vector<16xf32>
      %max3A_680 = arith.constant 0.000000e+00 : f32
      %max3A_681 = vector.broadcast %max3A_680 : f32 to vector<16xf32>
      %max3A_682 = arith.maximumf %add3A_679, %max3A_681 : vector<16xf32>
      %add3A_683 = arith.constant 80 : i32
      %add3A_684 = vector.broadcast %add3A_683 : i32 to vector<16xi32>
      %add3A_685 = arith.addi %iota3A, %add3A_684 : vector<16xi32>
      %mul3A_686 = arith.constant 128 : i32
      %mul3A_687 = arith.muli %add3A_155, %mul3A_686 : i32
      %add3A_688 = arith.constant 80 : i32
      %add3A_689 = arith.addi %mul3A_687, %add3A_688 : i32
      %get3A_690 = arith.index_cast %add3A_689 : i32 to index
      %get3A_691 = tpu.vector_load %arg12[%get3A_690] {strides = array<i32>} : memref<8192xf32, #tpu.memory_space<vmem>>, vector<16xf32>,
      %broadcast_in_dim3A_692 = arith.constant -3.000000e+38 : f32
      %broadcast_in_dim3A_693 = vector.broadcast %broadcast_in_dim3A_692 : f32 to vector<16xf32>
      %gather3A_694 = tpu.vector_load_idx %arg14[%add3A_167, %add3A_685] : memref<512x128xf32, #tpu.memory_space<vmem>>[vector<16xi32>, vector<16xi32>], vector<16xf32>,
      %add3A_695 = arith.addf %gather3A_694, %get3A_691 : vector<16xf32>
      %slice3A_696 = vector.extract_strided_slice %get3A_158 {offsets = [0], sizes = [1], strides = [1]} : vector<16xf32> to vector<1xf32>
      %squeeze3A_697 = vector.extract %slice3A_696[0] : f32 from vector<1xf32>
      %mul3A_698 = vector.broadcast %squeeze3A_697 : f32 to vector<16xf32>
      %mul3A_699 = arith.mulf %add3A_695, %mul3A_698 : vector<16xf32>
      %max3A_700 = arith.maximumf %broadcast_in_dim3A_693, %mul3A_699 : vector<16xf32>
      %gather3A_701 = tpu.vector_load_idx %arg14[%add3A_174, %add3A_685] : memref<512x128xf32, #tpu.memory_space<vmem>>[vector<16xi32>, vector<16xi32>], vector<16xf32>,
      %add3A_702 = arith.addf %gather3A_701, %get3A_691 : vector<16xf32>
      %slice3A_703 = vector.extract_strided_slice %get3A_158 {offsets = [1], sizes = [1], strides = [1]} : vector<16xf32> to vector<1xf32>
      %squeeze3A_704 = vector.extract %slice3A_703[0] : f32 from vector<1xf32>
      %mul3A_705 = vector.broadcast %squeeze3A_704 : f32 to vector<16xf32>
      %mul3A_706 = arith.mulf %add3A_702, %mul3A_705 : vector<16xf32>
      %max3A_707 = arith.maximumf %max3A_700, %mul3A_706 : vector<16xf32>
      %gather3A_708 = tpu.vector_load_idx %arg14[%add3A_181, %add3A_685] : memref<512x128xf32, #tpu.memory_space<vmem>>[vector<16xi32>, vector<16xi32>], vector<16xf32>,
      %add3A_709 = arith.addf %gather3A_708, %get3A_691 : vector<16xf32>
      %slice3A_710 = vector.extract_strided_slice %get3A_158 {offsets = [2], sizes = [1], strides = [1]} : vector<16xf32> to vector<1xf32>
      %squeeze3A_711 = vector.extract %slice3A_710[0] : f32 from vector<1xf32>
      %mul3A_712 = vector.broadcast %squeeze3A_711 : f32 to vector<16xf32>
      %mul3A_713 = arith.mulf %add3A_709, %mul3A_712 : vector<16xf32>
      %max3A_714 = arith.maximumf %max3A_707, %mul3A_713 : vector<16xf32>
      %gather3A_715 = tpu.vector_load_idx %arg14[%add3A_188, %add3A_685] : memref<512x128xf32, #tpu.memory_space<vmem>>[vector<16xi32>, vector<16xi32>], vector<16xf32>,
      %add3A_716 = arith.addf %gather3A_715, %get3A_691 : vector<16xf32>
      %slice3A_717 = vector.extract_strided_slice %get3A_158 {offsets = [3], sizes = [1], strides = [1]} : vector<16xf32> to vector<1xf32>
      %squeeze3A_718 = vector.extract %slice3A_717[0] : f32 from vector<1xf32>
      %mul3A_719 = vector.broadcast %squeeze3A_718 : f32 to vector<16xf32>
      %mul3A_720 = arith.mulf %add3A_716, %mul3A_719 : vector<16xf32>
      %max3A_721 = arith.maximumf %max3A_714, %mul3A_720 : vector<16xf32>
      %gather3A_722 = tpu.vector_load_idx %arg14[%add3A_195, %add3A_685] : memref<512x128xf32, #tpu.memory_space<vmem>>[vector<16xi32>, vector<16xi32>], vector<16xf32>,
      %add3A_723 = arith.addf %gather3A_722, %get3A_691 : vector<16xf32>
      %slice3A_724 = vector.extract_strided_slice %get3A_158 {offsets = [4], sizes = [1], strides = [1]} : vector<16xf32> to vector<1xf32>
      %squeeze3A_725 = vector.extract %slice3A_724[0] : f32 from vector<1xf32>
      %mul3A_726 = vector.broadcast %squeeze3A_725 : f32 to vector<16xf32>
      %mul3A_727 = arith.mulf %add3A_723, %mul3A_726 : vector<16xf32>
      %max3A_728 = arith.maximumf %max3A_721, %mul3A_727 : vector<16xf32>
      %gather3A_729 = tpu.vector_load_idx %arg14[%add3A_202, %add3A_685] : memref<512x128xf32, #tpu.memory_space<vmem>>[vector<16xi32>, vector<16xi32>], vector<16xf32>,
      %add3A_730 = arith.addf %gather3A_729, %get3A_691 : vector<16xf32>
      %slice3A_731 = vector.extract_strided_slice %get3A_158 {offsets = [5], sizes = [1], strides = [1]} : vector<16xf32> to vector<1xf32>
      %squeeze3A_732 = vector.extract %slice3A_731[0] : f32 from vector<1xf32>
      %mul3A_733 = vector.broadcast %squeeze3A_732 : f32 to vector<16xf32>
      %mul3A_734 = arith.mulf %add3A_730, %mul3A_733 : vector<16xf32>
      %max3A_735 = arith.maximumf %max3A_728, %mul3A_734 : vector<16xf32>
      %gather3A_736 = tpu.vector_load_idx %arg14[%add3A_209, %add3A_685] : memref<512x128xf32, #tpu.memory_space<vmem>>[vector<16xi32>, vector<16xi32>], vector<16xf32>,
      %add3A_737 = arith.addf %gather3A_736, %get3A_691 : vector<16xf32>
      %slice3A_738 = vector.extract_strided_slice %get3A_158 {offsets = [6], sizes = [1], strides = [1]} : vector<16xf32> to vector<1xf32>
      %squeeze3A_739 = vector.extract %slice3A_738[0] : f32 from vector<1xf32>
      %mul3A_740 = vector.broadcast %squeeze3A_739 : f32 to vector<16xf32>
      %mul3A_741 = arith.mulf %add3A_737, %mul3A_740 : vector<16xf32>
      %max3A_742 = arith.maximumf %max3A_735, %mul3A_741 : vector<16xf32>
      %gather3A_743 = tpu.vector_load_idx %arg14[%add3A_216, %add3A_685] : memref<512x128xf32, #tpu.memory_space<vmem>>[vector<16xi32>, vector<16xi32>], vector<16xf32>,
      %add3A_744 = arith.addf %gather3A_743, %get3A_691 : vector<16xf32>
      %slice3A_745 = vector.extract_strided_slice %get3A_158 {offsets = [7], sizes = [1], strides = [1]} : vector<16xf32> to vector<1xf32>
      %squeeze3A_746 = vector.extract %slice3A_745[0] : f32 from vector<1xf32>
      %mul3A_747 = vector.broadcast %squeeze3A_746 : f32 to vector<16xf32>
      %mul3A_748 = arith.mulf %add3A_744, %mul3A_747 : vector<16xf32>
      %max3A_749 = arith.maximumf %max3A_742, %mul3A_748 : vector<16xf32>
      %gather3A_750 = tpu.vector_load_idx %arg14[%add3A_223, %add3A_685] : memref<512x128xf32, #tpu.memory_space<vmem>>[vector<16xi32>, vector<16xi32>], vector<16xf32>,
      %add3A_751 = arith.addf %gather3A_750, %get3A_691 : vector<16xf32>
      %slice3A_752 = vector.extract_strided_slice %get3A_158 {offsets = [8], sizes = [1], strides = [1]} : vector<16xf32> to vector<1xf32>
      %squeeze3A_753 = vector.extract %slice3A_752[0] : f32 from vector<1xf32>
      %mul3A_754 = vector.broadcast %squeeze3A_753 : f32 to vector<16xf32>
      %mul3A_755 = arith.mulf %add3A_751, %mul3A_754 : vector<16xf32>
      %max3A_756 = arith.maximumf %max3A_749, %mul3A_755 : vector<16xf32>
      %gather3A_757 = tpu.vector_load_idx %arg14[%add3A_230, %add3A_685] : memref<512x128xf32, #tpu.memory_space<vmem>>[vector<16xi32>, vector<16xi32>], vector<16xf32>,
      %add3A_758 = arith.addf %gather3A_757, %get3A_691 : vector<16xf32>
      %slice3A_759 = vector.extract_strided_slice %get3A_158 {offsets = [9], sizes = [1], strides = [1]} : vector<16xf32> to vector<1xf32>
      %squeeze3A_760 = vector.extract %slice3A_759[0] : f32 from vector<1xf32>
      %mul3A_761 = vector.broadcast %squeeze3A_760 : f32 to vector<16xf32>
      %mul3A_762 = arith.mulf %add3A_758, %mul3A_761 : vector<16xf32>
      %max3A_763 = arith.maximumf %max3A_756, %mul3A_762 : vector<16xf32>
      %mul3A_764 = arith.constant 128 : i32
      %mul3A_765 = arith.muli %add3A_155, %mul3A_764 : i32
      %add3A_766 = arith.constant 80 : i32
      %add3A_767 = arith.addi %mul3A_765, %add3A_766 : i32
      %get3A_768 = arith.index_cast %add3A_767 : i32 to index
      %get3A_769 = tpu.vector_load %arg13[%get3A_768] {strides = array<i32>} : memref<8192xf32, #tpu.memory_space<vmem>>, vector<16xf32>,
      %add3A_770 = arith.addf %max3A_763, %get3A_769 : vector<16xf32>
      %max3A_771 = arith.constant 0.000000e+00 : f32
      %max3A_772 = vector.broadcast %max3A_771 : f32 to vector<16xf32>
      %max3A_773 = arith.maximumf %add3A_770, %max3A_772 : vector<16xf32>
      %add3A_774 = arith.constant 96 : i32
      %add3A_775 = vector.broadcast %add3A_774 : i32 to vector<16xi32>
      %add3A_776 = arith.addi %iota3A, %add3A_775 : vector<16xi32>
      %mul3A_777 = arith.constant 128 : i32
      %mul3A_778 = arith.muli %add3A_155, %mul3A_777 : i32
      %add3A_779 = arith.constant 96 : i32
      %add3A_780 = arith.addi %mul3A_778, %add3A_779 : i32
      %get3A_781 = arith.index_cast %add3A_780 : i32 to index
      %get3A_782 = tpu.vector_load %arg12[%get3A_781] {strides = array<i32>} : memref<8192xf32, #tpu.memory_space<vmem>>, vector<16xf32>,
      %broadcast_in_dim3A_783 = arith.constant -3.000000e+38 : f32
      %broadcast_in_dim3A_784 = vector.broadcast %broadcast_in_dim3A_783 : f32 to vector<16xf32>
      %gather3A_785 = tpu.vector_load_idx %arg14[%add3A_167, %add3A_776] : memref<512x128xf32, #tpu.memory_space<vmem>>[vector<16xi32>, vector<16xi32>], vector<16xf32>,
      %add3A_786 = arith.addf %gather3A_785, %get3A_782 : vector<16xf32>
      %slice3A_787 = vector.extract_strided_slice %get3A_158 {offsets = [0], sizes = [1], strides = [1]} : vector<16xf32> to vector<1xf32>
      %squeeze3A_788 = vector.extract %slice3A_787[0] : f32 from vector<1xf32>
      %mul3A_789 = vector.broadcast %squeeze3A_788 : f32 to vector<16xf32>
      %mul3A_790 = arith.mulf %add3A_786, %mul3A_789 : vector<16xf32>
      %max3A_791 = arith.maximumf %broadcast_in_dim3A_784, %mul3A_790 : vector<16xf32>
      %gather3A_792 = tpu.vector_load_idx %arg14[%add3A_174, %add3A_776] : memref<512x128xf32, #tpu.memory_space<vmem>>[vector<16xi32>, vector<16xi32>], vector<16xf32>,
      %add3A_793 = arith.addf %gather3A_792, %get3A_782 : vector<16xf32>
      %slice3A_794 = vector.extract_strided_slice %get3A_158 {offsets = [1], sizes = [1], strides = [1]} : vector<16xf32> to vector<1xf32>
      %squeeze3A_795 = vector.extract %slice3A_794[0] : f32 from vector<1xf32>
      %mul3A_796 = vector.broadcast %squeeze3A_795 : f32 to vector<16xf32>
      %mul3A_797 = arith.mulf %add3A_793, %mul3A_796 : vector<16xf32>
      %max3A_798 = arith.maximumf %max3A_791, %mul3A_797 : vector<16xf32>
      %gather3A_799 = tpu.vector_load_idx %arg14[%add3A_181, %add3A_776] : memref<512x128xf32, #tpu.memory_space<vmem>>[vector<16xi32>, vector<16xi32>], vector<16xf32>,
      %add3A_800 = arith.addf %gather3A_799, %get3A_782 : vector<16xf32>
      %slice3A_801 = vector.extract_strided_slice %get3A_158 {offsets = [2], sizes = [1], strides = [1]} : vector<16xf32> to vector<1xf32>
      %squeeze3A_802 = vector.extract %slice3A_801[0] : f32 from vector<1xf32>
      %mul3A_803 = vector.broadcast %squeeze3A_802 : f32 to vector<16xf32>
      %mul3A_804 = arith.mulf %add3A_800, %mul3A_803 : vector<16xf32>
      %max3A_805 = arith.maximumf %max3A_798, %mul3A_804 : vector<16xf32>
      %gather3A_806 = tpu.vector_load_idx %arg14[%add3A_188, %add3A_776] : memref<512x128xf32, #tpu.memory_space<vmem>>[vector<16xi32>, vector<16xi32>], vector<16xf32>,
      %add3A_807 = arith.addf %gather3A_806, %get3A_782 : vector<16xf32>
      %slice3A_808 = vector.extract_strided_slice %get3A_158 {offsets = [3], sizes = [1], strides = [1]} : vector<16xf32> to vector<1xf32>
      %squeeze3A_809 = vector.extract %slice3A_808[0] : f32 from vector<1xf32>
      %mul3A_810 = vector.broadcast %squeeze3A_809 : f32 to vector<16xf32>
      %mul3A_811 = arith.mulf %add3A_807, %mul3A_810 : vector<16xf32>
      %max3A_812 = arith.maximumf %max3A_805, %mul3A_811 : vector<16xf32>
      %gather3A_813 = tpu.vector_load_idx %arg14[%add3A_195, %add3A_776] : memref<512x128xf32, #tpu.memory_space<vmem>>[vector<16xi32>, vector<16xi32>], vector<16xf32>,
      %add3A_814 = arith.addf %gather3A_813, %get3A_782 : vector<16xf32>
      %slice3A_815 = vector.extract_strided_slice %get3A_158 {offsets = [4], sizes = [1], strides = [1]} : vector<16xf32> to vector<1xf32>
      %squeeze3A_816 = vector.extract %slice3A_815[0] : f32 from vector<1xf32>
      %mul3A_817 = vector.broadcast %squeeze3A_816 : f32 to vector<16xf32>
      %mul3A_818 = arith.mulf %add3A_814, %mul3A_817 : vector<16xf32>
      %max3A_819 = arith.maximumf %max3A_812, %mul3A_818 : vector<16xf32>
      %gather3A_820 = tpu.vector_load_idx %arg14[%add3A_202, %add3A_776] : memref<512x128xf32, #tpu.memory_space<vmem>>[vector<16xi32>, vector<16xi32>], vector<16xf32>,
      %add3A_821 = arith.addf %gather3A_820, %get3A_782 : vector<16xf32>
      %slice3A_822 = vector.extract_strided_slice %get3A_158 {offsets = [5], sizes = [1], strides = [1]} : vector<16xf32> to vector<1xf32>
      %squeeze3A_823 = vector.extract %slice3A_822[0] : f32 from vector<1xf32>
      %mul3A_824 = vector.broadcast %squeeze3A_823 : f32 to vector<16xf32>
      %mul3A_825 = arith.mulf %add3A_821, %mul3A_824 : vector<16xf32>
      %max3A_826 = arith.maximumf %max3A_819, %mul3A_825 : vector<16xf32>
      %gather3A_827 = tpu.vector_load_idx %arg14[%add3A_209, %add3A_776] : memref<512x128xf32, #tpu.memory_space<vmem>>[vector<16xi32>, vector<16xi32>], vector<16xf32>,
      %add3A_828 = arith.addf %gather3A_827, %get3A_782 : vector<16xf32>
      %slice3A_829 = vector.extract_strided_slice %get3A_158 {offsets = [6], sizes = [1], strides = [1]} : vector<16xf32> to vector<1xf32>
      %squeeze3A_830 = vector.extract %slice3A_829[0] : f32 from vector<1xf32>
      %mul3A_831 = vector.broadcast %squeeze3A_830 : f32 to vector<16xf32>
      %mul3A_832 = arith.mulf %add3A_828, %mul3A_831 : vector<16xf32>
      %max3A_833 = arith.maximumf %max3A_826, %mul3A_832 : vector<16xf32>
      %gather3A_834 = tpu.vector_load_idx %arg14[%add3A_216, %add3A_776] : memref<512x128xf32, #tpu.memory_space<vmem>>[vector<16xi32>, vector<16xi32>], vector<16xf32>,
      %add3A_835 = arith.addf %gather3A_834, %get3A_782 : vector<16xf32>
      %slice3A_836 = vector.extract_strided_slice %get3A_158 {offsets = [7], sizes = [1], strides = [1]} : vector<16xf32> to vector<1xf32>
      %squeeze3A_837 = vector.extract %slice3A_836[0] : f32 from vector<1xf32>
      %mul3A_838 = vector.broadcast %squeeze3A_837 : f32 to vector<16xf32>
      %mul3A_839 = arith.mulf %add3A_835, %mul3A_838 : vector<16xf32>
      %max3A_840 = arith.maximumf %max3A_833, %mul3A_839 : vector<16xf32>
      %gather3A_841 = tpu.vector_load_idx %arg14[%add3A_223, %add3A_776] : memref<512x128xf32, #tpu.memory_space<vmem>>[vector<16xi32>, vector<16xi32>], vector<16xf32>,
      %add3A_842 = arith.addf %gather3A_841, %get3A_782 : vector<16xf32>
      %slice3A_843 = vector.extract_strided_slice %get3A_158 {offsets = [8], sizes = [1], strides = [1]} : vector<16xf32> to vector<1xf32>
      %squeeze3A_844 = vector.extract %slice3A_843[0] : f32 from vector<1xf32>
      %mul3A_845 = vector.broadcast %squeeze3A_844 : f32 to vector<16xf32>
      %mul3A_846 = arith.mulf %add3A_842, %mul3A_845 : vector<16xf32>
      %max3A_847 = arith.maximumf %max3A_840, %mul3A_846 : vector<16xf32>
      %gather3A_848 = tpu.vector_load_idx %arg14[%add3A_230, %add3A_776] : memref<512x128xf32, #tpu.memory_space<vmem>>[vector<16xi32>, vector<16xi32>], vector<16xf32>,
      %add3A_849 = arith.addf %gather3A_848, %get3A_782 : vector<16xf32>
      %slice3A_850 = vector.extract_strided_slice %get3A_158 {offsets = [9], sizes = [1], strides = [1]} : vector<16xf32> to vector<1xf32>
      %squeeze3A_851 = vector.extract %slice3A_850[0] : f32 from vector<1xf32>
      %mul3A_852 = vector.broadcast %squeeze3A_851 : f32 to vector<16xf32>
      %mul3A_853 = arith.mulf %add3A_849, %mul3A_852 : vector<16xf32>
      %max3A_854 = arith.maximumf %max3A_847, %mul3A_853 : vector<16xf32>
      %mul3A_855 = arith.constant 128 : i32
      %mul3A_856 = arith.muli %add3A_155, %mul3A_855 : i32
      %add3A_857 = arith.constant 96 : i32
      %add3A_858 = arith.addi %mul3A_856, %add3A_857 : i32
      %get3A_859 = arith.index_cast %add3A_858 : i32 to index
      %get3A_860 = tpu.vector_load %arg13[%get3A_859] {strides = array<i32>} : memref<8192xf32, #tpu.memory_space<vmem>>, vector<16xf32>,
      %add3A_861 = arith.addf %max3A_854, %get3A_860 : vector<16xf32>
      %max3A_862 = arith.constant 0.000000e+00 : f32
      %max3A_863 = vector.broadcast %max3A_862 : f32 to vector<16xf32>
      %max3A_864 = arith.maximumf %add3A_861, %max3A_863 : vector<16xf32>
      %add3A_865 = arith.constant 112 : i32
      %add3A_866 = vector.broadcast %add3A_865 : i32 to vector<16xi32>
      %add3A_867 = arith.addi %iota3A, %add3A_866 : vector<16xi32>
      %mul3A_868 = arith.constant 128 : i32
      %mul3A_869 = arith.muli %add3A_155, %mul3A_868 : i32
      %add3A_870 = arith.constant 112 : i32
      %add3A_871 = arith.addi %mul3A_869, %add3A_870 : i32
      %get3A_872 = arith.index_cast %add3A_871 : i32 to index
      %get3A_873 = tpu.vector_load %arg12[%get3A_872] {strides = array<i32>} : memref<8192xf32, #tpu.memory_space<vmem>>, vector<16xf32>,
      %broadcast_in_dim3A_874 = arith.constant -3.000000e+38 : f32
      %broadcast_in_dim3A_875 = vector.broadcast %broadcast_in_dim3A_874 : f32 to vector<16xf32>
      %gather3A_876 = tpu.vector_load_idx %arg14[%add3A_167, %add3A_867] : memref<512x128xf32, #tpu.memory_space<vmem>>[vector<16xi32>, vector<16xi32>], vector<16xf32>,
      %add3A_877 = arith.addf %gather3A_876, %get3A_873 : vector<16xf32>
      %slice3A_878 = vector.extract_strided_slice %get3A_158 {offsets = [0], sizes = [1], strides = [1]} : vector<16xf32> to vector<1xf32>
      %squeeze3A_879 = vector.extract %slice3A_878[0] : f32 from vector<1xf32>
      %mul3A_880 = vector.broadcast %squeeze3A_879 : f32 to vector<16xf32>
      %mul3A_881 = arith.mulf %add3A_877, %mul3A_880 : vector<16xf32>
      %max3A_882 = arith.maximumf %broadcast_in_dim3A_875, %mul3A_881 : vector<16xf32>
      %gather3A_883 = tpu.vector_load_idx %arg14[%add3A_174, %add3A_867] : memref<512x128xf32, #tpu.memory_space<vmem>>[vector<16xi32>, vector<16xi32>], vector<16xf32>,
      %add3A_884 = arith.addf %gather3A_883, %get3A_873 : vector<16xf32>
      %slice3A_885 = vector.extract_strided_slice %get3A_158 {offsets = [1], sizes = [1], strides = [1]} : vector<16xf32> to vector<1xf32>
      %squeeze3A_886 = vector.extract %slice3A_885[0] : f32 from vector<1xf32>
      %mul3A_887 = vector.broadcast %squeeze3A_886 : f32 to vector<16xf32>
      %mul3A_888 = arith.mulf %add3A_884, %mul3A_887 : vector<16xf32>
      %max3A_889 = arith.maximumf %max3A_882, %mul3A_888 : vector<16xf32>
      %gather3A_890 = tpu.vector_load_idx %arg14[%add3A_181, %add3A_867] : memref<512x128xf32, #tpu.memory_space<vmem>>[vector<16xi32>, vector<16xi32>], vector<16xf32>,
      %add3A_891 = arith.addf %gather3A_890, %get3A_873 : vector<16xf32>
      %slice3A_892 = vector.extract_strided_slice %get3A_158 {offsets = [2], sizes = [1], strides = [1]} : vector<16xf32> to vector<1xf32>
      %squeeze3A_893 = vector.extract %slice3A_892[0] : f32 from vector<1xf32>
      %mul3A_894 = vector.broadcast %squeeze3A_893 : f32 to vector<16xf32>
      %mul3A_895 = arith.mulf %add3A_891, %mul3A_894 : vector<16xf32>
      %max3A_896 = arith.maximumf %max3A_889, %mul3A_895 : vector<16xf32>
      %gather3A_897 = tpu.vector_load_idx %arg14[%add3A_188, %add3A_867] : memref<512x128xf32, #tpu.memory_space<vmem>>[vector<16xi32>, vector<16xi32>], vector<16xf32>,
      %add3A_898 = arith.addf %gather3A_897, %get3A_873 : vector<16xf32>
      %slice3A_899 = vector.extract_strided_slice %get3A_158 {offsets = [3], sizes = [1], strides = [1]} : vector<16xf32> to vector<1xf32>
      %squeeze3A_900 = vector.extract %slice3A_899[0] : f32 from vector<1xf32>
      %mul3A_901 = vector.broadcast %squeeze3A_900 : f32 to vector<16xf32>
      %mul3A_902 = arith.mulf %add3A_898, %mul3A_901 : vector<16xf32>
      %max3A_903 = arith.maximumf %max3A_896, %mul3A_902 : vector<16xf32>
      %gather3A_904 = tpu.vector_load_idx %arg14[%add3A_195, %add3A_867] : memref<512x128xf32, #tpu.memory_space<vmem>>[vector<16xi32>, vector<16xi32>], vector<16xf32>,
      %add3A_905 = arith.addf %gather3A_904, %get3A_873 : vector<16xf32>
      %slice3A_906 = vector.extract_strided_slice %get3A_158 {offsets = [4], sizes = [1], strides = [1]} : vector<16xf32> to vector<1xf32>
      %squeeze3A_907 = vector.extract %slice3A_906[0] : f32 from vector<1xf32>
      %mul3A_908 = vector.broadcast %squeeze3A_907 : f32 to vector<16xf32>
      %mul3A_909 = arith.mulf %add3A_905, %mul3A_908 : vector<16xf32>
      %max3A_910 = arith.maximumf %max3A_903, %mul3A_909 : vector<16xf32>
      %gather3A_911 = tpu.vector_load_idx %arg14[%add3A_202, %add3A_867] : memref<512x128xf32, #tpu.memory_space<vmem>>[vector<16xi32>, vector<16xi32>], vector<16xf32>,
      %add3A_912 = arith.addf %gather3A_911, %get3A_873 : vector<16xf32>
      %slice3A_913 = vector.extract_strided_slice %get3A_158 {offsets = [5], sizes = [1], strides = [1]} : vector<16xf32> to vector<1xf32>
      %squeeze3A_914 = vector.extract %slice3A_913[0] : f32 from vector<1xf32>
      %mul3A_915 = vector.broadcast %squeeze3A_914 : f32 to vector<16xf32>
      %mul3A_916 = arith.mulf %add3A_912, %mul3A_915 : vector<16xf32>
      %max3A_917 = arith.maximumf %max3A_910, %mul3A_916 : vector<16xf32>
      %gather3A_918 = tpu.vector_load_idx %arg14[%add3A_209, %add3A_867] : memref<512x128xf32, #tpu.memory_space<vmem>>[vector<16xi32>, vector<16xi32>], vector<16xf32>,
      %add3A_919 = arith.addf %gather3A_918, %get3A_873 : vector<16xf32>
      %slice3A_920 = vector.extract_strided_slice %get3A_158 {offsets = [6], sizes = [1], strides = [1]} : vector<16xf32> to vector<1xf32>
      %squeeze3A_921 = vector.extract %slice3A_920[0] : f32 from vector<1xf32>
      %mul3A_922 = vector.broadcast %squeeze3A_921 : f32 to vector<16xf32>
      %mul3A_923 = arith.mulf %add3A_919, %mul3A_922 : vector<16xf32>
      %max3A_924 = arith.maximumf %max3A_917, %mul3A_923 : vector<16xf32>
      %gather3A_925 = tpu.vector_load_idx %arg14[%add3A_216, %add3A_867] : memref<512x128xf32, #tpu.memory_space<vmem>>[vector<16xi32>, vector<16xi32>], vector<16xf32>,
      %add3A_926 = arith.addf %gather3A_925, %get3A_873 : vector<16xf32>
      %slice3A_927 = vector.extract_strided_slice %get3A_158 {offsets = [7], sizes = [1], strides = [1]} : vector<16xf32> to vector<1xf32>
      %squeeze3A_928 = vector.extract %slice3A_927[0] : f32 from vector<1xf32>
      %mul3A_929 = vector.broadcast %squeeze3A_928 : f32 to vector<16xf32>
      %mul3A_930 = arith.mulf %add3A_926, %mul3A_929 : vector<16xf32>
      %max3A_931 = arith.maximumf %max3A_924, %mul3A_930 : vector<16xf32>
      %gather3A_932 = tpu.vector_load_idx %arg14[%add3A_223, %add3A_867] : memref<512x128xf32, #tpu.memory_space<vmem>>[vector<16xi32>, vector<16xi32>], vector<16xf32>,
      %add3A_933 = arith.addf %gather3A_932, %get3A_873 : vector<16xf32>
      %slice3A_934 = vector.extract_strided_slice %get3A_158 {offsets = [8], sizes = [1], strides = [1]} : vector<16xf32> to vector<1xf32>
      %squeeze3A_935 = vector.extract %slice3A_934[0] : f32 from vector<1xf32>
      %mul3A_936 = vector.broadcast %squeeze3A_935 : f32 to vector<16xf32>
      %mul3A_937 = arith.mulf %add3A_933, %mul3A_936 : vector<16xf32>
      %max3A_938 = arith.maximumf %max3A_931, %mul3A_937 : vector<16xf32>
      %gather3A_939 = tpu.vector_load_idx %arg14[%add3A_230, %add3A_867] : memref<512x128xf32, #tpu.memory_space<vmem>>[vector<16xi32>, vector<16xi32>], vector<16xf32>,
      %add3A_940 = arith.addf %gather3A_939, %get3A_873 : vector<16xf32>
      %slice3A_941 = vector.extract_strided_slice %get3A_158 {offsets = [9], sizes = [1], strides = [1]} : vector<16xf32> to vector<1xf32>
      %squeeze3A_942 = vector.extract %slice3A_941[0] : f32 from vector<1xf32>
      %mul3A_943 = vector.broadcast %squeeze3A_942 : f32 to vector<16xf32>
      %mul3A_944 = arith.mulf %add3A_940, %mul3A_943 : vector<16xf32>
      %max3A_945 = arith.maximumf %max3A_938, %mul3A_944 : vector<16xf32>
      %mul3A_946 = arith.constant 128 : i32
      %mul3A_947 = arith.muli %add3A_155, %mul3A_946 : i32
      %add3A_948 = arith.constant 112 : i32
      %add3A_949 = arith.addi %mul3A_947, %add3A_948 : i32
      %get3A_950 = arith.index_cast %add3A_949 : i32 to index
      %get3A_951 = tpu.vector_load %arg13[%get3A_950] {strides = array<i32>} : memref<8192xf32, #tpu.memory_space<vmem>>, vector<16xf32>,
      %add3A_952 = arith.addf %max3A_945, %get3A_951 : vector<16xf32>
      %max3A_953 = arith.constant 0.000000e+00 : f32
      %max3A_954 = vector.broadcast %max3A_953 : f32 to vector<16xf32>
      %max3A_955 = arith.maximumf %add3A_952, %max3A_954 : vector<16xf32>
      %mul3A_956 = arith.constant 2 : i32
      %mul3A_957 = arith.muli %mul3A_956, %scan3A_151 : i32
      %add3A_958 = arith.constant 1 : i32
      %add3A_959 = arith.addi %mul3A_957, %add3A_958 : i32
      %mul3A_960 = arith.constant 16 : i32
      %mul3A_961 = arith.muli %add3A_959, %mul3A_960 : i32
      %get3A_962 = arith.index_cast %mul3A_961 : i32 to index
      %get3A_963 = tpu.vector_load %arg18[%get3A_962] {strides = array<i32>} : memref<1024xf32, #tpu.memory_space<vmem>>, vector<16xf32>,
      %mul3A_964 = arith.constant 16 : i32
      %mul3A_965 = arith.muli %add3A_959, %mul3A_964 : i32
      %get3A_966 = arith.index_cast %mul3A_965 : i32 to index
      %get3A_967 = tpu.vector_load %arg19[%get3A_966] {strides = array<i32>} : memref<1024xi32, #tpu.memory_space<vmem>>, vector<16xi32>,
      %mul3A_968 = arith.constant 0 : i32
      %mul3A_969 = vector.broadcast %mul3A_968 : i32 to vector<16xi32>
      %mul3A_970 = arith.muli %iota3A, %mul3A_969 : vector<16xi32>
      %slice3A_971 = vector.extract_strided_slice %get3A_967 {offsets = [0], sizes = [1], strides = [1]} : vector<16xi32> to vector<1xi32>
      %squeeze3A_972 = vector.extract %slice3A_971[0] : i32 from vector<1xi32>
      %add3A_973 = vector.broadcast %squeeze3A_972 : i32 to vector<16xi32>
      %add3A_974 = arith.addi %mul3A_970, %add3A_973 : vector<16xi32>
      %mul3A_975 = arith.constant 0 : i32
      %mul3A_976 = vector.broadcast %mul3A_975 : i32 to vector<16xi32>
      %mul3A_977 = arith.muli %iota3A, %mul3A_976 : vector<16xi32>
      %slice3A_978 = vector.extract_strided_slice %get3A_967 {offsets = [1], sizes = [1], strides = [1]} : vector<16xi32> to vector<1xi32>
      %squeeze3A_979 = vector.extract %slice3A_978[0] : i32 from vector<1xi32>
      %add3A_980 = vector.broadcast %squeeze3A_979 : i32 to vector<16xi32>
      %add3A_981 = arith.addi %mul3A_977, %add3A_980 : vector<16xi32>
      %mul3A_982 = arith.constant 0 : i32
      %mul3A_983 = vector.broadcast %mul3A_982 : i32 to vector<16xi32>
      %mul3A_984 = arith.muli %iota3A, %mul3A_983 : vector<16xi32>
      %slice3A_985 = vector.extract_strided_slice %get3A_967 {offsets = [2], sizes = [1], strides = [1]} : vector<16xi32> to vector<1xi32>
      %squeeze3A_986 = vector.extract %slice3A_985[0] : i32 from vector<1xi32>
      %add3A_987 = vector.broadcast %squeeze3A_986 : i32 to vector<16xi32>
      %add3A_988 = arith.addi %mul3A_984, %add3A_987 : vector<16xi32>
      %mul3A_989 = arith.constant 0 : i32
      %mul3A_990 = vector.broadcast %mul3A_989 : i32 to vector<16xi32>
      %mul3A_991 = arith.muli %iota3A, %mul3A_990 : vector<16xi32>
      %slice3A_992 = vector.extract_strided_slice %get3A_967 {offsets = [3], sizes = [1], strides = [1]} : vector<16xi32> to vector<1xi32>
      %squeeze3A_993 = vector.extract %slice3A_992[0] : i32 from vector<1xi32>
      %add3A_994 = vector.broadcast %squeeze3A_993 : i32 to vector<16xi32>
      %add3A_995 = arith.addi %mul3A_991, %add3A_994 : vector<16xi32>
      %mul3A_996 = arith.constant 0 : i32
      %mul3A_997 = vector.broadcast %mul3A_996 : i32 to vector<16xi32>
      %mul3A_998 = arith.muli %iota3A, %mul3A_997 : vector<16xi32>
      %slice3A_999 = vector.extract_strided_slice %get3A_967 {offsets = [4], sizes = [1], strides = [1]} : vector<16xi32> to vector<1xi32>
      %squeeze3A_1000 = vector.extract %slice3A_999[0] : i32 from vector<1xi32>
      %add3A_1001 = vector.broadcast %squeeze3A_1000 : i32 to vector<16xi32>
      %add3A_1002 = arith.addi %mul3A_998, %add3A_1001 : vector<16xi32>
      %mul3A_1003 = arith.constant 0 : i32
      %mul3A_1004 = vector.broadcast %mul3A_1003 : i32 to vector<16xi32>
      %mul3A_1005 = arith.muli %iota3A, %mul3A_1004 : vector<16xi32>
      %slice3A_1006 = vector.extract_strided_slice %get3A_967 {offsets = [5], sizes = [1], strides = [1]} : vector<16xi32> to vector<1xi32>
      %squeeze3A_1007 = vector.extract %slice3A_1006[0] : i32 from vector<1xi32>
      %add3A_1008 = vector.broadcast %squeeze3A_1007 : i32 to vector<16xi32>
      %add3A_1009 = arith.addi %mul3A_1005, %add3A_1008 : vector<16xi32>
      %mul3A_1010 = arith.constant 0 : i32
      %mul3A_1011 = vector.broadcast %mul3A_1010 : i32 to vector<16xi32>
      %mul3A_1012 = arith.muli %iota3A, %mul3A_1011 : vector<16xi32>
      %slice3A_1013 = vector.extract_strided_slice %get3A_967 {offsets = [6], sizes = [1], strides = [1]} : vector<16xi32> to vector<1xi32>
      %squeeze3A_1014 = vector.extract %slice3A_1013[0] : i32 from vector<1xi32>
      %add3A_1015 = vector.broadcast %squeeze3A_1014 : i32 to vector<16xi32>
      %add3A_1016 = arith.addi %mul3A_1012, %add3A_1015 : vector<16xi32>
      %mul3A_1017 = arith.constant 0 : i32
      %mul3A_1018 = vector.broadcast %mul3A_1017 : i32 to vector<16xi32>
      %mul3A_1019 = arith.muli %iota3A, %mul3A_1018 : vector<16xi32>
      %slice3A_1020 = vector.extract_strided_slice %get3A_967 {offsets = [7], sizes = [1], strides = [1]} : vector<16xi32> to vector<1xi32>
      %squeeze3A_1021 = vector.extract %slice3A_1020[0] : i32 from vector<1xi32>
      %add3A_1022 = vector.broadcast %squeeze3A_1021 : i32 to vector<16xi32>
      %add3A_1023 = arith.addi %mul3A_1019, %add3A_1022 : vector<16xi32>
      %mul3A_1024 = arith.constant 0 : i32
      %mul3A_1025 = vector.broadcast %mul3A_1024 : i32 to vector<16xi32>
      %mul3A_1026 = arith.muli %iota3A, %mul3A_1025 : vector<16xi32>
      %slice3A_1027 = vector.extract_strided_slice %get3A_967 {offsets = [8], sizes = [1], strides = [1]} : vector<16xi32> to vector<1xi32>
      %squeeze3A_1028 = vector.extract %slice3A_1027[0] : i32 from vector<1xi32>
      %add3A_1029 = vector.broadcast %squeeze3A_1028 : i32 to vector<16xi32>
      %add3A_1030 = arith.addi %mul3A_1026, %add3A_1029 : vector<16xi32>
      %mul3A_1031 = arith.constant 0 : i32
      %mul3A_1032 = vector.broadcast %mul3A_1031 : i32 to vector<16xi32>
      %mul3A_1033 = arith.muli %iota3A, %mul3A_1032 : vector<16xi32>
      %slice3A_1034 = vector.extract_strided_slice %get3A_967 {offsets = [9], sizes = [1], strides = [1]} : vector<16xi32> to vector<1xi32>
      %squeeze3A_1035 = vector.extract %slice3A_1034[0] : i32 from vector<1xi32>
      %add3A_1036 = vector.broadcast %squeeze3A_1035 : i32 to vector<16xi32>
      %add3A_1037 = arith.addi %mul3A_1033, %add3A_1036 : vector<16xi32>
      %add3A_1038 = arith.constant 0 : i32
      %add3A_1039 = vector.broadcast %add3A_1038 : i32 to vector<16xi32>
      %add3A_1040 = arith.addi %iota3A, %add3A_1039 : vector<16xi32>
      %mul3A_1041 = arith.constant 128 : i32
      %mul3A_1042 = arith.muli %add3A_959, %mul3A_1041 : i32
      %add3A_1043 = arith.constant 0 : i32
      %add3A_1044 = arith.addi %mul3A_1042, %add3A_1043 : i32
      %get3A_1045 = arith.index_cast %add3A_1044 : i32 to index
      %get3A_1046 = tpu.vector_load %arg12[%get3A_1045] {strides = array<i32>} : memref<8192xf32, #tpu.memory_space<vmem>>, vector<16xf32>,
      %broadcast_in_dim3A_1047 = arith.constant -3.000000e+38 : f32
      %broadcast_in_dim3A_1048 = vector.broadcast %broadcast_in_dim3A_1047 : f32 to vector<16xf32>
      %gather3A_1049 = tpu.vector_load_idx %arg14[%add3A_974, %add3A_1040] : memref<512x128xf32, #tpu.memory_space<vmem>>[vector<16xi32>, vector<16xi32>], vector<16xf32>,
      %add3A_1050 = arith.addf %gather3A_1049, %get3A_1046 : vector<16xf32>
      %slice3A_1051 = vector.extract_strided_slice %get3A_963 {offsets = [0], sizes = [1], strides = [1]} : vector<16xf32> to vector<1xf32>
      %squeeze3A_1052 = vector.extract %slice3A_1051[0] : f32 from vector<1xf32>
      %mul3A_1053 = vector.broadcast %squeeze3A_1052 : f32 to vector<16xf32>
      %mul3A_1054 = arith.mulf %add3A_1050, %mul3A_1053 : vector<16xf32>
      %max3A_1055 = arith.maximumf %broadcast_in_dim3A_1048, %mul3A_1054 : vector<16xf32>
      %gather3A_1056 = tpu.vector_load_idx %arg14[%add3A_981, %add3A_1040] : memref<512x128xf32, #tpu.memory_space<vmem>>[vector<16xi32>, vector<16xi32>], vector<16xf32>,
      %add3A_1057 = arith.addf %gather3A_1056, %get3A_1046 : vector<16xf32>
      %slice3A_1058 = vector.extract_strided_slice %get3A_963 {offsets = [1], sizes = [1], strides = [1]} : vector<16xf32> to vector<1xf32>
      %squeeze3A_1059 = vector.extract %slice3A_1058[0] : f32 from vector<1xf32>
      %mul3A_1060 = vector.broadcast %squeeze3A_1059 : f32 to vector<16xf32>
      %mul3A_1061 = arith.mulf %add3A_1057, %mul3A_1060 : vector<16xf32>
      %max3A_1062 = arith.maximumf %max3A_1055, %mul3A_1061 : vector<16xf32>
      %gather3A_1063 = tpu.vector_load_idx %arg14[%add3A_988, %add3A_1040] : memref<512x128xf32, #tpu.memory_space<vmem>>[vector<16xi32>, vector<16xi32>], vector<16xf32>,
      %add3A_1064 = arith.addf %gather3A_1063, %get3A_1046 : vector<16xf32>
      %slice3A_1065 = vector.extract_strided_slice %get3A_963 {offsets = [2], sizes = [1], strides = [1]} : vector<16xf32> to vector<1xf32>
      %squeeze3A_1066 = vector.extract %slice3A_1065[0] : f32 from vector<1xf32>
      %mul3A_1067 = vector.broadcast %squeeze3A_1066 : f32 to vector<16xf32>
      %mul3A_1068 = arith.mulf %add3A_1064, %mul3A_1067 : vector<16xf32>
      %max3A_1069 = arith.maximumf %max3A_1062, %mul3A_1068 : vector<16xf32>
      %gather3A_1070 = tpu.vector_load_idx %arg14[%add3A_995, %add3A_1040] : memref<512x128xf32, #tpu.memory_space<vmem>>[vector<16xi32>, vector<16xi32>], vector<16xf32>,
      %add3A_1071 = arith.addf %gather3A_1070, %get3A_1046 : vector<16xf32>
      %slice3A_1072 = vector.extract_strided_slice %get3A_963 {offsets = [3], sizes = [1], strides = [1]} : vector<16xf32> to vector<1xf32>
      %squeeze3A_1073 = vector.extract %slice3A_1072[0] : f32 from vector<1xf32>
      %mul3A_1074 = vector.broadcast %squeeze3A_1073 : f32 to vector<16xf32>
      %mul3A_1075 = arith.mulf %add3A_1071, %mul3A_1074 : vector<16xf32>
      %max3A_1076 = arith.maximumf %max3A_1069, %mul3A_1075 : vector<16xf32>
      %gather3A_1077 = tpu.vector_load_idx %arg14[%add3A_1002, %add3A_1040] : memref<512x128xf32, #tpu.memory_space<vmem>>[vector<16xi32>, vector<16xi32>], vector<16xf32>,
      %add3A_1078 = arith.addf %gather3A_1077, %get3A_1046 : vector<16xf32>
      %slice3A_1079 = vector.extract_strided_slice %get3A_963 {offsets = [4], sizes = [1], strides = [1]} : vector<16xf32> to vector<1xf32>
      %squeeze3A_1080 = vector.extract %slice3A_1079[0] : f32 from vector<1xf32>
      %mul3A_1081 = vector.broadcast %squeeze3A_1080 : f32 to vector<16xf32>
      %mul3A_1082 = arith.mulf %add3A_1078, %mul3A_1081 : vector<16xf32>
      %max3A_1083 = arith.maximumf %max3A_1076, %mul3A_1082 : vector<16xf32>
      %gather3A_1084 = tpu.vector_load_idx %arg14[%add3A_1009, %add3A_1040] : memref<512x128xf32, #tpu.memory_space<vmem>>[vector<16xi32>, vector<16xi32>], vector<16xf32>,
      %add3A_1085 = arith.addf %gather3A_1084, %get3A_1046 : vector<16xf32>
      %slice3A_1086 = vector.extract_strided_slice %get3A_963 {offsets = [5], sizes = [1], strides = [1]} : vector<16xf32> to vector<1xf32>
      %squeeze3A_1087 = vector.extract %slice3A_1086[0] : f32 from vector<1xf32>
      %mul3A_1088 = vector.broadcast %squeeze3A_1087 : f32 to vector<16xf32>
      %mul3A_1089 = arith.mulf %add3A_1085, %mul3A_1088 : vector<16xf32>
      %max3A_1090 = arith.maximumf %max3A_1083, %mul3A_1089 : vector<16xf32>
      %gather3A_1091 = tpu.vector_load_idx %arg14[%add3A_1016, %add3A_1040] : memref<512x128xf32, #tpu.memory_space<vmem>>[vector<16xi32>, vector<16xi32>], vector<16xf32>,
      %add3A_1092 = arith.addf %gather3A_1091, %get3A_1046 : vector<16xf32>
      %slice3A_1093 = vector.extract_strided_slice %get3A_963 {offsets = [6], sizes = [1], strides = [1]} : vector<16xf32> to vector<1xf32>
      %squeeze3A_1094 = vector.extract %slice3A_1093[0] : f32 from vector<1xf32>
      %mul3A_1095 = vector.broadcast %squeeze3A_1094 : f32 to vector<16xf32>
      %mul3A_1096 = arith.mulf %add3A_1092, %mul3A_1095 : vector<16xf32>
      %max3A_1097 = arith.maximumf %max3A_1090, %mul3A_1096 : vector<16xf32>
      %gather3A_1098 = tpu.vector_load_idx %arg14[%add3A_1023, %add3A_1040] : memref<512x128xf32, #tpu.memory_space<vmem>>[vector<16xi32>, vector<16xi32>], vector<16xf32>,
      %add3A_1099 = arith.addf %gather3A_1098, %get3A_1046 : vector<16xf32>
      %slice3A_1100 = vector.extract_strided_slice %get3A_963 {offsets = [7], sizes = [1], strides = [1]} : vector<16xf32> to vector<1xf32>
      %squeeze3A_1101 = vector.extract %slice3A_1100[0] : f32 from vector<1xf32>
      %mul3A_1102 = vector.broadcast %squeeze3A_1101 : f32 to vector<16xf32>
      %mul3A_1103 = arith.mulf %add3A_1099, %mul3A_1102 : vector<16xf32>
      %max3A_1104 = arith.maximumf %max3A_1097, %mul3A_1103 : vector<16xf32>
      %gather3A_1105 = tpu.vector_load_idx %arg14[%add3A_1030, %add3A_1040] : memref<512x128xf32, #tpu.memory_space<vmem>>[vector<16xi32>, vector<16xi32>], vector<16xf32>,
      %add3A_1106 = arith.addf %gather3A_1105, %get3A_1046 : vector<16xf32>
      %slice3A_1107 = vector.extract_strided_slice %get3A_963 {offsets = [8], sizes = [1], strides = [1]} : vector<16xf32> to vector<1xf32>
      %squeeze3A_1108 = vector.extract %slice3A_1107[0] : f32 from vector<1xf32>
      %mul3A_1109 = vector.broadcast %squeeze3A_1108 : f32 to vector<16xf32>
      %mul3A_1110 = arith.mulf %add3A_1106, %mul3A_1109 : vector<16xf32>
      %max3A_1111 = arith.maximumf %max3A_1104, %mul3A_1110 : vector<16xf32>
      %gather3A_1112 = tpu.vector_load_idx %arg14[%add3A_1037, %add3A_1040] : memref<512x128xf32, #tpu.memory_space<vmem>>[vector<16xi32>, vector<16xi32>], vector<16xf32>,
      %add3A_1113 = arith.addf %gather3A_1112, %get3A_1046 : vector<16xf32>
      %slice3A_1114 = vector.extract_strided_slice %get3A_963 {offsets = [9], sizes = [1], strides = [1]} : vector<16xf32> to vector<1xf32>
      %squeeze3A_1115 = vector.extract %slice3A_1114[0] : f32 from vector<1xf32>
      %mul3A_1116 = vector.broadcast %squeeze3A_1115 : f32 to vector<16xf32>
      %mul3A_1117 = arith.mulf %add3A_1113, %mul3A_1116 : vector<16xf32>
      %max3A_1118 = arith.maximumf %max3A_1111, %mul3A_1117 : vector<16xf32>
      %mul3A_1119 = arith.constant 128 : i32
      %mul3A_1120 = arith.muli %add3A_959, %mul3A_1119 : i32
      %add3A_1121 = arith.constant 0 : i32
      %add3A_1122 = arith.addi %mul3A_1120, %add3A_1121 : i32
      %get3A_1123 = arith.index_cast %add3A_1122 : i32 to index
      %get3A_1124 = tpu.vector_load %arg13[%get3A_1123] {strides = array<i32>} : memref<8192xf32, #tpu.memory_space<vmem>>, vector<16xf32>,
      %add3A_1125 = arith.addf %max3A_1118, %get3A_1124 : vector<16xf32>
      %max3A_1126 = arith.constant 0.000000e+00 : f32
      %max3A_1127 = vector.broadcast %max3A_1126 : f32 to vector<16xf32>
      %max3A_1128 = arith.maximumf %add3A_1125, %max3A_1127 : vector<16xf32>
      %add3A_1129 = arith.constant 16 : i32
      %add3A_1130 = vector.broadcast %add3A_1129 : i32 to vector<16xi32>
      %add3A_1131 = arith.addi %iota3A, %add3A_1130 : vector<16xi32>
      %mul3A_1132 = arith.constant 128 : i32
      %mul3A_1133 = arith.muli %add3A_959, %mul3A_1132 : i32
      %add3A_1134 = arith.constant 16 : i32
      %add3A_1135 = arith.addi %mul3A_1133, %add3A_1134 : i32
      %get3A_1136 = arith.index_cast %add3A_1135 : i32 to index
      %get3A_1137 = tpu.vector_load %arg12[%get3A_1136] {strides = array<i32>} : memref<8192xf32, #tpu.memory_space<vmem>>, vector<16xf32>,
      %broadcast_in_dim3A_1138 = arith.constant -3.000000e+38 : f32
      %broadcast_in_dim3A_1139 = vector.broadcast %broadcast_in_dim3A_1138 : f32 to vector<16xf32>
      %gather3A_1140 = tpu.vector_load_idx %arg14[%add3A_974, %add3A_1131] : memref<512x128xf32, #tpu.memory_space<vmem>>[vector<16xi32>, vector<16xi32>], vector<16xf32>,
      %add3A_1141 = arith.addf %gather3A_1140, %get3A_1137 : vector<16xf32>
      %slice3A_1142 = vector.extract_strided_slice %get3A_963 {offsets = [0], sizes = [1], strides = [1]} : vector<16xf32> to vector<1xf32>
      %squeeze3A_1143 = vector.extract %slice3A_1142[0] : f32 from vector<1xf32>
      %mul3A_1144 = vector.broadcast %squeeze3A_1143 : f32 to vector<16xf32>
      %mul3A_1145 = arith.mulf %add3A_1141, %mul3A_1144 : vector<16xf32>
      %max3A_1146 = arith.maximumf %broadcast_in_dim3A_1139, %mul3A_1145 : vector<16xf32>
      %gather3A_1147 = tpu.vector_load_idx %arg14[%add3A_981, %add3A_1131] : memref<512x128xf32, #tpu.memory_space<vmem>>[vector<16xi32>, vector<16xi32>], vector<16xf32>,
      %add3A_1148 = arith.addf %gather3A_1147, %get3A_1137 : vector<16xf32>
      %slice3A_1149 = vector.extract_strided_slice %get3A_963 {offsets = [1], sizes = [1], strides = [1]} : vector<16xf32> to vector<1xf32>
      %squeeze3A_1150 = vector.extract %slice3A_1149[0] : f32 from vector<1xf32>
      %mul3A_1151 = vector.broadcast %squeeze3A_1150 : f32 to vector<16xf32>
      %mul3A_1152 = arith.mulf %add3A_1148, %mul3A_1151 : vector<16xf32>
      %max3A_1153 = arith.maximumf %max3A_1146, %mul3A_1152 : vector<16xf32>
      %gather3A_1154 = tpu.vector_load_idx %arg14[%add3A_988, %add3A_1131] : memref<512x128xf32, #tpu.memory_space<vmem>>[vector<16xi32>, vector<16xi32>], vector<16xf32>,
      %add3A_1155 = arith.addf %gather3A_1154, %get3A_1137 : vector<16xf32>
      %slice3A_1156 = vector.extract_strided_slice %get3A_963 {offsets = [2], sizes = [1], strides = [1]} : vector<16xf32> to vector<1xf32>
      %squeeze3A_1157 = vector.extract %slice3A_1156[0] : f32 from vector<1xf32>
      %mul3A_1158 = vector.broadcast %squeeze3A_1157 : f32 to vector<16xf32>
      %mul3A_1159 = arith.mulf %add3A_1155, %mul3A_1158 : vector<16xf32>
      %max3A_1160 = arith.maximumf %max3A_1153, %mul3A_1159 : vector<16xf32>
      %gather3A_1161 = tpu.vector_load_idx %arg14[%add3A_995, %add3A_1131] : memref<512x128xf32, #tpu.memory_space<vmem>>[vector<16xi32>, vector<16xi32>], vector<16xf32>,
      %add3A_1162 = arith.addf %gather3A_1161, %get3A_1137 : vector<16xf32>
      %slice3A_1163 = vector.extract_strided_slice %get3A_963 {offsets = [3], sizes = [1], strides = [1]} : vector<16xf32> to vector<1xf32>
      %squeeze3A_1164 = vector.extract %slice3A_1163[0] : f32 from vector<1xf32>
      %mul3A_1165 = vector.broadcast %squeeze3A_1164 : f32 to vector<16xf32>
      %mul3A_1166 = arith.mulf %add3A_1162, %mul3A_1165 : vector<16xf32>
      %max3A_1167 = arith.maximumf %max3A_1160, %mul3A_1166 : vector<16xf32>
      %gather3A_1168 = tpu.vector_load_idx %arg14[%add3A_1002, %add3A_1131] : memref<512x128xf32, #tpu.memory_space<vmem>>[vector<16xi32>, vector<16xi32>], vector<16xf32>,
      %add3A_1169 = arith.addf %gather3A_1168, %get3A_1137 : vector<16xf32>
      %slice3A_1170 = vector.extract_strided_slice %get3A_963 {offsets = [4], sizes = [1], strides = [1]} : vector<16xf32> to vector<1xf32>
      %squeeze3A_1171 = vector.extract %slice3A_1170[0] : f32 from vector<1xf32>
      %mul3A_1172 = vector.broadcast %squeeze3A_1171 : f32 to vector<16xf32>
      %mul3A_1173 = arith.mulf %add3A_1169, %mul3A_1172 : vector<16xf32>
      %max3A_1174 = arith.maximumf %max3A_1167, %mul3A_1173 : vector<16xf32>
      %gather3A_1175 = tpu.vector_load_idx %arg14[%add3A_1009, %add3A_1131] : memref<512x128xf32, #tpu.memory_space<vmem>>[vector<16xi32>, vector<16xi32>], vector<16xf32>,
      %add3A_1176 = arith.addf %gather3A_1175, %get3A_1137 : vector<16xf32>
      %slice3A_1177 = vector.extract_strided_slice %get3A_963 {offsets = [5], sizes = [1], strides = [1]} : vector<16xf32> to vector<1xf32>
      %squeeze3A_1178 = vector.extract %slice3A_1177[0] : f32 from vector<1xf32>
      %mul3A_1179 = vector.broadcast %squeeze3A_1178 : f32 to vector<16xf32>
      %mul3A_1180 = arith.mulf %add3A_1176, %mul3A_1179 : vector<16xf32>
      %max3A_1181 = arith.maximumf %max3A_1174, %mul3A_1180 : vector<16xf32>
      %gather3A_1182 = tpu.vector_load_idx %arg14[%add3A_1016, %add3A_1131] : memref<512x128xf32, #tpu.memory_space<vmem>>[vector<16xi32>, vector<16xi32>], vector<16xf32>,
      %add3A_1183 = arith.addf %gather3A_1182, %get3A_1137 : vector<16xf32>
      %slice3A_1184 = vector.extract_strided_slice %get3A_963 {offsets = [6], sizes = [1], strides = [1]} : vector<16xf32> to vector<1xf32>
      %squeeze3A_1185 = vector.extract %slice3A_1184[0] : f32 from vector<1xf32>
      %mul3A_1186 = vector.broadcast %squeeze3A_1185 : f32 to vector<16xf32>
      %mul3A_1187 = arith.mulf %add3A_1183, %mul3A_1186 : vector<16xf32>
      %max3A_1188 = arith.maximumf %max3A_1181, %mul3A_1187 : vector<16xf32>
      %gather3A_1189 = tpu.vector_load_idx %arg14[%add3A_1023, %add3A_1131] : memref<512x128xf32, #tpu.memory_space<vmem>>[vector<16xi32>, vector<16xi32>], vector<16xf32>,
      %add3A_1190 = arith.addf %gather3A_1189, %get3A_1137 : vector<16xf32>
      %slice3A_1191 = vector.extract_strided_slice %get3A_963 {offsets = [7], sizes = [1], strides = [1]} : vector<16xf32> to vector<1xf32>
      %squeeze3A_1192 = vector.extract %slice3A_1191[0] : f32 from vector<1xf32>
      %mul3A_1193 = vector.broadcast %squeeze3A_1192 : f32 to vector<16xf32>
      %mul3A_1194 = arith.mulf %add3A_1190, %mul3A_1193 : vector<16xf32>
      %max3A_1195 = arith.maximumf %max3A_1188, %mul3A_1194 : vector<16xf32>
      %gather3A_1196 = tpu.vector_load_idx %arg14[%add3A_1030, %add3A_1131] : memref<512x128xf32, #tpu.memory_space<vmem>>[vector<16xi32>, vector<16xi32>], vector<16xf32>,
      %add3A_1197 = arith.addf %gather3A_1196, %get3A_1137 : vector<16xf32>
      %slice3A_1198 = vector.extract_strided_slice %get3A_963 {offsets = [8], sizes = [1], strides = [1]} : vector<16xf32> to vector<1xf32>
      %squeeze3A_1199 = vector.extract %slice3A_1198[0] : f32 from vector<1xf32>
      %mul3A_1200 = vector.broadcast %squeeze3A_1199 : f32 to vector<16xf32>
      %mul3A_1201 = arith.mulf %add3A_1197, %mul3A_1200 : vector<16xf32>
      %max3A_1202 = arith.maximumf %max3A_1195, %mul3A_1201 : vector<16xf32>
      %gather3A_1203 = tpu.vector_load_idx %arg14[%add3A_1037, %add3A_1131] : memref<512x128xf32, #tpu.memory_space<vmem>>[vector<16xi32>, vector<16xi32>], vector<16xf32>,
      %add3A_1204 = arith.addf %gather3A_1203, %get3A_1137 : vector<16xf32>
      %slice3A_1205 = vector.extract_strided_slice %get3A_963 {offsets = [9], sizes = [1], strides = [1]} : vector<16xf32> to vector<1xf32>
      %squeeze3A_1206 = vector.extract %slice3A_1205[0] : f32 from vector<1xf32>
      %mul3A_1207 = vector.broadcast %squeeze3A_1206 : f32 to vector<16xf32>
      %mul3A_1208 = arith.mulf %add3A_1204, %mul3A_1207 : vector<16xf32>
      %max3A_1209 = arith.maximumf %max3A_1202, %mul3A_1208 : vector<16xf32>
      %mul3A_1210 = arith.constant 128 : i32
      %mul3A_1211 = arith.muli %add3A_959, %mul3A_1210 : i32
      %add3A_1212 = arith.constant 16 : i32
      %add3A_1213 = arith.addi %mul3A_1211, %add3A_1212 : i32
      %get3A_1214 = arith.index_cast %add3A_1213 : i32 to index
      %get3A_1215 = tpu.vector_load %arg13[%get3A_1214] {strides = array<i32>} : memref<8192xf32, #tpu.memory_space<vmem>>, vector<16xf32>,
      %add3A_1216 = arith.addf %max3A_1209, %get3A_1215 : vector<16xf32>
      %max3A_1217 = arith.constant 0.000000e+00 : f32
      %max3A_1218 = vector.broadcast %max3A_1217 : f32 to vector<16xf32>
      %max3A_1219 = arith.maximumf %add3A_1216, %max3A_1218 : vector<16xf32>
      %add3A_1220 = arith.constant 32 : i32
      %add3A_1221 = vector.broadcast %add3A_1220 : i32 to vector<16xi32>
      %add3A_1222 = arith.addi %iota3A, %add3A_1221 : vector<16xi32>
      %mul3A_1223 = arith.constant 128 : i32
      %mul3A_1224 = arith.muli %add3A_959, %mul3A_1223 : i32
      %add3A_1225 = arith.constant 32 : i32
      %add3A_1226 = arith.addi %mul3A_1224, %add3A_1225 : i32
      %get3A_1227 = arith.index_cast %add3A_1226 : i32 to index
      %get3A_1228 = tpu.vector_load %arg12[%get3A_1227] {strides = array<i32>} : memref<8192xf32, #tpu.memory_space<vmem>>, vector<16xf32>,
      %broadcast_in_dim3A_1229 = arith.constant -3.000000e+38 : f32
      %broadcast_in_dim3A_1230 = vector.broadcast %broadcast_in_dim3A_1229 : f32 to vector<16xf32>
      %gather3A_1231 = tpu.vector_load_idx %arg14[%add3A_974, %add3A_1222] : memref<512x128xf32, #tpu.memory_space<vmem>>[vector<16xi32>, vector<16xi32>], vector<16xf32>,
      %add3A_1232 = arith.addf %gather3A_1231, %get3A_1228 : vector<16xf32>
      %slice3A_1233 = vector.extract_strided_slice %get3A_963 {offsets = [0], sizes = [1], strides = [1]} : vector<16xf32> to vector<1xf32>
      %squeeze3A_1234 = vector.extract %slice3A_1233[0] : f32 from vector<1xf32>
      %mul3A_1235 = vector.broadcast %squeeze3A_1234 : f32 to vector<16xf32>
      %mul3A_1236 = arith.mulf %add3A_1232, %mul3A_1235 : vector<16xf32>
      %max3A_1237 = arith.maximumf %broadcast_in_dim3A_1230, %mul3A_1236 : vector<16xf32>
      %gather3A_1238 = tpu.vector_load_idx %arg14[%add3A_981, %add3A_1222] : memref<512x128xf32, #tpu.memory_space<vmem>>[vector<16xi32>, vector<16xi32>], vector<16xf32>,
      %add3A_1239 = arith.addf %gather3A_1238, %get3A_1228 : vector<16xf32>
      %slice3A_1240 = vector.extract_strided_slice %get3A_963 {offsets = [1], sizes = [1], strides = [1]} : vector<16xf32> to vector<1xf32>
      %squeeze3A_1241 = vector.extract %slice3A_1240[0] : f32 from vector<1xf32>
      %mul3A_1242 = vector.broadcast %squeeze3A_1241 : f32 to vector<16xf32>
      %mul3A_1243 = arith.mulf %add3A_1239, %mul3A_1242 : vector<16xf32>
      %max3A_1244 = arith.maximumf %max3A_1237, %mul3A_1243 : vector<16xf32>
      %gather3A_1245 = tpu.vector_load_idx %arg14[%add3A_988, %add3A_1222] : memref<512x128xf32, #tpu.memory_space<vmem>>[vector<16xi32>, vector<16xi32>], vector<16xf32>,
      %add3A_1246 = arith.addf %gather3A_1245, %get3A_1228 : vector<16xf32>
      %slice3A_1247 = vector.extract_strided_slice %get3A_963 {offsets = [2], sizes = [1], strides = [1]} : vector<16xf32> to vector<1xf32>
      %squeeze3A_1248 = vector.extract %slice3A_1247[0] : f32 from vector<1xf32>
      %mul3A_1249 = vector.broadcast %squeeze3A_1248 : f32 to vector<16xf32>
      %mul3A_1250 = arith.mulf %add3A_1246, %mul3A_1249 : vector<16xf32>
      %max3A_1251 = arith.maximumf %max3A_1244, %mul3A_1250 : vector<16xf32>
      %gather3A_1252 = tpu.vector_load_idx %arg14[%add3A_995, %add3A_1222] : memref<512x128xf32, #tpu.memory_space<vmem>>[vector<16xi32>, vector<16xi32>], vector<16xf32>,
      %add3A_1253 = arith.addf %gather3A_1252, %get3A_1228 : vector<16xf32>
      %slice3A_1254 = vector.extract_strided_slice %get3A_963 {offsets = [3], sizes = [1], strides = [1]} : vector<16xf32> to vector<1xf32>
      %squeeze3A_1255 = vector.extract %slice3A_1254[0] : f32 from vector<1xf32>
      %mul3A_1256 = vector.broadcast %squeeze3A_1255 : f32 to vector<16xf32>
      %mul3A_1257 = arith.mulf %add3A_1253, %mul3A_1256 : vector<16xf32>
      %max3A_1258 = arith.maximumf %max3A_1251, %mul3A_1257 : vector<16xf32>
      %gather3A_1259 = tpu.vector_load_idx %arg14[%add3A_1002, %add3A_1222] : memref<512x128xf32, #tpu.memory_space<vmem>>[vector<16xi32>, vector<16xi32>], vector<16xf32>,
      %add3A_1260 = arith.addf %gather3A_1259, %get3A_1228 : vector<16xf32>
      %slice3A_1261 = vector.extract_strided_slice %get3A_963 {offsets = [4], sizes = [1], strides = [1]} : vector<16xf32> to vector<1xf32>
      %squeeze3A_1262 = vector.extract %slice3A_1261[0] : f32 from vector<1xf32>
      %mul3A_1263 = vector.broadcast %squeeze3A_1262 : f32 to vector<16xf32>
      %mul3A_1264 = arith.mulf %add3A_1260, %mul3A_1263 : vector<16xf32>
      %max3A_1265 = arith.maximumf %max3A_1258, %mul3A_1264 : vector<16xf32>
      %gather3A_1266 = tpu.vector_load_idx %arg14[%add3A_1009, %add3A_1222] : memref<512x128xf32, #tpu.memory_space<vmem>>[vector<16xi32>, vector<16xi32>], vector<16xf32>,
      %add3A_1267 = arith.addf %gather3A_1266, %get3A_1228 : vector<16xf32>
      %slice3A_1268 = vector.extract_strided_slice %get3A_963 {offsets = [5], sizes = [1], strides = [1]} : vector<16xf32> to vector<1xf32>
      %squeeze3A_1269 = vector.extract %slice3A_1268[0] : f32 from vector<1xf32>
      %mul3A_1270 = vector.broadcast %squeeze3A_1269 : f32 to vector<16xf32>
      %mul3A_1271 = arith.mulf %add3A_1267, %mul3A_1270 : vector<16xf32>
      %max3A_1272 = arith.maximumf %max3A_1265, %mul3A_1271 : vector<16xf32>
      %gather3A_1273 = tpu.vector_load_idx %arg14[%add3A_1016, %add3A_1222] : memref<512x128xf32, #tpu.memory_space<vmem>>[vector<16xi32>, vector<16xi32>], vector<16xf32>,
      %add3A_1274 = arith.addf %gather3A_1273, %get3A_1228 : vector<16xf32>
      %slice3A_1275 = vector.extract_strided_slice %get3A_963 {offsets = [6], sizes = [1], strides = [1]} : vector<16xf32> to vector<1xf32>
      %squeeze3A_1276 = vector.extract %slice3A_1275[0] : f32 from vector<1xf32>
      %mul3A_1277 = vector.broadcast %squeeze3A_1276 : f32 to vector<16xf32>
      %mul3A_1278 = arith.mulf %add3A_1274, %mul3A_1277 : vector<16xf32>
      %max3A_1279 = arith.maximumf %max3A_1272, %mul3A_1278 : vector<16xf32>
      %gather3A_1280 = tpu.vector_load_idx %arg14[%add3A_1023, %add3A_1222] : memref<512x128xf32, #tpu.memory_space<vmem>>[vector<16xi32>, vector<16xi32>], vector<16xf32>,
      %add3A_1281 = arith.addf %gather3A_1280, %get3A_1228 : vector<16xf32>
      %slice3A_1282 = vector.extract_strided_slice %get3A_963 {offsets = [7], sizes = [1], strides = [1]} : vector<16xf32> to vector<1xf32>
      %squeeze3A_1283 = vector.extract %slice3A_1282[0] : f32 from vector<1xf32>
      %mul3A_1284 = vector.broadcast %squeeze3A_1283 : f32 to vector<16xf32>
      %mul3A_1285 = arith.mulf %add3A_1281, %mul3A_1284 : vector<16xf32>
      %max3A_1286 = arith.maximumf %max3A_1279, %mul3A_1285 : vector<16xf32>
      %gather3A_1287 = tpu.vector_load_idx %arg14[%add3A_1030, %add3A_1222] : memref<512x128xf32, #tpu.memory_space<vmem>>[vector<16xi32>, vector<16xi32>], vector<16xf32>,
      %add3A_1288 = arith.addf %gather3A_1287, %get3A_1228 : vector<16xf32>
      %slice3A_1289 = vector.extract_strided_slice %get3A_963 {offsets = [8], sizes = [1], strides = [1]} : vector<16xf32> to vector<1xf32>
      %squeeze3A_1290 = vector.extract %slice3A_1289[0] : f32 from vector<1xf32>
      %mul3A_1291 = vector.broadcast %squeeze3A_1290 : f32 to vector<16xf32>
      %mul3A_1292 = arith.mulf %add3A_1288, %mul3A_1291 : vector<16xf32>
      %max3A_1293 = arith.maximumf %max3A_1286, %mul3A_1292 : vector<16xf32>
      %gather3A_1294 = tpu.vector_load_idx %arg14[%add3A_1037, %add3A_1222] : memref<512x128xf32, #tpu.memory_space<vmem>>[vector<16xi32>, vector<16xi32>], vector<16xf32>,
      %add3A_1295 = arith.addf %gather3A_1294, %get3A_1228 : vector<16xf32>
      %slice3A_1296 = vector.extract_strided_slice %get3A_963 {offsets = [9], sizes = [1], strides = [1]} : vector<16xf32> to vector<1xf32>
      %squeeze3A_1297 = vector.extract %slice3A_1296[0] : f32 from vector<1xf32>
      %mul3A_1298 = vector.broadcast %squeeze3A_1297 : f32 to vector<16xf32>
      %mul3A_1299 = arith.mulf %add3A_1295, %mul3A_1298 : vector<16xf32>
      %max3A_1300 = arith.maximumf %max3A_1293, %mul3A_1299 : vector<16xf32>
      %mul3A_1301 = arith.constant 128 : i32
      %mul3A_1302 = arith.muli %add3A_959, %mul3A_1301 : i32
      %add3A_1303 = arith.constant 32 : i32
      %add3A_1304 = arith.addi %mul3A_1302, %add3A_1303 : i32
      %get3A_1305 = arith.index_cast %add3A_1304 : i32 to index
      %get3A_1306 = tpu.vector_load %arg13[%get3A_1305] {strides = array<i32>} : memref<8192xf32, #tpu.memory_space<vmem>>, vector<16xf32>,
      %add3A_1307 = arith.addf %max3A_1300, %get3A_1306 : vector<16xf32>
      %max3A_1308 = arith.constant 0.000000e+00 : f32
      %max3A_1309 = vector.broadcast %max3A_1308 : f32 to vector<16xf32>
      %max3A_1310 = arith.maximumf %add3A_1307, %max3A_1309 : vector<16xf32>
      %add3A_1311 = arith.constant 48 : i32
      %add3A_1312 = vector.broadcast %add3A_1311 : i32 to vector<16xi32>
      %add3A_1313 = arith.addi %iota3A, %add3A_1312 : vector<16xi32>
      %mul3A_1314 = arith.constant 128 : i32
      %mul3A_1315 = arith.muli %add3A_959, %mul3A_1314 : i32
      %add3A_1316 = arith.constant 48 : i32
      %add3A_1317 = arith.addi %mul3A_1315, %add3A_1316 : i32
      %get3A_1318 = arith.index_cast %add3A_1317 : i32 to index
      %get3A_1319 = tpu.vector_load %arg12[%get3A_1318] {strides = array<i32>} : memref<8192xf32, #tpu.memory_space<vmem>>, vector<16xf32>,
      %broadcast_in_dim3A_1320 = arith.constant -3.000000e+38 : f32
      %broadcast_in_dim3A_1321 = vector.broadcast %broadcast_in_dim3A_1320 : f32 to vector<16xf32>
      %gather3A_1322 = tpu.vector_load_idx %arg14[%add3A_974, %add3A_1313] : memref<512x128xf32, #tpu.memory_space<vmem>>[vector<16xi32>, vector<16xi32>], vector<16xf32>,
      %add3A_1323 = arith.addf %gather3A_1322, %get3A_1319 : vector<16xf32>
      %slice3A_1324 = vector.extract_strided_slice %get3A_963 {offsets = [0], sizes = [1], strides = [1]} : vector<16xf32> to vector<1xf32>
      %squeeze3A_1325 = vector.extract %slice3A_1324[0] : f32 from vector<1xf32>
      %mul3A_1326 = vector.broadcast %squeeze3A_1325 : f32 to vector<16xf32>
      %mul3A_1327 = arith.mulf %add3A_1323, %mul3A_1326 : vector<16xf32>
      %max3A_1328 = arith.maximumf %broadcast_in_dim3A_1321, %mul3A_1327 : vector<16xf32>
      %gather3A_1329 = tpu.vector_load_idx %arg14[%add3A_981, %add3A_1313] : memref<512x128xf32, #tpu.memory_space<vmem>>[vector<16xi32>, vector<16xi32>], vector<16xf32>,
      %add3A_1330 = arith.addf %gather3A_1329, %get3A_1319 : vector<16xf32>
      %slice3A_1331 = vector.extract_strided_slice %get3A_963 {offsets = [1], sizes = [1], strides = [1]} : vector<16xf32> to vector<1xf32>
      %squeeze3A_1332 = vector.extract %slice3A_1331[0] : f32 from vector<1xf32>
      %mul3A_1333 = vector.broadcast %squeeze3A_1332 : f32 to vector<16xf32>
      %mul3A_1334 = arith.mulf %add3A_1330, %mul3A_1333 : vector<16xf32>
      %max3A_1335 = arith.maximumf %max3A_1328, %mul3A_1334 : vector<16xf32>
      %gather3A_1336 = tpu.vector_load_idx %arg14[%add3A_988, %add3A_1313] : memref<512x128xf32, #tpu.memory_space<vmem>>[vector<16xi32>, vector<16xi32>], vector<16xf32>,
      %add3A_1337 = arith.addf %gather3A_1336, %get3A_1319 : vector<16xf32>
      %slice3A_1338 = vector.extract_strided_slice %get3A_963 {offsets = [2], sizes = [1], strides = [1]} : vector<16xf32> to vector<1xf32>
      %squeeze3A_1339 = vector.extract %slice3A_1338[0] : f32 from vector<1xf32>
      %mul3A_1340 = vector.broadcast %squeeze3A_1339 : f32 to vector<16xf32>
      %mul3A_1341 = arith.mulf %add3A_1337, %mul3A_1340 : vector<16xf32>
      %max3A_1342 = arith.maximumf %max3A_1335, %mul3A_1341 : vector<16xf32>
      %gather3A_1343 = tpu.vector_load_idx %arg14[%add3A_995, %add3A_1313] : memref<512x128xf32, #tpu.memory_space<vmem>>[vector<16xi32>, vector<16xi32>], vector<16xf32>,
      %add3A_1344 = arith.addf %gather3A_1343, %get3A_1319 : vector<16xf32>
      %slice3A_1345 = vector.extract_strided_slice %get3A_963 {offsets = [3], sizes = [1], strides = [1]} : vector<16xf32> to vector<1xf32>
      %squeeze3A_1346 = vector.extract %slice3A_1345[0] : f32 from vector<1xf32>
      %mul3A_1347 = vector.broadcast %squeeze3A_1346 : f32 to vector<16xf32>
      %mul3A_1348 = arith.mulf %add3A_1344, %mul3A_1347 : vector<16xf32>
      %max3A_1349 = arith.maximumf %max3A_1342, %mul3A_1348 : vector<16xf32>
      %gather3A_1350 = tpu.vector_load_idx %arg14[%add3A_1002, %add3A_1313] : memref<512x128xf32, #tpu.memory_space<vmem>>[vector<16xi32>, vector<16xi32>], vector<16xf32>,
      %add3A_1351 = arith.addf %gather3A_1350, %get3A_1319 : vector<16xf32>
      %slice3A_1352 = vector.extract_strided_slice %get3A_963 {offsets = [4], sizes = [1], strides = [1]} : vector<16xf32> to vector<1xf32>
      %squeeze3A_1353 = vector.extract %slice3A_1352[0] : f32 from vector<1xf32>
      %mul3A_1354 = vector.broadcast %squeeze3A_1353 : f32 to vector<16xf32>
      %mul3A_1355 = arith.mulf %add3A_1351, %mul3A_1354 : vector<16xf32>
      %max3A_1356 = arith.maximumf %max3A_1349, %mul3A_1355 : vector<16xf32>
      %gather3A_1357 = tpu.vector_load_idx %arg14[%add3A_1009, %add3A_1313] : memref<512x128xf32, #tpu.memory_space<vmem>>[vector<16xi32>, vector<16xi32>], vector<16xf32>,
      %add3A_1358 = arith.addf %gather3A_1357, %get3A_1319 : vector<16xf32>
      %slice3A_1359 = vector.extract_strided_slice %get3A_963 {offsets = [5], sizes = [1], strides = [1]} : vector<16xf32> to vector<1xf32>
      %squeeze3A_1360 = vector.extract %slice3A_1359[0] : f32 from vector<1xf32>
      %mul3A_1361 = vector.broadcast %squeeze3A_1360 : f32 to vector<16xf32>
      %mul3A_1362 = arith.mulf %add3A_1358, %mul3A_1361 : vector<16xf32>
      %max3A_1363 = arith.maximumf %max3A_1356, %mul3A_1362 : vector<16xf32>
      %gather3A_1364 = tpu.vector_load_idx %arg14[%add3A_1016, %add3A_1313] : memref<512x128xf32, #tpu.memory_space<vmem>>[vector<16xi32>, vector<16xi32>], vector<16xf32>,
      %add3A_1365 = arith.addf %gather3A_1364, %get3A_1319 : vector<16xf32>
      %slice3A_1366 = vector.extract_strided_slice %get3A_963 {offsets = [6], sizes = [1], strides = [1]} : vector<16xf32> to vector<1xf32>
      %squeeze3A_1367 = vector.extract %slice3A_1366[0] : f32 from vector<1xf32>
      %mul3A_1368 = vector.broadcast %squeeze3A_1367 : f32 to vector<16xf32>
      %mul3A_1369 = arith.mulf %add3A_1365, %mul3A_1368 : vector<16xf32>
      %max3A_1370 = arith.maximumf %max3A_1363, %mul3A_1369 : vector<16xf32>
      %gather3A_1371 = tpu.vector_load_idx %arg14[%add3A_1023, %add3A_1313] : memref<512x128xf32, #tpu.memory_space<vmem>>[vector<16xi32>, vector<16xi32>], vector<16xf32>,
      %add3A_1372 = arith.addf %gather3A_1371, %get3A_1319 : vector<16xf32>
      %slice3A_1373 = vector.extract_strided_slice %get3A_963 {offsets = [7], sizes = [1], strides = [1]} : vector<16xf32> to vector<1xf32>
      %squeeze3A_1374 = vector.extract %slice3A_1373[0] : f32 from vector<1xf32>
      %mul3A_1375 = vector.broadcast %squeeze3A_1374 : f32 to vector<16xf32>
      %mul3A_1376 = arith.mulf %add3A_1372, %mul3A_1375 : vector<16xf32>
      %max3A_1377 = arith.maximumf %max3A_1370, %mul3A_1376 : vector<16xf32>
      %gather3A_1378 = tpu.vector_load_idx %arg14[%add3A_1030, %add3A_1313] : memref<512x128xf32, #tpu.memory_space<vmem>>[vector<16xi32>, vector<16xi32>], vector<16xf32>,
      %add3A_1379 = arith.addf %gather3A_1378, %get3A_1319 : vector<16xf32>
      %slice3A_1380 = vector.extract_strided_slice %get3A_963 {offsets = [8], sizes = [1], strides = [1]} : vector<16xf32> to vector<1xf32>
      %squeeze3A_1381 = vector.extract %slice3A_1380[0] : f32 from vector<1xf32>
      %mul3A_1382 = vector.broadcast %squeeze3A_1381 : f32 to vector<16xf32>
      %mul3A_1383 = arith.mulf %add3A_1379, %mul3A_1382 : vector<16xf32>
      %max3A_1384 = arith.maximumf %max3A_1377, %mul3A_1383 : vector<16xf32>
      %gather3A_1385 = tpu.vector_load_idx %arg14[%add3A_1037, %add3A_1313] : memref<512x128xf32, #tpu.memory_space<vmem>>[vector<16xi32>, vector<16xi32>], vector<16xf32>,
      %add3A_1386 = arith.addf %gather3A_1385, %get3A_1319 : vector<16xf32>
      %slice3A_1387 = vector.extract_strided_slice %get3A_963 {offsets = [9], sizes = [1], strides = [1]} : vector<16xf32> to vector<1xf32>
      %squeeze3A_1388 = vector.extract %slice3A_1387[0] : f32 from vector<1xf32>
      %mul3A_1389 = vector.broadcast %squeeze3A_1388 : f32 to vector<16xf32>
      %mul3A_1390 = arith.mulf %add3A_1386, %mul3A_1389 : vector<16xf32>
      %max3A_1391 = arith.maximumf %max3A_1384, %mul3A_1390 : vector<16xf32>
      %mul3A_1392 = arith.constant 128 : i32
      %mul3A_1393 = arith.muli %add3A_959, %mul3A_1392 : i32
      %add3A_1394 = arith.constant 48 : i32
      %add3A_1395 = arith.addi %mul3A_1393, %add3A_1394 : i32
      %get3A_1396 = arith.index_cast %add3A_1395 : i32 to index
      %get3A_1397 = tpu.vector_load %arg13[%get3A_1396] {strides = array<i32>} : memref<8192xf32, #tpu.memory_space<vmem>>, vector<16xf32>,
      %add3A_1398 = arith.addf %max3A_1391, %get3A_1397 : vector<16xf32>
      %max3A_1399 = arith.constant 0.000000e+00 : f32
      %max3A_1400 = vector.broadcast %max3A_1399 : f32 to vector<16xf32>
      %max3A_1401 = arith.maximumf %add3A_1398, %max3A_1400 : vector<16xf32>
      %add3A_1402 = arith.constant 64 : i32
      %add3A_1403 = vector.broadcast %add3A_1402 : i32 to vector<16xi32>
      %add3A_1404 = arith.addi %iota3A, %add3A_1403 : vector<16xi32>
      %mul3A_1405 = arith.constant 128 : i32
      %mul3A_1406 = arith.muli %add3A_959, %mul3A_1405 : i32
      %add3A_1407 = arith.constant 64 : i32
      %add3A_1408 = arith.addi %mul3A_1406, %add3A_1407 : i32
      %get3A_1409 = arith.index_cast %add3A_1408 : i32 to index
      %get3A_1410 = tpu.vector_load %arg12[%get3A_1409] {strides = array<i32>} : memref<8192xf32, #tpu.memory_space<vmem>>, vector<16xf32>,
      %broadcast_in_dim3A_1411 = arith.constant -3.000000e+38 : f32
      %broadcast_in_dim3A_1412 = vector.broadcast %broadcast_in_dim3A_1411 : f32 to vector<16xf32>
      %gather3A_1413 = tpu.vector_load_idx %arg14[%add3A_974, %add3A_1404] : memref<512x128xf32, #tpu.memory_space<vmem>>[vector<16xi32>, vector<16xi32>], vector<16xf32>,
      %add3A_1414 = arith.addf %gather3A_1413, %get3A_1410 : vector<16xf32>
      %slice3A_1415 = vector.extract_strided_slice %get3A_963 {offsets = [0], sizes = [1], strides = [1]} : vector<16xf32> to vector<1xf32>
      %squeeze3A_1416 = vector.extract %slice3A_1415[0] : f32 from vector<1xf32>
      %mul3A_1417 = vector.broadcast %squeeze3A_1416 : f32 to vector<16xf32>
      %mul3A_1418 = arith.mulf %add3A_1414, %mul3A_1417 : vector<16xf32>
      %max3A_1419 = arith.maximumf %broadcast_in_dim3A_1412, %mul3A_1418 : vector<16xf32>
      %gather3A_1420 = tpu.vector_load_idx %arg14[%add3A_981, %add3A_1404] : memref<512x128xf32, #tpu.memory_space<vmem>>[vector<16xi32>, vector<16xi32>], vector<16xf32>,
      %add3A_1421 = arith.addf %gather3A_1420, %get3A_1410 : vector<16xf32>
      %slice3A_1422 = vector.extract_strided_slice %get3A_963 {offsets = [1], sizes = [1], strides = [1]} : vector<16xf32> to vector<1xf32>
      %squeeze3A_1423 = vector.extract %slice3A_1422[0] : f32 from vector<1xf32>
      %mul3A_1424 = vector.broadcast %squeeze3A_1423 : f32 to vector<16xf32>
      %mul3A_1425 = arith.mulf %add3A_1421, %mul3A_1424 : vector<16xf32>
      %max3A_1426 = arith.maximumf %max3A_1419, %mul3A_1425 : vector<16xf32>
      %gather3A_1427 = tpu.vector_load_idx %arg14[%add3A_988, %add3A_1404] : memref<512x128xf32, #tpu.memory_space<vmem>>[vector<16xi32>, vector<16xi32>], vector<16xf32>,
      %add3A_1428 = arith.addf %gather3A_1427, %get3A_1410 : vector<16xf32>
      %slice3A_1429 = vector.extract_strided_slice %get3A_963 {offsets = [2], sizes = [1], strides = [1]} : vector<16xf32> to vector<1xf32>
      %squeeze3A_1430 = vector.extract %slice3A_1429[0] : f32 from vector<1xf32>
      %mul3A_1431 = vector.broadcast %squeeze3A_1430 : f32 to vector<16xf32>
      %mul3A_1432 = arith.mulf %add3A_1428, %mul3A_1431 : vector<16xf32>
      %max3A_1433 = arith.maximumf %max3A_1426, %mul3A_1432 : vector<16xf32>
      %gather3A_1434 = tpu.vector_load_idx %arg14[%add3A_995, %add3A_1404] : memref<512x128xf32, #tpu.memory_space<vmem>>[vector<16xi32>, vector<16xi32>], vector<16xf32>,
      %add3A_1435 = arith.addf %gather3A_1434, %get3A_1410 : vector<16xf32>
      %slice3A_1436 = vector.extract_strided_slice %get3A_963 {offsets = [3], sizes = [1], strides = [1]} : vector<16xf32> to vector<1xf32>
      %squeeze3A_1437 = vector.extract %slice3A_1436[0] : f32 from vector<1xf32>
      %mul3A_1438 = vector.broadcast %squeeze3A_1437 : f32 to vector<16xf32>
      %mul3A_1439 = arith.mulf %add3A_1435, %mul3A_1438 : vector<16xf32>
      %max3A_1440 = arith.maximumf %max3A_1433, %mul3A_1439 : vector<16xf32>
      %gather3A_1441 = tpu.vector_load_idx %arg14[%add3A_1002, %add3A_1404] : memref<512x128xf32, #tpu.memory_space<vmem>>[vector<16xi32>, vector<16xi32>], vector<16xf32>,
      %add3A_1442 = arith.addf %gather3A_1441, %get3A_1410 : vector<16xf32>
      %slice3A_1443 = vector.extract_strided_slice %get3A_963 {offsets = [4], sizes = [1], strides = [1]} : vector<16xf32> to vector<1xf32>
      %squeeze3A_1444 = vector.extract %slice3A_1443[0] : f32 from vector<1xf32>
      %mul3A_1445 = vector.broadcast %squeeze3A_1444 : f32 to vector<16xf32>
      %mul3A_1446 = arith.mulf %add3A_1442, %mul3A_1445 : vector<16xf32>
      %max3A_1447 = arith.maximumf %max3A_1440, %mul3A_1446 : vector<16xf32>
      %gather3A_1448 = tpu.vector_load_idx %arg14[%add3A_1009, %add3A_1404] : memref<512x128xf32, #tpu.memory_space<vmem>>[vector<16xi32>, vector<16xi32>], vector<16xf32>,
      %add3A_1449 = arith.addf %gather3A_1448, %get3A_1410 : vector<16xf32>
      %slice3A_1450 = vector.extract_strided_slice %get3A_963 {offsets = [5], sizes = [1], strides = [1]} : vector<16xf32> to vector<1xf32>
      %squeeze3A_1451 = vector.extract %slice3A_1450[0] : f32 from vector<1xf32>
      %mul3A_1452 = vector.broadcast %squeeze3A_1451 : f32 to vector<16xf32>
      %mul3A_1453 = arith.mulf %add3A_1449, %mul3A_1452 : vector<16xf32>
      %max3A_1454 = arith.maximumf %max3A_1447, %mul3A_1453 : vector<16xf32>
      %gather3A_1455 = tpu.vector_load_idx %arg14[%add3A_1016, %add3A_1404] : memref<512x128xf32, #tpu.memory_space<vmem>>[vector<16xi32>, vector<16xi32>], vector<16xf32>,
      %add3A_1456 = arith.addf %gather3A_1455, %get3A_1410 : vector<16xf32>
      %slice3A_1457 = vector.extract_strided_slice %get3A_963 {offsets = [6], sizes = [1], strides = [1]} : vector<16xf32> to vector<1xf32>
      %squeeze3A_1458 = vector.extract %slice3A_1457[0] : f32 from vector<1xf32>
      %mul3A_1459 = vector.broadcast %squeeze3A_1458 : f32 to vector<16xf32>
      %mul3A_1460 = arith.mulf %add3A_1456, %mul3A_1459 : vector<16xf32>
      %max3A_1461 = arith.maximumf %max3A_1454, %mul3A_1460 : vector<16xf32>
      %gather3A_1462 = tpu.vector_load_idx %arg14[%add3A_1023, %add3A_1404] : memref<512x128xf32, #tpu.memory_space<vmem>>[vector<16xi32>, vector<16xi32>], vector<16xf32>,
      %add3A_1463 = arith.addf %gather3A_1462, %get3A_1410 : vector<16xf32>
      %slice3A_1464 = vector.extract_strided_slice %get3A_963 {offsets = [7], sizes = [1], strides = [1]} : vector<16xf32> to vector<1xf32>
      %squeeze3A_1465 = vector.extract %slice3A_1464[0] : f32 from vector<1xf32>
      %mul3A_1466 = vector.broadcast %squeeze3A_1465 : f32 to vector<16xf32>
      %mul3A_1467 = arith.mulf %add3A_1463, %mul3A_1466 : vector<16xf32>
      %max3A_1468 = arith.maximumf %max3A_1461, %mul3A_1467 : vector<16xf32>
      %gather3A_1469 = tpu.vector_load_idx %arg14[%add3A_1030, %add3A_1404] : memref<512x128xf32, #tpu.memory_space<vmem>>[vector<16xi32>, vector<16xi32>], vector<16xf32>,
      %add3A_1470 = arith.addf %gather3A_1469, %get3A_1410 : vector<16xf32>
      %slice3A_1471 = vector.extract_strided_slice %get3A_963 {offsets = [8], sizes = [1], strides = [1]} : vector<16xf32> to vector<1xf32>
      %squeeze3A_1472 = vector.extract %slice3A_1471[0] : f32 from vector<1xf32>
      %mul3A_1473 = vector.broadcast %squeeze3A_1472 : f32 to vector<16xf32>
      %mul3A_1474 = arith.mulf %add3A_1470, %mul3A_1473 : vector<16xf32>
      %max3A_1475 = arith.maximumf %max3A_1468, %mul3A_1474 : vector<16xf32>
      %gather3A_1476 = tpu.vector_load_idx %arg14[%add3A_1037, %add3A_1404] : memref<512x128xf32, #tpu.memory_space<vmem>>[vector<16xi32>, vector<16xi32>], vector<16xf32>,
      %add3A_1477 = arith.addf %gather3A_1476, %get3A_1410 : vector<16xf32>
      %slice3A_1478 = vector.extract_strided_slice %get3A_963 {offsets = [9], sizes = [1], strides = [1]} : vector<16xf32> to vector<1xf32>
      %squeeze3A_1479 = vector.extract %slice3A_1478[0] : f32 from vector<1xf32>
      %mul3A_1480 = vector.broadcast %squeeze3A_1479 : f32 to vector<16xf32>
      %mul3A_1481 = arith.mulf %add3A_1477, %mul3A_1480 : vector<16xf32>
      %max3A_1482 = arith.maximumf %max3A_1475, %mul3A_1481 : vector<16xf32>
      %mul3A_1483 = arith.constant 128 : i32
      %mul3A_1484 = arith.muli %add3A_959, %mul3A_1483 : i32
      %add3A_1485 = arith.constant 64 : i32
      %add3A_1486 = arith.addi %mul3A_1484, %add3A_1485 : i32
      %get3A_1487 = arith.index_cast %add3A_1486 : i32 to index
      %get3A_1488 = tpu.vector_load %arg13[%get3A_1487] {strides = array<i32>} : memref<8192xf32, #tpu.memory_space<vmem>>, vector<16xf32>,
      %add3A_1489 = arith.addf %max3A_1482, %get3A_1488 : vector<16xf32>
      %max3A_1490 = arith.constant 0.000000e+00 : f32
      %max3A_1491 = vector.broadcast %max3A_1490 : f32 to vector<16xf32>
      %max3A_1492 = arith.maximumf %add3A_1489, %max3A_1491 : vector<16xf32>
      %add3A_1493 = arith.constant 80 : i32
      %add3A_1494 = vector.broadcast %add3A_1493 : i32 to vector<16xi32>
      %add3A_1495 = arith.addi %iota3A, %add3A_1494 : vector<16xi32>
      %mul3A_1496 = arith.constant 128 : i32
      %mul3A_1497 = arith.muli %add3A_959, %mul3A_1496 : i32
      %add3A_1498 = arith.constant 80 : i32
      %add3A_1499 = arith.addi %mul3A_1497, %add3A_1498 : i32
      %get3A_1500 = arith.index_cast %add3A_1499 : i32 to index
      %get3A_1501 = tpu.vector_load %arg12[%get3A_1500] {strides = array<i32>} : memref<8192xf32, #tpu.memory_space<vmem>>, vector<16xf32>,
      %broadcast_in_dim3A_1502 = arith.constant -3.000000e+38 : f32
      %broadcast_in_dim3A_1503 = vector.broadcast %broadcast_in_dim3A_1502 : f32 to vector<16xf32>
      %gather3A_1504 = tpu.vector_load_idx %arg14[%add3A_974, %add3A_1495] : memref<512x128xf32, #tpu.memory_space<vmem>>[vector<16xi32>, vector<16xi32>], vector<16xf32>,
      %add3A_1505 = arith.addf %gather3A_1504, %get3A_1501 : vector<16xf32>
      %slice3A_1506 = vector.extract_strided_slice %get3A_963 {offsets = [0], sizes = [1], strides = [1]} : vector<16xf32> to vector<1xf32>
      %squeeze3A_1507 = vector.extract %slice3A_1506[0] : f32 from vector<1xf32>
      %mul3A_1508 = vector.broadcast %squeeze3A_1507 : f32 to vector<16xf32>
      %mul3A_1509 = arith.mulf %add3A_1505, %mul3A_1508 : vector<16xf32>
      %max3A_1510 = arith.maximumf %broadcast_in_dim3A_1503, %mul3A_1509 : vector<16xf32>
      %gather3A_1511 = tpu.vector_load_idx %arg14[%add3A_981, %add3A_1495] : memref<512x128xf32, #tpu.memory_space<vmem>>[vector<16xi32>, vector<16xi32>], vector<16xf32>,
      %add3A_1512 = arith.addf %gather3A_1511, %get3A_1501 : vector<16xf32>
      %slice3A_1513 = vector.extract_strided_slice %get3A_963 {offsets = [1], sizes = [1], strides = [1]} : vector<16xf32> to vector<1xf32>
      %squeeze3A_1514 = vector.extract %slice3A_1513[0] : f32 from vector<1xf32>
      %mul3A_1515 = vector.broadcast %squeeze3A_1514 : f32 to vector<16xf32>
      %mul3A_1516 = arith.mulf %add3A_1512, %mul3A_1515 : vector<16xf32>
      %max3A_1517 = arith.maximumf %max3A_1510, %mul3A_1516 : vector<16xf32>
      %gather3A_1518 = tpu.vector_load_idx %arg14[%add3A_988, %add3A_1495] : memref<512x128xf32, #tpu.memory_space<vmem>>[vector<16xi32>, vector<16xi32>], vector<16xf32>,
      %add3A_1519 = arith.addf %gather3A_1518, %get3A_1501 : vector<16xf32>
      %slice3A_1520 = vector.extract_strided_slice %get3A_963 {offsets = [2], sizes = [1], strides = [1]} : vector<16xf32> to vector<1xf32>
      %squeeze3A_1521 = vector.extract %slice3A_1520[0] : f32 from vector<1xf32>
      %mul3A_1522 = vector.broadcast %squeeze3A_1521 : f32 to vector<16xf32>
      %mul3A_1523 = arith.mulf %add3A_1519, %mul3A_1522 : vector<16xf32>
      %max3A_1524 = arith.maximumf %max3A_1517, %mul3A_1523 : vector<16xf32>
      %gather3A_1525 = tpu.vector_load_idx %arg14[%add3A_995, %add3A_1495] : memref<512x128xf32, #tpu.memory_space<vmem>>[vector<16xi32>, vector<16xi32>], vector<16xf32>,
      %add3A_1526 = arith.addf %gather3A_1525, %get3A_1501 : vector<16xf32>
      %slice3A_1527 = vector.extract_strided_slice %get3A_963 {offsets = [3], sizes = [1], strides = [1]} : vector<16xf32> to vector<1xf32>
      %squeeze3A_1528 = vector.extract %slice3A_1527[0] : f32 from vector<1xf32>
      %mul3A_1529 = vector.broadcast %squeeze3A_1528 : f32 to vector<16xf32>
      %mul3A_1530 = arith.mulf %add3A_1526, %mul3A_1529 : vector<16xf32>
      %max3A_1531 = arith.maximumf %max3A_1524, %mul3A_1530 : vector<16xf32>
      %gather3A_1532 = tpu.vector_load_idx %arg14[%add3A_1002, %add3A_1495] : memref<512x128xf32, #tpu.memory_space<vmem>>[vector<16xi32>, vector<16xi32>], vector<16xf32>,
      %add3A_1533 = arith.addf %gather3A_1532, %get3A_1501 : vector<16xf32>
      %slice3A_1534 = vector.extract_strided_slice %get3A_963 {offsets = [4], sizes = [1], strides = [1]} : vector<16xf32> to vector<1xf32>
      %squeeze3A_1535 = vector.extract %slice3A_1534[0] : f32 from vector<1xf32>
      %mul3A_1536 = vector.broadcast %squeeze3A_1535 : f32 to vector<16xf32>
      %mul3A_1537 = arith.mulf %add3A_1533, %mul3A_1536 : vector<16xf32>
      %max3A_1538 = arith.maximumf %max3A_1531, %mul3A_1537 : vector<16xf32>
      %gather3A_1539 = tpu.vector_load_idx %arg14[%add3A_1009, %add3A_1495] : memref<512x128xf32, #tpu.memory_space<vmem>>[vector<16xi32>, vector<16xi32>], vector<16xf32>,
      %add3A_1540 = arith.addf %gather3A_1539, %get3A_1501 : vector<16xf32>
      %slice3A_1541 = vector.extract_strided_slice %get3A_963 {offsets = [5], sizes = [1], strides = [1]} : vector<16xf32> to vector<1xf32>
      %squeeze3A_1542 = vector.extract %slice3A_1541[0] : f32 from vector<1xf32>
      %mul3A_1543 = vector.broadcast %squeeze3A_1542 : f32 to vector<16xf32>
      %mul3A_1544 = arith.mulf %add3A_1540, %mul3A_1543 : vector<16xf32>
      %max3A_1545 = arith.maximumf %max3A_1538, %mul3A_1544 : vector<16xf32>
      %gather3A_1546 = tpu.vector_load_idx %arg14[%add3A_1016, %add3A_1495] : memref<512x128xf32, #tpu.memory_space<vmem>>[vector<16xi32>, vector<16xi32>], vector<16xf32>,
      %add3A_1547 = arith.addf %gather3A_1546, %get3A_1501 : vector<16xf32>
      %slice3A_1548 = vector.extract_strided_slice %get3A_963 {offsets = [6], sizes = [1], strides = [1]} : vector<16xf32> to vector<1xf32>
      %squeeze3A_1549 = vector.extract %slice3A_1548[0] : f32 from vector<1xf32>
      %mul3A_1550 = vector.broadcast %squeeze3A_1549 : f32 to vector<16xf32>
      %mul3A_1551 = arith.mulf %add3A_1547, %mul3A_1550 : vector<16xf32>
      %max3A_1552 = arith.maximumf %max3A_1545, %mul3A_1551 : vector<16xf32>
      %gather3A_1553 = tpu.vector_load_idx %arg14[%add3A_1023, %add3A_1495] : memref<512x128xf32, #tpu.memory_space<vmem>>[vector<16xi32>, vector<16xi32>], vector<16xf32>,
      %add3A_1554 = arith.addf %gather3A_1553, %get3A_1501 : vector<16xf32>
      %slice3A_1555 = vector.extract_strided_slice %get3A_963 {offsets = [7], sizes = [1], strides = [1]} : vector<16xf32> to vector<1xf32>
      %squeeze3A_1556 = vector.extract %slice3A_1555[0] : f32 from vector<1xf32>
      %mul3A_1557 = vector.broadcast %squeeze3A_1556 : f32 to vector<16xf32>
      %mul3A_1558 = arith.mulf %add3A_1554, %mul3A_1557 : vector<16xf32>
      %max3A_1559 = arith.maximumf %max3A_1552, %mul3A_1558 : vector<16xf32>
      %gather3A_1560 = tpu.vector_load_idx %arg14[%add3A_1030, %add3A_1495] : memref<512x128xf32, #tpu.memory_space<vmem>>[vector<16xi32>, vector<16xi32>], vector<16xf32>,
      %add3A_1561 = arith.addf %gather3A_1560, %get3A_1501 : vector<16xf32>
      %slice3A_1562 = vector.extract_strided_slice %get3A_963 {offsets = [8], sizes = [1], strides = [1]} : vector<16xf32> to vector<1xf32>
      %squeeze3A_1563 = vector.extract %slice3A_1562[0] : f32 from vector<1xf32>
      %mul3A_1564 = vector.broadcast %squeeze3A_1563 : f32 to vector<16xf32>
      %mul3A_1565 = arith.mulf %add3A_1561, %mul3A_1564 : vector<16xf32>
      %max3A_1566 = arith.maximumf %max3A_1559, %mul3A_1565 : vector<16xf32>
      %gather3A_1567 = tpu.vector_load_idx %arg14[%add3A_1037, %add3A_1495] : memref<512x128xf32, #tpu.memory_space<vmem>>[vector<16xi32>, vector<16xi32>], vector<16xf32>,
      %add3A_1568 = arith.addf %gather3A_1567, %get3A_1501 : vector<16xf32>
      %slice3A_1569 = vector.extract_strided_slice %get3A_963 {offsets = [9], sizes = [1], strides = [1]} : vector<16xf32> to vector<1xf32>
      %squeeze3A_1570 = vector.extract %slice3A_1569[0] : f32 from vector<1xf32>
      %mul3A_1571 = vector.broadcast %squeeze3A_1570 : f32 to vector<16xf32>
      %mul3A_1572 = arith.mulf %add3A_1568, %mul3A_1571 : vector<16xf32>
      %max3A_1573 = arith.maximumf %max3A_1566, %mul3A_1572 : vector<16xf32>
      %mul3A_1574 = arith.constant 128 : i32
      %mul3A_1575 = arith.muli %add3A_959, %mul3A_1574 : i32
      %add3A_1576 = arith.constant 80 : i32
      %add3A_1577 = arith.addi %mul3A_1575, %add3A_1576 : i32
      %get3A_1578 = arith.index_cast %add3A_1577 : i32 to index
      %get3A_1579 = tpu.vector_load %arg13[%get3A_1578] {strides = array<i32>} : memref<8192xf32, #tpu.memory_space<vmem>>, vector<16xf32>,
      %add3A_1580 = arith.addf %max3A_1573, %get3A_1579 : vector<16xf32>
      %max3A_1581 = arith.constant 0.000000e+00 : f32
      %max3A_1582 = vector.broadcast %max3A_1581 : f32 to vector<16xf32>
      %max3A_1583 = arith.maximumf %add3A_1580, %max3A_1582 : vector<16xf32>
      %add3A_1584 = arith.constant 96 : i32
      %add3A_1585 = vector.broadcast %add3A_1584 : i32 to vector<16xi32>
      %add3A_1586 = arith.addi %iota3A, %add3A_1585 : vector<16xi32>
      %mul3A_1587 = arith.constant 128 : i32
      %mul3A_1588 = arith.muli %add3A_959, %mul3A_1587 : i32
      %add3A_1589 = arith.constant 96 : i32
      %add3A_1590 = arith.addi %mul3A_1588, %add3A_1589 : i32
      %get3A_1591 = arith.index_cast %add3A_1590 : i32 to index
      %get3A_1592 = tpu.vector_load %arg12[%get3A_1591] {strides = array<i32>} : memref<8192xf32, #tpu.memory_space<vmem>>, vector<16xf32>,
      %broadcast_in_dim3A_1593 = arith.constant -3.000000e+38 : f32
      %broadcast_in_dim3A_1594 = vector.broadcast %broadcast_in_dim3A_1593 : f32 to vector<16xf32>
      %gather3A_1595 = tpu.vector_load_idx %arg14[%add3A_974, %add3A_1586] : memref<512x128xf32, #tpu.memory_space<vmem>>[vector<16xi32>, vector<16xi32>], vector<16xf32>,
      %add3A_1596 = arith.addf %gather3A_1595, %get3A_1592 : vector<16xf32>
      %slice3A_1597 = vector.extract_strided_slice %get3A_963 {offsets = [0], sizes = [1], strides = [1]} : vector<16xf32> to vector<1xf32>
      %squeeze3A_1598 = vector.extract %slice3A_1597[0] : f32 from vector<1xf32>
      %mul3A_1599 = vector.broadcast %squeeze3A_1598 : f32 to vector<16xf32>
      %mul3A_1600 = arith.mulf %add3A_1596, %mul3A_1599 : vector<16xf32>
      %max3A_1601 = arith.maximumf %broadcast_in_dim3A_1594, %mul3A_1600 : vector<16xf32>
      %gather3A_1602 = tpu.vector_load_idx %arg14[%add3A_981, %add3A_1586] : memref<512x128xf32, #tpu.memory_space<vmem>>[vector<16xi32>, vector<16xi32>], vector<16xf32>,
      %add3A_1603 = arith.addf %gather3A_1602, %get3A_1592 : vector<16xf32>
      %slice3A_1604 = vector.extract_strided_slice %get3A_963 {offsets = [1], sizes = [1], strides = [1]} : vector<16xf32> to vector<1xf32>
      %squeeze3A_1605 = vector.extract %slice3A_1604[0] : f32 from vector<1xf32>
      %mul3A_1606 = vector.broadcast %squeeze3A_1605 : f32 to vector<16xf32>
      %mul3A_1607 = arith.mulf %add3A_1603, %mul3A_1606 : vector<16xf32>
      %max3A_1608 = arith.maximumf %max3A_1601, %mul3A_1607 : vector<16xf32>
      %gather3A_1609 = tpu.vector_load_idx %arg14[%add3A_988, %add3A_1586] : memref<512x128xf32, #tpu.memory_space<vmem>>[vector<16xi32>, vector<16xi32>], vector<16xf32>,
      %add3A_1610 = arith.addf %gather3A_1609, %get3A_1592 : vector<16xf32>
      %slice3A_1611 = vector.extract_strided_slice %get3A_963 {offsets = [2], sizes = [1], strides = [1]} : vector<16xf32> to vector<1xf32>
      %squeeze3A_1612 = vector.extract %slice3A_1611[0] : f32 from vector<1xf32>
      %mul3A_1613 = vector.broadcast %squeeze3A_1612 : f32 to vector<16xf32>
      %mul3A_1614 = arith.mulf %add3A_1610, %mul3A_1613 : vector<16xf32>
      %max3A_1615 = arith.maximumf %max3A_1608, %mul3A_1614 : vector<16xf32>
      %gather3A_1616 = tpu.vector_load_idx %arg14[%add3A_995, %add3A_1586] : memref<512x128xf32, #tpu.memory_space<vmem>>[vector<16xi32>, vector<16xi32>], vector<16xf32>,
      %add3A_1617 = arith.addf %gather3A_1616, %get3A_1592 : vector<16xf32>
      %slice3A_1618 = vector.extract_strided_slice %get3A_963 {offsets = [3], sizes = [1], strides = [1]} : vector<16xf32> to vector<1xf32>
      %squeeze3A_1619 = vector.extract %slice3A_1618[0] : f32 from vector<1xf32>
      %mul3A_1620 = vector.broadcast %squeeze3A_1619 : f32 to vector<16xf32>
      %mul3A_1621 = arith.mulf %add3A_1617, %mul3A_1620 : vector<16xf32>
      %max3A_1622 = arith.maximumf %max3A_1615, %mul3A_1621 : vector<16xf32>
      %gather3A_1623 = tpu.vector_load_idx %arg14[%add3A_1002, %add3A_1586] : memref<512x128xf32, #tpu.memory_space<vmem>>[vector<16xi32>, vector<16xi32>], vector<16xf32>,
      %add3A_1624 = arith.addf %gather3A_1623, %get3A_1592 : vector<16xf32>
      %slice3A_1625 = vector.extract_strided_slice %get3A_963 {offsets = [4], sizes = [1], strides = [1]} : vector<16xf32> to vector<1xf32>
      %squeeze3A_1626 = vector.extract %slice3A_1625[0] : f32 from vector<1xf32>
      %mul3A_1627 = vector.broadcast %squeeze3A_1626 : f32 to vector<16xf32>
      %mul3A_1628 = arith.mulf %add3A_1624, %mul3A_1627 : vector<16xf32>
      %max3A_1629 = arith.maximumf %max3A_1622, %mul3A_1628 : vector<16xf32>
      %gather3A_1630 = tpu.vector_load_idx %arg14[%add3A_1009, %add3A_1586] : memref<512x128xf32, #tpu.memory_space<vmem>>[vector<16xi32>, vector<16xi32>], vector<16xf32>,
      %add3A_1631 = arith.addf %gather3A_1630, %get3A_1592 : vector<16xf32>
      %slice3A_1632 = vector.extract_strided_slice %get3A_963 {offsets = [5], sizes = [1], strides = [1]} : vector<16xf32> to vector<1xf32>
      %squeeze3A_1633 = vector.extract %slice3A_1632[0] : f32 from vector<1xf32>
      %mul3A_1634 = vector.broadcast %squeeze3A_1633 : f32 to vector<16xf32>
      %mul3A_1635 = arith.mulf %add3A_1631, %mul3A_1634 : vector<16xf32>
      %max3A_1636 = arith.maximumf %max3A_1629, %mul3A_1635 : vector<16xf32>
      %gather3A_1637 = tpu.vector_load_idx %arg14[%add3A_1016, %add3A_1586] : memref<512x128xf32, #tpu.memory_space<vmem>>[vector<16xi32>, vector<16xi32>], vector<16xf32>,
      %add3A_1638 = arith.addf %gather3A_1637, %get3A_1592 : vector<16xf32>
      %slice3A_1639 = vector.extract_strided_slice %get3A_963 {offsets = [6], sizes = [1], strides = [1]} : vector<16xf32> to vector<1xf32>
      %squeeze3A_1640 = vector.extract %slice3A_1639[0] : f32 from vector<1xf32>
      %mul3A_1641 = vector.broadcast %squeeze3A_1640 : f32 to vector<16xf32>
      %mul3A_1642 = arith.mulf %add3A_1638, %mul3A_1641 : vector<16xf32>
      %max3A_1643 = arith.maximumf %max3A_1636, %mul3A_1642 : vector<16xf32>
      %gather3A_1644 = tpu.vector_load_idx %arg14[%add3A_1023, %add3A_1586] : memref<512x128xf32, #tpu.memory_space<vmem>>[vector<16xi32>, vector<16xi32>], vector<16xf32>,
      %add3A_1645 = arith.addf %gather3A_1644, %get3A_1592 : vector<16xf32>
      %slice3A_1646 = vector.extract_strided_slice %get3A_963 {offsets = [7], sizes = [1], strides = [1]} : vector<16xf32> to vector<1xf32>
      %squeeze3A_1647 = vector.extract %slice3A_1646[0] : f32 from vector<1xf32>
      %mul3A_1648 = vector.broadcast %squeeze3A_1647 : f32 to vector<16xf32>
      %mul3A_1649 = arith.mulf %add3A_1645, %mul3A_1648 : vector<16xf32>
      %max3A_1650 = arith.maximumf %max3A_1643, %mul3A_1649 : vector<16xf32>
      %gather3A_1651 = tpu.vector_load_idx %arg14[%add3A_1030, %add3A_1586] : memref<512x128xf32, #tpu.memory_space<vmem>>[vector<16xi32>, vector<16xi32>], vector<16xf32>,
      %add3A_1652 = arith.addf %gather3A_1651, %get3A_1592 : vector<16xf32>
      %slice3A_1653 = vector.extract_strided_slice %get3A_963 {offsets = [8], sizes = [1], strides = [1]} : vector<16xf32> to vector<1xf32>
      %squeeze3A_1654 = vector.extract %slice3A_1653[0] : f32 from vector<1xf32>
      %mul3A_1655 = vector.broadcast %squeeze3A_1654 : f32 to vector<16xf32>
      %mul3A_1656 = arith.mulf %add3A_1652, %mul3A_1655 : vector<16xf32>
      %max3A_1657 = arith.maximumf %max3A_1650, %mul3A_1656 : vector<16xf32>
      %gather3A_1658 = tpu.vector_load_idx %arg14[%add3A_1037, %add3A_1586] : memref<512x128xf32, #tpu.memory_space<vmem>>[vector<16xi32>, vector<16xi32>], vector<16xf32>,
      %add3A_1659 = arith.addf %gather3A_1658, %get3A_1592 : vector<16xf32>
      %slice3A_1660 = vector.extract_strided_slice %get3A_963 {offsets = [9], sizes = [1], strides = [1]} : vector<16xf32> to vector<1xf32>
      %squeeze3A_1661 = vector.extract %slice3A_1660[0] : f32 from vector<1xf32>
      %mul3A_1662 = vector.broadcast %squeeze3A_1661 : f32 to vector<16xf32>
      %mul3A_1663 = arith.mulf %add3A_1659, %mul3A_1662 : vector<16xf32>
      %max3A_1664 = arith.maximumf %max3A_1657, %mul3A_1663 : vector<16xf32>
      %mul3A_1665 = arith.constant 128 : i32
      %mul3A_1666 = arith.muli %add3A_959, %mul3A_1665 : i32
      %add3A_1667 = arith.constant 96 : i32
      %add3A_1668 = arith.addi %mul3A_1666, %add3A_1667 : i32
      %get3A_1669 = arith.index_cast %add3A_1668 : i32 to index
      %get3A_1670 = tpu.vector_load %arg13[%get3A_1669] {strides = array<i32>} : memref<8192xf32, #tpu.memory_space<vmem>>, vector<16xf32>,
      %add3A_1671 = arith.addf %max3A_1664, %get3A_1670 : vector<16xf32>
      %max3A_1672 = arith.constant 0.000000e+00 : f32
      %max3A_1673 = vector.broadcast %max3A_1672 : f32 to vector<16xf32>
      %max3A_1674 = arith.maximumf %add3A_1671, %max3A_1673 : vector<16xf32>
      %add3A_1675 = arith.constant 112 : i32
      %add3A_1676 = vector.broadcast %add3A_1675 : i32 to vector<16xi32>
      %add3A_1677 = arith.addi %iota3A, %add3A_1676 : vector<16xi32>
      %mul3A_1678 = arith.constant 128 : i32
      %mul3A_1679 = arith.muli %add3A_959, %mul3A_1678 : i32
      %add3A_1680 = arith.constant 112 : i32
      %add3A_1681 = arith.addi %mul3A_1679, %add3A_1680 : i32
      %get3A_1682 = arith.index_cast %add3A_1681 : i32 to index
      %get3A_1683 = tpu.vector_load %arg12[%get3A_1682] {strides = array<i32>} : memref<8192xf32, #tpu.memory_space<vmem>>, vector<16xf32>,
      %broadcast_in_dim3A_1684 = arith.constant -3.000000e+38 : f32
      %broadcast_in_dim3A_1685 = vector.broadcast %broadcast_in_dim3A_1684 : f32 to vector<16xf32>
      %gather3A_1686 = tpu.vector_load_idx %arg14[%add3A_974, %add3A_1677] : memref<512x128xf32, #tpu.memory_space<vmem>>[vector<16xi32>, vector<16xi32>], vector<16xf32>,
      %add3A_1687 = arith.addf %gather3A_1686, %get3A_1683 : vector<16xf32>
      %slice3A_1688 = vector.extract_strided_slice %get3A_963 {offsets = [0], sizes = [1], strides = [1]} : vector<16xf32> to vector<1xf32>
      %squeeze3A_1689 = vector.extract %slice3A_1688[0] : f32 from vector<1xf32>
      %mul3A_1690 = vector.broadcast %squeeze3A_1689 : f32 to vector<16xf32>
      %mul3A_1691 = arith.mulf %add3A_1687, %mul3A_1690 : vector<16xf32>
      %max3A_1692 = arith.maximumf %broadcast_in_dim3A_1685, %mul3A_1691 : vector<16xf32>
      %gather3A_1693 = tpu.vector_load_idx %arg14[%add3A_981, %add3A_1677] : memref<512x128xf32, #tpu.memory_space<vmem>>[vector<16xi32>, vector<16xi32>], vector<16xf32>,
      %add3A_1694 = arith.addf %gather3A_1693, %get3A_1683 : vector<16xf32>
      %slice3A_1695 = vector.extract_strided_slice %get3A_963 {offsets = [1], sizes = [1], strides = [1]} : vector<16xf32> to vector<1xf32>
      %squeeze3A_1696 = vector.extract %slice3A_1695[0] : f32 from vector<1xf32>
      %mul3A_1697 = vector.broadcast %squeeze3A_1696 : f32 to vector<16xf32>
      %mul3A_1698 = arith.mulf %add3A_1694, %mul3A_1697 : vector<16xf32>
      %max3A_1699 = arith.maximumf %max3A_1692, %mul3A_1698 : vector<16xf32>
      %gather3A_1700 = tpu.vector_load_idx %arg14[%add3A_988, %add3A_1677] : memref<512x128xf32, #tpu.memory_space<vmem>>[vector<16xi32>, vector<16xi32>], vector<16xf32>,
      %add3A_1701 = arith.addf %gather3A_1700, %get3A_1683 : vector<16xf32>
      %slice3A_1702 = vector.extract_strided_slice %get3A_963 {offsets = [2], sizes = [1], strides = [1]} : vector<16xf32> to vector<1xf32>
      %squeeze3A_1703 = vector.extract %slice3A_1702[0] : f32 from vector<1xf32>
      %mul3A_1704 = vector.broadcast %squeeze3A_1703 : f32 to vector<16xf32>
      %mul3A_1705 = arith.mulf %add3A_1701, %mul3A_1704 : vector<16xf32>
      %max3A_1706 = arith.maximumf %max3A_1699, %mul3A_1705 : vector<16xf32>
      %gather3A_1707 = tpu.vector_load_idx %arg14[%add3A_995, %add3A_1677] : memref<512x128xf32, #tpu.memory_space<vmem>>[vector<16xi32>, vector<16xi32>], vector<16xf32>,
      %add3A_1708 = arith.addf %gather3A_1707, %get3A_1683 : vector<16xf32>
      %slice3A_1709 = vector.extract_strided_slice %get3A_963 {offsets = [3], sizes = [1], strides = [1]} : vector<16xf32> to vector<1xf32>
      %squeeze3A_1710 = vector.extract %slice3A_1709[0] : f32 from vector<1xf32>
      %mul3A_1711 = vector.broadcast %squeeze3A_1710 : f32 to vector<16xf32>
      %mul3A_1712 = arith.mulf %add3A_1708, %mul3A_1711 : vector<16xf32>
      %max3A_1713 = arith.maximumf %max3A_1706, %mul3A_1712 : vector<16xf32>
      %gather3A_1714 = tpu.vector_load_idx %arg14[%add3A_1002, %add3A_1677] : memref<512x128xf32, #tpu.memory_space<vmem>>[vector<16xi32>, vector<16xi32>], vector<16xf32>,
      %add3A_1715 = arith.addf %gather3A_1714, %get3A_1683 : vector<16xf32>
      %slice3A_1716 = vector.extract_strided_slice %get3A_963 {offsets = [4], sizes = [1], strides = [1]} : vector<16xf32> to vector<1xf32>
      %squeeze3A_1717 = vector.extract %slice3A_1716[0] : f32 from vector<1xf32>
      %mul3A_1718 = vector.broadcast %squeeze3A_1717 : f32 to vector<16xf32>
      %mul3A_1719 = arith.mulf %add3A_1715, %mul3A_1718 : vector<16xf32>
      %max3A_1720 = arith.maximumf %max3A_1713, %mul3A_1719 : vector<16xf32>
      %gather3A_1721 = tpu.vector_load_idx %arg14[%add3A_1009, %add3A_1677] : memref<512x128xf32, #tpu.memory_space<vmem>>[vector<16xi32>, vector<16xi32>], vector<16xf32>,
      %add3A_1722 = arith.addf %gather3A_1721, %get3A_1683 : vector<16xf32>
      %slice3A_1723 = vector.extract_strided_slice %get3A_963 {offsets = [5], sizes = [1], strides = [1]} : vector<16xf32> to vector<1xf32>
      %squeeze3A_1724 = vector.extract %slice3A_1723[0] : f32 from vector<1xf32>
      %mul3A_1725 = vector.broadcast %squeeze3A_1724 : f32 to vector<16xf32>
      %mul3A_1726 = arith.mulf %add3A_1722, %mul3A_1725 : vector<16xf32>
      %max3A_1727 = arith.maximumf %max3A_1720, %mul3A_1726 : vector<16xf32>
      %gather3A_1728 = tpu.vector_load_idx %arg14[%add3A_1016, %add3A_1677] : memref<512x128xf32, #tpu.memory_space<vmem>>[vector<16xi32>, vector<16xi32>], vector<16xf32>,
      %add3A_1729 = arith.addf %gather3A_1728, %get3A_1683 : vector<16xf32>
      %slice3A_1730 = vector.extract_strided_slice %get3A_963 {offsets = [6], sizes = [1], strides = [1]} : vector<16xf32> to vector<1xf32>
      %squeeze3A_1731 = vector.extract %slice3A_1730[0] : f32 from vector<1xf32>
      %mul3A_1732 = vector.broadcast %squeeze3A_1731 : f32 to vector<16xf32>
      %mul3A_1733 = arith.mulf %add3A_1729, %mul3A_1732 : vector<16xf32>
      %max3A_1734 = arith.maximumf %max3A_1727, %mul3A_1733 : vector<16xf32>
      %gather3A_1735 = tpu.vector_load_idx %arg14[%add3A_1023, %add3A_1677] : memref<512x128xf32, #tpu.memory_space<vmem>>[vector<16xi32>, vector<16xi32>], vector<16xf32>,
      %add3A_1736 = arith.addf %gather3A_1735, %get3A_1683 : vector<16xf32>
      %slice3A_1737 = vector.extract_strided_slice %get3A_963 {offsets = [7], sizes = [1], strides = [1]} : vector<16xf32> to vector<1xf32>
      %squeeze3A_1738 = vector.extract %slice3A_1737[0] : f32 from vector<1xf32>
      %mul3A_1739 = vector.broadcast %squeeze3A_1738 : f32 to vector<16xf32>
      %mul3A_1740 = arith.mulf %add3A_1736, %mul3A_1739 : vector<16xf32>
      %max3A_1741 = arith.maximumf %max3A_1734, %mul3A_1740 : vector<16xf32>
      %gather3A_1742 = tpu.vector_load_idx %arg14[%add3A_1030, %add3A_1677] : memref<512x128xf32, #tpu.memory_space<vmem>>[vector<16xi32>, vector<16xi32>], vector<16xf32>,
      %add3A_1743 = arith.addf %gather3A_1742, %get3A_1683 : vector<16xf32>
      %slice3A_1744 = vector.extract_strided_slice %get3A_963 {offsets = [8], sizes = [1], strides = [1]} : vector<16xf32> to vector<1xf32>
      %squeeze3A_1745 = vector.extract %slice3A_1744[0] : f32 from vector<1xf32>
      %mul3A_1746 = vector.broadcast %squeeze3A_1745 : f32 to vector<16xf32>
      %mul3A_1747 = arith.mulf %add3A_1743, %mul3A_1746 : vector<16xf32>
      %max3A_1748 = arith.maximumf %max3A_1741, %mul3A_1747 : vector<16xf32>
      %gather3A_1749 = tpu.vector_load_idx %arg14[%add3A_1037, %add3A_1677] : memref<512x128xf32, #tpu.memory_space<vmem>>[vector<16xi32>, vector<16xi32>], vector<16xf32>,
      %add3A_1750 = arith.addf %gather3A_1749, %get3A_1683 : vector<16xf32>
      %slice3A_1751 = vector.extract_strided_slice %get3A_963 {offsets = [9], sizes = [1], strides = [1]} : vector<16xf32> to vector<1xf32>
      %squeeze3A_1752 = vector.extract %slice3A_1751[0] : f32 from vector<1xf32>
      %mul3A_1753 = vector.broadcast %squeeze3A_1752 : f32 to vector<16xf32>
      %mul3A_1754 = arith.mulf %add3A_1750, %mul3A_1753 : vector<16xf32>
      %max3A_1755 = arith.maximumf %max3A_1748, %mul3A_1754 : vector<16xf32>
      %mul3A_1756 = arith.constant 128 : i32
      %mul3A_1757 = arith.muli %add3A_959, %mul3A_1756 : i32
      %add3A_1758 = arith.constant 112 : i32
      %add3A_1759 = arith.addi %mul3A_1757, %add3A_1758 : i32
      %get3A_1760 = arith.index_cast %add3A_1759 : i32 to index
      %get3A_1761 = tpu.vector_load %arg13[%get3A_1760] {strides = array<i32>} : memref<8192xf32, #tpu.memory_space<vmem>>, vector<16xf32>,
      %add3A_1762 = arith.addf %max3A_1755, %get3A_1761 : vector<16xf32>
      %max3A_1763 = arith.constant 0.000000e+00 : f32
      %max3A_1764 = vector.broadcast %max3A_1763 : f32 to vector<16xf32>
      %max3A_1765 = arith.maximumf %add3A_1762, %max3A_1764 : vector<16xf32>
      %max3A_1766 = arith.maximumf %max3A_318, %max3A_1128 : vector<16xf32>
      %mul3A_1767 = arith.constant 128 : i32
      %mul3A_1768 = arith.muli %scan3A_151, %mul3A_1767 : i32
      %add3A_1769 = arith.constant 0 : i32
      %add3A_1770 = arith.addi %mul3A_1768, %add3A_1769 : i32
      %swap3A = arith.index_cast %add3A_1770 : i32 to index
      %swap3A_1771 = tpu.vector_load %arg17[%swap3A] {strides = array<i32>} : memref<4096xf32, #tpu.memory_space<vmem>>, vector<16xf32>,
      tpu.vector_store %arg17[%swap3A], %max3A_1766 {strides = array<i32>} : memref<4096xf32, #tpu.memory_space<vmem>>, vector<16xf32>,
      %max3A_1772 = arith.maximumf %max3A_409, %max3A_1219 : vector<16xf32>
      %mul3A_1773 = arith.constant 128 : i32
      %mul3A_1774 = arith.muli %scan3A_151, %mul3A_1773 : i32
      %add3A_1775 = arith.constant 16 : i32
      %add3A_1776 = arith.addi %mul3A_1774, %add3A_1775 : i32
      %swap3A_1777 = arith.index_cast %add3A_1776 : i32 to index
      %swap3A_1778 = tpu.vector_load %arg17[%swap3A_1777] {strides = array<i32>} : memref<4096xf32, #tpu.memory_space<vmem>>, vector<16xf32>,
      tpu.vector_store %arg17[%swap3A_1777], %max3A_1772 {strides = array<i32>} : memref<4096xf32, #tpu.memory_space<vmem>>, vector<16xf32>,
      %max3A_1779 = arith.maximumf %max3A_500, %max3A_1310 : vector<16xf32>
      %mul3A_1780 = arith.constant 128 : i32
      %mul3A_1781 = arith.muli %scan3A_151, %mul3A_1780 : i32
      %add3A_1782 = arith.constant 32 : i32
      %add3A_1783 = arith.addi %mul3A_1781, %add3A_1782 : i32
      %swap3A_1784 = arith.index_cast %add3A_1783 : i32 to index
      %swap3A_1785 = tpu.vector_load %arg17[%swap3A_1784] {strides = array<i32>} : memref<4096xf32, #tpu.memory_space<vmem>>, vector<16xf32>,
      tpu.vector_store %arg17[%swap3A_1784], %max3A_1779 {strides = array<i32>} : memref<4096xf32, #tpu.memory_space<vmem>>, vector<16xf32>,
      %max3A_1786 = arith.maximumf %max3A_591, %max3A_1401 : vector<16xf32>
      %mul3A_1787 = arith.constant 128 : i32
      %mul3A_1788 = arith.muli %scan3A_151, %mul3A_1787 : i32
      %add3A_1789 = arith.constant 48 : i32
      %add3A_1790 = arith.addi %mul3A_1788, %add3A_1789 : i32
      %swap3A_1791 = arith.index_cast %add3A_1790 : i32 to index
      %swap3A_1792 = tpu.vector_load %arg17[%swap3A_1791] {strides = array<i32>} : memref<4096xf32, #tpu.memory_space<vmem>>, vector<16xf32>,
      tpu.vector_store %arg17[%swap3A_1791], %max3A_1786 {strides = array<i32>} : memref<4096xf32, #tpu.memory_space<vmem>>, vector<16xf32>,
      %max3A_1793 = arith.maximumf %max3A_682, %max3A_1492 : vector<16xf32>
      %mul3A_1794 = arith.constant 128 : i32
      %mul3A_1795 = arith.muli %scan3A_151, %mul3A_1794 : i32
      %add3A_1796 = arith.constant 64 : i32
      %add3A_1797 = arith.addi %mul3A_1795, %add3A_1796 : i32
      %swap3A_1798 = arith.index_cast %add3A_1797 : i32 to index
      %swap3A_1799 = tpu.vector_load %arg17[%swap3A_1798] {strides = array<i32>} : memref<4096xf32, #tpu.memory_space<vmem>>, vector<16xf32>,
      tpu.vector_store %arg17[%swap3A_1798], %max3A_1793 {strides = array<i32>} : memref<4096xf32, #tpu.memory_space<vmem>>, vector<16xf32>,
      %max3A_1800 = arith.maximumf %max3A_773, %max3A_1583 : vector<16xf32>
      %mul3A_1801 = arith.constant 128 : i32
      %mul3A_1802 = arith.muli %scan3A_151, %mul3A_1801 : i32
      %add3A_1803 = arith.constant 80 : i32
      %add3A_1804 = arith.addi %mul3A_1802, %add3A_1803 : i32
      %swap3A_1805 = arith.index_cast %add3A_1804 : i32 to index
      %swap3A_1806 = tpu.vector_load %arg17[%swap3A_1805] {strides = array<i32>} : memref<4096xf32, #tpu.memory_space<vmem>>, vector<16xf32>,
      tpu.vector_store %arg17[%swap3A_1805], %max3A_1800 {strides = array<i32>} : memref<4096xf32, #tpu.memory_space<vmem>>, vector<16xf32>,
      %max3A_1807 = arith.maximumf %max3A_864, %max3A_1674 : vector<16xf32>
      %mul3A_1808 = arith.constant 128 : i32
      %mul3A_1809 = arith.muli %scan3A_151, %mul3A_1808 : i32
      %add3A_1810 = arith.constant 96 : i32
      %add3A_1811 = arith.addi %mul3A_1809, %add3A_1810 : i32
      %swap3A_1812 = arith.index_cast %add3A_1811 : i32 to index
      %swap3A_1813 = tpu.vector_load %arg17[%swap3A_1812] {strides = array<i32>} : memref<4096xf32, #tpu.memory_space<vmem>>, vector<16xf32>,
      tpu.vector_store %arg17[%swap3A_1812], %max3A_1807 {strides = array<i32>} : memref<4096xf32, #tpu.memory_space<vmem>>, vector<16xf32>,
      %max3A_1814 = arith.maximumf %max3A_955, %max3A_1765 : vector<16xf32>
      %mul3A_1815 = arith.constant 128 : i32
      %mul3A_1816 = arith.muli %scan3A_151, %mul3A_1815 : i32
      %add3A_1817 = arith.constant 112 : i32
      %add3A_1818 = arith.addi %mul3A_1816, %add3A_1817 : i32
      %swap3A_1819 = arith.index_cast %add3A_1818 : i32 to index
      %swap3A_1820 = tpu.vector_load %arg17[%swap3A_1819] {strides = array<i32>} : memref<4096xf32, #tpu.memory_space<vmem>>, vector<16xf32>,
      tpu.vector_store %arg17[%swap3A_1819], %max3A_1814 {strides = array<i32>} : memref<4096xf32, #tpu.memory_space<vmem>>, vector<16xf32>,
    }
    %scan3A_124 = arith.constant 32 : i32
    %jit3A_125 = arith.constant 2 : i32
    %div3A_126 = arith.divsi %mul3A_2, %jit3A_125 : i32
    %sign3A_127 = arith.constant 0 : i32
    %sign3A_128 = arith.cmpi sgt, %mul3A_2, %sign3A_127 : i32
    %sign3A_129 = arith.extui %sign3A_128 : i1 to i32
    %sign3A_130 = arith.constant 0 : i32
    %sign3A_131 = arith.cmpi slt, %mul3A_2, %sign3A_130 : i32
    %sign3A_132 = arith.extui %sign3A_131 : i1 to i32
    %sign3A_133 = arith.subi %sign3A_129, %sign3A_132 : i32
    %sign3A_134 = arith.constant 0 : i32
    %sign3A_135 = arith.cmpi sgt, %jit3A_125, %sign3A_134 : i32
    %sign3A_136 = arith.extui %sign3A_135 : i1 to i32
    %sign3A_137 = arith.constant 0 : i32
    %sign3A_138 = arith.cmpi slt, %jit3A_125, %sign3A_137 : i32
    %sign3A_139 = arith.extui %sign3A_138 : i1 to i32
    %sign3A_140 = arith.subi %sign3A_136, %sign3A_139 : i32
    %ne3A_141 = arith.cmpi ne, %sign3A_133, %sign3A_140 : i32
    %rem3A_142 = arith.remsi %mul3A_2, %jit3A_125 : i32
    %ne3A_143 = arith.constant 0 : i32
    %ne3A_144 = arith.cmpi ne, %rem3A_142, %ne3A_143 : i32
    %and3A_145 = arith.andi %ne3A_141, %ne3A_144 : i1
    %sub3A_146 = arith.constant 1 : i32
    %sub3A_147 = arith.subi %div3A_126, %sub3A_146 : i32
    %select_n3A_148 = arith.select %and3A_145, %sub3A_147, %div3A_126 : i32
    %mul3A_149 = arith.constant 128 : i32
    %mul3A_150 = arith.muli %select_n3A_148, %mul3A_149 : i32
    "tpu.region"() ({
      %run_scoped3A = tpu.sem_alloc : memref<!tpu.dma_semaphore, #tpu.memory_space<semaphore_mem>>
      %dma_start3A_151 = tpu.memref_slice %arg10[%mul3A_150] : memref<131072xf32, #tpu.memory_space<hbm>> -> memref<4096xf32, #tpu.memory_space<hbm>>
      %dma_start3A_152 = tpu.memref_slice %arg10[%mul3A_150] : memref<131072xf32, #tpu.memory_space<hbm>> -> memref<4096xf32, #tpu.memory_space<hbm>>
      tpu.enqueue_dma source(%arg17 : memref<4096xf32, #tpu.memory_space<vmem>>) target(%dma_start3A_152 : memref<4096xf32, #tpu.memory_space<hbm>>) target_semaphore(%run_scoped3A : memref<!tpu.dma_semaphore, #tpu.memory_space<semaphore_mem>>)
      %dma_wait3A_153 = tpu.memref_slice %arg10[%mul3A_150] : memref<131072xf32, #tpu.memory_space<hbm>> -> memref<4096xf32, #tpu.memory_space<hbm>>
      %dma_wait3A_154 = tpu.memref_slice %arg10[%mul3A_150] : memref<131072xf32, #tpu.memory_space<hbm>> -> memref<4096xf32, #tpu.memory_space<hbm>>
      tpu.wait_dma2 semaphore(%run_scoped3A : memref<!tpu.dma_semaphore, #tpu.memory_space<semaphore_mem>>) src(%arg17 : memref<4096xf32, #tpu.memory_space<vmem>>) dst(%dma_wait3A_154 : memref<4096xf32, #tpu.memory_space<hbm>>)
      tpu.yield
    }) : () -> ()
    return
  }
}

module attributes {stable_mosaic.version = 14 : i64} {
  func.func @_tc_body(%arg0: i32, %arg1: memref<1x128x512xf32, #tpu.memory_space<vmem>>, %arg2: memref<128x128xf32, #tpu.memory_space<vmem>>, %arg3: memref<128x128xf32, #tpu.memory_space<vmem>>, %arg4: memref<128x128xf32, #tpu.memory_space<vmem>>, %arg5: memref<1x128xf32, #tpu.memory_space<vmem>>, %arg6: memref<128x128xf32, #tpu.memory_space<vmem>>, %arg7: memref<128x128xf32, #tpu.memory_space<vmem>>, %arg8: memref<1x128xf32, #tpu.memory_space<vmem>>, %arg9: memref<1x512x128xf32, #tpu.memory_space<vmem>>, %arg10: memref<1x512x128xf32, #tpu.memory_space<vmem>>, %arg11: memref<1x512x128xf32, #tpu.memory_space<vmem>>, %arg12: memref<1x512x128xf32, #tpu.memory_space<vmem>>, %arg13: memref<1x512x128xf32, #tpu.memory_space<vmem>>, %arg14: memref<1x512x128xf32, #tpu.memory_space<vmem>>, %arg15: memref<1x512x128xf32, #tpu.memory_space<vmem>>, %arg16: memref<1x1x1024xf32, #tpu.memory_space<vmem>>) attributes {dimension_semantics = [#tpu.dimension_semantics<arbitrary>], iteration_bounds = array<i64: 4>, scalar_prefetch = 0 : i64, scratch_operands = 0 : i64, tpu.core_type = #tpu.core_type<tc>, window_params = [{transform_indices = @transform_0, window_bounds = array<i64: 1, 128, 512>}, {pipeline_mode = #tpu.pipeline_mode<synchronous>, transform_indices = @transform_1, window_bounds = array<i64: 128, 128>}, {pipeline_mode = #tpu.pipeline_mode<synchronous>, transform_indices = @transform_2, window_bounds = array<i64: 128, 128>}, {pipeline_mode = #tpu.pipeline_mode<synchronous>, transform_indices = @transform_3, window_bounds = array<i64: 128, 128>}, {pipeline_mode = #tpu.pipeline_mode<synchronous>, transform_indices = @transform_4, window_bounds = array<i64: 1, 128>}, {pipeline_mode = #tpu.pipeline_mode<synchronous>, transform_indices = @transform_5, window_bounds = array<i64: 128, 128>}, {pipeline_mode = #tpu.pipeline_mode<synchronous>, transform_indices = @transform_6, window_bounds = array<i64: 128, 128>}, {pipeline_mode = #tpu.pipeline_mode<synchronous>, transform_indices = @transform_7, window_bounds = array<i64: 1, 128>}, {transform_indices = @transform_8, window_bounds = array<i64: 1, 512, 128>}, {transform_indices = @transform_9, window_bounds = array<i64: 1, 512, 128>}, {transform_indices = @transform_10, window_bounds = array<i64: 1, 512, 128>}, {transform_indices = @transform_11, window_bounds = array<i64: 1, 512, 128>}, {transform_indices = @transform_12, window_bounds = array<i64: 1, 512, 128>}, {transform_indices = @transform_13, window_bounds = array<i64: 1, 512, 128>}, {transform_indices = @transform_14, window_bounds = array<i64: 1, 512, 128>}, {transform_indices = @transform_15, window_bounds = array<i64: 1, 1, 1024>}]} {
    %get3A = arith.constant 0 : index
    %get3A_0 = arith.constant 0 : index
    %get3A_1 = arith.constant 0 : index
    %get3A_2 = vector.load %arg1[%get3A, %get3A_0, %get3A_1] : memref<1x128x512xf32, #tpu.memory_space<vmem>>, vector<1x128x512xf32>
    %get3A_3 = vector.shape_cast %get3A_2 : vector<1x128x512xf32> to vector<128x512xf32>
    %dot_general3A = arith.constant dense<0.000000e+00> : vector<512x512xf32>
    %dot_general3A_4 = tpu.matmul %get3A_3, %get3A_3, %dot_general3A {dimension_numbers = #tpu.dot_dimension_numbers<[0], [0], [1], [1], [0, 1, 1, 1], [], []>, precision = #tpu.contract_precision<fp32>, transpose_lhs_hint = false} : vector<128x512xf32>, vector<128x512xf32>, vector<512x512xf32> -> vector<512x512xf32>
    %mul3A = arith.mulf %get3A_3, %get3A_3 : vector<128x512xf32>
    %reduce_sum3A = arith.constant dense<0.000000e+00> : vector<512xf32>
    %reduce_sum3A_5 = vector.multi_reduction <add>, %mul3A, %reduce_sum3A [0] : vector<128x512xf32> to vector<512xf32>
    %rsqrt3A = math.rsqrt %reduce_sum3A_5 : vector<512xf32>
    %broadcast_in_dim3A = vector.shape_cast %reduce_sum3A_5 : vector<512xf32> to vector<1x512xf32>
    %broadcast_in_dim3A_6 = vector.shape_cast %reduce_sum3A_5 : vector<512xf32> to vector<512x1xf32>
    %add3A = vector.broadcast %broadcast_in_dim3A : vector<1x512xf32> to vector<512x512xf32>
    %add3A_7 = vector.broadcast %broadcast_in_dim3A_6 : vector<512x1xf32> to vector<512x512xf32>
    %add3A_8 = arith.addf %add3A, %add3A_7 : vector<512x512xf32>
    %mul3A_9 = arith.constant 2.000000e+00 : f32
    %mul3A_10 = vector.broadcast %mul3A_9 : f32 to vector<512x512xf32>
    %mul3A_11 = arith.mulf %mul3A_10, %dot_general3A_4 : vector<512x512xf32>
    %sub3A = arith.subf %add3A_8, %mul3A_11 : vector<512x512xf32>
    %slice3A = vector.extract_strided_slice %sub3A {offsets = [0, 0], sizes = [512, 128], strides = [1, 1]} : vector<512x512xf32> to vector<512x128xf32>
    %swap3A = arith.constant 0 : index
    %swap3A_12 = arith.constant 0 : index
    %swap3A_13 = arith.constant 0 : index
    %swap3A_14 = vector.load %arg9[%swap3A, %swap3A_12, %swap3A_13] : memref<1x512x128xf32, #tpu.memory_space<vmem>>, vector<1x512x128xf32>
    %swap3A_15 = vector.shape_cast %swap3A_14 : vector<1x512x128xf32> to vector<512x128xf32>
    %swap3A_16 = vector.shape_cast %slice3A : vector<512x128xf32> to vector<1x512x128xf32>
    tpu.vector_store %arg9[%swap3A, %swap3A_12, %swap3A_13], %swap3A_16 {strides = array<i32>} : memref<1x512x128xf32, #tpu.memory_space<vmem>>, vector<1x512x128xf32>,
    %slice3A_17 = vector.extract_strided_slice %sub3A {offsets = [0, 128], sizes = [512, 128], strides = [1, 1]} : vector<512x512xf32> to vector<512x128xf32>
    %swap3A_18 = arith.constant 0 : index
    %swap3A_19 = arith.constant 0 : index
    %swap3A_20 = arith.constant 0 : index
    %swap3A_21 = vector.load %arg10[%swap3A_18, %swap3A_19, %swap3A_20] : memref<1x512x128xf32, #tpu.memory_space<vmem>>, vector<1x512x128xf32>
    %swap3A_22 = vector.shape_cast %swap3A_21 : vector<1x512x128xf32> to vector<512x128xf32>
    %swap3A_23 = vector.shape_cast %slice3A_17 : vector<512x128xf32> to vector<1x512x128xf32>
    tpu.vector_store %arg10[%swap3A_18, %swap3A_19, %swap3A_20], %swap3A_23 {strides = array<i32>} : memref<1x512x128xf32, #tpu.memory_space<vmem>>, vector<1x512x128xf32>,
    %slice3A_24 = vector.extract_strided_slice %sub3A {offsets = [0, 256], sizes = [512, 128], strides = [1, 1]} : vector<512x512xf32> to vector<512x128xf32>
    %swap3A_25 = arith.constant 0 : index
    %swap3A_26 = arith.constant 0 : index
    %swap3A_27 = arith.constant 0 : index
    %swap3A_28 = vector.load %arg11[%swap3A_25, %swap3A_26, %swap3A_27] : memref<1x512x128xf32, #tpu.memory_space<vmem>>, vector<1x512x128xf32>
    %swap3A_29 = vector.shape_cast %swap3A_28 : vector<1x512x128xf32> to vector<512x128xf32>
    %swap3A_30 = vector.shape_cast %slice3A_24 : vector<512x128xf32> to vector<1x512x128xf32>
    tpu.vector_store %arg11[%swap3A_25, %swap3A_26, %swap3A_27], %swap3A_30 {strides = array<i32>} : memref<1x512x128xf32, #tpu.memory_space<vmem>>, vector<1x512x128xf32>,
    %slice3A_31 = vector.extract_strided_slice %sub3A {offsets = [0, 384], sizes = [512, 128], strides = [1, 1]} : vector<512x512xf32> to vector<512x128xf32>
    %swap3A_32 = arith.constant 0 : index
    %swap3A_33 = arith.constant 0 : index
    %swap3A_34 = arith.constant 0 : index
    %swap3A_35 = vector.load %arg12[%swap3A_32, %swap3A_33, %swap3A_34] : memref<1x512x128xf32, #tpu.memory_space<vmem>>, vector<1x512x128xf32>
    %swap3A_36 = vector.shape_cast %swap3A_35 : vector<1x512x128xf32> to vector<512x128xf32>
    %swap3A_37 = vector.shape_cast %slice3A_31 : vector<512x128xf32> to vector<1x512x128xf32>
    tpu.vector_store %arg12[%swap3A_32, %swap3A_33, %swap3A_34], %swap3A_37 {strides = array<i32>} : memref<1x512x128xf32, #tpu.memory_space<vmem>>, vector<1x512x128xf32>,
    %concatenate3A = tpu.concatenate %reduce_sum3A_5, %rsqrt3A in 0 : vector<512xf32>, vector<512xf32> -> vector<1024xf32>
    %swap3A_38 = arith.constant 0 : index
    %swap3A_39 = arith.constant 0 : index
    %swap3A_40 = arith.constant 0 : index
    %swap3A_41 = vector.load %arg16[%swap3A_38, %swap3A_39, %swap3A_40] : memref<1x1x1024xf32, #tpu.memory_space<vmem>>, vector<1x1x1024xf32>
    %swap3A_42 = vector.shape_cast %swap3A_41 : vector<1x1x1024xf32> to vector<1024xf32>
    %swap3A_43 = vector.shape_cast %concatenate3A : vector<1024xf32> to vector<1x1x1024xf32>
    tpu.vector_store %arg16[%swap3A_38, %swap3A_39, %swap3A_40], %swap3A_43 {strides = array<i32>} : memref<1x1x1024xf32, #tpu.memory_space<vmem>>, vector<1x1x1024xf32>,
    %broadcast_in_dim3A_44 = arith.constant 0.000000e+00 : f32
    %broadcast_in_dim3A_45 = vector.broadcast %broadcast_in_dim3A_44 : f32 to vector<128x1xf32>
    %slice3A_46 = vector.extract_strided_slice %get3A_3 {offsets = [0, 1], sizes = [128, 511], strides = [1, 1]} : vector<128x512xf32> to vector<128x511xf32>
    %concatenate3A_47 = tpu.concatenate %slice3A_46, %broadcast_in_dim3A_45 in 1 : vector<128x511xf32>, vector<128x1xf32> -> vector<128x512xf32>
    %slice3A_48 = vector.extract_strided_slice %get3A_3 {offsets = [0, 0], sizes = [128, 511], strides = [1, 1]} : vector<128x512xf32> to vector<128x511xf32>
    %concatenate3A_49 = tpu.concatenate %broadcast_in_dim3A_45, %slice3A_48 in 1 : vector<128x1xf32>, vector<128x511xf32> -> vector<128x512xf32>
    %get3A_50 = arith.constant 0 : index
    %get3A_51 = arith.constant 0 : index
    %get3A_52 = vector.load %arg2[%get3A_50, %get3A_51] : memref<128x128xf32, #tpu.memory_space<vmem>>, vector<128x128xf32>
    %dot_general3A_53 = arith.constant dense<0.000000e+00> : vector<512x128xf32>
    %dot_general3A_54 = tpu.matmul %concatenate3A_49, %get3A_52, %dot_general3A_53 {dimension_numbers = #tpu.dot_dimension_numbers<[0], [1], [1], [0], [0, 1, 1, 0], [], []>, precision = #tpu.contract_precision<fp32>, transpose_lhs_hint = false} : vector<128x512xf32>, vector<128x128xf32>, vector<512x128xf32> -> vector<512x128xf32>
    %get3A_55 = arith.constant 0 : index
    %get3A_56 = arith.constant 0 : index
    %get3A_57 = vector.load %arg3[%get3A_55, %get3A_56] : memref<128x128xf32, #tpu.memory_space<vmem>>, vector<128x128xf32>
    %dot_general3A_58 = arith.constant dense<0.000000e+00> : vector<512x128xf32>
    %dot_general3A_59 = tpu.matmul %get3A_3, %get3A_57, %dot_general3A_58 {dimension_numbers = #tpu.dot_dimension_numbers<[0], [1], [1], [0], [0, 1, 1, 0], [], []>, precision = #tpu.contract_precision<fp32>, transpose_lhs_hint = false} : vector<128x512xf32>, vector<128x128xf32>, vector<512x128xf32> -> vector<512x128xf32>
    %add3A_60 = arith.addf %dot_general3A_54, %dot_general3A_59 : vector<512x128xf32>
    %get3A_61 = arith.constant 0 : index
    %get3A_62 = arith.constant 0 : index
    %get3A_63 = vector.load %arg4[%get3A_61, %get3A_62] : memref<128x128xf32, #tpu.memory_space<vmem>>, vector<128x128xf32>
    %dot_general3A_64 = arith.constant dense<0.000000e+00> : vector<512x128xf32>
    %dot_general3A_65 = tpu.matmul %concatenate3A_47, %get3A_63, %dot_general3A_64 {dimension_numbers = #tpu.dot_dimension_numbers<[0], [1], [1], [0], [0, 1, 1, 0], [], []>, precision = #tpu.contract_precision<fp32>, transpose_lhs_hint = false} : vector<128x512xf32>, vector<128x128xf32>, vector<512x128xf32> -> vector<512x128xf32>
    %add3A_66 = arith.addf %add3A_60, %dot_general3A_65 : vector<512x128xf32>
    %get3A_67 = arith.constant 0 : index
    %get3A_68 = arith.constant 0 : index
    %get3A_69 = vector.load %arg5[%get3A_67, %get3A_68] : memref<1x128xf32, #tpu.memory_space<vmem>>, vector<1x128xf32>
    %add3A_70 = vector.broadcast %get3A_69 : vector<1x128xf32> to vector<512x128xf32>
    %add3A_71 = arith.addf %add3A_66, %add3A_70 : vector<512x128xf32>
    %swap3A_72 = arith.constant 0 : index
    %swap3A_73 = arith.constant 0 : index
    %swap3A_74 = arith.constant 0 : index
    %swap3A_75 = vector.load %arg14[%swap3A_72, %swap3A_73, %swap3A_74] : memref<1x512x128xf32, #tpu.memory_space<vmem>>, vector<1x512x128xf32>
    %swap3A_76 = vector.shape_cast %swap3A_75 : vector<1x512x128xf32> to vector<512x128xf32>
    %swap3A_77 = vector.shape_cast %add3A_71 : vector<512x128xf32> to vector<1x512x128xf32>
    tpu.vector_store %arg14[%swap3A_72, %swap3A_73, %swap3A_74], %swap3A_77 {strides = array<i32>} : memref<1x512x128xf32, #tpu.memory_space<vmem>>, vector<1x512x128xf32>,
    %get3A_78 = arith.constant 0 : index
    %get3A_79 = arith.constant 0 : index
    %get3A_80 = vector.load %arg6[%get3A_78, %get3A_79] : memref<128x128xf32, #tpu.memory_space<vmem>>, vector<128x128xf32>
    %dot_general3A_81 = arith.constant dense<0.000000e+00> : vector<512x128xf32>
    %dot_general3A_82 = tpu.matmul %get3A_3, %get3A_80, %dot_general3A_81 {dimension_numbers = #tpu.dot_dimension_numbers<[0], [1], [1], [0], [0, 1, 1, 0], [], []>, precision = #tpu.contract_precision<fp32>, transpose_lhs_hint = false} : vector<128x512xf32>, vector<128x128xf32>, vector<512x128xf32> -> vector<512x128xf32>
    %swap3A_83 = arith.constant 0 : index
    %swap3A_84 = arith.constant 0 : index
    %swap3A_85 = arith.constant 0 : index
    %swap3A_86 = vector.load %arg15[%swap3A_83, %swap3A_84, %swap3A_85] : memref<1x512x128xf32, #tpu.memory_space<vmem>>, vector<1x512x128xf32>
    %swap3A_87 = vector.shape_cast %swap3A_86 : vector<1x512x128xf32> to vector<512x128xf32>
    %swap3A_88 = vector.shape_cast %dot_general3A_82 : vector<512x128xf32> to vector<1x512x128xf32>
    tpu.vector_store %arg15[%swap3A_83, %swap3A_84, %swap3A_85], %swap3A_88 {strides = array<i32>} : memref<1x512x128xf32, #tpu.memory_space<vmem>>, vector<1x512x128xf32>,
    %get3A_89 = arith.constant 0 : index
    %get3A_90 = arith.constant 0 : index
    %get3A_91 = vector.load %arg7[%get3A_89, %get3A_90] : memref<128x128xf32, #tpu.memory_space<vmem>>, vector<128x128xf32>
    %dot_general3A_92 = arith.constant dense<0.000000e+00> : vector<512x128xf32>
    %dot_general3A_93 = tpu.matmul %get3A_3, %get3A_91, %dot_general3A_92 {dimension_numbers = #tpu.dot_dimension_numbers<[0], [1], [1], [0], [0, 1, 1, 0], [], []>, precision = #tpu.contract_precision<fp32>, transpose_lhs_hint = false} : vector<128x512xf32>, vector<128x128xf32>, vector<512x128xf32> -> vector<512x128xf32>
    %get3A_94 = arith.constant 0 : index
    %get3A_95 = arith.constant 0 : index
    %get3A_96 = vector.load %arg8[%get3A_94, %get3A_95] : memref<1x128xf32, #tpu.memory_space<vmem>>, vector<1x128xf32>
    %add3A_97 = vector.broadcast %get3A_96 : vector<1x128xf32> to vector<512x128xf32>
    %add3A_98 = arith.addf %dot_general3A_93, %add3A_97 : vector<512x128xf32>
    %swap3A_99 = arith.constant 0 : index
    %swap3A_100 = arith.constant 0 : index
    %swap3A_101 = arith.constant 0 : index
    %swap3A_102 = vector.load %arg13[%swap3A_99, %swap3A_100, %swap3A_101] : memref<1x512x128xf32, #tpu.memory_space<vmem>>, vector<1x512x128xf32>
    %swap3A_103 = vector.shape_cast %swap3A_102 : vector<1x512x128xf32> to vector<512x128xf32>
    %swap3A_104 = vector.shape_cast %add3A_98 : vector<512x128xf32> to vector<1x512x128xf32>
    tpu.vector_store %arg13[%swap3A_99, %swap3A_100, %swap3A_101], %swap3A_104 {strides = array<i32>} : memref<1x512x128xf32, #tpu.memory_space<vmem>>, vector<1x512x128xf32>,
    return
  }
  func.func @transform_0(%arg0: i32) -> (i32, i32, i32) {
    %c0_i32 = arith.constant 0 : i32
    %c0_i32_0 = arith.constant 0 : i32
    %c0_i32_1 = arith.constant 0 : i32
    return %arg0, %c0_i32, %c0_i32_0 : i32, i32, i32
  }
  func.func @transform_1(%arg0: i32) -> (i32, i32) {
    %c0_i32 = arith.constant 0 : i32
    %c0_i32_0 = arith.constant 0 : i32
    %c0_i32_1 = arith.constant 0 : i32
    return %c0_i32, %c0_i32_0 : i32, i32
  }
  func.func @transform_2(%arg0: i32) -> (i32, i32) {
    %c0_i32 = arith.constant 0 : i32
    %c0_i32_0 = arith.constant 0 : i32
    %c0_i32_1 = arith.constant 0 : i32
    return %c0_i32, %c0_i32_0 : i32, i32
  }
  func.func @transform_3(%arg0: i32) -> (i32, i32) {
    %c0_i32 = arith.constant 0 : i32
    %c0_i32_0 = arith.constant 0 : i32
    %c0_i32_1 = arith.constant 0 : i32
    return %c0_i32, %c0_i32_0 : i32, i32
  }
  func.func @transform_4(%arg0: i32) -> (i32, i32) {
    %c0_i32 = arith.constant 0 : i32
    %c0_i32_0 = arith.constant 0 : i32
    %c0_i32_1 = arith.constant 0 : i32
    return %c0_i32, %c0_i32_0 : i32, i32
  }
  func.func @transform_5(%arg0: i32) -> (i32, i32) {
    %c0_i32 = arith.constant 0 : i32
    %c0_i32_0 = arith.constant 0 : i32
    %c0_i32_1 = arith.constant 0 : i32
    return %c0_i32, %c0_i32_0 : i32, i32
  }
  func.func @transform_6(%arg0: i32) -> (i32, i32) {
    %c0_i32 = arith.constant 0 : i32
    %c0_i32_0 = arith.constant 0 : i32
    %c0_i32_1 = arith.constant 0 : i32
    return %c0_i32, %c0_i32_0 : i32, i32
  }
  func.func @transform_7(%arg0: i32) -> (i32, i32) {
    %c0_i32 = arith.constant 0 : i32
    %c0_i32_0 = arith.constant 0 : i32
    %c0_i32_1 = arith.constant 0 : i32
    return %c0_i32, %c0_i32_0 : i32, i32
  }
  func.func @transform_8(%arg0: i32) -> (i32, i32, i32) {
    %c0_i32 = arith.constant 0 : i32
    %c0_i32_0 = arith.constant 0 : i32
    %c0_i32_1 = arith.constant 0 : i32
    return %arg0, %c0_i32, %c0_i32_0 : i32, i32, i32
  }
  func.func @transform_9(%arg0: i32) -> (i32, i32, i32) {
    %c0_i32 = arith.constant 0 : i32
    %c0_i32_0 = arith.constant 0 : i32
    %c0_i32_1 = arith.constant 0 : i32
    return %arg0, %c0_i32, %c0_i32_0 : i32, i32, i32
  }
  func.func @transform_10(%arg0: i32) -> (i32, i32, i32) {
    %c0_i32 = arith.constant 0 : i32
    %c0_i32_0 = arith.constant 0 : i32
    %c0_i32_1 = arith.constant 0 : i32
    return %arg0, %c0_i32, %c0_i32_0 : i32, i32, i32
  }
  func.func @transform_11(%arg0: i32) -> (i32, i32, i32) {
    %c0_i32 = arith.constant 0 : i32
    %c0_i32_0 = arith.constant 0 : i32
    %c0_i32_1 = arith.constant 0 : i32
    return %arg0, %c0_i32, %c0_i32_0 : i32, i32, i32
  }
  func.func @transform_12(%arg0: i32) -> (i32, i32, i32) {
    %c0_i32 = arith.constant 0 : i32
    %c0_i32_0 = arith.constant 0 : i32
    %c0_i32_1 = arith.constant 0 : i32
    return %arg0, %c0_i32, %c0_i32_0 : i32, i32, i32
  }
  func.func @transform_13(%arg0: i32) -> (i32, i32, i32) {
    %c0_i32 = arith.constant 0 : i32
    %c0_i32_0 = arith.constant 0 : i32
    %c0_i32_1 = arith.constant 0 : i32
    return %arg0, %c0_i32, %c0_i32_0 : i32, i32, i32
  }
  func.func @transform_14(%arg0: i32) -> (i32, i32, i32) {
    %c0_i32 = arith.constant 0 : i32
    %c0_i32_0 = arith.constant 0 : i32
    %c0_i32_1 = arith.constant 0 : i32
    return %arg0, %c0_i32, %c0_i32_0 : i32, i32, i32
  }
  func.func @transform_15(%arg0: i32) -> (i32, i32, i32) {
    %c0_i32 = arith.constant 0 : i32
    %c0_i32_0 = arith.constant 0 : i32
    %c0_i32_1 = arith.constant 0 : i32
    return %arg0, %c0_i32, %c0_i32_0 : i32, i32, i32
  }
}

</mosaic_0001>

<sc_bundles>
// kernel: kernel.4.cloned.1.call-start
scs
__scs_entry_jumppad:
0x0: {  	(pc) =	sbr.rel $0x88, $3  }
0x1: {  	(tag) =	ssettag $0x0;
	lr =	simm.s32 $0x1  }
0x2: {  	[smem:$0x3F9C] =	sst lr;
	_ =	strace $0xD0000000  }
0x3: {  	_ = 	snop  }
0x4: {  	_ = 	snop  }
0x5: {  	_ = 	snop  }
0x6: {  	_ = 	snop  }
0x7: {  	_ = 	snop  }
__scs_overlays_trampoline_lowered:
0x8: {  	[smem:$0x3FAB] =	sst s0  }
0x9: {  	[smem:$0x3FAC] =	sst s1  }
0xa: {  	[smem:$0x3FAD] =	sst s2  }
0xb: {  	[smem:$0x3FAE] =	sst s3  }
0xc: {  	[smem:$0x3FAF] =	sst s4  }
0xd: {  	[smem:$0x3FB0] =	sst s5  }
0xe: {  	[smem:$0x3FB1] =	sst s6  }
0xf: {  	[smem:$0x3FB2] =	sst s7  }
0x10: {  	[smem:$0x3FB3] =	sst s8  }
0x11: {  	[smem:$0x3FB4] =	sst s9;
	s0 =	simm.s32 @!p0 $0x0  }
0x12: {  	s1 =	sld [smem:$0x3F9A];
	s0 =	simm.s32 @p0 $0x1  }
0x13: {  	[smem:$0x3FB5] =	sst s0;
	s0 =	simm.s32 @!p1 $0x0  }
0x14: {  	s2 =	sld [smem:$0x3F99];
	s0 =	simm.s32 @p1 $0x1  }
0x15: {  	[smem:$0x3FB6] =	sst s0;
	s0 =	simm.s32 @!p2 $0x0  }
0x16: {  	s3 =	sld [smem:$0x3FDB];
	s0 =	simm.s32 @p2 $0x1  }
0x17: {  	s4 =	simm.s32 $0x1BF5;
	[smem:$0x3FB8] =	sst s0  }
0x18: {  	s0 =	sld [smem:$0x3F9B];
	_ =	swait.ge [sflag:s4], $0x0  }
0x19: {  	s7 =	sld [smem:$0x3F9C]  }
0x1a: {  	s8 =	sadd.s32 $0xFFFFE003, lr  }
0x1b: {  	s9 =	sadd.s32 $0xFFFFFEF7, lr;
	s5 =	simm.s32 $0xFFFFFFFF;
	p2 =	slt.u32 s8, $0xFFFFF086  }
0x1c: {  	p1 =	slt.u32 s9, $0xF7A;
	s5 =	simm.s32 @!p2 $0x0  }
0x1d: {  	s5 =	simm.s32 @p1 $0x1;
	p0 =	seq.s32 s7, s2  }
0x1e: {  	s7 =	smul.u32 @!p0 $0xF7A, s2;
	p2 =	seq.s32 @!p0 s5, $0x0  }
0x1f: {  	s9 =	smul.u32 $0xF7A, s1;
	s8 =	simm.s32 @!p0 $0x1BF5;
	p2 =	por !p2, p0  }
0x20: {  	[sflag:s8] =	ssyncset.s32 @!p0 $0xFFFFF086;
	s6 =	sadd.s32 @!p0 s3, s7;
	s7 =	simm.s32 @!p0 $0x108  }
0x21: {  	s3 =	sadd.s32 s3, s9;
	s6 =	sadd.s32 @!p0 $0x88, s6;
	s7 =	simm.s32 @p2 $0x1082  }
0x22: {  	[simem:s7], [sflag:s8] =	dma.local @!p0 [hbm:s6], $0xF7A  }
0x23: {  	s9 =	sor.u32 $0xD0000000, s2;
	s6 =	simm.s32 $0x108;
	_ =	swait.ge @!p0 [sflag:s8], $0x0  }
0x24: {  	s3 =	sadd.s32 $0x88, s3;
	s6 =	simm.s32 @!p1 $0x1082;
	[sflag:s4] =	ssyncset.s32 $0xFFFFF086  }
0x25: {  	[simem:s6], [sflag:s4] =	dma.local [hbm:s3], $0xF7A  }
0x26: {  	[smem:$0x3F9C] =	sst s1;
	(tag) =	ssettag s2;
	_ =	strace s9  }
0x27: {  	s1 =	sld [smem:$0x3FAC]  }
0x28: {  	s2 =	sld [smem:$0x3FAD]  }
0x29: {  	s4 =	sld [smem:$0x3FAF]  }
0x2a: {  	p0 =	seq.s32 s5, $0x0;
	s5 =	sld [smem:$0x3FB0]  }
0x2b: {  	s6 =	sld [smem:$0x3FB1]  }
0x2c: {  	s7 =	sld [smem:$0x3FB2]  }
0x2d: {  	s3 =	simm.s32 $0x108;
	s8 =	sld [smem:$0x3FB3]  }
0x2e: {  	s3 =	simm.s32 @!p0 $0x1082;
	s9 =	sld [smem:$0x3FB4]  }
0x2f: {  	lr =	sadd.s32 s0, s3;
	s0 =	sld [smem:$0x3FAB]  }
0x30: {  	s3 =	sld [smem:$0x3FAE]  }
0x31: {  	[smem:$0x3FB7] =	sst s10  }
0x32: {  	s10 =	sld [smem:$0x3FB5];
	_ =	sdelay $0x3  }
0x33: {  	p0 =	seq.s32 s10, $0x1;
	s10 =	sld [smem:$0x3FB7];
	_ =	sdelay $0x3  }
0x34: {  	[smem:$0x3FB7] =	sst s10  }
0x35: {  	s10 =	sld [smem:$0x3FB6];
	_ =	sdelay $0x3  }
0x36: {  	p1 =	seq.s32 s10, $0x1;
	s10 =	sld [smem:$0x3FB7];
	_ =	sdelay $0x3  }
0x37: {  	[smem:$0x3FB7] =	sst s10  }
0x38: {  	s10 =	sld [smem:$0x3FB8]  }
0x39: {  	_ = 	snop;
	(pc) =	sbr.ind lr, $3  }
0x3a: {  	_ = 	snop  }
0x3b: {  	_ = 	snop  }
0x3c: {  	p2 =	seq.s32 s10, $0x1;
	s10 =	sld [smem:$0x3FB7]  }
0x3d: {  	_ =	shalt  }
0x3e: {  	_ =	shalt  }
0x3f: {  	_ =	shalt  }
0x40: {  	_ =	shalt  }
0x41: {  	_ =	shalt  }
0x42: {  	_ =	shalt  }
0x43: {  	_ =	shalt  }
0x44: {  	_ =	shalt  }
0x45: {  	_ =	shalt  }
0x46: {  	_ =	shalt  }
0x47: {  	_ =	shalt  }
0x48: {  	_ =	shalt  }
0x49: {  	_ =	shalt  }
0x4a: {  	_ =	shalt  }
0x4b: {  	_ =	shalt  }
0x4c: {  	_ =	shalt  }
0x4d: {  	_ =	shalt  }
0x4e: {  	_ =	shalt  }
0x4f: {  	_ =	shalt  }
0x50: {  	_ =	shalt  }
0x51: {  	_ =	shalt  }
0x52: {  	_ =	shalt  }
0x53: {  	_ =	shalt  }
0x54: {  	_ =	shalt  }
0x55: {  	_ =	shalt  }
0x56: {  	_ =	shalt  }
0x57: {  	_ =	shalt  }
0x58: {  	_ =	shalt  }
0x59: {  	_ =	shalt  }
0x5a: {  	_ =	shalt  }
0x5b: {  	_ =	shalt  }
0x5c: {  	_ =	shalt  }
0x5d: {  	_ =	shalt  }
0x5e: {  	_ =	shalt  }
0x5f: {  	_ =	shalt  }
0x60: {  	_ =	shalt  }
0x61: {  	_ =	shalt  }
0x62: {  	_ =	shalt  }
0x63: {  	_ =	shalt  }
0x64: {  	_ =	shalt  }
0x65: {  	_ =	shalt  }
0x66: {  	_ =	shalt  }
0x67: {  	_ =	shalt  }
0x68: {  	_ =	shalt  }
0x69: {  	_ =	shalt  }
0x6a: {  	_ =	shalt  }
0x6b: {  	_ =	shalt  }
0x6c: {  	_ =	shalt  }
0x6d: {  	_ =	shalt  }
0x6e: {  	_ =	shalt  }
0x6f: {  	_ =	shalt  }
0x70: {  	_ =	shalt  }
0x71: {  	_ =	shalt  }
0x72: {  	_ =	shalt  }
0x73: {  	_ =	shalt  }
0x74: {  	_ =	shalt  }
0x75: {  	_ =	shalt  }
0x76: {  	_ =	shalt  }
0x77: {  	_ =	shalt  }
0x78: {  	_ =	shalt  }
0x79: {  	_ =	shalt  }
0x7a: {  	_ =	shalt  }
0x7b: {  	_ =	shalt  }
0x7c: {  	_ =	shalt  }
0x7d: {  	_ =	shalt  }
0x7e: {  	_ =	shalt  }
0x7f: {  	_ =	shalt  }
0x80: {  	_ =	shalt  }
0x81: {  	_ =	shalt  }
0x82: {  	_ =	shalt  }
0x83: {  	_ =	shalt  }
0x84: {  	_ =	shalt  }
0x85: {  	_ =	shalt  }
0x86: {  	_ =	shalt  }
0x87: {  	_ =	shalt  }
.Lfunc_end0:
.L_simem_size_0:
called_computation_lowered:
.L_overlay_start_0:
0x88: {  	s2 =	sld [smem:$0x3FD9]  }
0x89: {  	s3 =	sld [smem:$0x3FFE];
	_ =	sdelay $0x1  }
0x8a: {  	s1 =	srdreg.scid  }
0x8b: {  	s0 =	sand.u32 $0x1, s1  }
0x8c: {  	s17 =	sshll.u32 s0, $0xA;
	s2 =	sadd.s32 s3, s2  }
0x8d: {  	s2 =	sadd.s32 s2, s17  }
0x8e: {  	[smem:$0x3FC3] =	sst s2  }
0x8f: {  	_ = 	snop  }
0x90: {  	s2 =	sld [smem:$0x3FD0];
	(tm) =	ssettm $0x1  }
0x91: {  	s18 =	sld [smem:$0x3FFB];
	_ =	sdelay $0x3  }
0x92: {  	_ =	strace s18  }
0x93: {  	s3 =	sld [smem:$0x3FFC];
	_ =	sdelay $0x3  }
0x94: {  	_ =	strace s3  }
0x95: {  	s3 =	sld [smem:$0x3FFD];
	_ =	sdelay $0x3  }
0x96: {  	_ =	strace s3  }
0x97: {  	_ =	strace $0x8FFFFFFF  }
0x98: {  	s19 =	sld [smem:$0x3FDB];
	_ =	sdelay $0x1  }
0x99: {  	s4 =	simm.s32 $_scs_section_size  }
0x9a: {  	s5 =	simm.s32 $_size__tile_overlayer_lowered;
	s6 =	simm.s32 $_tile_overlayer_lowered  }
0x9b: {  	s22 =	simm.s32 $0x1BFF;
	s21 =	sshll.u32 s6, $0x1;
	s3 =	sadd.s32 s4, s19  }
0x9c: {  	s7 =	simm.s32 $0x0;
	s20 =	sshll.u32 s5, $0x1;
	s5 =	sadd.s32 s21, s3  }
0x9d: {  	[timem:s7], [sflag:s22] =	dma.local [hbm:s5], s20  }
0x9e: {  	_ =	swait.ge [sflag:s22], s20  }
0x9f: {  	s4 =	ssub.s32 $0x0, s20;
	[sflag:s22] =	ssyncset.done $0x0  }
0xa0: {  	[sflag:s22] =	ssyncadd.s32 s4;
	_ =	sdelay $0x1  }
0xa1: {  	s23 =	simm.s32 $0x1B8B  }
0xa2: {  	_ =	swait.ge [sflag:s23], $0x1  }
0xa3: {  	[sflag:s23] =	ssyncset.done $0x0  }
0xa4: {  	s25 =	simm.s32 $0x1B8E;
	s24 =	sld [smem:$0x3FFE];
	[sflag:s23] =	ssyncadd.s32 $0xFFFFFFFF  }
0xa5: {  	s26 =	simm.s32 $execute0_lowered;
	[smem:$0x3FD2] =	sst s25  }
0xa6: {  	s5 =	sshll.u32 s26, $0x1;
	_ =	strace $0x80000046;
	[dreg:$0x1] =	wrdreg $0xFFFFFFFF  }
0xa7: {  	s28 =	simm.s32 $_size_execute0_lowered;
	s3 =	sadd.s32 s3, s5;
	[dreg:$0x0] =	wrdreg $0x0  }
0xa8: {  	s5 =	sshll.u32 s28, $0x1;
	[dreg:$0x2] =	wrdreg s3  }
0xa9: {  	[dreg:$0x3] =	wrdreg s5  }
0xaa: {  	[dreg:$0x4] =	wrdreg $0xC0  }
0xab: {  	_ =	task [dreg:s7], $0x5FFFF  }
0xac: {  	[dreg:$0x1] =	wrdreg $0xFFFFFFFF  }
0xad: {  	[dreg:$0x0] =	wrdreg $0x60  }
0xae: {  	[dreg:$0x2] =	wrdreg s24  }
0xaf: {  	[dreg:$0x3] =	wrdreg s2  }
0xb0: {  	[dreg:$0x4] =	wrdreg $0x9  }
0xb1: {  	_ =	task.clear_ibuf [dreg:s7], $0x5FFFF;
	_ =	strace $0x90000046  }
0xb2: {  	s29 =	simm.s32 $0x9;
	_ =	strace $0x80000048  }
0xb3: {  	_ =	swait.ge [sflag:s29], $0x1  }
0xb4: {  	[sflag:s29] =	ssyncadd.s32 $0xFFFFFFFF  }
0xb5: {  	_ =	strace $0x90000048  }
0xb6: {  	_ =	sfence  }
0xb7: {  	s30 =	sld [smem:$0x0];
	_ =	sdelay $0x2  }
0xb8: {  	s31 =	sshll.u32 s1, $0xD;
	s1 =	sshrl.u32 s1, $0x2  }
0xb9: {  	s3 =	sand.u32 $0x4000, s31;
	s1 =	sadd.s32 s1, s30  }
0xba: {  	s0 =	sor.u32 s3, s0;
	s1 =	sshll.u32 s1, $0x11  }
0xbb: {  	s0 =	sor.u32 s1, s0  }
0xbc: {  	s0 =	sadd.s32 $0x8F2B, s0  }
0xbd: {  	[sflag:s0] =	ssyncadd.remote.s32 $0x1  }
0xbe: {  	_ =	sfence.sel $0xFFFF  }
0xbf: {  	[dreg:$0x0] =	wrdreg $0xFFFFFFFF;
	(pc) =	sbr.abs _section_cstart, $3  }
0xc0: {  	[dreg:$0x1] =	wrdreg $0xFFFFFFFF  }
0xc1: {  	_ =	task.clear_ibuf [dreg:s7], $0x2FFFF;
	_ =	strace $0x9FFFFFFF  }
0xc2: {  	(tm) =	ssettm $0x7FFFFFFF  }
0xc3: {  	_ =	shalt  }
tec
execute0_lowered:
.L_overlay_start_1:
0x0: {  	(tag) =	ssettag $0x1  }
0x1: {  	s0 =	rddreg [dreg:$0x0];
	s2 =	simm.s32 $0x0;
	v63 =	vlaneseq.u32  }
0x2: {  	[smem:$0x7FF] =	sst s2;
	v8 =	vor.u32 $0x80, v63  }
0x3: {  	s1 =	rddreg [dreg:$0x1];
	v9 =	vor.u32 $0x90, v63;
	_ =	strace $0x80000047;
	[tilespmem:$0x1FF00] =	vst v8  }
0x4: {  	v10 =	vor.u32 $0xA0, v63;
	[tilespmem:$0x1FF10] =	vst v9  }
0x5: {  	s3 =	srdreg.scid;
	s15 =	stileid.u32;
	s18 =	simm.s32 $0x1C000;
	v11 =	vor.u32 $0xB0, v63;
	[tilespmem:$0x1FF20] =	vst v10  }
0x6: {  	vm0 =	vmmov $0x3ff;
	vm1 =	vcmask $0x300;
	s19 =	simm.s32 $0x1C200;
	s20 =	simm.s32 $0x8000;
	s21 =	simm.s32 $0xA000;
	v12 =	vor.u32 $0xC0, v63;
	[tilespmem:$0x1FF30] =	vst v11  }
0x7: {  	vm2 =	vcmask $0x704;
	vm3 =	vcmask $0xB08;
	s22 =	simm.s32 $0xC000;
	s23 =	simm.s32 $0x1;
	s28 =	simm.s32 $0x0;
	v13 =	vor.u32 $0xD0, v63;
	[tilespmem:$0x1FF40] =	vst v12  }
0x8: {  	vm4 =	vcmask $0xF0C;
	vm5 =	vcmask $0x1310;
	s11 =	sand.u32 $0x1, s3;
	s24 =	sshll.u32 s15, $0x1;
	s25 =	sshrl.u32 s15, $0x2;
	v14 =	vor.u32 $0xE0, v63;
	[tilespmem:$0x1FF50] =	vst v13  }
0x9: {  	vm6 =	vcmask $0x1714;
	vm7 =	vcmask $0x1B18;
	v15 =	vor.u32 $0xF0, v63;
	s29 =	sshll.u32 s15, $0x7;
	s3 =	sor.u32 s11, s24;
	s5 =	ssub.s32 $0x2, s11;
	[tilespmem:$0x1FF60] =	vst v14  }
0xa: {  	vm8 =	vcmask $0x1F1C;
	vm9 =	vcmask $0x2320;
	v16 =	vor.u32 $0x100, v63;
	s6 =	sshll.u32 s25, $0xD;
	s14 =	sshll.u32 s25, $0x9;
	s26 =	sshll.u32 s25, $0x7;
	[tilespmem:$0x1FF70] =	vst v15  }
0xb: {  	vm10 =	vcmask $0x2724;
	v1 =	vor.u32 $0x10, v63;
	v17 =	vor.u32 $0x110, v63;
	s30 =	sshll.u32 s11, $0x6;
	s24 =	simm.s32 $0x2;
	s25 =	simm.s32 $0x1C400;
	[tilespmem:$0x1FF80] =	vst v16  }
0xc: {  	v2 =	vor.u32 $0x20, v63;
	v3 =	vor.u32 $0x30, v63;
	v18 =	vor.u32 $0x120, v63;
	[tilespmem:$0x1FF90] =	vst v17;
	s4 =	sshll.u32 s3, $0xA;
	s3 =	sshll.u32 s3, $0x9;
	s7 =	sshrl.u32 s5, $0x1  }
0xd: {  	v4 =	vor.u32 $0x40, v63;
	v5 =	vor.u32 $0x50, v63;
	v19 =	vor.u32 $0x130, v63;
	[tilespmem:$0x1FFA0] =	vst v18;
	s12 =	sadd.s32 s6, s0;
	s6 =	sadd.s32 s1, s26;
	s31 =	sor.u32 s30, s29  }
0xe: {  	v6 =	vor.u32 $0x60, v63;
	v7 =	vor.u32 $0x70, v63;
	v20 =	vor.u32 $0x140, v63;
	[tilespmem:$0x1FFB0] =	vst v19;
	s26 =	simm.s32 $0x3;
	s10 =	sadd.s32 s4, s0;
	s0 =	sadd.s32 s3, s0  }
0xf: {  	v21 =	vor.u32 $0x150, v63;
	v22 =	vor.u32 $0x160, v63;
	v23 =	vor.u32 $0x170, v63;
	[tilespmem:$0x1FFC0] =	vst v20;
	s13 =	ssub.s32 s5, s7;
	s8 =	sadd.s32 $0x40, s6;
	s11 =	sadd.s32 $0x32200, s12  }
0x10: {  	v24 =	vor.u32 $0x180, v63;
	v25 =	vor.u32 $0x190, v63;
	v26 =	vor.u32 $0x1A0, v63;
	[tilespmem:$0x1FFD0] =	vst v21;
	s16 =	ssub.s32 s31, s14;
	s3 =	sadd.s32 $0x2200, s10;
	s4 =	sadd.s32 $0xA200, s10  }
0x11: {  	v34 =	vimm.s32 $0x0;
	v27 =	vor.u32 $0x1B0, v63;
	v28 =	vor.u32 $0x1C0, v63;
	[tilespmem:$0x1FFE0] =	vst v22;
	s5 =	sadd.s32 $0x12200, s10;
	s7 =	sadd.s32 $0x1A200, s10;
	s9 =	sadd.s32 $0x22200, s10  }
0x12: {  	v29 =	vor.u32 $0x1D0, v63;
	v30 =	vor.u32 $0x1E0, v63;
	v31 =	vor.u32 $0x1F0, v63;
	[tilespmem:$0x1FFF0] =	vst v23;
	s10 =	sadd.s32 $0x2A200, s10;
	s12 =	sadd.s32 $0x3A200, s0;
	s13 =	smax.u32 s13, $0x1  }
.LBB2_1:
0x13: {  	[tilespmem:s2], [sflag:$0x1] =	stream.linear.gather [hbm4b:s3+s2], $0x2000, $0x38;
	[tilespmem:$0x1DC00] =	vst v63  }
0x14: {  	s0 =	simm.s32 $0x2000  }
0x15: {  	[tilespmem:s0], [sflag:$0x1] =	stream.linear.gather [hbm4b:s4+s2], $0x2000, $0x38;
	[tilespmem:$0x1DC00] =	vst v63  }
0x16: {  	s14 =	simm.s32 $0x4000  }
0x17: {  	[tilespmem:s14], [sflag:$0x1] =	stream.linear.gather [hbm4b:s5+s2], $0x2000, $0x38;
	[tilespmem:$0x1DC00] =	vst v63  }
0x18: {  	s15 =	simm.s32 $0x6000  }
0x19: {  	[tilespmem:s15], [sflag:$0x1] =	stream.linear.gather [hbm4b:s7+s2], $0x2000, $0x38;
	[tilespmem:$0x1DC00] =	vst v63  }
0x1a: {  	_ = 	snop  }
0x1b: {  	[tilespmem:s18], [sflag:$0x1] =	stream.linear.gather [hbm4b:s6+s2], $0x200, $0x38;
	[tilespmem:$0x1DC00] =	vst v63  }
0x1c: {  	_ = 	snop  }
0x1d: {  	[tilespmem:s19], [sflag:$0x1] =	stream.linear.gather [hbm4b:s8+s2], $0x200, $0x38;
	[tilespmem:$0x1DC00] =	vst v63  }
0x1e: {  	_ = 	snop  }
0x1f: {  	[tilespmem:s20], [sflag:$0x2] =	stream.linear.gather [hbm4b:s9+s2], $0x2000, $0x38;
	[tilespmem:$0x1DC00] =	vst v63  }
0x20: {  	_ = 	snop  }
0x21: {  	[tilespmem:s21], [sflag:$0x2] =	stream.linear.gather [hbm4b:s10+s2], $0x2000, $0x38;
	[tilespmem:$0x1DC00] =	vst v63  }
0x22: {  	_ = 	snop  }
0x23: {  	[tilespmem:s22], [sflag:$0x2] =	stream.linear.gather [hbm4b:s11+s2], $0x10000, $0x38;
	[tilespmem:$0x1DC00] =	vst v63  }
0x24: {  	_ =	swait.ge [sflag:s23], $0x2000  }
0x25: {  	[sflag:s23] =	ssyncset.done $0x0  }
0x26: {  	[sflag:s23] =	ssyncadd.s32 $0xFFFFE000  }
0x27: {  	_ =	swait.ge [sflag:s23], $0x2000  }
0x28: {  	[sflag:s23] =	ssyncset.done $0x0  }
0x29: {  	[sflag:s23] =	ssyncadd.s32 $0xFFFFE000  }
0x2a: {  	_ =	swait.ge [sflag:s23], $0x2000  }
0x2b: {  	[sflag:s23] =	ssyncset.done $0x0  }
0x2c: {  	[sflag:s23] =	ssyncadd.s32 $0xFFFFE000  }
0x2d: {  	_ =	swait.ge [sflag:s23], $0x2000  }
0x2e: {  	[sflag:s23] =	ssyncset.done $0x0  }
0x2f: {  	[sflag:s23] =	ssyncadd.s32 $0xFFFFE000  }
0x30: {  	_ =	swait.ge [sflag:s23], $0x200  }
0x31: {  	[sflag:s23] =	ssyncset.done $0x0  }
0x32: {  	[sflag:s23] =	ssyncadd.s32 $0xFFFFFE00  }
0x33: {  	_ =	swait.ge [sflag:s23], $0x200  }
0x34: {  	[sflag:s23] =	ssyncset.done $0x0  }
0x35: {  	s17 =	simm.s32 $0x0;
	[sflag:s23] =	ssyncadd.s32 $0xFFFFFE00  }
0x36: {  	v0 =	vld [tilespmem:s17+$0x6070]  }
0x37: {  	v32 =	vld [tilespmem:s17+$0x2030]  }
0x38: {  	v33 =	vld [tilespmem:s17+$0x4070]  }
0x39: {  	v35 =	vld [tilespmem:s17+$0x4050]  }
0x3a: {  	v36 =	vld [tilespmem:s17+$0x4060]  }
0x3b: {  	v37 =	vld [tilespmem:s17+$0x4040];
	(xrf1) =	vsort.dscd.msk.f32 $0xffff, v0, v31  }
0x3c: {  	v0 =	vld [tilespmem:s17+$0x30];
	(xrf1) =	vsort.dscd.msk.f32 $0xffff, v32, v11  }
0x3d: {  	v45 =	vld [tilespmem:s17+$0x4010];
	(xrf1) =	vsort.dscd.msk.f32 $0xffff, v33, v23  }
0x3e: {  	v46 =	vld [tilespmem:s17+$0x70];
	(xrf1) =	vsort.dscd.msk.f32 $0xffff, v35, v21  }
0x3f: {  	v47 =	vld [tilespmem:s17+$0x4000];
	(xrf1) =	vsort.ascd.msk.f32 $0xffff, v36, v22  }
0x40: {  	v48 =	vld [tilespmem:s17+$0x6060];
	(xrf1) =	vsort.ascd.msk.f32 $0xffff, v37, v20  }
0x41: {  	v49 =	vld [tilespmem:s17+$0x6040];
	(xrf1) =	vsort.dscd.msk.f32 $0xffff, v0, v3  }
0x42: {  	v0 =	vld [tilespmem:s17+$0x40];
	(xrf1) =	vsort.dscd.msk.f32 $0xffff, v45, v17  }
0x43: {  	v50 =	vld [tilespmem:s17+$0x0];
	(xrf1) =	vsort.dscd.msk.f32 $0xffff, v46, v7  }
0x44: {  	v51 =	vld [tilespmem:s17+$0x60];
	(xrf1) =	vsort.ascd.msk.f32 $0xffff, v47, v16  }
0x45: {  	v52 =	vld [tilespmem:s17+$0x20];
	(xrf1) =	vsort.ascd.msk.f32 $0xffff, v48, v30  }
0x46: {  	v53 =	vld [tilespmem:s17+$0x10];
	(xrf1) =	vsort.ascd.msk.f32 $0xffff, v49, v28  }
0x47: {  	v54 =	vld [tilespmem:s17+$0x6050];
	(xrf1) =	vsort.ascd.msk.f32 $0xffff, v0, v4  }
0x48: {  	v0 =	vld [tilespmem:s17+$0x50];
	(xrf1) =	vsort.ascd.msk.f32 $0xffff, v50, v63  }
0x49: {  	(xrf1) =	vsort.ascd.msk.f32 $0xffff, v51, v6;
	v33, v38, _ =	vpop (xrf1)  }
0x4a: {  	v55 =	vld [tilespmem:s17+$0x2020];
	(xrf1) =	vsort.ascd.msk.f32 $0xffff, v52, v2;
	v35, v40, _ =	vpop (xrf1)  }
0x4b: {  	v39 =	vld [tilespmem:s17+$0x2010];
	(xrf1) =	vsort.dscd.msk.f32 $0xffff, v53, v1;
	v56, v42, _ =	vpop (xrf1)  }
0x4c: {  	v41 =	vld [tilespmem:s17+$0x2000];
	v43, v44, _ =	vpop (xrf1);
	(xrf1) =	vsort.dscd.msk.f32 $0xffff, v54, v29  }
0x4d: {  	(xrf1) =	vsort.dscd.msk.f32 $0xffff, v0, v5;
	v0, v45, _ =	vpop (xrf1)  }
0x4e: {  	v57 =	vld [tilespmem:s17+$0x4030];
	v58, v47, _ =	vpop (xrf1)  }
0x4f: {  	v46 =	vld [tilespmem:s17+$0x2050];
	(xrf1) =	vsort.ascd.msk.f32 $0xffff, v55, v10;
	vm11 =	vle.f32 v58, v43  }
0x50: {  	v48, v49, _ =	vpop (xrf1);
	(xrf1) =	vsort.dscd.msk.f32 $0xffff, v39, v9;
	v32 =	vsel vm11, v58, v43  }
0x51: {  	v59 =	vld [tilespmem:s17+$0x4020];
	v61 =	vsel vm11, v47, v44;
	(xrf1) =	vsort.ascd.msk.f32 $0xffff, v41, v8;
	v41, v44, _ =	vpop (xrf1);
	vm11 =	vle.f32 v0, v56  }
0x52: {  	v62 =	vld [tilespmem:s17+$0x6010];
	v50, v51, _ =	vpop (xrf1);
	(xrf1) =	vsort.ascd.msk.f32 $0xffff, v32, v61;
	v0 =	vsel vm11, v0, v56  }
0x53: {  	v60 =	vld [tilespmem:s17+$0x6000];
	v43, v52, _ =	vpop (xrf1);
	(xrf1) =	vsort.dscd.msk.f32 $0xffff, v57, v19  }
0x54: {  	v36 =	vld [tilespmem:s17+$0x6020];
	v61 =	vsel vm11, v45, v42;
	(xrf1) =	vsort.dscd.msk.f32 $0xffff, v46, v13;
	v42, v45, _ =	vpop (xrf1)  }
0x55: {  	v46 =	vld [tilespmem:s17+$0x2070];
	(xrf1) =	vsort.dscd.msk.f32 $0xffff, v0, v61;
	v0, v37, _ =	vpop (xrf1)  }
0x56: {  	v53 =	vld [tilespmem:s17+$0x2040];
	v54, v55, _ =	vpop (xrf1);
	(xrf1) =	vsort.ascd.msk.f32 $0xffff, v59, v18  }
0x57: {  	v39 =	vld [tilespmem:s17+$0x2060];
	v56, v57, _ =	vpop (xrf1);
	(xrf1) =	vsort.dscd.msk.f32 $0xffff, v62, v25  }
0x58: {  	v47 =	vld [tilespmem:s17+$0x6030];
	v58, v59, _ =	vpop (xrf1);
	(xrf1) =	vsort.ascd.msk.f32 $0xffff, v60, v24  }
0x59: {  	v32, v60, _ =	vpop (xrf1);
	(xrf1) =	vsort.ascd.msk.f32 $0xffff, v36, v26  }
0x5a: {  	vm11 =	vle.f32 v42, v33;
	v36, v61, _ =	vpop (xrf1);
	(xrf1) =	vsort.dscd.msk.f32 $0xffff, v46, v15  }
0x5b: {  	v33 =	vsel vm11, v42, v33;
	v38 =	vsel vm11, v45, v38;
	(xrf1) =	vsort.ascd.msk.f32 $0xffff, v53, v12;
	v46, v53, _ =	vpop (xrf1)  }
0x5c: {  	vm12 =	vle.f32 v58, v50;
	vm13 =	vle.f32 v32, v48;
	v42, v62, _ =	vpop (xrf1);
	(xrf1) =	vsort.ascd.msk.f32 $0xffff, v39, v14  }
0x5d: {  	v49 =	vsel vm13, v60, v49;
	vm11 =	vle.f32 v56, v36;
	(xrf1) =	vsort.dscd.msk.f32 $0xffff, v47, v27;
	v39, v47, _ =	vpop (xrf1)  }
0x5e: {  	v45 =	vsel vm12, v58, v50;
	v32 =	vsel vm13, v32, v48;
	v36 =	vsel vm11, v56, v36;
	v48, v50, _ =	vpop (xrf1)  }
0x5f: {  	v57 =	vsel vm11, v57, v61;
	vm11 =	vle.f32 v0, v46;
	vm13 =	vle.f32 v54, v42;
	v58, v60, _ =	vpop (xrf1)  }
0x60: {  	v37 =	vsel vm11, v37, v53;
	v42 =	vsel vm13, v54, v42;
	(xrf1) =	vsort.dscd.msk.f32 $0xffff, v32, v49;
	v54, v56, _ =	vpop (xrf1)  }
0x61: {  	v51 =	vsel vm12, v59, v51;
	v0 =	vsel vm11, v0, v46;
	(xrf1) =	vsort.dscd.msk.f32 $0xffff, v33, v38;
	v32, v49, _ =	vpop (xrf1)  }
0x62: {  	v55 =	vsel vm13, v55, v62;
	vm13 =	vle.f32 v43, v41;
	(xrf1) =	vsort.dscd.msk.f32 $0xffff, v45, v51;
	v33, v38, _ =	vpop (xrf1)  }
0x63: {  	v41 =	vsel vm13, v43, v41;
	(xrf1) =	vsort.ascd.msk.f32 $0xffff, v0, v37;
	v45, v46, _ =	vpop (xrf1)  }
0x64: {  	v44 =	vsel vm13, v52, v44;
	vm11 =	vle.f32 v58, v48;
	(xrf1) =	vsort.ascd.msk.f32 $0xffff, v42, v55;
	v0, v37, _ =	vpop (xrf1)  }
0x65: {  	v43 =	vsel vm11, v58, v48;
	(xrf1) =	vsort.ascd.msk.f32 $0xffff, v36, v57;
	v42, v48, _ =	vpop (xrf1);
	vm13 =	vle.f32 v0, v32  }
0x66: {  	(xrf1) =	vsort.ascd.msk.f32 $0xffff, v41, v44;
	v62, v51, _ =	vpop (xrf1);
	v0 =	vsel vm13, v0, v32;
	v52 =	vsel vm13, v37, v49  }
0x67: {  	vm12 =	vle.f32 v39, v35;
	v55, v53, _ =	vpop (xrf1);
	(xrf1) =	vsort.dscd.msk.f32 $0xffff, v0, v52;
	v0 =	vsel vm11, v60, v50  }
0x68: {  	v35 =	vsel vm12, v39, v35;
	v57 =	vsel vm12, v47, v40;
	vm11 =	vle.f32 v62, v42;
	v59, v58, _ =	vpop (xrf1)  }
0x69: {  	(xrf1) =	vsort.dscd.msk.f32 $0xffff, v35, v57;
	v36 =	vsel vm11, v62, v42;
	v60, v61, _ =	vpop (xrf1)  }
0x6a: {  	v62 =	vsel vm11, v51, v48;
	(xrf1) =	vsort.ascd.msk.f32 $0xffff, v43, v0;
	v0, v47, _ =	vpop (xrf1)  }
0x6b: {  	(xrf1) =	vsort.ascd.msk.f32 $0xffff, v36, v62;
	vm11 =	vle.f32 v0, v59  }
0x6c: {  	v36, v39, _ =	vpop (xrf1);
	v0 =	vsel vm11, v0, v59;
	v48 =	vsel vm11, v47, v58;
	vm11 =	vle.f32 v60, v33  }
0x6d: {  	vm12 =	vle.f32 v55, v36;
	(xrf1) =	vsort.dscd.msk.f32 $0xffff, v0, v48;
	v0 =	vsel vm11, v60, v33  }
0x6e: {  	v36 =	vsel vm12, v55, v36;
	v49 =	vsel vm12, v53, v39  }
0x6f: {  	v51, v52, _ =	vpop (xrf1);
	v50 =	vsel vm11, v61, v38;
	(xrf1) =	vsort.dscd.msk.f32 $0xffff, v36, v49  }
0x70: {  	(xrf1) =	vsort.ascd.msk.f32 $0xffff, v0, v50;
	v0, v32, _ =	vpop (xrf1)  }
0x71: {  	v36, v37, _ =	vpop (xrf1)  }
0x72: {  	v55, v53, _ =	vpop (xrf1)  }
0x73: {  	v58, v57, _ =	vpop (xrf1)  }
0x74: {  	v60, v59, _ =	vpop (xrf1);
	vm12 =	vle.f32 v58, v36  }
0x75: {  	vm13 =	vle.f32 v60, v51;
	v37 =	vsel vm12, v57, v37  }
0x76: {  	v36 =	vsel vm12, v58, v36;
	v35 =	vsel vm13, v59, v52  }
0x77: {  	v48, v62, _ =	vpop (xrf1);
	v33 =	vsel vm13, v60, v51  }
0x78: {  	v49, v50, _ =	vpop (xrf1)  }
0x79: {  	(xrf1) =	vsort.dscd.msk.f32 $0xffff, v36, v37;
	v36, v37, _ =	vpop (xrf1)  }
0x7a: {  	vm13 =	vle.f32 v55, v0;
	(xrf1) =	vsort.ascd.msk.f32 $0xffff, v33, v35;
	v33, v35, _ =	vpop (xrf1)  }
0x7b: {  	v0 =	vsel vm13, v55, v0;
	v32 =	vsel vm13, v53, v32;
	vm13 =	vle.f32 v33, v36  }
0x7c: {  	v35 =	vsel vm13, v35, v37  }
0x7d: {  	v33 =	vsel vm13, v33, v36  }
0x7e: {  	vm11 =	vle.f32 v54, v45;
	v51, v52, _ =	vpop (xrf1)  }
0x7f: {  	v61 =	vsel vm11, v54, v45;
	vm12 =	vle.f32 v48, v49;
	(xrf1) =	vsort.dscd.msk.f32 $0xffff, v0, v32;
	v0, v32, _ =	vpop (xrf1)  }
0x80: {  	v53 =	vsel vm11, v56, v46;
	v54 =	vsel vm12, v48, v49;
	(xrf1) =	vsort.ascd.msk.f32 $0xffff, v33, v35;
	v33, v35, _ =	vpop (xrf1)  }
0x81: {  	v55 =	vsel vm12, v62, v50;
	(xrf1) =	vsort.dscd.msk.f32 $0xffff, v61, v53;
	vm11 =	vle.f32 v51, v33  }
0x82: {  	(xrf1) =	vsort.ascd.msk.f32 $0xffff, v54, v55;
	v56, v57, _ =	vpop (xrf1);
	v33 =	vsel vm11, v51, v33;
	v35 =	vsel vm11, v52, v35  }
0x83: {  	vm11 =	vle.f32 v56, v0;
	(xrf1) =	vsort.ascd.msk.f32 $0xffff, v33, v35  }
0x84: {  	v0 =	vsel vm11, v56, v0;
	v32 =	vsel vm11, v57, v32  }
0x85: {  	(xrf1) =	vsort.dscd.msk.f32 $0xffff, v0, v32;
	_ =	sdelay $0x5  }
0x86: {  	v0, v32, _ =	vpop (xrf1)  }
0x87: {  	v33, v35, _ =	vpop (xrf1)  }
0x88: {  	v58, v59, _ =	vpop (xrf1)  }
0x89: {  	v60, v61, _ =	vpop (xrf1)  }
0x8a: {  	v62, v41, _ =	vpop (xrf1)  }
0x8b: {  	vm11 =	vle.f32 v33, v0;
	v48, v49, _ =	vpop (xrf1)  }
0x8c: {  	v0 =	vsel vm11, v33, v0;
	vm12 =	vle.f32 v48, v62;
	v51, v50, _ =	vpop (xrf1)  }
0x8d: {  	v40 =	vsel vm12, v48, v62;
	v41 =	vsel vm12, v49, v41;
	vm12 =	vle.f32 v51, v58  }
0x8e: {  	(xrf1) =	vsort.ascd.msk.f32 $0xffff, v40, v41;
	v54, v53, _ =	vpop (xrf1);
	v33 =	vsel vm12, v51, v58;
	v52 =	vsel vm12, v50, v59  }
0x8f: {  	v32 =	vsel vm11, v35, v32;
	vm11 =	vle.f32 v60, v54;
	(xrf1) =	vsort.dscd.msk.f32 $0xffff, v33, v52  }
0x90: {  	v55 =	vsel vm11, v60, v54;
	v56 =	vsel vm11, v61, v53;
	(xrf1) =	vsort.ascd.msk.f32 $0xffff, v0, v32  }
0x91: {  	(xrf1) =	vsort.dscd.msk.f32 $0xffff, v55, v56;
	_ =	sdelay $0xa  }
0x92: {  	v0, v32, _ =	vpop (xrf1)  }
0x93: {  	v33, v35, _ =	vpop (xrf1)  }
0x94: {  	v57, v58, _ =	vpop (xrf1)  }
0x95: {  	vm11 =	vle.f32 v0, v33;
	v59, v60, _ =	vpop (xrf1)  }
0x96: {  	v0 =	vsel vm11, v0, v33;
	v32 =	vsel vm11, v32, v35;
	vm11 =	vle.f32 v57, v59  }
0x97: {  	(xrf1) =	vsort.dscd.msk.f32 $0xffff, v0, v32;
	v61 =	vsel vm11, v57, v59;
	v62 =	vsel vm11, v58, v60  }
0x98: {  	(xrf1) =	vsort.ascd.msk.f32 $0xffff, v61, v62;
	_ =	sdelay $0xc  }
0x99: {  	v0, v32, _ =	vpop (xrf1)  }
0x9a: {  	s1 =	simm.s32 $0x1D400;
	v33, v35, _ =	vpop (xrf1)  }
0x9b: {  	s30 =	simm.s32 $0x1D800;
	s31 =	simm.s32 $0x200;
	s29 =	simm.s32 $0x1D800;
	vm11 =	vle.f32 v33, v0  }
0x9c: {  	s0 =	simm.s32 $0x1D400;
	s14 =	smov.u32 s16;
	s15 =	smov.u32 s16;
	v0 =	vsel vm11, v33, v0;
	v32 =	vsel vm11, v35, v32  }
.LBB2_2:
0x9d: {  	s1 =	sadd.s32 $0x10, s1;
	s30 =	sadd.s32 $0x10, s30;
	s14 =	sadd.s32 $0x1, s14;
	(xrf1) =	vsort.ascd.msk.f32 $0xffff, v0, v32  }
0x9e: {  	p0 =	sne.s32 s31, $0x7E00;
	s17 =	smov.u32 s31;
	s31 =	sadd.s32 $0x200, s31  }
0x9f: {  	_ =	sdelay $0xb  }
0xa0: {  	v0 =	vmov s15;
	s15 =	smov.u32 s14;
	v32, v33, _ =	vpop (xrf1)  }
0xa1: {  	v33 =	vnsel vm0, $0x0, v33;
	_ =	sdelay $0x3  }
0xa2: {  	v35 =	vld.idx.msk [tilespmem:v0+s18+$0x0], $0xffff  }
0xa3: {  	v36 =	vld.idx.msk [tilespmem:v33+s18+$0x0], $0xffff;
	_ =	sdelay $0x5  }
0xa4: {  	v35 =	vadd.f32 v35, v36;
	v0 =	vld.idx.msk [tilespmem:v0+s19+$0x0], $0xffff;
	_ =	sdelay $0x1  }
0xa5: {  	v32 =	vsub.f32 v35, v32;
	v36 =	vld.idx.msk [tilespmem:v33+s19+$0x0], $0xffff;
	_ =	sdelay $0x1  }
0xa6: {  	v32 =	vmul.f32 $5.000000000e-01, v32;
	_ =	sdelay $0x1  }
0xa7: {  	v0 =	vmul.f32 v32, v0;
	_ =	sdelay $0x1  }
0xa8: {  	v0 =	vmul.f32 v0, v36;
	_ =	sdelay $0x1  }
0xa9: {  	[tilespmem:s0+$0x0] =	vst v0;
	s0 =	smov.u32 s1  }
0xaa: {  	[tilespmem:s29+$0x0] =	vst v33;
	s29 =	smov.u32 s30;
	_ =	sdelay $0x1  }
0xab: {  	s17 =	sshra.s32 s17, $0x2  }
0xac: {  	v0 =	vld [tilespmem:s17+$0x6070]  }
0xad: {  	v32 =	vld [tilespmem:s17+$0x2030]  }
0xae: {  	v33 =	vld [tilespmem:s17+$0x4070]  }
0xaf: {  	v35 =	vld [tilespmem:s17+$0x4050]  }
0xb0: {  	v36 =	vld [tilespmem:s17+$0x4060]  }
0xb1: {  	v37 =	vld [tilespmem:s17+$0x4040];
	(xrf1) =	vsort.dscd.msk.f32 $0xffff, v0, v31  }
0xb2: {  	v0 =	vld [tilespmem:s17+$0x30];
	(xrf1) =	vsort.dscd.msk.f32 $0xffff, v32, v11  }
0xb3: {  	v32 =	vld [tilespmem:s17+$0x4010];
	(xrf1) =	vsort.dscd.msk.f32 $0xffff, v33, v23  }
0xb4: {  	v33 =	vld [tilespmem:s17+$0x70];
	(xrf1) =	vsort.dscd.msk.f32 $0xffff, v35, v21  }
0xb5: {  	v35 =	vld [tilespmem:s17+$0x4000];
	(xrf1) =	vsort.ascd.msk.f32 $0xffff, v36, v22  }
0xb6: {  	v36 =	vld [tilespmem:s17+$0x6060];
	(xrf1) =	vsort.ascd.msk.f32 $0xffff, v37, v20  }
0xb7: {  	v37 =	vld [tilespmem:s17+$0x6040];
	(xrf1) =	vsort.dscd.msk.f32 $0xffff, v0, v3  }
0xb8: {  	v0 =	vld [tilespmem:s17+$0x40];
	(xrf1) =	vsort.dscd.msk.f32 $0xffff, v32, v17  }
0xb9: {  	v32 =	vld [tilespmem:s17+$0x0];
	(xrf1) =	vsort.dscd.msk.f32 $0xffff, v33, v7  }
0xba: {  	v33 =	vld [tilespmem:s17+$0x60];
	(xrf1) =	vsort.ascd.msk.f32 $0xffff, v35, v16  }
0xbb: {  	v35 =	vld [tilespmem:s17+$0x20];
	(xrf1) =	vsort.ascd.msk.f32 $0xffff, v36, v30  }
0xbc: {  	v36 =	vld [tilespmem:s17+$0x10];
	(xrf1) =	vsort.ascd.msk.f32 $0xffff, v37, v28  }
0xbd: {  	v37 =	vld [tilespmem:s17+$0x6050];
	(xrf1) =	vsort.ascd.msk.f32 $0xffff, v0, v4  }
0xbe: {  	v0 =	vld [tilespmem:s17+$0x50];
	(xrf1) =	vsort.ascd.msk.f32 $0xffff, v32, v63  }
0xbf: {  	v32 =	vld [tilespmem:s17+$0x2020];
	(xrf1) =	vsort.ascd.msk.f32 $0xffff, v33, v6;
	v33, v38, _ =	vpop (xrf1)  }
0xc0: {  	v39 =	vld [tilespmem:s17+$0x2010];
	(xrf1) =	vsort.ascd.msk.f32 $0xffff, v35, v2;
	v35, v40, _ =	vpop (xrf1)  }
0xc1: {  	v41 =	vld [tilespmem:s17+$0x2000];
	(xrf1) =	vsort.dscd.msk.f32 $0xffff, v36, v1;
	v36, v42, _ =	vpop (xrf1)  }
0xc2: {  	v43 =	vld [tilespmem:s17+$0x4030];
	v44, v45, _ =	vpop (xrf1);
	(xrf1) =	vsort.dscd.msk.f32 $0xffff, v37, v29  }
0xc3: {  	v37 =	vld [tilespmem:s17+$0x4020];
	(xrf1) =	vsort.dscd.msk.f32 $0xffff, v0, v5;
	v0, v46, _ =	vpop (xrf1)  }
0xc4: {  	(xrf1) =	vsort.ascd.msk.f32 $0xffff, v32, v10;
	v32, v48, _ =	vpop (xrf1)  }
0xc5: {  	v47 =	vld [tilespmem:s17+$0x2050];
	vm11 =	vle.f32 v0, v36;
	vm12 =	vle.f32 v32, v44  }
0xc6: {  	v0 =	vsel vm11, v0, v36;
	v36 =	vld [tilespmem:s17+$0x6020];
	v49, v50, _ =	vpop (xrf1);
	(xrf1) =	vsort.dscd.msk.f32 $0xffff, v39, v9;
	v53 =	vsel vm12, v48, v45  }
0xc7: {  	v32 =	vsel vm12, v32, v44;
	v44 =	vld [tilespmem:s17+$0x6010];
	(xrf1) =	vsort.ascd.msk.f32 $0xffff, v41, v8;
	v41, v45, _ =	vpop (xrf1)  }
0xc8: {  	v55 =	vsel vm11, v46, v42;
	v46 =	vld [tilespmem:s17+$0x6000];
	v48, v51, _ =	vpop (xrf1);
	(xrf1) =	vsort.ascd.msk.f32 $0xffff, v32, v53  }
0xc9: {  	v32 =	vld [tilespmem:s17+$0x6030];
	v39, v52, _ =	vpop (xrf1);
	(xrf1) =	vsort.dscd.msk.f32 $0xffff, v43, v19  }
0xca: {  	v43 =	vld [tilespmem:s17+$0x2040];
	(xrf1) =	vsort.dscd.msk.f32 $0xffff, v47, v13;
	v47, v53, _ =	vpop (xrf1)  }
0xcb: {  	v54 =	vld [tilespmem:s17+$0x2070];
	(xrf1) =	vsort.dscd.msk.f32 $0xffff, v0, v55;
	v0, v42, _ =	vpop (xrf1)  }
0xcc: {  	v55 =	vld [tilespmem:s17+$0x2060];
	v56, v57, _ =	vpop (xrf1);
	(xrf1) =	vsort.ascd.msk.f32 $0xffff, v37, v18  }
0xcd: {  	vm11 =	vle.f32 v47, v33;
	v37, v58, _ =	vpop (xrf1);
	(xrf1) =	vsort.dscd.msk.f32 $0xffff, v44, v25  }
0xce: {  	v33 =	vsel vm11, v47, v33;
	v38 =	vsel vm11, v53, v38;
	v44, v47, _ =	vpop (xrf1);
	(xrf1) =	vsort.ascd.msk.f32 $0xffff, v46, v24  }
0xcf: {  	vm11 =	vle.f32 v44, v48;
	v46, v53, _ =	vpop (xrf1);
	(xrf1) =	vsort.ascd.msk.f32 $0xffff, v36, v26  }
0xd0: {  	vm12 =	vle.f32 v46, v49;
	v36 =	vsel vm11, v44, v48;
	v44, v48, _ =	vpop (xrf1);
	(xrf1) =	vsort.dscd.msk.f32 $0xffff, v54, v15  }
0xd1: {  	v46 =	vsel vm12, v46, v49;
	v49 =	vsel vm12, v53, v50;
	(xrf1) =	vsort.ascd.msk.f32 $0xffff, v43, v12;
	v43, v50, _ =	vpop (xrf1)  }
0xd2: {  	v47 =	vsel vm11, v47, v51;
	vm12 =	vle.f32 v37, v44;
	vm11 =	vle.f32 v0, v43;
	v51, v53, _ =	vpop (xrf1)  }
0xd3: {  	v37 =	vsel vm12, v37, v44;
	vm13 =	vle.f32 v56, v51;
	v44, v54, _ =	vpop (xrf1);
	(xrf1) =	vsort.ascd.msk.f32 $0xffff, v55, v14  }
0xd4: {  	v51 =	vsel vm13, v56, v51;
	vm14 =	vle.f32 v44, v35;
	v55, v56, _ =	vpop (xrf1);
	(xrf1) =	vsort.dscd.msk.f32 $0xffff, v32, v27  }
0xd5: {  	v32 =	vsel vm12, v58, v48;
	v48 =	vsel vm13, v57, v53;
	(xrf1) =	vsort.dscd.msk.f32 $0xffff, v46, v49;
	v46, v49, _ =	vpop (xrf1)  }
0xd6: {  	v0 =	vsel vm11, v0, v43;
	vm13 =	vle.f32 v39, v41;
	vm12 =	vle.f32 v46, v55;
	v43, v53, _ =	vpop (xrf1)  }
0xd7: {  	v57 =	vsel vm11, v42, v50;
	v39 =	vsel vm13, v39, v41;
	v42, v50, _ =	vpop (xrf1);
	(xrf1) =	vsort.dscd.msk.f32 $0xffff, v33, v38  }
0xd8: {  	v33 =	vsel vm12, v46, v55;
	v38 =	vsel vm13, v52, v45;
	(xrf1) =	vsort.dscd.msk.f32 $0xffff, v36, v47;
	v36, v45, _ =	vpop (xrf1)  }
0xd9: {  	v35 =	vsel vm14, v44, v35;
	v46 =	vsel vm12, v49, v56;
	v44, v47, _ =	vpop (xrf1);
	(xrf1) =	vsort.ascd.msk.f32 $0xffff, v0, v57  }
0xda: {  	v0 =	vsel vm14, v54, v40;
	vm11 =	vle.f32 v43, v44;
	(xrf1) =	vsort.ascd.msk.f32 $0xffff, v51, v48;
	v40, v41, _ =	vpop (xrf1)  }
0xdb: {  	v43 =	vsel vm11, v43, v44;
	v44 =	vsel vm11, v53, v47;
	(xrf1) =	vsort.ascd.msk.f32 $0xffff, v37, v32;
	v32, v37, _ =	vpop (xrf1)  }
0xdc: {  	vm11 =	vle.f32 v40, v42;
	(xrf1) =	vsort.ascd.msk.f32 $0xffff, v39, v38;
	v38, v39, _ =	vpop (xrf1)  }
0xdd: {  	v40 =	vsel vm11, v40, v42;
	v41 =	vsel vm11, v41, v50;
	vm11 =	vle.f32 v38, v32;
	v42, v47, _ =	vpop (xrf1)  }
0xde: {  	v32 =	vsel vm11, v38, v32;
	v38, v48, _ =	vpop (xrf1);
	(xrf1) =	vsort.dscd.msk.f32 $0xffff, v40, v41  }
0xdf: {  	v40 =	vsel vm11, v39, v37;
	(xrf1) =	vsort.dscd.msk.f32 $0xffff, v35, v0;
	v0, v35, _ =	vpop (xrf1)  }
0xe0: {  	vm11 =	vle.f32 v0, v36;
	(xrf1) =	vsort.ascd.msk.f32 $0xffff, v33, v46  }
0xe1: {  	v33, v39, _ =	vpop (xrf1);
	(xrf1) =	vsort.ascd.msk.f32 $0xffff, v32, v40  }
0xe2: {  	vm12 =	vle.f32 v33, v38;
	v32, v37, _ =	vpop (xrf1)  }
0xe3: {  	v0 =	vsel vm11, v0, v36;
	v49 =	vsel vm12, v33, v38;
	vm13 =	vle.f32 v42, v32;
	v36, v38, _ =	vpop (xrf1)  }
0xe4: {  	v35 =	vsel vm11, v35, v45;
	v46 =	vsel vm12, v39, v48;
	v42 =	vsel vm13, v42, v32  }
0xe5: {  	v45 =	vsel vm13, v47, v37;
	(xrf1) =	vsort.dscd.msk.f32 $0xffff, v49, v46;
	v33, v39, _ =	vpop (xrf1)  }
0xe6: {  	v40, v41, _ =	vpop (xrf1);
	(xrf1) =	vsort.dscd.msk.f32 $0xffff, v42, v45  }
0xe7: {  	(xrf1) =	vsort.ascd.msk.f32 $0xffff, v0, v35;
	v0, v32, _ =	vpop (xrf1)  }
0xe8: {  	v35, v37, _ =	vpop (xrf1)  }
0xe9: {  	vm11 =	vle.f32 v35, v40;
	v42, v45, _ =	vpop (xrf1)  }
0xea: {  	vm12 =	vle.f32 v42, v36;
	v46 =	vsel vm11, v35, v40;
	v37 =	vsel vm11, v37, v41;
	v40, v41, _ =	vpop (xrf1)  }
0xeb: {  	v42 =	vsel vm12, v42, v36;
	v45 =	vsel vm12, v45, v38;
	(xrf1) =	vsort.dscd.msk.f32 $0xffff, v46, v37  }
0xec: {  	(xrf1) =	vsort.ascd.msk.f32 $0xffff, v42, v45;
	v35, v36, _ =	vpop (xrf1)  }
0xed: {  	vm12 =	vle.f32 v0, v33;
	vm11 =	vle.f32 v40, v35;
	v37, v38, _ =	vpop (xrf1)  }
0xee: {  	v0 =	vsel vm12, v0, v33;
	v32 =	vsel vm12, v32, v39;
	v35 =	vsel vm11, v40, v35;
	v33, v39, _ =	vpop (xrf1)  }
0xef: {  	v36 =	vsel vm11, v41, v36;
	vm12 =	vle.f32 v33, v37;
	v40, v41, _ =	vpop (xrf1)  }
0xf0: {  	v33 =	vsel vm12, v33, v37;
	v37 =	vsel vm12, v39, v38;
	(xrf1) =	vsort.dscd.msk.f32 $0xffff, v0, v32  }
0xf1: {  	(xrf1) =	vsort.ascd.msk.f32 $0xffff, v33, v37;
	_ =	sdelay $0x1  }
0xf2: {  	v0, v32, _ =	vpop (xrf1);
	(xrf1) =	vsort.dscd.msk.f32 $0xffff, v43, v44  }
0xf3: {  	(xrf1) =	vsort.ascd.msk.f32 $0xffff, v35, v36;
	v33, v35, _ =	vpop (xrf1)  }
0xf4: {  	vm11 =	vle.f32 v40, v33;
	v36, v37, _ =	vpop (xrf1)  }
0xf5: {  	vm12 =	vle.f32 v36, v0;
	v33 =	vsel vm11, v40, v33;
	v38 =	vsel vm11, v41, v35  }
0xf6: {  	v0 =	vsel vm12, v36, v0;
	v36 =	vsel vm12, v37, v32;
	(xrf1) =	vsort.ascd.msk.f32 $0xffff, v33, v38;
	_ =	sdelay $0x1  }
0xf7: {  	v33, v35, _ =	vpop (xrf1);
	(xrf1) =	vsort.dscd.msk.f32 $0xffff, v0, v36  }
0xf8: {  	v0, v32, _ =	vpop (xrf1)  }
0xf9: {  	vm11 =	vle.f32 v0, v33  }
0xfa: {  	v0 =	vsel vm11, v0, v33;
	v32 =	vsel vm11, v32, v35;
	_ =	sdelay $0x1  }
0xfb: {  	v33, v35, _ =	vpop (xrf1)  }
0xfc: {  	v36, v37, _ =	vpop (xrf1);
	_ =	sdelay $0x1  }
0xfd: {  	v38, v39, _ =	vpop (xrf1)  }
0xfe: {  	v40, v41, _ =	vpop (xrf1)  }
0xff: {  	vm11 =	vle.f32 v40, v38  }
0x100: {  	v38 =	vsel vm11, v40, v38;
	v39 =	vsel vm11, v41, v39  }
0x101: {  	v40, v41, _ =	vpop (xrf1)  }
0x102: {  	vm11 =	vle.f32 v40, v33  }
0x103: {  	v33 =	vsel vm11, v40, v33;
	v35 =	vsel vm11, v41, v35;
	v40, v41, _ =	vpop (xrf1);
	(xrf1) =	vsort.ascd.msk.f32 $0xffff, v38, v39  }
0x104: {  	vm11 =	vle.f32 v36, v40;
	(xrf1) =	vsort.dscd.msk.f32 $0xffff, v33, v35  }
0x105: {  	v33 =	vsel vm11, v36, v40;
	v35 =	vsel vm11, v37, v41;
	(xrf1) =	vsort.ascd.msk.f32 $0xffff, v0, v32  }
0x106: {  	(xrf1) =	vsort.dscd.msk.f32 $0xffff, v33, v35;
	_ =	sdelay $0xa  }
0x107: {  	v0, v32, _ =	vpop (xrf1)  }
0x108: {  	v33, v35, _ =	vpop (xrf1)  }
0x109: {  	vm11 =	vle.f32 v0, v33;
	v36, v37, _ =	vpop (xrf1)  }
0x10a: {  	v0 =	vsel vm11, v0, v33;
	v32 =	vsel vm11, v32, v35;
	v33, v35, _ =	vpop (xrf1)  }
0x10b: {  	vm11 =	vle.f32 v36, v33  }
0x10c: {  	v33 =	vsel vm11, v36, v33;
	v35 =	vsel vm11, v37, v35;
	(xrf1) =	vsort.dscd.msk.f32 $0xffff, v0, v32  }
0x10d: {  	(xrf1) =	vsort.ascd.msk.f32 $0xffff, v33, v35;
	_ =	sdelay $0xb  }
.Ltmp0:
0x10e: {  	(pc) =	sbr.rel @p0 .LBB2_2-.Ltmp0, $4  }
0x10f: {  	v0, v32, _ =	vpop (xrf1)  }
0x110: {  	v33, v35, _ =	vpop (xrf1)  }
0x111: {  	vm11 =	vle.f32 v33, v0  }
0x112: {  	v0 =	vsel vm11, v33, v0;
	v32 =	vsel vm11, v35, v32  }
0x113: {  	(xrf1) =	vsort.ascd.msk.f32 $0xffff, v0, v32;
	_ =	sdelay $0xd  }
0x114: {  	v0 =	vmov s15;
	v32, v33, _ =	vpop (xrf1)  }
0x115: {  	v33 =	vnsel vm0, $0x0, v33;
	_ =	sdelay $0x3  }
0x116: {  	v35 =	vld.idx.msk [tilespmem:v0+s18+$0x0], $0xffff  }
0x117: {  	v36 =	vld.idx.msk [tilespmem:v33+s18+$0x0], $0xffff;
	_ =	sdelay $0x4  }
0x118: {  	v35 =	vadd.f32 v35, v36  }
0x119: {  	v0 =	vld.idx.msk [tilespmem:v0+s19+$0x0], $0xffff  }
0x11a: {  	v32 =	vsub.f32 v35, v32  }
0x11b: {  	v62 =	vld.idx.msk [tilespmem:v33+s19+$0x0], $0xffff  }
0x11c: {  	v32 =	vmul.f32 $5.000000000e-01, v32;
	_ =	sdelay $0x1  }
0x11d: {  	v0 =	vmul.f32 v32, v0;
	_ =	sdelay $0x1  }
0x11e: {  	v0 =	vmul.f32 v0, v62;
	_ =	sdelay $0x1  }
0x11f: {  	[tilespmem:s0+$0x0] =	vst v0  }
0x120: {  	[tilespmem:s29+$0x0] =	vst v33  }
0x121: {  	_ =	swait.ge [sflag:s24], $0x2000  }
0x122: {  	[sflag:s24] =	ssyncset.done $0x0  }
0x123: {  	[sflag:s24] =	ssyncadd.s32 $0xFFFFE000  }
0x124: {  	_ =	swait.ge [sflag:s24], $0x2000  }
0x125: {  	[sflag:s24] =	ssyncset.done $0x0  }
0x126: {  	[sflag:s24] =	ssyncadd.s32 $0xFFFFE000  }
0x127: {  	_ =	swait.ge [sflag:s24], $0x10000  }
0x128: {  	s30 =	simm.s32 $0xA080;
	s31 =	simm.s32 $0x8080;
	[sflag:s24] =	ssyncset.done $0x0  }
0x129: {  	s0 =	simm.s32 $0x1C440;
	s29 =	simm.s32 $0x0;
	[sflag:s24] =	ssyncadd.s32 $0xFFFF0000  }
.LBB2_4:
0x12a: {  	s1 =	sshra.s32 s29, $0x2  }
0x12b: {  	v35 =	vld [tilespmem:s1+$0x1D800];
	_ =	sdelay $0x3  }
0x12c: {  	v47 =	vsel vm1, $0x7, v34  }
0x12d: {  	v46 =	vsel vm3, $0x7, v34;
	v0 =	vshll.u32 v35, v47  }
0x12e: {  	v45 =	vsel vm5, $0x7, v34;
	v37 =	vshll.u32 v35, v46;
	v33 =	vbroadcast v0, $0x0  }
0x12f: {  	v48 =	vsel vm2, $0x7, v34;
	v59 =	vshll.u32 v35, v45;
	v62 =	vbroadcast v37, $0x2  }
0x130: {  	v0 =	vshll.u32 v35, v48;
	v59 =	vbroadcast v59, $0x4;
	v32 =	vor.u32 v63, v33  }
0x131: {  	v37 =	vsel vm4, $0x7, v34;
	v0 =	vbroadcast v0, $0x1;
	v39 =	vor.u32 v63, v62  }
0x132: {  	v36 =	vld [tilespmem:s1+$0x1D400];
	v41 =	vshll.u32 v35, v37;
	v54 =	vor.u32 v63, v59  }
0x133: {  	v60 =	vbroadcast v41, $0x3;
	v38 =	vor.u32 v63, v0  }
0x134: {  	v49 =	vld [tilespmem:s31+$0xFFFFFF80]  }
0x135: {  	v42 =	vor.u32 v63, v60;
	v32 =	vld.idx.msk [tilespmem:v32+s22+$0x0], $0xffff  }
0x136: {  	v43 =	vsel vm6, $0x7, v34;
	v11 =	vlaneseq.u32;
	v23 =	vld.idx.msk [tilespmem:v39+s22+$0x0], $0xffff  }
0x137: {  	v40 =	vbroadcast v36, $0x0;
	v61 =	vshll.u32 v35, v43;
	v53 =	vbroadcast v36, $0x1;
	v54 =	vld.idx.msk [tilespmem:v54+s22+$0x0], $0xffff  }
0x138: {  	v44 =	vsel vm8, $0x7, v34;
	v52 =	vbroadcast v36, $0x2;
	v63 =	vbroadcast v61, $0x5;
	v38 =	vld.idx.msk [tilespmem:v38+s22+$0x0], $0xffff  }
0x139: {  	v13 =	vshll.u32 v35, v44;
	v20 =	vor.u32 v1, v33;
	v39 =	vsel vm7, $0x7, v34  }
0x13a: {  	v57 =	vor.u32 v11, v63;
	v12 =	vshll.u32 v35, v39;
	v56 =	vld.idx.msk [tilespmem:v42+s22+$0x0], $0xffff;
	v42 =	vsel vm9, $0x7, v34  }
0x13b: {  	v21 =	vor.u32 v1, v0;
	v41 =	vbroadcast v12, $0x6;
	v58 =	vshll.u32 v35, v42  }
0x13c: {  	v58 =	vbroadcast v58, $0x8;
	v32 =	vadd.f32 v32, v49;
	v55 =	vadd.f32 v23, v49  }
0x13d: {  	v61 =	vor.u32 v11, v41;
	v19 =	vadd.f32 v54, v49;
	v50 =	vadd.f32 v38, v49  }
0x13e: {  	v38 =	vsel vm10, $0x7, v34;
	v10 =	vor.u32 v11, v58;
	v32 =	vmul.f32 v32, v40  }
0x13f: {  	v57 =	vld.idx.msk [tilespmem:v57+s22+$0x0], $0xffff;
	v35 =	vshll.u32 v35, v38;
	v8 =	vmul.f32 v55, v52;
	v55 =	vbroadcast v36, $0x3  }
0x140: {  	v15 =	vadd.f32 v56, v49;
	v14 =	vmul.f32 v50, v53;
	v50 =	vbroadcast v35, $0x9  }
0x141: {  	v56 =	vbroadcast v36, $0x4;
	v51 =	vmax.f32 v32, $-3.000000010e+38;
	v32 =	vbroadcast v13, $0x7  }
0x142: {  	v16 =	vld.idx.msk [tilespmem:v61+s22+$0x0], $0xffff;
	v18 =	vmul.f32 v15, v55;
	v17 =	vor.u32 v11, v50  }
0x143: {  	v35 =	vmul.f32 v19, v56;
	v34 =	vmax.f32 v51, v14;
	v9 =	vor.u32 v11, v32;
	v10 =	vld.idx.msk [tilespmem:v10+s22+$0x0], $0xffff  }
0x144: {  	v12 =	vadd.f32 v57, v49;
	v14 =	vor.u32 v1, v62;
	v8 =	vmax.f32 v34, v8;
	v11 =	vld.idx.msk [tilespmem:v20+s22+$0x0], $0xffff  }
0x145: {  	v57 =	vbroadcast v36, $0x5;
	v34 =	vld.idx.msk [tilespmem:v21+s22+$0x0], $0xffff;
	v8 =	vmax.f32 v8, v18;
	v18 =	vor.u32 v1, v63  }
0x146: {  	v15 =	vor.u32 v1, v60;
	v8 =	vmax.f32 v8, v35;
	v35 =	vld [tilespmem:s31+$0xFFFFFF90]  }
0x147: {  	v54 =	vbroadcast v36, $0x6;
	v12 =	vmul.f32 v12, v57;
	v13 =	vld.idx.msk [tilespmem:v17+s22+$0x0], $0xffff  }
0x148: {  	v61 =	vbroadcast v36, $0x7;
	v19 =	vor.u32 v2, v0;
	v51 =	vadd.f32 v16, v49;
	v9 =	vld.idx.msk [tilespmem:v9+s22+$0x0], $0xffff  }
0x149: {  	v22 =	vor.u32 v1, v32;
	v8 =	vmax.f32 v8, v12;
	v17 =	vor.u32 v1, v59;
	v12 =	vld.idx.msk [tilespmem:v14+s22+$0x0], $0xffff  }
0x14a: {  	v16 =	vmul.f32 v51, v54;
	v10 =	vadd.f32 v10, v49;
	v51 =	vbroadcast v36, $0x8;
	v18 =	vld.idx.msk [tilespmem:v18+s22+$0x0], $0xffff  }
0x14b: {  	v21 =	vor.u32 v1, v50;
	v20 =	vor.u32 v2, v60;
	v15 =	vld.idx.msk [tilespmem:v15+s22+$0x0], $0xffff;
	v11 =	vadd.f32 v11, v35  }
0x14c: {  	v14 =	vor.u32 v1, v41;
	v8 =	vmax.f32 v8, v16;
	v10 =	vmul.f32 v10, v51  }
0x14d: {  	v13 =	vadd.f32 v13, v49;
	v11 =	vmul.f32 v11, v40;
	v9 =	vadd.f32 v9, v49  }
0x14e: {  	v17 =	vld.idx.msk [tilespmem:v17+s22+$0x0], $0xffff;
	v12 =	vadd.f32 v12, v35;
	v49 =	vbroadcast v36, $0x9;
	v36 =	vor.u32 v1, v58  }
0x14f: {  	v23 =	vadd.f32 v34, v35;
	v16 =	vld.idx.msk [tilespmem:v22+s22+$0x0], $0xffff;
	v18 =	vadd.f32 v18, v35;
	v9 =	vmul.f32 v9, v61  }
0x150: {  	v34 =	vld.idx.msk [tilespmem:v21+s22+$0x0], $0xffff;
	v15 =	vadd.f32 v15, v35;
	v11 =	vmax.f32 v11, $-3.000000010e+38;
	v22 =	vmul.f32 v12, v52  }
0x151: {  	v12 =	vld [tilespmem:s31+$0xFFFFFFA0];
	v21 =	vmul.f32 v18, v57;
	v8 =	vmax.f32 v8, v9;
	v9 =	vmul.f32 v23, v53  }
0x152: {  	v8 =	vmax.f32 v8, v10;
	v10 =	vmul.f32 v13, v49;
	v13 =	vld.idx.msk [tilespmem:v14+s22+$0x0], $0xffff;
	v14 =	vor.u32 v2, v33  }
0x153: {  	v23 =	vadd.f32 v17, v35;
	v17 =	vld.idx.msk [tilespmem:v36+s22+$0x0], $0xffff;
	v36 =	vor.u32 v2, v62;
	v9 =	vmax.f32 v11, v9  }
0x154: {  	v18 =	vor.u32 v2, v59;
	v9 =	vmax.f32 v9, v22;
	v22 =	vadd.f32 v16, v35;
	v16 =	vld.idx.msk [tilespmem:v19+s22+$0x0], $0xffff  }
0x155: {  	v15 =	vmul.f32 v15, v55;
	v8 =	vmax.f32 v8, v10;
	v10 =	vld.idx.msk [tilespmem:v20+s22+$0x0], $0xffff  }
0x156: {  	v11 =	vmul.f32 v23, v56;
	v20 =	vld [tilespmem:s30+$0xFFFFFF80]  }
0x157: {  	v9 =	vmax.f32 v9, v15;
	v15 =	vor.u32 v2, v63;
	v14 =	vld.idx.msk [tilespmem:v14+s22+$0x0], $0xffff  }
0x158: {  	v9 =	vmax.f32 v9, v11;
	v13 =	vadd.f32 v13, v35;
	v19 =	vld.idx.msk [tilespmem:v36+s22+$0x0], $0xffff;
	v36 =	vor.u32 v2, v41  }
0x159: {  	v18 =	vld.idx.msk [tilespmem:v18+s22+$0x0], $0xffff;
	v11 =	vmul.f32 v22, v61;
	v9 =	vmax.f32 v9, v21;
	v17 =	vadd.f32 v17, v35  }
0x15a: {  	v21 =	vadd.f32 v34, v35;
	v34 =	vor.u32 v2, v58;
	v13 =	vmul.f32 v13, v54  }
0x15b: {  	v23 =	vmul.f32 v17, v51;
	v16 =	vadd.f32 v16, v12;
	v10 =	vadd.f32 v10, v12  }
0x15c: {  	v9 =	vmax.f32 v9, v13;
	v13 =	vor.u32 v2, v32;
	v14 =	vadd.f32 v14, v12  }
0x15d: {  	v17 =	vmul.f32 v21, v49;
	v8 =	vadd.f32 v8, v20;
	v16 =	vmul.f32 v16, v53;
	v35 =	vld.idx.msk [tilespmem:v36+s22+$0x0], $0xffff  }
0x15e: {  	v18 =	vadd.f32 v18, v12;
	v10 =	vmul.f32 v10, v55;
	v22 =	vmul.f32 v14, v40;
	v14 =	vld.idx.msk [tilespmem:v15+s22+$0x0], $0xffff  }
0x15f: {  	v9 =	vmax.f32 v9, v11;
	v19 =	vadd.f32 v19, v12;
	v15 =	vor.u32 v2, v50  }
0x160: {  	v21 =	vld [tilespmem:s30+$0xFFFFFF90];
	v36 =	vor.u32 v3, v33;
	v9 =	vmax.f32 v9, v23;
	v11 =	vmax.f32 v22, $-3.000000010e+38  }
0x161: {  	v13 =	vld.idx.msk [tilespmem:v13+s22+$0x0], $0xffff;
	v11 =	vmax.f32 v11, v16;
	v16 =	vmul.f32 v19, v52;
	v19 =	vor.u32 v3, v0  }
0x162: {  	v34 =	vld.idx.msk [tilespmem:v34+s22+$0x0], $0xffff;
	v9 =	vmax.f32 v9, v17;
	v22 =	vor.u32 v3, v62;
	v23 =	vadd.f32 v35, v12  }
0x163: {  	v17 =	vld [tilespmem:s31+$0xFFFFFFB0];
	v35 =	vor.u32 v3, v60;
	v11 =	vmax.f32 v11, v16;
	v14 =	vadd.f32 v14, v12  }
0x164: {  	v15 =	vld.idx.msk [tilespmem:v15+s22+$0x0], $0xffff;
	v10 =	vmax.f32 v11, v10;
	v11 =	vmul.f32 v18, v56  }
0x165: {  	[tilespmem:$0x1FEE0] =	vst v8;
	v18 =	vld.idx.msk [tilespmem:v36+s22+$0x0], $0xffff;
	v36 =	vmul.f32 v23, v54;
	v14 =	vmul.f32 v14, v57  }
0x166: {  	v13 =	vadd.f32 v13, v12;
	v10 =	vmax.f32 v10, v11;
	v16 =	vld.idx.msk [tilespmem:v19+s22+$0x0], $0xffff;
	v19 =	vor.u32 v3, v59  }
0x167: {  	v23 =	vadd.f32 v34, v12;
	v10 =	vmax.f32 v10, v14;
	v14 =	vld.idx.msk [tilespmem:v22+s22+$0x0], $0xffff;
	v22 =	vor.u32 v3, v63  }
0x168: {  	v8 =	vadd.f32 v9, v21;
	v34 =	vor.u32 v3, v41;
	v11 =	vld.idx.msk [tilespmem:v35+s22+$0x0], $0xffff;
	v13 =	vmul.f32 v13, v61  }
0x169: {  	v10 =	vmax.f32 v10, v36;
	v36 =	vmul.f32 v23, v51;
	v12 =	vadd.f32 v15, v12  }
0x16a: {  	[tilespmem:$0x1FEF0] =	vst v8;
	v8 =	vmax.f32 v10, v13;
	v21 =	vadd.f32 v18, v17;
	v13 =	vor.u32 v3, v32  }
0x16b: {  	v18 =	vor.u32 v3, v58;
	v12 =	vmul.f32 v12, v49;
	v23 =	vadd.f32 v16, v17;
	v16 =	vld.idx.msk [tilespmem:v19+s22+$0x0], $0xffff  }
0x16c: {  	v8 =	vmax.f32 v8, v36;
	v35 =	vmul.f32 v21, v40;
	v36 =	vadd.f32 v14, v17;
	v14 =	vld.idx.msk [tilespmem:v22+s22+$0x0], $0xffff  }
0x16d: {  	v19 =	vld.idx.msk [tilespmem:v34+s22+$0x0], $0xffff;
	v34 =	vor.u32 v4, v33;
	v11 =	vadd.f32 v11, v17;
	v8 =	vmax.f32 v8, v12  }
0x16e: {  	v21 =	vld [tilespmem:s30+$0xFFFFFFA0];
	v22 =	vor.u32 v4, v59;
	v15 =	vmul.f32 v23, v53;
	v9 =	vmax.f32 v35, $-3.000000010e+38  }
0x16f: {  	v11 =	vmul.f32 v11, v55;
	v10 =	vmul.f32 v36, v52;
	v36 =	vor.u32 v4, v0;
	v13 =	vld.idx.msk [tilespmem:v13+s22+$0x0], $0xffff  }
0x170: {  	v12 =	vld.idx.msk [tilespmem:v18+s22+$0x0], $0xffff;
	v18 =	vor.u32 v4, v62;
	v9 =	vmax.f32 v9, v15;
	v15 =	vor.u32 v3, v50  }
0x171: {  	v9 =	vmax.f32 v9, v10;
	v35 =	vadd.f32 v16, v17;
	v16 =	vld [tilespmem:s31+$0xFFFFFFC0];
	v14 =	vadd.f32 v14, v17  }
0x172: {  	v19 =	vadd.f32 v19, v17;
	v20 =	vld.idx.msk [tilespmem:v34+s22+$0x0], $0xffff;
	v34 =	vor.u32 v4, v60;
	v9 =	vmax.f32 v9, v11  }
0x173: {  	v10 =	vmul.f32 v35, v56;
	v35 =	vadd.f32 v8, v21;
	v21 =	vld.idx.msk [tilespmem:v22+s22+$0x0], $0xffff;
	v11 =	vmul.f32 v14, v57  }
0x174: {  	v14 =	vld.idx.msk [tilespmem:v36+s22+$0x0], $0xffff;
	v36 =	vmul.f32 v19, v54;
	v19 =	vor.u32 v4, v63;
	v23 =	vadd.f32 v13, v17  }
0x175: {  	v9 =	vmax.f32 v9, v10;
	v15 =	vld.idx.msk [tilespmem:v15+s22+$0x0], $0xffff;
	v10 =	vadd.f32 v12, v17  }
0x176: {  	v12 =	vor.u32 v4, v41;
	v8 =	vmax.f32 v9, v11;
	v11 =	vld.idx.msk [tilespmem:v18+s22+$0x0], $0xffff;
	v9 =	vmul.f32 v23, v61  }
0x177: {  	v13 =	vadd.f32 v20, v16;
	v20 =	vor.u32 v4, v32;
	v8 =	vmax.f32 v8, v36;
	v36 =	vld.idx.msk [tilespmem:v34+s22+$0x0], $0xffff  }
0x178: {  	v22 =	vor.u32 v4, v58;
	v10 =	vmul.f32 v10, v51  }
0x179: {  	v8 =	vmax.f32 v8, v9;
	v13 =	vmul.f32 v13, v40;
	v14 =	vadd.f32 v14, v16;
	v34 =	vld.idx.msk [tilespmem:v19+s22+$0x0], $0xffff  }
0x17a: {  	v8 =	vmax.f32 v8, v10;
	v19 =	vor.u32 v4, v50;
	v23 =	vadd.f32 v15, v17  }
0x17b: {  	v17 =	vor.u32 v5, v33;
	v13 =	vmax.f32 v13, $-3.000000010e+38;
	v12 =	vld.idx.msk [tilespmem:v12+s22+$0x0], $0xffff;
	v11 =	vadd.f32 v11, v16  }
0x17c: {  	v14 =	vmul.f32 v14, v53;
	v18 =	vld.idx.msk [tilespmem:v20+s22+$0x0], $0xffff;
	v20 =	vadd.f32 v21, v16;
	v36 =	vadd.f32 v36, v16  }
0x17d: {  	v21 =	vld.idx.msk [tilespmem:v22+s22+$0x0], $0xffff;
	v22 =	vor.u32 v5, v0;
	v9 =	vmul.f32 v23, v49;
	v11 =	vmul.f32 v11, v52  }
0x17e: {  	v10 =	vld [tilespmem:s30+$0xFFFFFFB0];
	v13 =	vmax.f32 v13, v14;
	v14 =	vmul.f32 v36, v55;
	v15 =	vadd.f32 v34, v16  }
0x17f: {  	v34 =	vld [tilespmem:s31+$0xFFFFFFD0];
	v36 =	vor.u32 v5, v62;
	v11 =	vmax.f32 v13, v11;
	v13 =	vmul.f32 v20, v56  }
0x180: {  	v17 =	vld.idx.msk [tilespmem:v17+s22+$0x0], $0xffff;
	v20 =	vor.u32 v5, v60;
	v11 =	vmax.f32 v11, v14;
	v14 =	vmul.f32 v15, v57  }
0x181: {  	v15 =	vor.u32 v5, v59;
	v23 =	vmax.f32 v11, v13;
	v11 =	vadd.f32 v12, v16  }
0x182: {  	v8 =	vmax.f32 v8, v9;
	v13 =	vld.idx.msk [tilespmem:v22+s22+$0x0], $0xffff;
	v9 =	vmax.f32 v23, v14;
	v23 =	vadd.f32 v18, v16  }
0x183: {  	v8 =	vadd.f32 v8, v10;
	v12 =	vld.idx.msk [tilespmem:v19+s22+$0x0], $0xffff;
	v11 =	vmul.f32 v11, v54  }
0x184: {  	v19 =	vor.u32 v5, v63;
	v14 =	vadd.f32 v21, v16;
	v18 =	vld.idx.msk [tilespmem:v36+s22+$0x0], $0xffff;
	v10 =	vmul.f32 v23, v61  }
0x185: {  	v21 =	vor.u32 v5, v41;
	v17 =	vadd.f32 v17, v34;
	v20 =	vld.idx.msk [tilespmem:v20+s22+$0x0], $0xffff;
	v9 =	vmax.f32 v9, v11  }
0x186: {  	v36 =	vmul.f32 v14, v51;
	v14 =	vld.idx.msk [tilespmem:v15+s22+$0x0], $0xffff;
	v15 =	vor.u32 v5, v32;
	v9 =	vmax.f32 v9, v10  }
0x187: {  	v22 =	vmul.f32 v17, v40;
	v17 =	vor.u32 v5, v58;
	v23 =	vadd.f32 v13, v34  }
0x188: {  	v13 =	vor.u32 v5, v50;
	v12 =	vadd.f32 v12, v16;
	v9 =	vmax.f32 v9, v36  }
0x189: {  	v10 =	vmax.f32 v22, $-3.000000010e+38;
	v16 =	vadd.f32 v18, v34;
	v18 =	vld.idx.msk [tilespmem:v19+s22+$0x0], $0xffff;
	v11 =	vmul.f32 v23, v53  }
0x18a: {  	v22 =	vor.u32 v6, v0;
	v36 =	vadd.f32 v20, v34;
	v20 =	vld.idx.msk [tilespmem:v21+s22+$0x0], $0xffff;
	v21 =	vor.u32 v6, v33  }
0x18b: {  	v19 =	vor.u32 v6, v62;
	v16 =	vmul.f32 v16, v52;
	v14 =	vadd.f32 v14, v34;
	v15 =	vld.idx.msk [tilespmem:v15+s22+$0x0], $0xffff  }
0x18c: {  	v12 =	vmul.f32 v12, v49;
	v10 =	vmax.f32 v10, v11;
	v23 =	vmul.f32 v36, v55;
	v17 =	vld.idx.msk [tilespmem:v17+s22+$0x0], $0xffff  }
0x18d: {  	v13 =	vld.idx.msk [tilespmem:v13+s22+$0x0], $0xffff;
	v10 =	vmax.f32 v10, v16;
	v14 =	vmul.f32 v14, v56;
	v16 =	vor.u32 v6, v60  }
0x18e: {  	v0 =	vor.u32 v7, v0;
	v10 =	vmax.f32 v10, v23;
	v36 =	vadd.f32 v18, v34;
	v18 =	vld [tilespmem:s31+$0xFFFFFFE0]  }
0x18f: {  	v10 =	vmax.f32 v10, v14;
	v14 =	vadd.f32 v20, v34;
	v20 =	vld.idx.msk [tilespmem:v21+s22+$0x0], $0xffff;
	v21 =	vor.u32 v6, v59  }
0x190: {  	v22 =	vld.idx.msk [tilespmem:v22+s22+$0x0], $0xffff;
	v11 =	vmul.f32 v36, v57;
	v15 =	vadd.f32 v15, v34;
	v36 =	vor.u32 v6, v63  }
0x191: {  	v19 =	vld.idx.msk [tilespmem:v19+s22+$0x0], $0xffff;
	v23 =	vor.u32 v6, v41;
	v14 =	vmul.f32 v14, v54;
	v17 =	vadd.f32 v17, v34  }
0x192: {  	v10 =	vmax.f32 v10, v11;
	v11 =	vmul.f32 v15, v61;
	v15 =	vld.idx.msk [tilespmem:v16+s22+$0x0], $0xffff;
	v16 =	vor.u32 v6, v32  }
0x193: {  	v9 =	vmax.f32 v9, v12;
	v10 =	vmax.f32 v10, v14;
	v12 =	vmul.f32 v17, v51  }
0x194: {  	v17 =	vor.u32 v6, v58;
	v10 =	vmax.f32 v10, v11;
	v11 =	vadd.f32 v20, v18;
	v14 =	vld.idx.msk [tilespmem:v21+s22+$0x0], $0xffff  }
0x195: {  	v10 =	vmax.f32 v10, v12;
	v12 =	vadd.f32 v13, v34;
	v34 =	vadd.f32 v22, v18;
	v20 =	vld.idx.msk [tilespmem:v36+s22+$0x0], $0xffff  }
0x196: {  	v19 =	vadd.f32 v19, v18;
	v21 =	vld.idx.msk [tilespmem:v23+s22+$0x0], $0xffff;
	v22 =	vor.u32 v7, v33;
	v11 =	vmul.f32 v11, v40  }
0x197: {  	v23 =	vor.u32 v6, v50;
	v13 =	vmul.f32 v34, v53;
	v15 =	vadd.f32 v15, v18;
	v16 =	vld.idx.msk [tilespmem:v16+s22+$0x0], $0xffff  }
0x198: {  	v0 =	vld.idx.msk [tilespmem:v0+s22+$0x0], $0xffff;
	v19 =	vmul.f32 v19, v52;
	v11 =	vmax.f32 v11, $-3.000000010e+38  }
0x199: {  	v11 =	vmax.f32 v11, v13;
	v36 =	vmul.f32 v15, v55;
	v14 =	vadd.f32 v14, v18;
	v15 =	vld.idx.msk [tilespmem:v17+s22+$0x0], $0xffff  }
0x19a: {  	v11 =	vmax.f32 v11, v19;
	v17 =	vadd.f32 v20, v18;
	v19 =	vld [tilespmem:s31+$0xFFFFFFF0];
	v20 =	vor.u32 v7, v62  }
0x19b: {  	v11 =	vmax.f32 v11, v36;
	v34 =	vmul.f32 v14, v56;
	v36 =	vadd.f32 v21, v18;
	v21 =	vld.idx.msk [tilespmem:v22+s22+$0x0], $0xffff  }
0x19c: {  	v22 =	vld.idx.msk [tilespmem:v23+s22+$0x0], $0xffff;
	v23 =	vor.u32 v7, v60;
	v17 =	vmul.f32 v17, v57;
	v16 =	vadd.f32 v16, v18  }
0x19d: {  	v33 =	vld [tilespmem:s30+$0xFFFFFFC0];
	v12 =	vmul.f32 v12, v49;
	v11 =	vmax.f32 v11, v34;
	v62 =	vmul.f32 v36, v54  }
0x19e: {  	v32 =	vor.u32 v7, v32;
	v14 =	vld [tilespmem:s30+$0xFFFFFFD0];
	v11 =	vmax.f32 v11, v17;
	v16 =	vmul.f32 v16, v61  }
0x19f: {  	v10 =	vmax.f32 v10, v12;
	v36 =	vor.u32 v7, v63;
	v11 =	vmax.f32 v11, v62;
	v34 =	vld.idx.msk [tilespmem:v20+s22+$0x0], $0xffff  }
0x1a0: {  	v17 =	vor.u32 v7, v59;
	v13 =	vadd.f32 v15, v18;
	v11 =	vmax.f32 v11, v16;
	v16 =	vld [tilespmem:s1+$0x1D810]  }
0x1a1: {  	v63 =	vlaneseq.u32;
	v0 =	vadd.f32 v0, v19;
	v59 =	vadd.f32 v21, v19;
	v60 =	vld.idx.msk [tilespmem:v23+s22+$0x0], $0xffff  }
0x1a2: {  	v62 =	vor.u32 v7, v41;
	v13 =	vmul.f32 v13, v51;
	v18 =	vadd.f32 v22, v18  }
0x1a3: {  	v41 =	vadd.f32 v10, v14;
	v0 =	vmul.f32 v0, v53;
	v12 =	vmul.f32 v59, v40  }
0x1a4: {  	v40 =	vadd.f32 v9, v33;
	v9 =	vmax.f32 v11, v13;
	v11 =	vmul.f32 v18, v49;
	v13 =	vld.idx.msk [tilespmem:v36+s22+$0x0], $0xffff  }
0x1a5: {  	v59 =	vor.u32 v7, v58;
	v10 =	vld.idx.msk [tilespmem:v17+s22+$0x0], $0xffff;
	v12 =	vmax.f32 v12, $-3.000000010e+38;
	v33 =	vadd.f32 v34, v19  }
0x1a6: {  	v32 =	vld.idx.msk [tilespmem:v32+s22+$0x0], $0xffff;
	v9 =	vmax.f32 v9, v11;
	v34 =	vshll.u32 v16, v47;
	v36 =	vadd.f32 v60, v19  }
0x1a7: {  	v17 =	vld [tilespmem:s1+$0x1D410];
	v60 =	vshll.u32 v16, v48;
	v0 =	vmax.f32 v12, v0;
	v47 =	vbroadcast v34, $0x0  }
0x1a8: {  	v53 =	vld.idx.msk [tilespmem:v62+s22+$0x0], $0xffff;
	v58 =	vshll.u32 v16, v46;
	v62 =	vmul.f32 v33, v52;
	v48 =	vbroadcast v60, $0x1  }
0x1a9: {  	v46 =	vbroadcast v58, $0x2;
	v58 =	vor.u32 v7, v50;
	v33 =	vmul.f32 v36, v55  }
0x1aa: {  	v13 =	vadd.f32 v13, v19;
	v10 =	vadd.f32 v10, v19;
	v34 =	vor.u32 v63, v47  }
0x1ab: {  	v36 =	vld [tilespmem:s30+$0xFFFFFFE0];
	v55 =	vor.u32 v63, v48;
	v0 =	vmax.f32 v0, v62;
	v62 =	vadd.f32 v32, v19  }
0x1ac: {  	v59 =	vld.idx.msk [tilespmem:v59+s22+$0x0], $0xffff;
	v32 =	vor.u32 v63, v46;
	v0 =	vmax.f32 v0, v33;
	v13 =	vmul.f32 v13, v57  }
0x1ad: {  	v60 =	vadd.f32 v53, v19;
	v57 =	vshll.u32 v16, v45;
	v45 =	vbroadcast v17, $0x1  }
0x1ae: {  	v10 =	vmul.f32 v10, v56;
	v56 =	vshll.u32 v16, v37;
	v53 =	vbroadcast v57, $0x4  }
0x1af: {  	v14 =	vld [tilespmem:s31+$0x0];
	v33 =	vmul.f32 v60, v54;
	v52 =	vbroadcast v56, $0x3;
	v60 =	vshll.u32 v16, v44  }
0x1b0: {  	v44 =	vbroadcast v17, $0x5;
	v0 =	vmax.f32 v0, v10;
	v10 =	vmul.f32 v62, v61;
	v34 =	vld.idx.msk [tilespmem:v34+s22+$0x0], $0xffff  }
0x1b1: {  	v37 =	vadd.f32 v9, v36;
	v62 =	vor.u32 v63, v53;
	v12 =	vadd.f32 v59, v19  }
0x1b2: {  	v59 =	vshll.u32 v16, v39;
	v0 =	vmax.f32 v0, v13;
	v61 =	vld.idx.msk [tilespmem:v32+s22+$0x0], $0xffff;
	v32 =	vshll.u32 v16, v43  }
0x1b3: {  	v39 =	vbroadcast v17, $0x2;
	v22 =	vld.idx.msk [tilespmem:v55+s22+$0x0], $0xffff;
	v0 =	vmax.f32 v0, v33;
	v50 =	vbroadcast v32, $0x5  }
0x1b4: {  	v43 =	vbroadcast v17, $0x0;
	v9 =	vmax.f32 v0, v10;
	v0 =	vor.u32 v63, v52  }
0x1b5: {  	v54 =	vbroadcast v59, $0x6;
	v15 =	vadd.f32 v34, v14;
	v34 =	vor.u32 v63, v50  }
0x1b6: {  	v55 =	vbroadcast v60, $0x7;
	v12 =	vmul.f32 v12, v51;
	v10 =	vld.idx.msk [tilespmem:v58+s22+$0x0], $0xffff  }
0x1b7: {  	v13 =	vld.idx.msk [tilespmem:v62+s22+$0x0], $0xffff;
	v62 =	vor.u32 v63, v54;
	v11 =	vadd.f32 v61, v14;
	v61 =	vshll.u32 v16, v42  }
0x1b8: {  	v32 =	vor.u32 v63, v55;
	v33 =	vadd.f32 v22, v14;
	v57 =	vbroadcast v61, $0x8  }
0x1b9: {  	v58 =	vor.u32 v1, v47;
	v9 =	vmax.f32 v9, v12;
	v42 =	vbroadcast v17, $0x3;
	v0 =	vld.idx.msk [tilespmem:v0+s22+$0x0], $0xffff  }
0x1ba: {  	v15 =	vmul.f32 v15, v43;
	v18 =	vmul.f32 v33, v45;
	v33 =	vld.idx.msk [tilespmem:v34+s22+$0x0], $0xffff;
	v34 =	vor.u32 v63, v57  }
0x1bb: {  	v61 =	vor.u32 v1, v48;
	v11 =	vmul.f32 v11, v39;
	v10 =	vadd.f32 v10, v19  }
0x1bc: {  	v15 =	vmax.f32 v15, $-3.000000010e+38;
	v13 =	vadd.f32 v13, v14;
	v56 =	vld.idx.msk [tilespmem:v62+s22+$0x0], $0xffff;
	v62 =	vor.u32 v1, v46  }
0x1bd: {  	v21 =	vld.idx.msk [tilespmem:v32+s22+$0x0], $0xffff;
	v10 =	vmul.f32 v10, v49;
	v49 =	vor.u32 v1, v52;
	v15 =	vmax.f32 v15, v18  }
0x1be: {  	v51 =	vadd.f32 v0, v14;
	v0 =	vshll.u32 v16, v38;
	v38 =	vbroadcast v17, $0x4  }
0x1bf: {  	v11 =	vmax.f32 v15, v11;
	v9 =	vmax.f32 v9, v10;
	v0 =	vbroadcast v0, $0x9;
	v20 =	vld.idx.msk [tilespmem:v34+s22+$0x0], $0xffff  }
0x1c0: {  	v12 =	vld [tilespmem:s30+$0xFFFFFFF0];
	v59 =	vmul.f32 v51, v42;
	v13 =	vmul.f32 v13, v38;
	v18 =	vadd.f32 v33, v14  }
0x1c1: {  	v16 =	vld.idx.msk [tilespmem:v58+s22+$0x0], $0xffff;
	v15 =	vadd.f32 v56, v14;
	v51 =	vbroadcast v17, $0x6;
	v60 =	vor.u32 v63, v0  }
0x1c2: {  	v21 =	vadd.f32 v21, v14;
	v56 =	vbroadcast v17, $0x7;
	v36 =	vmul.f32 v18, v44;
	v18 =	vld [tilespmem:s31+$0x10]  }
0x1c3: {  	v23 =	vld.idx.msk [tilespmem:v61+s22+$0x0], $0xffff;
	v58 =	vbroadcast v17, $0x8;
	v11 =	vmax.f32 v11, v59;
	v15 =	vmul.f32 v15, v51  }
0x1c4: {  	v19 =	vld.idx.msk [tilespmem:v62+s22+$0x0], $0xffff;
	v61 =	vmul.f32 v21, v56;
	v11 =	vmax.f32 v11, v13;
	v20 =	vadd.f32 v20, v14  }
0x1c5: {  	v21 =	vor.u32 v1, v50;
	v59 =	vld.idx.msk [tilespmem:v49+s22+$0x0], $0xffff;
	v49 =	vadd.f32 v9, v12;
	v11 =	vmax.f32 v11, v36  }
0x1c6: {  	v22 =	vld.idx.msk [tilespmem:v60+s22+$0x0], $0xffff;
	v60 =	vor.u32 v1, v53;
	v11 =	vmax.f32 v11, v15;
	v62 =	vmul.f32 v20, v58  }
0x1c7: {  	v34 =	vmax.f32 v11, v61;
	v20 =	vor.u32 v1, v54;
	v36 =	vadd.f32 v16, v18  }
0x1c8: {  	v61 =	vadd.f32 v23, v18;
	v9 =	vmax.f32 v34, v62;
	v62 =	vor.u32 v1, v57  }
0x1c9: {  	v33 =	vadd.f32 v19, v18;
	v19 =	vld [tilespmem:s31+$0x20];
	v11 =	vmul.f32 v36, v43;
	v36 =	vor.u32 v2, v47  }
0x1ca: {  	v13 =	vadd.f32 v59, v18;
	v59 =	vor.u32 v2, v48;
	v34 =	vld.idx.msk [tilespmem:v21+s22+$0x0], $0xffff  }
0x1cb: {  	v15 =	vmul.f32 v61, v45;
	v10 =	vld.idx.msk [tilespmem:v60+s22+$0x0], $0xffff;
	v60 =	vor.u32 v1, v55  }
0x1cc: {  	v14 =	vadd.f32 v22, v14;
	v22 =	vor.u32 v2, v53;
	v11 =	vmax.f32 v11, $-3.000000010e+38;
	v20 =	vld.idx.msk [tilespmem:v20+s22+$0x0], $0xffff  }
0x1cd: {  	v11 =	vmax.f32 v11, v15;
	v15 =	vld.idx.msk [tilespmem:v62+s22+$0x0], $0xffff  }
0x1ce: {  	v32 =	vbroadcast v17, $0x9;
	v17 =	vmul.f32 v33, v39;
	v21 =	vld.idx.msk [tilespmem:v36+s22+$0x0], $0xffff  }
0x1cf: {  	v16 =	vor.u32 v2, v46;
	v23 =	vor.u32 v2, v52;
	v13 =	vmul.f32 v13, v42;
	v36 =	vld.idx.msk [tilespmem:v59+s22+$0x0], $0xffff  }
0x1d0: {  	v14 =	vmul.f32 v14, v32;
	v11 =	vmax.f32 v11, v17;
	v10 =	vadd.f32 v10, v18;
	v12 =	vld.idx.msk [tilespmem:v60+s22+$0x0], $0xffff  }
0x1d1: {  	v11 =	vmax.f32 v11, v13;
	v60 =	vadd.f32 v34, v18;
	v17 =	vld.idx.msk [tilespmem:v22+s22+$0x0], $0xffff;
	v22 =	vor.u32 v2, v57  }
0x1d2: {  	v59 =	vld [tilespmem:s30+$0x0];
	v9 =	vmax.f32 v9, v14;
	v10 =	vmul.f32 v10, v38;
	v61 =	vadd.f32 v20, v18  }
0x1d3: {  	v34 =	vor.u32 v2, v50;
	v20 =	vor.u32 v1, v0;
	v62 =	vmul.f32 v60, v44  }
0x1d4: {  	v10 =	vmax.f32 v11, v10;
	v13 =	vmul.f32 v61, v51;
	v60 =	vadd.f32 v15, v18;
	v61 =	vld.idx.msk [tilespmem:v16+s22+$0x0], $0xffff  }
0x1d5: {  	v15 =	vor.u32 v2, v54;
	v36 =	vadd.f32 v36, v19;
	v12 =	vadd.f32 v12, v18  }
0x1d6: {  	v10 =	vmax.f32 v10, v62;
	v62 =	vadd.f32 v21, v19;
	v21 =	vor.u32 v2, v55;
	v22 =	vld.idx.msk [tilespmem:v22+s22+$0x0], $0xffff  }
0x1d7: {  	v33 =	vadd.f32 v9, v59;
	v17 =	vadd.f32 v17, v19;
	v10 =	vmax.f32 v10, v13;
	v13 =	vld.idx.msk [tilespmem:v23+s22+$0x0], $0xffff  }
0x1d8: {  	v11 =	vmul.f32 v60, v58;
	v60 =	vld.idx.msk [tilespmem:v34+s22+$0x0], $0xffff;
	v23 =	vor.u32 v2, v0;
	v12 =	vmul.f32 v12, v56  }
0x1d9: {  	v16 =	vld.idx.msk [tilespmem:v20+s22+$0x0], $0xffff;
	v59 =	vmul.f32 v62, v43;
	v14 =	vadd.f32 v61, v19;
	v61 =	vor.u32 v3, v47  }
0x1da: {  	v34 =	vor.u32 v3, v46;
	v10 =	vmax.f32 v10, v12;
	v12 =	vmul.f32 v36, v45;
	v15 =	vld.idx.msk [tilespmem:v15+s22+$0x0], $0xffff  }
0x1db: {  	v9 =	vmax.f32 v10, v11;
	v10 =	vmax.f32 v59, $-3.000000010e+38;
	v36 =	vld.idx.msk [tilespmem:v21+s22+$0x0], $0xffff;
	v21 =	vor.u32 v3, v48  }
0x1dc: {  	v59 =	vmul.f32 v17, v38;
	v22 =	vadd.f32 v22, v19;
	v13 =	vadd.f32 v13, v19  }
0x1dd: {  	v10 =	vmax.f32 v10, v12;
	v62 =	vmul.f32 v14, v39;
	v11 =	vadd.f32 v60, v19  }
0x1de: {  	v16 =	vadd.f32 v16, v18;
	v13 =	vmul.f32 v13, v42;
	v60 =	vld.idx.msk [tilespmem:v61+s22+$0x0], $0xffff;
	v61 =	vor.u32 v3, v52  }
0x1df: {  	v12 =	vld [tilespmem:s31+$0x30];
	v10 =	vmax.f32 v10, v62;
	v62 =	vor.u32 v3, v53;
	v15 =	vadd.f32 v15, v19  }
0x1e0: {  	v11 =	vmul.f32 v11, v44;
	v10 =	vmax.f32 v10, v13;
	v36 =	vadd.f32 v36, v19;
	v14 =	vld.idx.msk [tilespmem:v21+s22+$0x0], $0xffff  }
0x1e1: {  	v21 =	vor.u32 v3, v50;
	v10 =	vmax.f32 v10, v59;
	v59 =	vmul.f32 v15, v51;
	v15 =	vld.idx.msk [tilespmem:v34+s22+$0x0], $0xffff  }
0x1e2: {  	v20 =	vld.idx.msk [tilespmem:v23+s22+$0x0], $0xffff;
	v23 =	vor.u32 v3, v57;
	v34 =	vor.u32 v3, v54;
	v10 =	vmax.f32 v10, v11  }
0x1e3: {  	v16 =	vmul.f32 v16, v32;
	v13 =	vmul.f32 v36, v56;
	v10 =	vmax.f32 v10, v59;
	v36 =	vld.idx.msk [tilespmem:v61+s22+$0x0], $0xffff  }
0x1e4: {  	v62 =	vld.idx.msk [tilespmem:v62+s22+$0x0], $0xffff;
	v59 =	vor.u32 v3, v55;
	v60 =	vadd.f32 v60, v12;
	v61 =	vmul.f32 v22, v58  }
0x1e5: {  	v9 =	vmax.f32 v9, v16;
	v10 =	vmax.f32 v10, v13;
	v22 =	vld [tilespmem:s30+$0x10];
	v14 =	vadd.f32 v14, v12  }
0x1e6: {  	v11 =	vmul.f32 v60, v43;
	v10 =	vmax.f32 v10, v61;
	v15 =	vadd.f32 v15, v12;
	v61 =	vld.idx.msk [tilespmem:v21+s22+$0x0], $0xffff  }
0x1e7: {  	v60 =	vadd.f32 v20, v19;
	v20 =	vld.idx.msk [tilespmem:v34+s22+$0x0], $0xffff;
	v21 =	vor.u32 v4, v47;
	v14 =	vmul.f32 v14, v45  }
0x1e8: {  	v34 =	vld [tilespmem:s30+$0x20];
	v11 =	vmax.f32 v11, $-3.000000010e+38;
	v15 =	vmul.f32 v15, v39;
	v16 =	vadd.f32 v36, v12  }
0x1e9: {  	v13 =	vmul.f32 v60, v32;
	v62 =	vadd.f32 v62, v12;
	v17 =	vld.idx.msk [tilespmem:v59+s22+$0x0], $0xffff;
	v36 =	vor.u32 v4, v48  }
0x1ea: {  	v18 =	vor.u32 v3, v0;
	v11 =	vmax.f32 v11, v14;
	v59 =	vmul.f32 v16, v42;
	v16 =	vld.idx.msk [tilespmem:v23+s22+$0x0], $0xffff  }
0x1eb: {  	v11 =	vmax.f32 v11, v15;
	v14 =	vmul.f32 v62, v38;
	v13 =	vmax.f32 v10, v13;
	v23 =	vld [tilespmem:s31+$0x40]  }
0x1ec: {  	v19 =	vadd.f32 v61, v12;
	v61 =	vor.u32 v4, v46;
	v62 =	vadd.f32 v20, v12;
	v20 =	vld.idx.msk [tilespmem:v21+s22+$0x0], $0xffff  }
0x1ed: {  	v21 =	vor.u32 v4, v52;
	v60 =	vadd.f32 v13, v34;
	v11 =	vmax.f32 v11, v59  }
0x1ee: {  	v11 =	vmax.f32 v11, v14;
	v14 =	vmul.f32 v19, v44;
	v19 =	vld.idx.msk [tilespmem:v36+s22+$0x0], $0xffff;
	v36 =	vor.u32 v4, v53  }
0x1ef: {  	v15 =	vmul.f32 v62, v51;
	v17 =	vadd.f32 v17, v12;
	v62 =	vor.u32 v4, v50  }
0x1f0: {  	v59 =	vadd.f32 v9, v22;
	v14 =	vmax.f32 v11, v14;
	v11 =	vld.idx.msk [tilespmem:v18+s22+$0x0], $0xffff;
	v22 =	vadd.f32 v16, v12  }
0x1f1: {  	v10 =	vmul.f32 v17, v56;
	v17 =	vor.u32 v4, v54;
	v13 =	vld.idx.msk [tilespmem:v61+s22+$0x0], $0xffff;
	v34 =	vadd.f32 v20, v23  }
0x1f2: {  	v16 =	vld.idx.msk [tilespmem:v21+s22+$0x0], $0xffff;
	v21 =	vor.u32 v4, v57;
	v9 =	vmax.f32 v14, v15;
	v14 =	vmul.f32 v22, v58  }
0x1f3: {  	v15 =	vmul.f32 v34, v43;
	v61 =	vadd.f32 v19, v23;
	v18 =	vld.idx.msk [tilespmem:v36+s22+$0x0], $0xffff;
	v19 =	vor.u32 v4, v55  }
0x1f4: {  	v9 =	vmax.f32 v9, v10;
	v34 =	vld.idx.msk [tilespmem:v62+s22+$0x0], $0xffff  }
0x1f5: {  	v22 =	vld [tilespmem:s30+$0x30];
	v9 =	vmax.f32 v9, v14;
	v36 =	vmax.f32 v15, $-3.000000010e+38;
	v11 =	vadd.f32 v11, v12  }
0x1f6: {  	v15 =	vld.idx.msk [tilespmem:v17+s22+$0x0], $0xffff;
	v10 =	vmul.f32 v61, v45;
	v12 =	vor.u32 v4, v0;
	v13 =	vadd.f32 v13, v23  }
0x1f7: {  	v61 =	vadd.f32 v16, v23;
	v20 =	vld.idx.msk [tilespmem:v21+s22+$0x0], $0xffff;
	v21 =	vor.u32 v5, v48;
	v16 =	vor.u32 v5, v46  }
0x1f8: {  	v13 =	vmul.f32 v13, v39;
	v62 =	vadd.f32 v18, v23;
	v17 =	vld.idx.msk [tilespmem:v19+s22+$0x0], $0xffff;
	v18 =	vor.u32 v5, v47  }
0x1f9: {  	v11 =	vmul.f32 v11, v32;
	v10 =	vmax.f32 v36, v10;
	v14 =	vmul.f32 v61, v42  }
0x1fa: {  	v34 =	vadd.f32 v34, v23;
	v19 =	vor.u32 v5, v52;
	v10 =	vmax.f32 v10, v13;
	v13 =	vld [tilespmem:s31+$0x50]  }
0x1fb: {  	v9 =	vmax.f32 v9, v11;
	v36 =	vmul.f32 v62, v38;
	v12 =	vld.idx.msk [tilespmem:v12+s22+$0x0], $0xffff;
	v62 =	vadd.f32 v15, v23  }
0x1fc: {  	v61 =	vmul.f32 v34, v44;
	v10 =	vmax.f32 v10, v14;
	v16 =	vld.idx.msk [tilespmem:v16+s22+$0x0], $0xffff;
	v9 =	vadd.f32 v9, v22  }
0x1fd: {  	v11 =	vmul.f32 v62, v51;
	v62 =	vor.u32 v5, v57;
	v34 =	vadd.f32 v17, v23;
	v15 =	vld.idx.msk [tilespmem:v18+s22+$0x0], $0xffff  }
0x1fe: {  	v10 =	vmax.f32 v10, v36;
	v36 =	vadd.f32 v20, v23;
	v20 =	vld.idx.msk [tilespmem:v21+s22+$0x0], $0xffff;
	v17 =	vor.u32 v5, v53  }
0x1ff: {  	v21 =	vor.u32 v5, v50;
	v10 =	vmax.f32 v10, v61;
	v18 =	vld.idx.msk [tilespmem:v19+s22+$0x0], $0xffff;
	v14 =	vmul.f32 v34, v56  }
0x200: {  	v10 =	vmax.f32 v10, v11;
	v12 =	vadd.f32 v12, v23;
	v23 =	vor.u32 v5, v54  }
0x201: {  	v19 =	vor.u32 v5, v55;
	v61 =	vmul.f32 v36, v58;
	v10 =	vmax.f32 v10, v14;
	v14 =	vld [tilespmem:s30+$0x40]  }
0x202: {  	v22 =	vor.u32 v6, v48;
	v12 =	vmul.f32 v12, v32;
	v34 =	vld.idx.msk [tilespmem:v62+s22+$0x0], $0xffff;
	v36 =	vadd.f32 v15, v13  }
0x203: {  	v10 =	vmax.f32 v10, v61;
	v15 =	vld.idx.msk [tilespmem:v17+s22+$0x0], $0xffff;
	v61 =	vadd.f32 v20, v13;
	v20 =	vor.u32 v6, v47  }
0x204: {  	v16 =	vadd.f32 v16, v13;
	v17 =	vld.idx.msk [tilespmem:v21+s22+$0x0], $0xffff;
	v18 =	vadd.f32 v18, v13;
	v11 =	vmul.f32 v36, v43  }
0x205: {  	v10 =	vmax.f32 v10, v12;
	v21 =	vld.idx.msk [tilespmem:v23+s22+$0x0], $0xffff;
	v12 =	vmul.f32 v61, v45;
	v23 =	vor.u32 v6, v46  }
0x206: {  	v16 =	vmul.f32 v16, v39;
	v19 =	vld.idx.msk [tilespmem:v19+s22+$0x0], $0xffff;
	v36 =	vor.u32 v6, v52;
	v11 =	vmax.f32 v11, $-3.000000010e+38  }
0x207: {  	v61 =	vor.u32 v6, v53;
	v11 =	vmax.f32 v11, v12;
	v12 =	vmul.f32 v18, v42;
	v18 =	vld [tilespmem:s31+$0x60]  }
0x208: {  	v62 =	vadd.f32 v15, v13;
	v15 =	vld.idx.msk [tilespmem:v20+s22+$0x0], $0xffff;
	v11 =	vmax.f32 v11, v16  }
0x209: {  	v11 =	vmax.f32 v11, v12;
	v12 =	vadd.f32 v17, v13;
	v17 =	vld.idx.msk [tilespmem:v22+s22+$0x0], $0xffff  }
0x20a: {  	v10 =	vadd.f32 v10, v14;
	v14 =	vmul.f32 v62, v38;
	v62 =	vadd.f32 v21, v13;
	v21 =	vld.idx.msk [tilespmem:v23+s22+$0x0], $0xffff  }
0x20b: {  	v16 =	vor.u32 v5, v0;
	v23 =	vld.idx.msk [tilespmem:v36+s22+$0x0], $0xffff  }
0x20c: {  	v46 =	vor.u32 v7, v46;
	v34 =	vadd.f32 v34, v13;
	v22 =	vor.u32 v6, v50;
	v20 =	vld.idx.msk [tilespmem:v61+s22+$0x0], $0xffff  }
0x20d: {  	v19 =	vadd.f32 v19, v13;
	v36 =	vor.u32 v6, v54;
	v12 =	vmul.f32 v12, v44  }
0x20e: {  	v11 =	vmax.f32 v11, v14;
	v14 =	vmul.f32 v62, v51;
	v15 =	vadd.f32 v15, v18  }
0x20f: {  	v61 =	vor.u32 v6, v55;
	v62 =	vmul.f32 v19, v56;
	v11 =	vmax.f32 v11, v12  }
0x210: {  	v16 =	vld.idx.msk [tilespmem:v16+s22+$0x0], $0xffff;
	v11 =	vmax.f32 v11, v14;
	v17 =	vadd.f32 v17, v18;
	v12 =	vmul.f32 v15, v43  }
0x211: {  	v19 =	vld.idx.msk [tilespmem:v22+s22+$0x0], $0xffff;
	v14 =	vmul.f32 v34, v58;
	v34 =	vadd.f32 v23, v18;
	v20 =	vadd.f32 v20, v18  }
0x212: {  	v22 =	vld.idx.msk [tilespmem:v36+s22+$0x0], $0xffff;
	v11 =	vmax.f32 v11, v62;
	v62 =	vadd.f32 v21, v18;
	v17 =	vmul.f32 v17, v45  }
0x213: {  	v12 =	vmax.f32 v12, $-3.000000010e+38;
	v21 =	vmul.f32 v34, v42;
	v34 =	vmul.f32 v20, v38  }
0x214: {  	v20 =	vld.idx.msk [tilespmem:v46+s22+$0x0], $0xffff;
	v15 =	vmul.f32 v62, v39;
	v12 =	vmax.f32 v12, v17;
	v17 =	vor.u32 v6, v57  }
0x215: {  	v11 =	vmax.f32 v11, v14;
	v62 =	vld.idx.msk [tilespmem:v61+s22+$0x0], $0xffff;
	v13 =	vadd.f32 v16, v13  }
0x216: {  	v12 =	vmax.f32 v12, v15;
	v36 =	vadd.f32 v19, v18;
	v19 =	vor.u32 v6, v0;
	v15 =	vld [tilespmem:s30+$0x50]  }
0x217: {  	v61 =	vadd.f32 v22, v18;
	v22 =	vor.u32 v7, v48;
	v48 =	vld [tilespmem:$0x1FEF0];
	v12 =	vmax.f32 v12, v21  }
0x218: {  	v12 =	vmax.f32 v12, v34;
	v14 =	vmul.f32 v36, v44;
	v34 =	vor.u32 v7, v47;
	v47 =	vld [tilespmem:$0x1FEE0]  }
0x219: {  	v0 =	vor.u32 v7, v0;
	v13 =	vmul.f32 v13, v32;
	v16 =	vmul.f32 v61, v51;
	v17 =	vld.idx.msk [tilespmem:v17+s22+$0x0], $0xffff  }
0x21a: {  	v61 =	vor.u32 v7, v52;
	v62 =	vadd.f32 v62, v18;
	v12 =	vmax.f32 v12, v14;
	v14 =	vld [tilespmem:s31+$0x70]  }
0x21b: {  	v8 =	vmax.f32 v8, $0.0e+00;
	v52 =	vor.u32 v7, v50;
	v11 =	vmax.f32 v11, v13;
	v13 =	vld.idx.msk [tilespmem:v19+s22+$0x0], $0xffff  }
0x21c: {  	v41 =	vmax.f32 v41, $0.0e+00;
	v36 =	vmul.f32 v62, v56;
	v62 =	vor.u32 v7, v53;
	v22 =	vld.idx.msk [tilespmem:v22+s22+$0x0], $0xffff  }
0x21d: {  	v40 =	vmax.f32 v40, $0.0e+00;
	v9 =	vmax.f32 v9, $0.0e+00;
	v53 =	vor.u32 v7, v54;
	v21 =	vld.idx.msk [tilespmem:v34+s22+$0x0], $0xffff  }
0x21e: {  	v33 =	vmax.f32 v33, $0.0e+00;
	v8 =	vmax.f32 v8, v9;
	v54 =	vor.u32 v7, v55;
	v0 =	vld.idx.msk [tilespmem:v0+s22+$0x0], $0xffff  }
0x21f: {  	v10 =	vmax.f32 v10, $0.0e+00;
	v12 =	vmax.f32 v12, v16;
	v55 =	vor.u32 v7, v57;
	v16 =	vld.idx.msk [tilespmem:v61+s22+$0x0], $0xffff  }
0x220: {  	v50 =	vmax.f32 v60, $0.0e+00;
	v11 =	vadd.f32 v11, v15;
	v23 =	vmax.f32 v48, $0.0e+00;
	v34 =	vld.idx.msk [tilespmem:v52+s22+$0x0], $0xffff  }
0x221: {  	v48 =	vmax.f32 v59, $0.0e+00;
	v17 =	vadd.f32 v17, v18;
	v20 =	vadd.f32 v20, v14;
	v15 =	vld.idx.msk [tilespmem:v62+s22+$0x0], $0xffff  }
0x222: {  	v12 =	vmax.f32 v12, v36;
	v13 =	vadd.f32 v13, v18;
	v59 =	vld.idx.msk [tilespmem:v53+s22+$0x0], $0xffff;
	v21 =	vadd.f32 v21, v14  }
0x223: {  	v19 =	vmax.f32 v47, $0.0e+00;
	v57 =	vadd.f32 v22, v14;
	v61 =	vld.idx.msk [tilespmem:v54+s22+$0x0], $0xffff;
	v0 =	vadd.f32 v0, v14  }
0x224: {  	v62 =	vld.idx.msk [tilespmem:v55+s22+$0x0], $0xffff;
	v55 =	vmax.f32 v19, v33;
	v17 =	vmul.f32 v17, v58;
	v60 =	vmul.f32 v21, v43  }
0x225: {  	v20 =	vmul.f32 v20, v39;
	v18 =	vmul.f32 v57, v45;
	v16 =	vadd.f32 v16, v14  }
0x226: {  	v12 =	vmax.f32 v12, v17;
	v15 =	vadd.f32 v15, v14;
	v17 =	vmax.f32 v60, $-3.000000010e+38  }
0x227: {  	v16 =	vmul.f32 v16, v42;
	v42 =	vadd.f32 v34, v14;
	v17 =	vmax.f32 v17, v18  }
0x228: {  	v43 =	vadd.f32 v59, v14;
	v15 =	vmul.f32 v15, v38;
	v17 =	vmax.f32 v17, v20  }
0x229: {  	v46 =	vld [tilespmem:s30+$0x60];
	v45 =	vadd.f32 v61, v14;
	v44 =	vmul.f32 v42, v44;
	v16 =	vmax.f32 v17, v16  }
0x22a: {  	v47 =	vmul.f32 v43, v51;
	v51 =	vadd.f32 v62, v14;
	v15 =	vmax.f32 v16, v15  }
0x22b: {  	v53 =	vld [tilespmem:s30+$0x70];
	v13 =	vmul.f32 v13, v32;
	v52 =	vmul.f32 v45, v56;
	v15 =	vmax.f32 v15, v44  }
0x22c: {  	[tilespmem:s0+$0xFFFFFFF0] =	vst v8;
	v8 =	vmax.f32 v40, v10;
	v54 =	vmul.f32 v51, v58;
	v15 =	vmax.f32 v15, v47  }
0x22d: {  	v0 =	vmul.f32 v0, v32;
	v12 =	vmax.f32 v12, v13;
	v15 =	vmax.f32 v15, v52  }
0x22e: {  	[tilespmem:s0+$0xFFFFFFC0] =	vst v55;
	v12 =	vadd.f32 v12, v46;
	v59 =	vmax.f32 v11, $0.0e+00;
	v57 =	vmax.f32 v15, v54  }
0x22f: {  	p0 =	sne.s32 s29, $0xF80;
	[tilespmem:s0+$0x0] =	vst v8;
	v60 =	vmax.f32 v37, $0.0e+00;
	v8 =	vmax.f32 v41, v59;
	v0 =	vmax.f32 v57, v0  }
.Ltmp1:
0x230: {  	v56 =	vmax.f32 v23, v48;
	v61 =	vmax.f32 v12, $0.0e+00;
	[tilespmem:s0+$0x10] =	vst v8;
	v0 =	vadd.f32 v0, v53;
	(pc) =	sbr.rel @p0 .LBB2_4-.Ltmp1, $4  }
0x231: {  	v35 =	vmax.f32 v35, $0.0e+00;
	[tilespmem:s0+$0xFFFFFFD0] =	vst v56;
	v8 =	vmax.f32 v60, v61  }
0x232: {  	v62 =	vmax.f32 v49, $0.0e+00;
	v58 =	vmax.f32 v35, v50;
	[tilespmem:s0+$0x20] =	vst v8;
	v0 =	vmax.f32 v0, $0.0e+00  }
0x233: {  	s29 =	sadd.s32 $0x80, s29;
	[tilespmem:s0+$0xFFFFFFE0] =	vst v58;
	v0 =	vmax.f32 v62, v0  }
0x234: {  	s31 =	sadd.s32 $0x100, s31;
	s30 =	sadd.s32 $0x100, s30;
	v34 =	vimm.s32 $0x0;
	[tilespmem:s0+$0x30] =	vst v0;
	s0 =	sadd.s32 $0x80, s0  }
0x235: {  	[hbm4b:s12+s2] =	stream.linear.scatter [tilespmem:s25], [sflag:$0x3], $0x1000, $0x38;
	[tilespmem:$0x1DC00] =	vst v63  }
0x236: {  	_ =	swait.ge [sflag:s26], $0x1000  }
0x237: {  	v8 =	vld [tilespmem:$0x1FF00]  }
0x238: {  	v9 =	vld [tilespmem:$0x1FF10]  }
0x239: {  	v10 =	vld [tilespmem:$0x1FF20]  }
0x23a: {  	v11 =	vld [tilespmem:$0x1FF30]  }
0x23b: {  	v12 =	vld [tilespmem:$0x1FF40]  }
0x23c: {  	v13 =	vld [tilespmem:$0x1FF50]  }
0x23d: {  	v14 =	vld [tilespmem:$0x1FF60]  }
0x23e: {  	v15 =	vld [tilespmem:$0x1FF70]  }
0x23f: {  	v16 =	vld [tilespmem:$0x1FF80]  }
0x240: {  	s28 =	sadd.s32 $0x1, s28;
	v17 =	vld [tilespmem:$0x1FF90]  }
0x241: {  	p0 =	sne.s32 s28, s13;
	v18 =	vld [tilespmem:$0x1FFA0]  }
.Ltmp2:
0x242: {  	v19 =	vld [tilespmem:$0x1FFB0];
	(pc) =	sbr.rel @p0 .LBB2_1-.Ltmp2, $4  }
0x243: {  	v20 =	vld [tilespmem:$0x1FFC0]  }
0x244: {  	v21 =	vld [tilespmem:$0x1FFD0]  }
0x245: {  	[sflag:s26] =	ssyncset.done $0x0;
	v22 =	vld [tilespmem:$0x1FFE0]  }
0x246: {  	v23 =	vld [tilespmem:$0x1FFF0];
	[sflag:s26] =	ssyncadd.s32 $0xFFFFF000  }
0x247: {  	_ =	sfence.sel $0x180000  }
0x248: {  	[bflag:$0x0] =	sbarrier.arrive $0xFFFF  }
0x249: {  	_ =	strace $0x90000047  }
0x24a: {  	s0 =	stileid.u32;
	[bflag:$0x2] =	sbarrier.arrive $0xFFFF  }
0x24b: {  	p0 =	sne.s32 s0, $0x0;
	s0 =	rddreg [dreg:$0x2]  }
0x24c: {  	s0 =	sadd.s32 @!p0 $0x100000, s0  }
0x24d: {  	[sflag:s0] =	ssyncadd.tile.s32 @!p0 $0x1;
	_ =	shalt  }
.Lfunc_end2:
_tile_overlayer_lowered:
.L_overlay_start_2:
0x24e: {  	(tag) =	ssettag $0x2  }
0x24f: {  	s0 =	rddreg [dreg:$0x0];
	s2 =	stileid.u32  }
0x250: {  	s1 =	rddreg [dreg:$0x1];
	p0 =	sne.s32 s2, $0x0  }
0x251: {  	s3 =	rddreg [dreg:$0x2];
	[bflag:$0x3] =	sbarrier.arrive $0xFFFF;
	s2 =	simm.s32 @!p0 $0x1C03  }
0x252: {  	[timem:s3], [sflag:s2] =	dma.local @!p0 [hbm:s0], s1  }
0x253: {  	s0 =	simm.s32 @!p0 $0x3  }
0x254: {  	_ =	swait.ge @!p0 [sflag:s0], s1  }
0x255: {  	s1 =	ssub.s32 @!p0 $0x0, s1;
	[sflag:s0] =	ssyncset.done @!p0 $0x0  }
0x256: {  	[sflag:s0] =	ssyncadd.s32 @!p0 s1  }
0x257: {  	[bflag:$0x3] =	sbarrier.arrive $0xFFFF  }
0x258: {  	_ =	shalt  }

</sc_bundles>
